<compile_context>
chip_gen: v7x
topology: tpu7x:2x2x1
jax: 0.10.2.dev20260603
libtpu: 0.0.44.dev20260713+nightly
codegen_flags: <defaults>
</compile_context>

<pallas_src>
import functools

import jax
import jax.numpy as jnp
from jax import lax
from jax.experimental import pallas as pl
from jax.experimental.pallas import tpu as pltpu
from jax.experimental.pallas import tpu_sc as plsc

N = 10000
E = 320000
D = 128
G = 13
DH = D // 2

NC = 2
NS = 16
LANES = 16
NW = NC * NS
EPT = E // NW
EPT2 = E // NS
CH = 200
CH2 = 400
SUB = 100
NSUB = CH2 // SUB
NIT = EPT2 // CH2 // 2
ROWA = 624
TAIL = N - NS * ROWA

_MESH = plsc.VectorSubcoreMesh(
    core_axis_name="c", subcore_axis_name="s", num_cores=NC, num_subcores=NS
)
_SC_LINEAR = pltpu.CompilerParams(use_tc_tiling_on_sc=False,
                                  needs_layout_passes=False)


@functools.partial(
    pl.kernel,
    out_type=(
        jax.ShapeDtypeStruct((E, D), jnp.float32),
        jax.ShapeDtypeStruct((E, D), jnp.float32),
    ),
    mesh=_MESH,
    scratch_types=[
        pltpu.VMEM((CH,), jnp.int32),
        pltpu.VMEM((CH,), jnp.int32),
        pltpu.VMEM((CH,), jnp.int32),
        pltpu.VMEM((CH,), jnp.int32),
        pltpu.VMEM((CH, D), jnp.float32),
        pltpu.VMEM((CH, D), jnp.float32),
        pltpu.VMEM((CH, D), jnp.float32),
        pltpu.VMEM((CH, D), jnp.float32),
        pltpu.SemaphoreType.DMA,
        pltpu.SemaphoreType.DMA,
        pltpu.SemaphoreType.DMA,
    ],
)
def _gather_k(nf, dst, src, fi_out, fj_out, ii_a, ij_a, ii_b, ij_b,
              bi_a, bj_a, bi_b, bj_b, sem_ix, sem_g, sem_wr):
    wid = lax.axis_index("s") * NC + lax.axis_index("c")
    base0 = wid * EPT
    slot_a = (ii_a, ij_a, bi_a, bj_a)
    slot_b = (ii_b, ij_b, bi_b, bj_b)
    nchunk = EPT // CH

    def issue_idx(slot, c):
        ii, ij, _, _ = slot
        base = base0 + c * CH
        pltpu.async_copy(dst.at[pl.ds(base, CH)], ii, sem_ix)
        pltpu.async_copy(src.at[pl.ds(base, CH)], ij, sem_ix)

    def wait_idx(slot):
        ii, ij, _, _ = slot
        pltpu.make_async_copy(dst.at[pl.ds(base0, CH)], ii, sem_ix).wait()
        pltpu.make_async_copy(src.at[pl.ds(base0, CH)], ij, sem_ix).wait()

    def issue_rows(slot):
        ii, ij, bi, bj = slot
        pltpu.async_copy(nf.at[ii], bi, sem_g)
        pltpu.async_copy(nf.at[ij], bj, sem_g)

    def wait_rows(slot):
        ii, ij, bi, bj = slot
        pltpu.make_async_copy(nf.at[ii], bi, sem_g).wait()
        pltpu.make_async_copy(nf.at[ij], bj, sem_g).wait()

    def issue_wr(slot, c):
        _, _, bi, bj = slot
        base = base0 + c * CH
        pltpu.async_copy(bi, fi_out.at[pl.ds(base, CH)], sem_wr)
        pltpu.async_copy(bj, fj_out.at[pl.ds(base, CH)], sem_wr)

    def wait_wr(slot):
        _, _, bi, bj = slot
        pltpu.make_async_copy(bi, fi_out.at[pl.ds(base0, CH)], sem_wr).wait()
        pltpu.make_async_copy(bj, fj_out.at[pl.ds(base0, CH)], sem_wr).wait()

    issue_idx(slot_a, 0)
    wait_idx(slot_a)
    issue_rows(slot_a)

    def body(it, carry):
        a = 2 * it
        issue_idx(slot_b, a + 1)
        wait_rows(slot_a)
        wait_idx(slot_b)

        @pl.when(it > 0)
        def _():
            wait_wr(slot_b)

        issue_rows(slot_b)
        issue_wr(slot_a, a)

        @pl.when(it < nchunk // 2 - 1)
        def _():
            issue_idx(slot_a, a + 2)

        wait_rows(slot_b)
        wait_wr(slot_a)

        @pl.when(it < nchunk // 2 - 1)
        def _():
            wait_idx(slot_a)
            issue_rows(slot_a)

        issue_wr(slot_b, a + 1)
        return carry

    lax.fori_loop(0, nchunk // 2, body, 0)
    wait_wr(slot_b)


BLK = 2560
NBLK = E // BLK


def _mlp_body(fi, fj, geot, w0a, w0b, w0c, b0, w1, b1, w2, b2, w3, b3,
              att, ones, alpha_ref, m_ref, mscr):
    step = pl.program_id(0)

    @pl.when(step == 0)
    def _():
        mscr[0] = -jnp.inf

    bf = jnp.bfloat16
    f32 = jnp.float32

    def mm(a, w):
        return jnp.dot(a.astype(bf), w[...], preferred_element_type=f32)

    hg = lax.dot_general(geot[...].astype(bf), w0c[...],
                         (((0,), (0,)), ((), ())),
                         preferred_element_type=f32)
    h = mm(fi[...], w0a) + mm(fj[...], w0b) + hg + b0[...]
    h = jnp.maximum(h, 0.0)
    h = jnp.maximum(mm(h, w1) + b1[...], 0.0)
    h = jnp.maximum(mm(h, w2) + b2[...], 0.0)
    h = jnp.maximum(mm(h, w3) + b3[...], 0.0)
    y = h * att[...]
    y = jnp.where(y >= 0.0, y, 0.01 * y)
    zt = lax.dot_general(ones[...], y.astype(bf), (((0,), (1,)), ((), ())),
                         preferred_element_type=f32)
    alpha_ref[0, 0, :] = zt[0]
    mscr[0] = jnp.maximum(mscr[0], jnp.max(zt[0]))

    @pl.when(step == NBLK - 1)
    def _():
        m_ref[...] = jnp.full((1, D), mscr[0], jnp.float32)


def _run_mlp(fi_g, fj_g, geot, w0a, w0b, w0c, b0, w1, b1, w2, b2, w3, b3,
             att, ones):
    full = lambda shape: pl.BlockSpec(shape, lambda i: (0,) * len(shape))
    alpha3, m2d = pl.pallas_call(
        _mlp_body,
        grid=(NBLK,),
        in_specs=[
            pl.BlockSpec((BLK, D), lambda i: (i, 0)),
            pl.BlockSpec((BLK, D), lambda i: (i, 0)),
            pl.BlockSpec((G, BLK), lambda i: (0, i)),
            full((D, D)), full((D, D)), full((G, D)), full((1, D)),
            full((D, D)), full((1, D)),
            full((D, D)), full((1, D)),
            full((D, D)), full((1, D)),
            full((1, D)), full((D, D)),
        ],
        out_specs=[
            pl.BlockSpec((1, 1, BLK), lambda i: (i, 0, 0)),
            pl.BlockSpec((1, D), lambda i: (0, 0)),
        ],
        out_shape=[
            jax.ShapeDtypeStruct((NBLK, 1, BLK), jnp.float32),
            jax.ShapeDtypeStruct((1, D), jnp.float32),
        ],
        scratch_shapes=[pltpu.SMEM((1,), jnp.float32)],
    )(fi_g, fj_g, geot, w0a, w0b, w0c, b0, w1, b1, w2, b2, w3, b3, att, ones)
    return alpha3, m2d


@functools.partial(
    pl.kernel,
    out_type=(
        jax.ShapeDtypeStruct((NC, N, DH), jnp.float32),
        jax.ShapeDtypeStruct((NS, N), jnp.float32),
    ),
    mesh=_MESH,
    scratch_types=[
        pltpu.VMEM((CH2, DH), jnp.float32),
        pltpu.VMEM((CH2, DH), jnp.float32),
        pltpu.VMEM((CH2,), jnp.float32),
        pltpu.VMEM((CH2,), jnp.float32),
        pltpu.VMEM((CH2,), jnp.int32),
        pltpu.VMEM((CH2,), jnp.int32),
        pltpu.VMEM((CH2,), jnp.int32),
        pltpu.VMEM((CH2,), jnp.int32),
        pltpu.VMEM((NSUB, SUB), jnp.int32),
        pltpu.VMEM((NSUB, SUB), jnp.int32),
        pltpu.VMEM((N,), jnp.float32),
        pltpu.VMEM((LANES,), jnp.float32),
        pltpu.SemaphoreType.DMA,
        pltpu.SemaphoreType.DMA,
        pltpu.SemaphoreType.DMA,
        pltpu.VMEM_SHARED((N, DH), jnp.float32),
    ],
    compiler_params=_SC_LINEAR,
)
def _scatter_k(nf_lo, nf_hi, alpha, m_arr, dst2d, src, dst, acc_out, den_out,
               buf_a, buf_b, aw_a, aw_b, ij_a, ij_b, id_a, id_b, iw_a, iw_b,
               den_t, mv, sem_sm, sem_rows, sem_acc, acc_sh):
    cid = lax.axis_index("c")
    sid = lax.axis_index("s")
    base0 = sid * EPT2

    slot_a = (buf_a, aw_a, ij_a, id_a, iw_a)
    slot_b = (buf_b, aw_b, ij_b, id_b, iw_b)

    pltpu.sync_copy(m_arr.at[pl.ds(0, LANES)], mv)
    zv = jnp.zeros((LANES,), jnp.float32)

    def zrow(r, carry):
        for c in range(DH // LANES):
            buf_a[r, pl.ds(c * LANES, LANES)] = zv
            buf_b[r, pl.ds(c * LANES, LANES)] = zv
        return carry

    lax.fori_loop(0, CH2, zrow, 0)

    def zden(g, carry):
        den_t[pl.ds(g * LANES, LANES)] = zv
        return carry

    lax.fori_loop(0, N // LANES, zden, 0)
    rows0 = sid * ROWA
    pltpu.sync_copy(buf_a, acc_sh.at[pl.ds(rows0, CH2)])
    pltpu.sync_copy(buf_a.at[pl.ds(0, ROWA - CH2)],
                    acc_sh.at[pl.ds(rows0 + CH2, ROWA - CH2)])

    @pl.when(sid == NS - 1)
    def _():
        pltpu.sync_copy(buf_a.at[pl.ds(0, TAIL)], acc_sh.at[pl.ds(NS * ROWA, TAIL)])

    plsc.subcore_barrier()

    def issue_smalls(slot, c):
        _, aw_, ij_, id_, iw_ = slot
        base = base0 + c * CH2
        rw0 = sid * (EPT2 // SUB) + c * NSUB
        pltpu.async_copy(src.at[pl.ds(base, CH2)], ij_, sem_sm)
        pltpu.async_copy(alpha.at[pl.ds(base, CH2)], aw_, sem_sm)
        pltpu.async_copy(dst.at[pl.ds(base, CH2)], id_, sem_sm)
        pltpu.async_copy(dst2d.at[pl.ds(rw0, NSUB)], iw_, sem_sm)

    def wait_smalls(slot):
        _, aw_, ij_, id_, iw_ = slot
        pltpu.make_async_copy(src.at[pl.ds(base0, CH2)], ij_, sem_sm).wait()
        pltpu.make_async_copy(alpha.at[pl.ds(base0, CH2)], aw_, sem_sm).wait()
        pltpu.make_async_copy(dst.at[pl.ds(base0, CH2)], id_, sem_sm).wait()
        pltpu.make_async_copy(dst2d.at[pl.ds(0, NSUB)], iw_, sem_sm).wait()

    def issue_rows(slot):
        buf_, _, ij_, _, _ = slot

        @pl.when(cid == 0)
        def _():
            pltpu.async_copy(nf_lo.at[ij_], buf_, sem_rows)

        @pl.when(cid == 1)
        def _():
            pltpu.async_copy(nf_hi.at[ij_], buf_, sem_rows)

    def wait_rows(slot):
        buf_, _, ij_, _, _ = slot
        pltpu.make_async_copy(nf_lo.at[ij_], buf_, sem_rows).wait()

    def compute(slot):
        buf_, aw_, _, id_, _ = slot

        def grp(g, carry2):
            av = aw_[pl.ds(g * LANES, LANES)]
            ex = jnp.exp(av - mv[...])
            di = id_[pl.ds(g * LANES, LANES)]
            plsc.addupdate_scatter(den_t, [di], ex)
            for l in range(LANES):
                b = jnp.broadcast_to(ex[l], (LANES,))
                r = g * LANES + l
                for c2_ in range(DH // LANES):
                    sl = pl.ds(c2_ * LANES, LANES)
                    buf_[r, sl] = buf_[r, sl] * b
            return carry2

        lax.fori_loop(0, CH2 // LANES, grp, 0)

    def issue_scatter(slot):
        buf_, _, _, _, iw_ = slot
        for t in range(NSUB):
            pltpu.async_copy(buf_.at[pl.ds(t * SUB, SUB)],
                             acc_sh.at[iw_.at[t]], sem_acc, add=True)

    def wait_scatter(slot):
        buf_, _, _, _, iw_ = slot
        for t in range(NSUB):
            pltpu.make_async_copy(buf_.at[pl.ds(t * SUB, SUB)],
                                  acc_sh.at[iw_.at[t]], sem_acc).wait()

    issue_smalls(slot_a, 0)
    wait_smalls(slot_a)
    issue_rows(slot_a)

    def body(it, carry):
        a = 2 * it
        wait_rows(slot_a)

        @pl.when(it > 0)
        def _():
            wait_scatter(slot_b)

        issue_smalls(slot_b, a + 1)
        compute(slot_a)
        wait_smalls(slot_b)
        issue_rows(slot_b)
        issue_scatter(slot_a)
        wait_rows(slot_b)
        wait_scatter(slot_a)

        @pl.when(it < NIT - 1)
        def _():
            issue_smalls(slot_a, a + 2)

        compute(slot_b)

        @pl.when(it < NIT - 1)
        def _():
            wait_smalls(slot_a)
            issue_rows(slot_a)

        issue_scatter(slot_b)
        return carry

    lax.fori_loop(0, NIT, body, 0)
    wait_scatter(slot_b)
    plsc.subcore_barrier()

    pltpu.sync_copy(acc_sh.at[pl.ds(rows0, ROWA)],
                    acc_out.at[cid, pl.ds(rows0, ROWA)])

    @pl.when(cid == 0)
    def _():
        pltpu.sync_copy(den_t, den_out.at[sid])

    @pl.when(sid == NS - 1)
    def _():
        pltpu.sync_copy(acc_sh.at[pl.ds(NS * ROWA, TAIL)],
                        acc_out.at[cid, pl.ds(NS * ROWA, TAIL)])


BN = 2000


def _combine_body(nf, acc, den, out):
    a = jnp.concatenate([acc[0], acc[1]], axis=-1)
    d = jnp.sum(den[...], axis=1)[:, None]
    d = jnp.where(d > 0.0, d, 1.0)
    out[...] = nf[...] + a / d


def _run_combine(node_feature, acc, den):
    return pl.pallas_call(
        _combine_body,
        grid=(N // BN,),
        in_specs=[
            pl.BlockSpec((BN, D), lambda i: (i, 0)),
            pl.BlockSpec((NC, BN, DH), lambda i: (0, i, 0)),
            pl.BlockSpec((BN, NS), lambda i: (i, 0)),
        ],
        out_specs=pl.BlockSpec((BN, D), lambda i: (i, 0)),
        out_shape=jax.ShapeDtypeStruct((N, D), jnp.float32),
    )(node_feature, acc, den)


def kernel(node_feature, geo_encoding, edge_index, is_source,
           W0, b0, W1, b1, W2, b2, W3, b3, att):
    del is_source
    bf = jnp.bfloat16
    w0t = W0.T.astype(bf)
    w0a = w0t[:D]
    w0b = w0t[D:2 * D]
    w0c = w0t[2 * D:]
    ones = jnp.ones((D, D), bf)
    src_idx = edge_index[0]
    dst_idx = edge_index[1]
    dst2d = dst_idx.reshape(E // SUB, SUB)
    geot = geo_encoding.T
    nf_lo = node_feature[:, :DH]
    nf_hi = node_feature[:, DH:]
    fi_g, fj_g = _gather_k(node_feature, dst_idx, src_idx)
    alpha3, m2d = _run_mlp(
        fi_g, fj_g, geot, w0a, w0b, w0c, b0.reshape(1, D),
        W1.T.astype(bf), b1.reshape(1, D), W2.T.astype(bf), b2.reshape(1, D),
        W3.T.astype(bf), b3.reshape(1, D), att, ones,
    )
    alpha = alpha3.reshape(E)
    m_arr = m2d.reshape(D)
    acc, den = _scatter_k(nf_lo, nf_hi, alpha, m_arr, dst2d, src_idx, dst_idx)
    return _run_combine(node_feature, acc, den.T)

# --- scband reference (transcript-rebuilt; emitter-appended) ---
"""Pipeline reference for scband-spnn-45423574122553 (READ-ONLY COPY).

The authoritative reference and input builder live on the scoring server;
editing this copy changes nothing except your own understanding.
"""

import jax
import jax.numpy as jnp
import numpy as np

N = 10000
E = 320000
D = 128
G = 13


def setup_inputs(seed: int = 0) -> dict:
    key = jax.random.key(seed)
    ks = jax.random.split(key, 16)
    node_feature = jax.random.normal(ks[0], (N, D), dtype=jnp.float32)
    geo_encoding = jax.random.normal(ks[1], (E, G), dtype=jnp.float32)
    edge_index = jax.random.randint(ks[2], (2, E), 0, N, dtype=jnp.int32)
    is_source = jnp.zeros((E,), dtype=bool)
    fin0 = 2 * D + G
    W0 = jax.random.normal(ks[3], (D, fin0), dtype=jnp.float32) * (1.0 / np.sqrt(fin0))
    b0 = jnp.zeros((D,), dtype=jnp.float32)
    W1 = jax.random.normal(ks[4], (D, D), dtype=jnp.float32) * (1.0 / np.sqrt(D))
    b1 = jnp.zeros((D,), dtype=jnp.float32)
    W2 = jax.random.normal(ks[5], (D, D), dtype=jnp.float32) * (1.0 / np.sqrt(D))
    b2 = jnp.zeros((D,), dtype=jnp.float32)
    W3 = jax.random.normal(ks[6], (D, D), dtype=jnp.float32) * (1.0 / np.sqrt(D))
    b3 = jnp.zeros((D,), dtype=jnp.float32)
    att = jax.random.normal(ks[7], (1, D), dtype=jnp.float32) * (1.0 / np.sqrt(D))
    return {"node_feature": node_feature, "geo_encoding": geo_encoding,
            "edge_index": edge_index, "is_source": is_source,
            "W0": W0, "b0": b0, "W1": W1, "b1": b1,
            "W2": W2, "b2": b2, "W3": W3, "b3": b3, "att": att}


def _segment_softmax(alpha, seg, num_segments):
    amax = jax.ops.segment_max(alpha, seg, num_segments=num_segments)
    amax = jnp.where(jnp.isfinite(amax), amax, 0.0)
    ex = jnp.exp(alpha - amax[seg])
    denom = jax.ops.segment_sum(ex, seg, num_segments=num_segments)
    return ex / (denom[seg] + 1e-16)


def reference(node_feature, geo_encoding, edge_index, is_source,
              W0, b0, W1, b1, W2, b2, W3, b3, att):
    j = edge_index[0]
    i = edge_index[1]
    node_attr_0st = node_feature[i]
    node_attr_1st = node_feature[j]
    x = jnp.concatenate([node_attr_0st, node_attr_1st, geo_encoding], axis=-1)
    for W, b in ((W0, b0), (W1, b1), (W2, b2), (W3, b3)):
        x = jax.nn.relu(x @ W.T + b)
    x = jax.nn.leaky_relu(x, negative_slope=0.01)
    alpha = jax.nn.leaky_relu(x * att, negative_slope=0.01).sum(axis=-1)
    alpha = _segment_softmax(alpha, i, node_feature.shape[0])
    message = node_feature[j] * alpha[:, None]
    out = jax.ops.segment_sum(message, i, num_segments=node_feature.shape[0])
    return node_feature + out

if __name__ == "__main__":
    import jax
    _d = setup_inputs()
    print(jax.jit(kernel)(*tuple(_d.values())))

</pallas_src>

<mosaic_0001>
#map = affine_map<(d0, d1) -> (0, 0)>
#map1 = affine_map<(d0, d1) -> (0)>
#map2 = affine_map<(d0, d1) -> (0, 0, 0)>
module attributes {stable_mosaic.version = 14 : i64} {
  func.func @_scatter_k(%arg0: i32, %arg1: i32, %arg2: memref<10000x64xf32, #tpu.memory_space<hbm>>, %arg3: memref<10000x64xf32, #tpu.memory_space<hbm>>, %arg4: memref<320000xf32, #tpu.memory_space<hbm>>, %arg5: memref<128xf32, #tpu.memory_space<hbm>>, %arg6: memref<3200x100xi32, #tpu.memory_space<hbm>>, %arg7: memref<320000xi32, #tpu.memory_space<hbm>>, %arg8: memref<320000xi32, #tpu.memory_space<hbm>>, %arg9: memref<2x10000x64xf32, #tpu.memory_space<hbm>>, %arg10: memref<16x10000xf32, #tpu.memory_space<hbm>>, %arg11: memref<400x64xf32, #tpu.memory_space<vmem>>, %arg12: memref<400x64xf32, #tpu.memory_space<vmem>>, %arg13: memref<400xf32, #tpu.memory_space<vmem>>, %arg14: memref<400xf32, #tpu.memory_space<vmem>>, %arg15: memref<400xi32, #tpu.memory_space<vmem>>, %arg16: memref<400xi32, #tpu.memory_space<vmem>>, %arg17: memref<400xi32, #tpu.memory_space<vmem>>, %arg18: memref<400xi32, #tpu.memory_space<vmem>>, %arg19: memref<4x100xi32, #tpu.memory_space<vmem>>, %arg20: memref<4x100xi32, #tpu.memory_space<vmem>>, %arg21: memref<10000xf32, #tpu.memory_space<vmem>>, %arg22: memref<16xf32, #tpu.memory_space<vmem>>, %arg23: memref<!tpu.dma_semaphore, #tpu.memory_space<semaphore_mem>>, %arg24: memref<!tpu.dma_semaphore, #tpu.memory_space<semaphore_mem>>, %arg25: memref<!tpu.dma_semaphore, #tpu.memory_space<semaphore_mem>>, %arg26: memref<10000x64xf32, #tpu.memory_space<vmem_shared>>) attributes {dimension_semantics = [#tpu.dimension_semantics<core_parallel>, #tpu.dimension_semantics<subcore_parallel>], iteration_bounds = array<i64: 2, 16>, scalar_prefetch = 0 : i64, scratch_operands = 16 : i64, tpu.core_type = #tpu.core_type<sc_vector_subcore>, window_params = [{transform_indices = #map}, {transform_indices = #map}, {transform_indices = #map1}, {transform_indices = #map1}, {transform_indices = #map}, {transform_indices = #map1}, {transform_indices = #map1}, {transform_indices = #map2}, {transform_indices = #map}]} {
    %mul3A = arith.constant 20000 : i32
    %mul3A_0 = arith.muli %arg1, %mul3A : i32
    "tpu.region"() ({
      %run_scoped3A = tpu.sem_alloc : memref<!tpu.dma_semaphore, #tpu.memory_space<semaphore_mem>>
      %dma_start3A_111 = arith.constant 0 : i32
      %dma_start3A_112 = tpu.memref_slice %arg5[%dma_start3A_111] : memref<128xf32, #tpu.memory_space<hbm>> -> memref<16xf32, #tpu.memory_space<hbm>>
      %dma_start3A_113 = arith.constant 0 : i32
      %dma_start3A_114 = tpu.memref_slice %arg5[%dma_start3A_113] : memref<128xf32, #tpu.memory_space<hbm>> -> memref<16xf32, #tpu.memory_space<hbm>>
      tpu.enqueue_dma source(%dma_start3A_114 : memref<16xf32, #tpu.memory_space<hbm>>) target(%arg22 : memref<16xf32, #tpu.memory_space<vmem>>) target_semaphore(%run_scoped3A : memref<!tpu.dma_semaphore, #tpu.memory_space<semaphore_mem>>)
      %dma_wait3A_115 = arith.constant 0 : i32
      %dma_wait3A_116 = tpu.memref_slice %arg5[%dma_wait3A_115] : memref<128xf32, #tpu.memory_space<hbm>> -> memref<16xf32, #tpu.memory_space<hbm>>
      %dma_wait3A_117 = arith.constant 0 : i32
      %dma_wait3A_118 = tpu.memref_slice %arg5[%dma_wait3A_117] : memref<128xf32, #tpu.memory_space<hbm>> -> memref<16xf32, #tpu.memory_space<hbm>>
      tpu.wait_dma2 semaphore(%run_scoped3A : memref<!tpu.dma_semaphore, #tpu.memory_space<semaphore_mem>>) src(%dma_wait3A_118 : memref<16xf32, #tpu.memory_space<hbm>>) dst(%arg22 : memref<16xf32, #tpu.memory_space<vmem>>)
      tpu.yield
    }) : () -> ()
    %broadcast_in_dim3A = arith.constant 0.000000e+00 : f32
    %broadcast_in_dim3A_1 = vector.broadcast %broadcast_in_dim3A : f32 to vector<16xf32>
    %scan3A = arith.constant 0 : i32
    %scan3A_2 = arith.constant 0 : i32
    %scan3A_3 = arith.constant 400 : i32
    %scan3A_4 = arith.addi %scan3A_2, %scan3A_3 : i32
    %scan3A_5 = arith.constant 1 : i32
    scf.for %scan3A_111 = %scan3A_2 to %scan3A_4 step %scan3A_5  : i32 {
      %swap3A = arith.index_cast %scan3A_111 : i32 to index
      %swap3A_112 = arith.constant 0 : index
      %swap3A_113 = tpu.vector_load %arg11[%swap3A, %swap3A_112] {strides = array<i32>} : memref<400x64xf32, #tpu.memory_space<vmem>>, vector<16xf32>,
      tpu.vector_store %arg11[%swap3A, %swap3A_112], %broadcast_in_dim3A_1 {strides = array<i32>} : memref<400x64xf32, #tpu.memory_space<vmem>>, vector<16xf32>,
      %swap3A_114 = arith.index_cast %scan3A_111 : i32 to index
      %swap3A_115 = arith.constant 0 : index
      %swap3A_116 = tpu.vector_load %arg12[%swap3A_114, %swap3A_115] {strides = array<i32>} : memref<400x64xf32, #tpu.memory_space<vmem>>, vector<16xf32>,
      tpu.vector_store %arg12[%swap3A_114, %swap3A_115], %broadcast_in_dim3A_1 {strides = array<i32>} : memref<400x64xf32, #tpu.memory_space<vmem>>, vector<16xf32>,
      %swap3A_117 = arith.index_cast %scan3A_111 : i32 to index
      %swap3A_118 = arith.constant 16 : index
      %swap3A_119 = tpu.vector_load %arg11[%swap3A_117, %swap3A_118] {strides = array<i32>} : memref<400x64xf32, #tpu.memory_space<vmem>>, vector<16xf32>,
      tpu.vector_store %arg11[%swap3A_117, %swap3A_118], %broadcast_in_dim3A_1 {strides = array<i32>} : memref<400x64xf32, #tpu.memory_space<vmem>>, vector<16xf32>,
      %swap3A_120 = arith.index_cast %scan3A_111 : i32 to index
      %swap3A_121 = arith.constant 16 : index
      %swap3A_122 = tpu.vector_load %arg12[%swap3A_120, %swap3A_121] {strides = array<i32>} : memref<400x64xf32, #tpu.memory_space<vmem>>, vector<16xf32>,
      tpu.vector_store %arg12[%swap3A_120, %swap3A_121], %broadcast_in_dim3A_1 {strides = array<i32>} : memref<400x64xf32, #tpu.memory_space<vmem>>, vector<16xf32>,
      %swap3A_123 = arith.index_cast %scan3A_111 : i32 to index
      %swap3A_124 = arith.constant 32 : index
      %swap3A_125 = tpu.vector_load %arg11[%swap3A_123, %swap3A_124] {strides = array<i32>} : memref<400x64xf32, #tpu.memory_space<vmem>>, vector<16xf32>,
      tpu.vector_store %arg11[%swap3A_123, %swap3A_124], %broadcast_in_dim3A_1 {strides = array<i32>} : memref<400x64xf32, #tpu.memory_space<vmem>>, vector<16xf32>,
      %swap3A_126 = arith.index_cast %scan3A_111 : i32 to index
      %swap3A_127 = arith.constant 32 : index
      %swap3A_128 = tpu.vector_load %arg12[%swap3A_126, %swap3A_127] {strides = array<i32>} : memref<400x64xf32, #tpu.memory_space<vmem>>, vector<16xf32>,
      tpu.vector_store %arg12[%swap3A_126, %swap3A_127], %broadcast_in_dim3A_1 {strides = array<i32>} : memref<400x64xf32, #tpu.memory_space<vmem>>, vector<16xf32>,
      %swap3A_129 = arith.index_cast %scan3A_111 : i32 to index
      %swap3A_130 = arith.constant 48 : index
      %swap3A_131 = tpu.vector_load %arg11[%swap3A_129, %swap3A_130] {strides = array<i32>} : memref<400x64xf32, #tpu.memory_space<vmem>>, vector<16xf32>,
      tpu.vector_store %arg11[%swap3A_129, %swap3A_130], %broadcast_in_dim3A_1 {strides = array<i32>} : memref<400x64xf32, #tpu.memory_space<vmem>>, vector<16xf32>,
      %swap3A_132 = arith.index_cast %scan3A_111 : i32 to index
      %swap3A_133 = arith.constant 48 : index
      %swap3A_134 = tpu.vector_load %arg12[%swap3A_132, %swap3A_133] {strides = array<i32>} : memref<400x64xf32, #tpu.memory_space<vmem>>, vector<16xf32>,
      tpu.vector_store %arg12[%swap3A_132, %swap3A_133], %broadcast_in_dim3A_1 {strides = array<i32>} : memref<400x64xf32, #tpu.memory_space<vmem>>, vector<16xf32>,
    }
    %scan3A_6 = arith.constant 400 : i32
    %scan3A_7 = arith.constant 0 : i32
    %scan3A_8 = arith.constant 0 : i32
    %scan3A_9 = arith.constant 625 : i32
    %scan3A_10 = arith.addi %scan3A_8, %scan3A_9 : i32
    %scan3A_11 = arith.constant 1 : i32
    scf.for %scan3A_111 = %scan3A_8 to %scan3A_10 step %scan3A_11  : i32 {
      %mul3A_112 = arith.constant 16 : i32
      %mul3A_113 = arith.muli %scan3A_111, %mul3A_112 : i32
      %swap3A = arith.index_cast %mul3A_113 : i32 to index
      %swap3A_114 = tpu.vector_load %arg21[%swap3A] {strides = array<i32>} : memref<10000xf32, #tpu.memory_space<vmem>>, vector<16xf32>,
      tpu.vector_store %arg21[%swap3A], %broadcast_in_dim3A_1 {strides = array<i32>} : memref<10000xf32, #tpu.memory_space<vmem>>, vector<16xf32>,
    }
    %scan3A_12 = arith.constant 625 : i32
    %mul3A_13 = arith.constant 624 : i32
    %mul3A_14 = arith.muli %arg1, %mul3A_13 : i32
    "tpu.region"() ({
      %run_scoped3A = tpu.sem_alloc : memref<!tpu.dma_semaphore, #tpu.memory_space<semaphore_mem>>
      %dma_start3A_111 = arith.constant 0 : i32
      %dma_start3A_112 = tpu.memref_slice %arg26[%mul3A_14, %dma_start3A_111] : memref<10000x64xf32, #tpu.memory_space<vmem_shared>> -> memref<400x64xf32, #tpu.memory_space<vmem_shared>>
      %dma_start3A_113 = arith.constant 0 : i32
      %dma_start3A_114 = tpu.memref_slice %arg26[%mul3A_14, %dma_start3A_113] : memref<10000x64xf32, #tpu.memory_space<vmem_shared>> -> memref<400x64xf32, #tpu.memory_space<vmem_shared>>
      tpu.enqueue_dma source(%arg11 : memref<400x64xf32, #tpu.memory_space<vmem>>) target(%dma_start3A_114 : memref<400x64xf32, #tpu.memory_space<vmem_shared>>) target_semaphore(%run_scoped3A : memref<!tpu.dma_semaphore, #tpu.memory_space<semaphore_mem>>)
      %dma_wait3A_115 = arith.constant 0 : i32
      %dma_wait3A_116 = tpu.memref_slice %arg26[%mul3A_14, %dma_wait3A_115] : memref<10000x64xf32, #tpu.memory_space<vmem_shared>> -> memref<400x64xf32, #tpu.memory_space<vmem_shared>>
      %dma_wait3A_117 = arith.constant 0 : i32
      %dma_wait3A_118 = tpu.memref_slice %arg26[%mul3A_14, %dma_wait3A_117] : memref<10000x64xf32, #tpu.memory_space<vmem_shared>> -> memref<400x64xf32, #tpu.memory_space<vmem_shared>>
      tpu.wait_dma2 semaphore(%run_scoped3A : memref<!tpu.dma_semaphore, #tpu.memory_space<semaphore_mem>>) src(%arg11 : memref<400x64xf32, #tpu.memory_space<vmem>>) dst(%dma_wait3A_118 : memref<400x64xf32, #tpu.memory_space<vmem_shared>>)
      tpu.yield
    }) : () -> ()
    %add3A = arith.constant 400 : i32
    %add3A_15 = arith.addi %mul3A_14, %add3A : i32
    "tpu.region"() ({
      %run_scoped3A = tpu.sem_alloc : memref<!tpu.dma_semaphore, #tpu.memory_space<semaphore_mem>>
      %dma_start3A_111 = arith.constant 0 : i32
      %dma_start3A_112 = arith.constant 0 : i32
      %dma_start3A_113 = tpu.memref_slice %arg11[%dma_start3A_111, %dma_start3A_112] : memref<400x64xf32, #tpu.memory_space<vmem>> -> memref<224x64xf32, #tpu.memory_space<vmem>>
      %dma_start3A_114 = arith.constant 0 : i32
      %dma_start3A_115 = tpu.memref_slice %arg26[%add3A_15, %dma_start3A_114] : memref<10000x64xf32, #tpu.memory_space<vmem_shared>> -> memref<224x64xf32, #tpu.memory_space<vmem_shared>>
      %dma_start3A_116 = arith.constant 0 : i32
      %dma_start3A_117 = tpu.memref_slice %arg26[%add3A_15, %dma_start3A_116] : memref<10000x64xf32, #tpu.memory_space<vmem_shared>> -> memref<224x64xf32, #tpu.memory_space<vmem_shared>>
      %dma_start3A_118 = arith.constant 0 : i32
      %dma_start3A_119 = arith.constant 0 : i32
      %dma_start3A_120 = tpu.memref_slice %arg11[%dma_start3A_118, %dma_start3A_119] : memref<400x64xf32, #tpu.memory_space<vmem>> -> memref<224x64xf32, #tpu.memory_space<vmem>>
      tpu.enqueue_dma source(%dma_start3A_120 : memref<224x64xf32, #tpu.memory_space<vmem>>) target(%dma_start3A_117 : memref<224x64xf32, #tpu.memory_space<vmem_shared>>) target_semaphore(%run_scoped3A : memref<!tpu.dma_semaphore, #tpu.memory_space<semaphore_mem>>)
      %dma_wait3A_121 = arith.constant 0 : i32
      %dma_wait3A_122 = arith.constant 0 : i32
      %dma_wait3A_123 = tpu.memref_slice %arg11[%dma_wait3A_121, %dma_wait3A_122] : memref<400x64xf32, #tpu.memory_space<vmem>> -> memref<224x64xf32, #tpu.memory_space<vmem>>
      %dma_wait3A_124 = arith.constant 0 : i32
      %dma_wait3A_125 = tpu.memref_slice %arg26[%add3A_15, %dma_wait3A_124] : memref<10000x64xf32, #tpu.memory_space<vmem_shared>> -> memref<224x64xf32, #tpu.memory_space<vmem_shared>>
      %dma_wait3A_126 = arith.constant 0 : i32
      %dma_wait3A_127 = tpu.memref_slice %arg26[%add3A_15, %dma_wait3A_126] : memref<10000x64xf32, #tpu.memory_space<vmem_shared>> -> memref<224x64xf32, #tpu.memory_space<vmem_shared>>
      %dma_wait3A_128 = arith.constant 0 : i32
      %dma_wait3A_129 = arith.constant 0 : i32
      %dma_wait3A_130 = tpu.memref_slice %arg11[%dma_wait3A_128, %dma_wait3A_129] : memref<400x64xf32, #tpu.memory_space<vmem>> -> memref<224x64xf32, #tpu.memory_space<vmem>>
      tpu.wait_dma2 semaphore(%run_scoped3A : memref<!tpu.dma_semaphore, #tpu.memory_space<semaphore_mem>>) src(%dma_wait3A_130 : memref<224x64xf32, #tpu.memory_space<vmem>>) dst(%dma_wait3A_127 : memref<224x64xf32, #tpu.memory_space<vmem_shared>>)
      tpu.yield
    }) : () -> ()
    %eq3A = arith.constant 15 : i32
    %eq3A_16 = arith.cmpi eq, %arg1, %eq3A : i32
    %convert_element_type3A = arith.extui %eq3A_16 : i1 to i32
    %cond3A = arith.constant 0 : i32
    %cond3A_17 = arith.cmpi ne, %convert_element_type3A, %cond3A : i32
    scf.if %cond3A_17 {
      "tpu.region"() ({
        %run_scoped3A = tpu.sem_alloc : memref<!tpu.dma_semaphore, #tpu.memory_space<semaphore_mem>>
        %dma_start3A_111 = arith.constant 0 : i32
        %dma_start3A_112 = arith.constant 0 : i32
        %dma_start3A_113 = tpu.memref_slice %arg11[%dma_start3A_111, %dma_start3A_112] : memref<400x64xf32, #tpu.memory_space<vmem>> -> memref<16x64xf32, #tpu.memory_space<vmem>>
        %dma_start3A_114 = arith.constant 9984 : i32
        %dma_start3A_115 = arith.constant 0 : i32
        %dma_start3A_116 = tpu.memref_slice %arg26[%dma_start3A_114, %dma_start3A_115] : memref<10000x64xf32, #tpu.memory_space<vmem_shared>> -> memref<16x64xf32, #tpu.memory_space<vmem_shared>>
        %dma_start3A_117 = arith.constant 9984 : i32
        %dma_start3A_118 = arith.constant 0 : i32
        %dma_start3A_119 = tpu.memref_slice %arg26[%dma_start3A_117, %dma_start3A_118] : memref<10000x64xf32, #tpu.memory_space<vmem_shared>> -> memref<16x64xf32, #tpu.memory_space<vmem_shared>>
        %dma_start3A_120 = arith.constant 0 : i32
        %dma_start3A_121 = arith.constant 0 : i32
        %dma_start3A_122 = tpu.memref_slice %arg11[%dma_start3A_120, %dma_start3A_121] : memref<400x64xf32, #tpu.memory_space<vmem>> -> memref<16x64xf32, #tpu.memory_space<vmem>>
        tpu.enqueue_dma source(%dma_start3A_122 : memref<16x64xf32, #tpu.memory_space<vmem>>) target(%dma_start3A_119 : memref<16x64xf32, #tpu.memory_space<vmem_shared>>) target_semaphore(%run_scoped3A : memref<!tpu.dma_semaphore, #tpu.memory_space<semaphore_mem>>)
        %dma_wait3A_123 = arith.constant 0 : i32
        %dma_wait3A_124 = arith.constant 0 : i32
        %dma_wait3A_125 = tpu.memref_slice %arg11[%dma_wait3A_123, %dma_wait3A_124] : memref<400x64xf32, #tpu.memory_space<vmem>> -> memref<16x64xf32, #tpu.memory_space<vmem>>
        %dma_wait3A_126 = arith.constant 9984 : i32
        %dma_wait3A_127 = arith.constant 0 : i32
        %dma_wait3A_128 = tpu.memref_slice %arg26[%dma_wait3A_126, %dma_wait3A_127] : memref<10000x64xf32, #tpu.memory_space<vmem_shared>> -> memref<16x64xf32, #tpu.memory_space<vmem_shared>>
        %dma_wait3A_129 = arith.constant 9984 : i32
        %dma_wait3A_130 = arith.constant 0 : i32
        %dma_wait3A_131 = tpu.memref_slice %arg26[%dma_wait3A_129, %dma_wait3A_130] : memref<10000x64xf32, #tpu.memory_space<vmem_shared>> -> memref<16x64xf32, #tpu.memory_space<vmem_shared>>
        %dma_wait3A_132 = arith.constant 0 : i32
        %dma_wait3A_133 = arith.constant 0 : i32
        %dma_wait3A_134 = tpu.memref_slice %arg11[%dma_wait3A_132, %dma_wait3A_133] : memref<400x64xf32, #tpu.memory_space<vmem>> -> memref<16x64xf32, #tpu.memory_space<vmem>>
        tpu.wait_dma2 semaphore(%run_scoped3A : memref<!tpu.dma_semaphore, #tpu.memory_space<semaphore_mem>>) src(%dma_wait3A_134 : memref<16x64xf32, #tpu.memory_space<vmem>>) dst(%dma_wait3A_131 : memref<16x64xf32, #tpu.memory_space<vmem_shared>>)
        tpu.yield
      }) : () -> ()
    } else {
    }
    %barrier3A = arith.constant 0 : index
    tpu.barrier barrier_id(%barrier3A)
    %add3A_18 = arith.constant 0 : i32
    %add3A_19 = arith.addi %mul3A_0, %add3A_18 : i32
    %mul3A_20 = arith.constant 200 : i32
    %mul3A_21 = arith.muli %arg1, %mul3A_20 : i32
    %add3A_22 = arith.constant 0 : i32
    %add3A_23 = arith.addi %mul3A_21, %add3A_22 : i32
    %dma_start3A = tpu.memref_slice %arg7[%add3A_19] : memref<320000xi32, #tpu.memory_space<hbm>> -> memref<400xi32, #tpu.memory_space<hbm>>
    %dma_start3A_24 = tpu.memref_slice %arg7[%add3A_19] : memref<320000xi32, #tpu.memory_space<hbm>> -> memref<400xi32, #tpu.memory_space<hbm>>
    tpu.enqueue_dma source(%dma_start3A_24 : memref<400xi32, #tpu.memory_space<hbm>>) target(%arg15 : memref<400xi32, #tpu.memory_space<vmem>>) target_semaphore(%arg23 : memref<!tpu.dma_semaphore, #tpu.memory_space<semaphore_mem>>)
    %dma_start3A_25 = tpu.memref_slice %arg4[%add3A_19] : memref<320000xf32, #tpu.memory_space<hbm>> -> memref<400xf32, #tpu.memory_space<hbm>>
    %dma_start3A_26 = tpu.memref_slice %arg4[%add3A_19] : memref<320000xf32, #tpu.memory_space<hbm>> -> memref<400xf32, #tpu.memory_space<hbm>>
    tpu.enqueue_dma source(%dma_start3A_26 : memref<400xf32, #tpu.memory_space<hbm>>) target(%arg13 : memref<400xf32, #tpu.memory_space<vmem>>) target_semaphore(%arg23 : memref<!tpu.dma_semaphore, #tpu.memory_space<semaphore_mem>>)
    %dma_start3A_27 = tpu.memref_slice %arg8[%add3A_19] : memref<320000xi32, #tpu.memory_space<hbm>> -> memref<400xi32, #tpu.memory_space<hbm>>
    %dma_start3A_28 = tpu.memref_slice %arg8[%add3A_19] : memref<320000xi32, #tpu.memory_space<hbm>> -> memref<400xi32, #tpu.memory_space<hbm>>
    tpu.enqueue_dma source(%dma_start3A_28 : memref<400xi32, #tpu.memory_space<hbm>>) target(%arg17 : memref<400xi32, #tpu.memory_space<vmem>>) target_semaphore(%arg23 : memref<!tpu.dma_semaphore, #tpu.memory_space<semaphore_mem>>)
    %dma_start3A_29 = arith.constant 0 : i32
    %dma_start3A_30 = tpu.memref_slice %arg6[%add3A_23, %dma_start3A_29] : memref<3200x100xi32, #tpu.memory_space<hbm>> -> memref<4x100xi32, #tpu.memory_space<hbm>>
    %dma_start3A_31 = arith.constant 0 : i32
    %dma_start3A_32 = tpu.memref_slice %arg6[%add3A_23, %dma_start3A_31] : memref<3200x100xi32, #tpu.memory_space<hbm>> -> memref<4x100xi32, #tpu.memory_space<hbm>>
    tpu.enqueue_dma source(%dma_start3A_32 : memref<4x100xi32, #tpu.memory_space<hbm>>) target(%arg19 : memref<4x100xi32, #tpu.memory_space<vmem>>) target_semaphore(%arg23 : memref<!tpu.dma_semaphore, #tpu.memory_space<semaphore_mem>>)
    %dma_wait3A = tpu.memref_slice %arg7[%mul3A_0] : memref<320000xi32, #tpu.memory_space<hbm>> -> memref<400xi32, #tpu.memory_space<hbm>>
    %dma_wait3A_33 = tpu.memref_slice %arg7[%mul3A_0] : memref<320000xi32, #tpu.memory_space<hbm>> -> memref<400xi32, #tpu.memory_space<hbm>>
    tpu.wait_dma2 semaphore(%arg23 : memref<!tpu.dma_semaphore, #tpu.memory_space<semaphore_mem>>) src(%dma_wait3A_33 : memref<400xi32, #tpu.memory_space<hbm>>) dst(%arg15 : memref<400xi32, #tpu.memory_space<vmem>>)
    %dma_wait3A_34 = tpu.memref_slice %arg4[%mul3A_0] : memref<320000xf32, #tpu.memory_space<hbm>> -> memref<400xf32, #tpu.memory_space<hbm>>
    %dma_wait3A_35 = tpu.memref_slice %arg4[%mul3A_0] : memref<320000xf32, #tpu.memory_space<hbm>> -> memref<400xf32, #tpu.memory_space<hbm>>
    tpu.wait_dma2 semaphore(%arg23 : memref<!tpu.dma_semaphore, #tpu.memory_space<semaphore_mem>>) src(%dma_wait3A_35 : memref<400xf32, #tpu.memory_space<hbm>>) dst(%arg13 : memref<400xf32, #tpu.memory_space<vmem>>)
    %dma_wait3A_36 = tpu.memref_slice %arg8[%mul3A_0] : memref<320000xi32, #tpu.memory_space<hbm>> -> memref<400xi32, #tpu.memory_space<hbm>>
    %dma_wait3A_37 = tpu.memref_slice %arg8[%mul3A_0] : memref<320000xi32, #tpu.memory_space<hbm>> -> memref<400xi32, #tpu.memory_space<hbm>>
    tpu.wait_dma2 semaphore(%arg23 : memref<!tpu.dma_semaphore, #tpu.memory_space<semaphore_mem>>) src(%dma_wait3A_37 : memref<400xi32, #tpu.memory_space<hbm>>) dst(%arg17 : memref<400xi32, #tpu.memory_space<vmem>>)
    %dma_wait3A_38 = arith.constant 0 : i32
    %dma_wait3A_39 = arith.constant 0 : i32
    %dma_wait3A_40 = tpu.memref_slice %arg6[%dma_wait3A_38, %dma_wait3A_39] : memref<3200x100xi32, #tpu.memory_space<hbm>> -> memref<4x100xi32, #tpu.memory_space<hbm>>
    %dma_wait3A_41 = arith.constant 0 : i32
    %dma_wait3A_42 = arith.constant 0 : i32
    %dma_wait3A_43 = tpu.memref_slice %arg6[%dma_wait3A_41, %dma_wait3A_42] : memref<3200x100xi32, #tpu.memory_space<hbm>> -> memref<4x100xi32, #tpu.memory_space<hbm>>
    tpu.wait_dma2 semaphore(%arg23 : memref<!tpu.dma_semaphore, #tpu.memory_space<semaphore_mem>>) src(%dma_wait3A_43 : memref<4x100xi32, #tpu.memory_space<hbm>>) dst(%arg19 : memref<4x100xi32, #tpu.memory_space<vmem>>)
    %eq3A_44 = arith.constant 0 : i32
    %eq3A_45 = arith.cmpi eq, %arg0, %eq3A_44 : i32
    %convert_element_type3A_46 = arith.extui %eq3A_45 : i1 to i32
    %cond3A_47 = arith.constant 0 : i32
    %cond3A_48 = arith.cmpi ne, %convert_element_type3A_46, %cond3A_47 : i32
    scf.if %cond3A_48 {
      %dma_start3A_111 = arith.constant 0 : i32
      %dma_start3A_112 = arith.constant 0 : i32
      %dma_start3A_113 = tpu.memref_slice %arg2[%dma_start3A_111, %dma_start3A_112] : memref<10000x64xf32, #tpu.memory_space<hbm>> -> memref<10000x64xf32, #tpu.memory_space<hbm>>
      tpu.enqueue_indirect_dma source(%dma_start3A_113 : memref<10000x64xf32, #tpu.memory_space<hbm>>) target(%arg11 : memref<400x64xf32, #tpu.memory_space<vmem>>) offsets(%arg15 : memref<400xi32, #tpu.memory_space<vmem>>) semaphore(%arg24 : memref<!tpu.dma_semaphore, #tpu.memory_space<semaphore_mem>>)
    } else {
    }
    %eq3A_49 = arith.constant 1 : i32
    %eq3A_50 = arith.cmpi eq, %arg0, %eq3A_49 : i32
    %convert_element_type3A_51 = arith.extui %eq3A_50 : i1 to i32
    %cond3A_52 = arith.constant 0 : i32
    %cond3A_53 = arith.cmpi ne, %convert_element_type3A_51, %cond3A_52 : i32
    scf.if %cond3A_53 {
      %dma_start3A_111 = arith.constant 0 : i32
      %dma_start3A_112 = arith.constant 0 : i32
      %dma_start3A_113 = tpu.memref_slice %arg3[%dma_start3A_111, %dma_start3A_112] : memref<10000x64xf32, #tpu.memory_space<hbm>> -> memref<10000x64xf32, #tpu.memory_space<hbm>>
      tpu.enqueue_indirect_dma source(%dma_start3A_113 : memref<10000x64xf32, #tpu.memory_space<hbm>>) target(%arg11 : memref<400x64xf32, #tpu.memory_space<vmem>>) offsets(%arg15 : memref<400xi32, #tpu.memory_space<vmem>>) semaphore(%arg24 : memref<!tpu.dma_semaphore, #tpu.memory_space<semaphore_mem>>)
    } else {
    }
    %scan3A_54 = arith.constant 0 : i32
    %scan3A_55 = arith.constant 0 : i32
    %scan3A_56 = arith.constant 25 : i32
    %scan3A_57 = arith.addi %scan3A_55, %scan3A_56 : i32
    %scan3A_58 = arith.constant 1 : i32
    scf.for %scan3A_111 = %scan3A_55 to %scan3A_57 step %scan3A_58  : i32 {
      %mul3A_112 = arith.constant 2 : i32
      %mul3A_113 = arith.muli %mul3A_112, %scan3A_111 : i32
      %dma_wait3A_114 = arith.constant 0 : i32
      %dma_wait3A_115 = arith.constant 0 : i32
      %dma_wait3A_116 = tpu.memref_slice %arg2[%dma_wait3A_114, %dma_wait3A_115] : memref<10000x64xf32, #tpu.memory_space<hbm>> -> memref<10000x64xf32, #tpu.memory_space<hbm>>
      tpu.wait_indirect_dma semaphore(%arg24 : memref<!tpu.dma_semaphore, #tpu.memory_space<semaphore_mem>>) src(%dma_wait3A_116 : memref<10000x64xf32, #tpu.memory_space<hbm>>) dst(%arg11 : memref<400x64xf32, #tpu.memory_space<vmem>>)
      %gt3A = arith.constant 0 : i32
      %gt3A_117 = arith.cmpi sgt, %scan3A_111, %gt3A : i32
      %convert_element_type3A_118 = arith.extui %gt3A_117 : i1 to i32
      %cond3A_119 = arith.constant 0 : i32
      %cond3A_120 = arith.cmpi ne, %convert_element_type3A_118, %cond3A_119 : i32
      scf.if %cond3A_120 {
        %dma_wait3A_307 = arith.constant 0 : i32
        %dma_wait3A_308 = arith.constant 0 : i32
        %dma_wait3A_309 = arith.constant 0 : i32
        %dma_wait3A_310 = tpu.memref_slice %arg12[%dma_wait3A_308, %dma_wait3A_309] : memref<400x64xf32, #tpu.memory_space<vmem>> -> memref<100x64xf32, #tpu.memory_space<vmem>>
        %dma_wait3A_311 = arith.constant 0 : i32
        %dma_wait3A_312 = tpu.memref_slice %arg20[%dma_wait3A_307, %dma_wait3A_311] : memref<4x100xi32, #tpu.memory_space<vmem>> -> memref<1x100xi32, #tpu.memory_space<vmem>>
        %dma_wait3A_313 = tpu.memref_squeeze %dma_wait3A_312 : memref<1x100xi32, #tpu.memory_space<vmem>> -> memref<100xi32, #tpu.memory_space<vmem>>
        %dma_wait3A_314 = arith.constant 0 : i32
        %dma_wait3A_315 = arith.constant 0 : i32
        %dma_wait3A_316 = tpu.memref_slice %arg26[%dma_wait3A_314, %dma_wait3A_315] : memref<10000x64xf32, #tpu.memory_space<vmem_shared>> -> memref<10000x64xf32, #tpu.memory_space<vmem_shared>>
        tpu.wait_indirect_dma semaphore(%arg25 : memref<!tpu.dma_semaphore, #tpu.memory_space<semaphore_mem>>) src(%dma_wait3A_310 : memref<100x64xf32, #tpu.memory_space<vmem>>) dst(%dma_wait3A_316 : memref<10000x64xf32, #tpu.memory_space<vmem_shared>>)
        %dma_wait3A_317 = arith.constant 1 : i32
        %dma_wait3A_318 = arith.constant 100 : i32
        %dma_wait3A_319 = arith.constant 0 : i32
        %dma_wait3A_320 = tpu.memref_slice %arg12[%dma_wait3A_318, %dma_wait3A_319] : memref<400x64xf32, #tpu.memory_space<vmem>> -> memref<100x64xf32, #tpu.memory_space<vmem>>
        %dma_wait3A_321 = arith.constant 0 : i32
        %dma_wait3A_322 = tpu.memref_slice %arg20[%dma_wait3A_317, %dma_wait3A_321] : memref<4x100xi32, #tpu.memory_space<vmem>> -> memref<1x100xi32, #tpu.memory_space<vmem>>
        %dma_wait3A_323 = tpu.memref_squeeze %dma_wait3A_322 : memref<1x100xi32, #tpu.memory_space<vmem>> -> memref<100xi32, #tpu.memory_space<vmem>>
        %dma_wait3A_324 = arith.constant 0 : i32
        %dma_wait3A_325 = arith.constant 0 : i32
        %dma_wait3A_326 = tpu.memref_slice %arg26[%dma_wait3A_324, %dma_wait3A_325] : memref<10000x64xf32, #tpu.memory_space<vmem_shared>> -> memref<10000x64xf32, #tpu.memory_space<vmem_shared>>
        tpu.wait_indirect_dma semaphore(%arg25 : memref<!tpu.dma_semaphore, #tpu.memory_space<semaphore_mem>>) src(%dma_wait3A_320 : memref<100x64xf32, #tpu.memory_space<vmem>>) dst(%dma_wait3A_326 : memref<10000x64xf32, #tpu.memory_space<vmem_shared>>)
        %dma_wait3A_327 = arith.constant 2 : i32
        %dma_wait3A_328 = arith.constant 200 : i32
        %dma_wait3A_329 = arith.constant 0 : i32
        %dma_wait3A_330 = tpu.memref_slice %arg12[%dma_wait3A_328, %dma_wait3A_329] : memref<400x64xf32, #tpu.memory_space<vmem>> -> memref<100x64xf32, #tpu.memory_space<vmem>>
        %dma_wait3A_331 = arith.constant 0 : i32
        %dma_wait3A_332 = tpu.memref_slice %arg20[%dma_wait3A_327, %dma_wait3A_331] : memref<4x100xi32, #tpu.memory_space<vmem>> -> memref<1x100xi32, #tpu.memory_space<vmem>>
        %dma_wait3A_333 = tpu.memref_squeeze %dma_wait3A_332 : memref<1x100xi32, #tpu.memory_space<vmem>> -> memref<100xi32, #tpu.memory_space<vmem>>
        %dma_wait3A_334 = arith.constant 0 : i32
        %dma_wait3A_335 = arith.constant 0 : i32
        %dma_wait3A_336 = tpu.memref_slice %arg26[%dma_wait3A_334, %dma_wait3A_335] : memref<10000x64xf32, #tpu.memory_space<vmem_shared>> -> memref<10000x64xf32, #tpu.memory_space<vmem_shared>>
        tpu.wait_indirect_dma semaphore(%arg25 : memref<!tpu.dma_semaphore, #tpu.memory_space<semaphore_mem>>) src(%dma_wait3A_330 : memref<100x64xf32, #tpu.memory_space<vmem>>) dst(%dma_wait3A_336 : memref<10000x64xf32, #tpu.memory_space<vmem_shared>>)
        %dma_wait3A_337 = arith.constant 3 : i32
        %dma_wait3A_338 = arith.constant 300 : i32
        %dma_wait3A_339 = arith.constant 0 : i32
        %dma_wait3A_340 = tpu.memref_slice %arg12[%dma_wait3A_338, %dma_wait3A_339] : memref<400x64xf32, #tpu.memory_space<vmem>> -> memref<100x64xf32, #tpu.memory_space<vmem>>
        %dma_wait3A_341 = arith.constant 0 : i32
        %dma_wait3A_342 = tpu.memref_slice %arg20[%dma_wait3A_337, %dma_wait3A_341] : memref<4x100xi32, #tpu.memory_space<vmem>> -> memref<1x100xi32, #tpu.memory_space<vmem>>
        %dma_wait3A_343 = tpu.memref_squeeze %dma_wait3A_342 : memref<1x100xi32, #tpu.memory_space<vmem>> -> memref<100xi32, #tpu.memory_space<vmem>>
        %dma_wait3A_344 = arith.constant 0 : i32
        %dma_wait3A_345 = arith.constant 0 : i32
        %dma_wait3A_346 = tpu.memref_slice %arg26[%dma_wait3A_344, %dma_wait3A_345] : memref<10000x64xf32, #tpu.memory_space<vmem_shared>> -> memref<10000x64xf32, #tpu.memory_space<vmem_shared>>
        tpu.wait_indirect_dma semaphore(%arg25 : memref<!tpu.dma_semaphore, #tpu.memory_space<semaphore_mem>>) src(%dma_wait3A_340 : memref<100x64xf32, #tpu.memory_space<vmem>>) dst(%dma_wait3A_346 : memref<10000x64xf32, #tpu.memory_space<vmem_shared>>)
      } else {
      }
      %add3A_121 = arith.constant 1 : i32
      %add3A_122 = arith.addi %mul3A_113, %add3A_121 : i32
      %mul3A_123 = arith.constant 400 : i32
      %mul3A_124 = arith.muli %add3A_122, %mul3A_123 : i32
      %add3A_125 = arith.addi %mul3A_0, %mul3A_124 : i32
      %mul3A_126 = arith.constant 200 : i32
      %mul3A_127 = arith.muli %arg1, %mul3A_126 : i32
      %mul3A_128 = arith.constant 4 : i32
      %mul3A_129 = arith.muli %add3A_122, %mul3A_128 : i32
      %add3A_130 = arith.addi %mul3A_127, %mul3A_129 : i32
      %dma_start3A_131 = tpu.memref_slice %arg7[%add3A_125] : memref<320000xi32, #tpu.memory_space<hbm>> -> memref<400xi32, #tpu.memory_space<hbm>>
      %dma_start3A_132 = tpu.memref_slice %arg7[%add3A_125] : memref<320000xi32, #tpu.memory_space<hbm>> -> memref<400xi32, #tpu.memory_space<hbm>>
      tpu.enqueue_dma source(%dma_start3A_132 : memref<400xi32, #tpu.memory_space<hbm>>) target(%arg16 : memref<400xi32, #tpu.memory_space<vmem>>) target_semaphore(%arg23 : memref<!tpu.dma_semaphore, #tpu.memory_space<semaphore_mem>>)
      %dma_start3A_133 = tpu.memref_slice %arg4[%add3A_125] : memref<320000xf32, #tpu.memory_space<hbm>> -> memref<400xf32, #tpu.memory_space<hbm>>
      %dma_start3A_134 = tpu.memref_slice %arg4[%add3A_125] : memref<320000xf32, #tpu.memory_space<hbm>> -> memref<400xf32, #tpu.memory_space<hbm>>
      tpu.enqueue_dma source(%dma_start3A_134 : memref<400xf32, #tpu.memory_space<hbm>>) target(%arg14 : memref<400xf32, #tpu.memory_space<vmem>>) target_semaphore(%arg23 : memref<!tpu.dma_semaphore, #tpu.memory_space<semaphore_mem>>)
      %dma_start3A_135 = tpu.memref_slice %arg8[%add3A_125] : memref<320000xi32, #tpu.memory_space<hbm>> -> memref<400xi32, #tpu.memory_space<hbm>>
      %dma_start3A_136 = tpu.memref_slice %arg8[%add3A_125] : memref<320000xi32, #tpu.memory_space<hbm>> -> memref<400xi32, #tpu.memory_space<hbm>>
      tpu.enqueue_dma source(%dma_start3A_136 : memref<400xi32, #tpu.memory_space<hbm>>) target(%arg18 : memref<400xi32, #tpu.memory_space<vmem>>) target_semaphore(%arg23 : memref<!tpu.dma_semaphore, #tpu.memory_space<semaphore_mem>>)
      %dma_start3A_137 = arith.constant 0 : i32
      %dma_start3A_138 = tpu.memref_slice %arg6[%add3A_130, %dma_start3A_137] : memref<3200x100xi32, #tpu.memory_space<hbm>> -> memref<4x100xi32, #tpu.memory_space<hbm>>
      %dma_start3A_139 = arith.constant 0 : i32
      %dma_start3A_140 = tpu.memref_slice %arg6[%add3A_130, %dma_start3A_139] : memref<3200x100xi32, #tpu.memory_space<hbm>> -> memref<4x100xi32, #tpu.memory_space<hbm>>
      tpu.enqueue_dma source(%dma_start3A_140 : memref<4x100xi32, #tpu.memory_space<hbm>>) target(%arg20 : memref<4x100xi32, #tpu.memory_space<vmem>>) target_semaphore(%arg23 : memref<!tpu.dma_semaphore, #tpu.memory_space<semaphore_mem>>)
      %scan3A_141 = arith.constant 0 : i32
      %scan3A_142 = arith.constant 0 : i32
      %scan3A_143 = arith.constant 25 : i32
      %scan3A_144 = arith.addi %scan3A_142, %scan3A_143 : i32
      %scan3A_145 = arith.constant 1 : i32
      scf.for %scan3A_307 = %scan3A_142 to %scan3A_144 step %scan3A_145  : i32 {
        %mul3A_308 = arith.constant 16 : i32
        %mul3A_309 = arith.muli %scan3A_307, %mul3A_308 : i32
        %get3A = arith.index_cast %mul3A_309 : i32 to index
        %get3A_310 = tpu.vector_load %arg13[%get3A] {strides = array<i32>} : memref<400xf32, #tpu.memory_space<vmem>>, vector<16xf32>,
        %get3A_311 = arith.constant 0 : index
        %get3A_312 = tpu.vector_load %arg22[%get3A_311] {strides = array<i32>} : memref<16xf32, #tpu.memory_space<vmem>>, vector<16xf32>,
        %sub3A = arith.subf %get3A_310, %get3A_312 : vector<16xf32>
        %exp3A = math.exp %sub3A : vector<16xf32>
        %mul3A_313 = arith.constant 16 : i32
        %mul3A_314 = arith.muli %scan3A_307, %mul3A_313 : i32
        %get3A_315 = arith.index_cast %mul3A_314 : i32 to index
        %get3A_316 = tpu.vector_load %arg17[%get3A_315] {strides = array<i32>} : memref<400xi32, #tpu.memory_space<vmem>>, vector<16xi32>,
        tpu.vector_store_idx %arg21[%get3A_316], %exp3A {add = true} : memref<10000xf32, #tpu.memory_space<vmem>>[vector<16xi32>], vector<16xf32>,
        %slice3A = vector.extract_strided_slice %exp3A {offsets = [0], sizes = [1], strides = [1]} : vector<16xf32> to vector<1xf32>
        %squeeze3A = vector.extract %slice3A[0] : f32 from vector<1xf32>
        %broadcast_in_dim3A_317 = vector.broadcast %squeeze3A : f32 to vector<16xf32>
        %mul3A_318 = arith.constant 16 : i32
        %mul3A_319 = arith.muli %scan3A_307, %mul3A_318 : i32
        %add3A_320 = arith.constant 0 : i32
        %add3A_321 = arith.addi %mul3A_319, %add3A_320 : i32
        %get3A_322 = arith.index_cast %add3A_321 : i32 to index
        %get3A_323 = arith.constant 0 : index
        %get3A_324 = tpu.vector_load %arg11[%get3A_322, %get3A_323] {strides = array<i32>} : memref<400x64xf32, #tpu.memory_space<vmem>>, vector<16xf32>,
        %mul3A_325 = arith.mulf %get3A_324, %broadcast_in_dim3A_317 : vector<16xf32>
        %swap3A = arith.index_cast %add3A_321 : i32 to index
        %swap3A_326 = arith.constant 0 : index
        %swap3A_327 = tpu.vector_load %arg11[%swap3A, %swap3A_326] {strides = array<i32>} : memref<400x64xf32, #tpu.memory_space<vmem>>, vector<16xf32>,
        tpu.vector_store %arg11[%swap3A, %swap3A_326], %mul3A_325 {strides = array<i32>} : memref<400x64xf32, #tpu.memory_space<vmem>>, vector<16xf32>,
        %get3A_328 = arith.index_cast %add3A_321 : i32 to index
        %get3A_329 = arith.constant 16 : index
        %get3A_330 = tpu.vector_load %arg11[%get3A_328, %get3A_329] {strides = array<i32>} : memref<400x64xf32, #tpu.memory_space<vmem>>, vector<16xf32>,
        %mul3A_331 = arith.mulf %get3A_330, %broadcast_in_dim3A_317 : vector<16xf32>
        %swap3A_332 = arith.index_cast %add3A_321 : i32 to index
        %swap3A_333 = arith.constant 16 : index
        %swap3A_334 = tpu.vector_load %arg11[%swap3A_332, %swap3A_333] {strides = array<i32>} : memref<400x64xf32, #tpu.memory_space<vmem>>, vector<16xf32>,
        tpu.vector_store %arg11[%swap3A_332, %swap3A_333], %mul3A_331 {strides = array<i32>} : memref<400x64xf32, #tpu.memory_space<vmem>>, vector<16xf32>,
        %get3A_335 = arith.index_cast %add3A_321 : i32 to index
        %get3A_336 = arith.constant 32 : index
        %get3A_337 = tpu.vector_load %arg11[%get3A_335, %get3A_336] {strides = array<i32>} : memref<400x64xf32, #tpu.memory_space<vmem>>, vector<16xf32>,
        %mul3A_338 = arith.mulf %get3A_337, %broadcast_in_dim3A_317 : vector<16xf32>
        %swap3A_339 = arith.index_cast %add3A_321 : i32 to index
        %swap3A_340 = arith.constant 32 : index
        %swap3A_341 = tpu.vector_load %arg11[%swap3A_339, %swap3A_340] {strides = array<i32>} : memref<400x64xf32, #tpu.memory_space<vmem>>, vector<16xf32>,
        tpu.vector_store %arg11[%swap3A_339, %swap3A_340], %mul3A_338 {strides = array<i32>} : memref<400x64xf32, #tpu.memory_space<vmem>>, vector<16xf32>,
        %get3A_342 = arith.index_cast %add3A_321 : i32 to index
        %get3A_343 = arith.constant 48 : index
        %get3A_344 = tpu.vector_load %arg11[%get3A_342, %get3A_343] {strides = array<i32>} : memref<400x64xf32, #tpu.memory_space<vmem>>, vector<16xf32>,
        %mul3A_345 = arith.mulf %get3A_344, %broadcast_in_dim3A_317 : vector<16xf32>
        %swap3A_346 = arith.index_cast %add3A_321 : i32 to index
        %swap3A_347 = arith.constant 48 : index
        %swap3A_348 = tpu.vector_load %arg11[%swap3A_346, %swap3A_347] {strides = array<i32>} : memref<400x64xf32, #tpu.memory_space<vmem>>, vector<16xf32>,
        tpu.vector_store %arg11[%swap3A_346, %swap3A_347], %mul3A_345 {strides = array<i32>} : memref<400x64xf32, #tpu.memory_space<vmem>>, vector<16xf32>,
        %slice3A_349 = vector.extract_strided_slice %exp3A {offsets = [1], sizes = [1], strides = [1]} : vector<16xf32> to vector<1xf32>
        %squeeze3A_350 = vector.extract %slice3A_349[0] : f32 from vector<1xf32>
        %broadcast_in_dim3A_351 = vector.broadcast %squeeze3A_350 : f32 to vector<16xf32>
        %mul3A_352 = arith.constant 16 : i32
        %mul3A_353 = arith.muli %scan3A_307, %mul3A_352 : i32
        %add3A_354 = arith.constant 1 : i32
        %add3A_355 = arith.addi %mul3A_353, %add3A_354 : i32
        %get3A_356 = arith.index_cast %add3A_355 : i32 to index
        %get3A_357 = arith.constant 0 : index
        %get3A_358 = tpu.vector_load %arg11[%get3A_356, %get3A_357] {strides = array<i32>} : memref<400x64xf32, #tpu.memory_space<vmem>>, vector<16xf32>,
        %mul3A_359 = arith.mulf %get3A_358, %broadcast_in_dim3A_351 : vector<16xf32>
        %swap3A_360 = arith.index_cast %add3A_355 : i32 to index
        %swap3A_361 = arith.constant 0 : index
        %swap3A_362 = tpu.vector_load %arg11[%swap3A_360, %swap3A_361] {strides = array<i32>} : memref<400x64xf32, #tpu.memory_space<vmem>>, vector<16xf32>,
        tpu.vector_store %arg11[%swap3A_360, %swap3A_361], %mul3A_359 {strides = array<i32>} : memref<400x64xf32, #tpu.memory_space<vmem>>, vector<16xf32>,
        %get3A_363 = arith.index_cast %add3A_355 : i32 to index
        %get3A_364 = arith.constant 16 : index
        %get3A_365 = tpu.vector_load %arg11[%get3A_363, %get3A_364] {strides = array<i32>} : memref<400x64xf32, #tpu.memory_space<vmem>>, vector<16xf32>,
        %mul3A_366 = arith.mulf %get3A_365, %broadcast_in_dim3A_351 : vector<16xf32>
        %swap3A_367 = arith.index_cast %add3A_355 : i32 to index
        %swap3A_368 = arith.constant 16 : index
        %swap3A_369 = tpu.vector_load %arg11[%swap3A_367, %swap3A_368] {strides = array<i32>} : memref<400x64xf32, #tpu.memory_space<vmem>>, vector<16xf32>,
        tpu.vector_store %arg11[%swap3A_367, %swap3A_368], %mul3A_366 {strides = array<i32>} : memref<400x64xf32, #tpu.memory_space<vmem>>, vector<16xf32>,
        %get3A_370 = arith.index_cast %add3A_355 : i32 to index
        %get3A_371 = arith.constant 32 : index
        %get3A_372 = tpu.vector_load %arg11[%get3A_370, %get3A_371] {strides = array<i32>} : memref<400x64xf32, #tpu.memory_space<vmem>>, vector<16xf32>,
        %mul3A_373 = arith.mulf %get3A_372, %broadcast_in_dim3A_351 : vector<16xf32>
        %swap3A_374 = arith.index_cast %add3A_355 : i32 to index
        %swap3A_375 = arith.constant 32 : index
        %swap3A_376 = tpu.vector_load %arg11[%swap3A_374, %swap3A_375] {strides = array<i32>} : memref<400x64xf32, #tpu.memory_space<vmem>>, vector<16xf32>,
        tpu.vector_store %arg11[%swap3A_374, %swap3A_375], %mul3A_373 {strides = array<i32>} : memref<400x64xf32, #tpu.memory_space<vmem>>, vector<16xf32>,
        %get3A_377 = arith.index_cast %add3A_355 : i32 to index
        %get3A_378 = arith.constant 48 : index
        %get3A_379 = tpu.vector_load %arg11[%get3A_377, %get3A_378] {strides = array<i32>} : memref<400x64xf32, #tpu.memory_space<vmem>>, vector<16xf32>,
        %mul3A_380 = arith.mulf %get3A_379, %broadcast_in_dim3A_351 : vector<16xf32>
        %swap3A_381 = arith.index_cast %add3A_355 : i32 to index
        %swap3A_382 = arith.constant 48 : index
        %swap3A_383 = tpu.vector_load %arg11[%swap3A_381, %swap3A_382] {strides = array<i32>} : memref<400x64xf32, #tpu.memory_space<vmem>>, vector<16xf32>,
        tpu.vector_store %arg11[%swap3A_381, %swap3A_382], %mul3A_380 {strides = array<i32>} : memref<400x64xf32, #tpu.memory_space<vmem>>, vector<16xf32>,
        %slice3A_384 = vector.extract_strided_slice %exp3A {offsets = [2], sizes = [1], strides = [1]} : vector<16xf32> to vector<1xf32>
        %squeeze3A_385 = vector.extract %slice3A_384[0] : f32 from vector<1xf32>
        %broadcast_in_dim3A_386 = vector.broadcast %squeeze3A_385 : f32 to vector<16xf32>
        %mul3A_387 = arith.constant 16 : i32
        %mul3A_388 = arith.muli %scan3A_307, %mul3A_387 : i32
        %add3A_389 = arith.constant 2 : i32
        %add3A_390 = arith.addi %mul3A_388, %add3A_389 : i32
        %get3A_391 = arith.index_cast %add3A_390 : i32 to index
        %get3A_392 = arith.constant 0 : index
        %get3A_393 = tpu.vector_load %arg11[%get3A_391, %get3A_392] {strides = array<i32>} : memref<400x64xf32, #tpu.memory_space<vmem>>, vector<16xf32>,
        %mul3A_394 = arith.mulf %get3A_393, %broadcast_in_dim3A_386 : vector<16xf32>
        %swap3A_395 = arith.index_cast %add3A_390 : i32 to index
        %swap3A_396 = arith.constant 0 : index
        %swap3A_397 = tpu.vector_load %arg11[%swap3A_395, %swap3A_396] {strides = array<i32>} : memref<400x64xf32, #tpu.memory_space<vmem>>, vector<16xf32>,
        tpu.vector_store %arg11[%swap3A_395, %swap3A_396], %mul3A_394 {strides = array<i32>} : memref<400x64xf32, #tpu.memory_space<vmem>>, vector<16xf32>,
        %get3A_398 = arith.index_cast %add3A_390 : i32 to index
        %get3A_399 = arith.constant 16 : index
        %get3A_400 = tpu.vector_load %arg11[%get3A_398, %get3A_399] {strides = array<i32>} : memref<400x64xf32, #tpu.memory_space<vmem>>, vector<16xf32>,
        %mul3A_401 = arith.mulf %get3A_400, %broadcast_in_dim3A_386 : vector<16xf32>
        %swap3A_402 = arith.index_cast %add3A_390 : i32 to index
        %swap3A_403 = arith.constant 16 : index
        %swap3A_404 = tpu.vector_load %arg11[%swap3A_402, %swap3A_403] {strides = array<i32>} : memref<400x64xf32, #tpu.memory_space<vmem>>, vector<16xf32>,
        tpu.vector_store %arg11[%swap3A_402, %swap3A_403], %mul3A_401 {strides = array<i32>} : memref<400x64xf32, #tpu.memory_space<vmem>>, vector<16xf32>,
        %get3A_405 = arith.index_cast %add3A_390 : i32 to index
        %get3A_406 = arith.constant 32 : index
        %get3A_407 = tpu.vector_load %arg11[%get3A_405, %get3A_406] {strides = array<i32>} : memref<400x64xf32, #tpu.memory_space<vmem>>, vector<16xf32>,
        %mul3A_408 = arith.mulf %get3A_407, %broadcast_in_dim3A_386 : vector<16xf32>
        %swap3A_409 = arith.index_cast %add3A_390 : i32 to index
        %swap3A_410 = arith.constant 32 : index
        %swap3A_411 = tpu.vector_load %arg11[%swap3A_409, %swap3A_410] {strides = array<i32>} : memref<400x64xf32, #tpu.memory_space<vmem>>, vector<16xf32>,
        tpu.vector_store %arg11[%swap3A_409, %swap3A_410], %mul3A_408 {strides = array<i32>} : memref<400x64xf32, #tpu.memory_space<vmem>>, vector<16xf32>,
        %get3A_412 = arith.index_cast %add3A_390 : i32 to index
        %get3A_413 = arith.constant 48 : index
        %get3A_414 = tpu.vector_load %arg11[%get3A_412, %get3A_413] {strides = array<i32>} : memref<400x64xf32, #tpu.memory_space<vmem>>, vector<16xf32>,
        %mul3A_415 = arith.mulf %get3A_414, %broadcast_in_dim3A_386 : vector<16xf32>
        %swap3A_416 = arith.index_cast %add3A_390 : i32 to index
        %swap3A_417 = arith.constant 48 : index
        %swap3A_418 = tpu.vector_load %arg11[%swap3A_416, %swap3A_417] {strides = array<i32>} : memref<400x64xf32, #tpu.memory_space<vmem>>, vector<16xf32>,
        tpu.vector_store %arg11[%swap3A_416, %swap3A_417], %mul3A_415 {strides = array<i32>} : memref<400x64xf32, #tpu.memory_space<vmem>>, vector<16xf32>,
        %slice3A_419 = vector.extract_strided_slice %exp3A {offsets = [3], sizes = [1], strides = [1]} : vector<16xf32> to vector<1xf32>
        %squeeze3A_420 = vector.extract %slice3A_419[0] : f32 from vector<1xf32>
        %broadcast_in_dim3A_421 = vector.broadcast %squeeze3A_420 : f32 to vector<16xf32>
        %mul3A_422 = arith.constant 16 : i32
        %mul3A_423 = arith.muli %scan3A_307, %mul3A_422 : i32
        %add3A_424 = arith.constant 3 : i32
        %add3A_425 = arith.addi %mul3A_423, %add3A_424 : i32
        %get3A_426 = arith.index_cast %add3A_425 : i32 to index
        %get3A_427 = arith.constant 0 : index
        %get3A_428 = tpu.vector_load %arg11[%get3A_426, %get3A_427] {strides = array<i32>} : memref<400x64xf32, #tpu.memory_space<vmem>>, vector<16xf32>,
        %mul3A_429 = arith.mulf %get3A_428, %broadcast_in_dim3A_421 : vector<16xf32>
        %swap3A_430 = arith.index_cast %add3A_425 : i32 to index
        %swap3A_431 = arith.constant 0 : index
        %swap3A_432 = tpu.vector_load %arg11[%swap3A_430, %swap3A_431] {strides = array<i32>} : memref<400x64xf32, #tpu.memory_space<vmem>>, vector<16xf32>,
        tpu.vector_store %arg11[%swap3A_430, %swap3A_431], %mul3A_429 {strides = array<i32>} : memref<400x64xf32, #tpu.memory_space<vmem>>, vector<16xf32>,
        %get3A_433 = arith.index_cast %add3A_425 : i32 to index
        %get3A_434 = arith.constant 16 : index
        %get3A_435 = tpu.vector_load %arg11[%get3A_433, %get3A_434] {strides = array<i32>} : memref<400x64xf32, #tpu.memory_space<vmem>>, vector<16xf32>,
        %mul3A_436 = arith.mulf %get3A_435, %broadcast_in_dim3A_421 : vector<16xf32>
        %swap3A_437 = arith.index_cast %add3A_425 : i32 to index
        %swap3A_438 = arith.constant 16 : index
        %swap3A_439 = tpu.vector_load %arg11[%swap3A_437, %swap3A_438] {strides = array<i32>} : memref<400x64xf32, #tpu.memory_space<vmem>>, vector<16xf32>,
        tpu.vector_store %arg11[%swap3A_437, %swap3A_438], %mul3A_436 {strides = array<i32>} : memref<400x64xf32, #tpu.memory_space<vmem>>, vector<16xf32>,
        %get3A_440 = arith.index_cast %add3A_425 : i32 to index
        %get3A_441 = arith.constant 32 : index
        %get3A_442 = tpu.vector_load %arg11[%get3A_440, %get3A_441] {strides = array<i32>} : memref<400x64xf32, #tpu.memory_space<vmem>>, vector<16xf32>,
        %mul3A_443 = arith.mulf %get3A_442, %broadcast_in_dim3A_421 : vector<16xf32>
        %swap3A_444 = arith.index_cast %add3A_425 : i32 to index
        %swap3A_445 = arith.constant 32 : index
        %swap3A_446 = tpu.vector_load %arg11[%swap3A_444, %swap3A_445] {strides = array<i32>} : memref<400x64xf32, #tpu.memory_space<vmem>>, vector<16xf32>,
        tpu.vector_store %arg11[%swap3A_444, %swap3A_445], %mul3A_443 {strides = array<i32>} : memref<400x64xf32, #tpu.memory_space<vmem>>, vector<16xf32>,
        %get3A_447 = arith.index_cast %add3A_425 : i32 to index
        %get3A_448 = arith.constant 48 : index
        %get3A_449 = tpu.vector_load %arg11[%get3A_447, %get3A_448] {strides = array<i32>} : memref<400x64xf32, #tpu.memory_space<vmem>>, vector<16xf32>,
        %mul3A_450 = arith.mulf %get3A_449, %broadcast_in_dim3A_421 : vector<16xf32>
        %swap3A_451 = arith.index_cast %add3A_425 : i32 to index
        %swap3A_452 = arith.constant 48 : index
        %swap3A_453 = tpu.vector_load %arg11[%swap3A_451, %swap3A_452] {strides = array<i32>} : memref<400x64xf32, #tpu.memory_space<vmem>>, vector<16xf32>,
        tpu.vector_store %arg11[%swap3A_451, %swap3A_452], %mul3A_450 {strides = array<i32>} : memref<400x64xf32, #tpu.memory_space<vmem>>, vector<16xf32>,
        %slice3A_454 = vector.extract_strided_slice %exp3A {offsets = [4], sizes = [1], strides = [1]} : vector<16xf32> to vector<1xf32>
        %squeeze3A_455 = vector.extract %slice3A_454[0] : f32 from vector<1xf32>
        %broadcast_in_dim3A_456 = vector.broadcast %squeeze3A_455 : f32 to vector<16xf32>
        %mul3A_457 = arith.constant 16 : i32
        %mul3A_458 = arith.muli %scan3A_307, %mul3A_457 : i32
        %add3A_459 = arith.constant 4 : i32
        %add3A_460 = arith.addi %mul3A_458, %add3A_459 : i32
        %get3A_461 = arith.index_cast %add3A_460 : i32 to index
        %get3A_462 = arith.constant 0 : index
        %get3A_463 = tpu.vector_load %arg11[%get3A_461, %get3A_462] {strides = array<i32>} : memref<400x64xf32, #tpu.memory_space<vmem>>, vector<16xf32>,
        %mul3A_464 = arith.mulf %get3A_463, %broadcast_in_dim3A_456 : vector<16xf32>
        %swap3A_465 = arith.index_cast %add3A_460 : i32 to index
        %swap3A_466 = arith.constant 0 : index
        %swap3A_467 = tpu.vector_load %arg11[%swap3A_465, %swap3A_466] {strides = array<i32>} : memref<400x64xf32, #tpu.memory_space<vmem>>, vector<16xf32>,
        tpu.vector_store %arg11[%swap3A_465, %swap3A_466], %mul3A_464 {strides = array<i32>} : memref<400x64xf32, #tpu.memory_space<vmem>>, vector<16xf32>,
        %get3A_468 = arith.index_cast %add3A_460 : i32 to index
        %get3A_469 = arith.constant 16 : index
        %get3A_470 = tpu.vector_load %arg11[%get3A_468, %get3A_469] {strides = array<i32>} : memref<400x64xf32, #tpu.memory_space<vmem>>, vector<16xf32>,
        %mul3A_471 = arith.mulf %get3A_470, %broadcast_in_dim3A_456 : vector<16xf32>
        %swap3A_472 = arith.index_cast %add3A_460 : i32 to index
        %swap3A_473 = arith.constant 16 : index
        %swap3A_474 = tpu.vector_load %arg11[%swap3A_472, %swap3A_473] {strides = array<i32>} : memref<400x64xf32, #tpu.memory_space<vmem>>, vector<16xf32>,
        tpu.vector_store %arg11[%swap3A_472, %swap3A_473], %mul3A_471 {strides = array<i32>} : memref<400x64xf32, #tpu.memory_space<vmem>>, vector<16xf32>,
        %get3A_475 = arith.index_cast %add3A_460 : i32 to index
        %get3A_476 = arith.constant 32 : index
        %get3A_477 = tpu.vector_load %arg11[%get3A_475, %get3A_476] {strides = array<i32>} : memref<400x64xf32, #tpu.memory_space<vmem>>, vector<16xf32>,
        %mul3A_478 = arith.mulf %get3A_477, %broadcast_in_dim3A_456 : vector<16xf32>
        %swap3A_479 = arith.index_cast %add3A_460 : i32 to index
        %swap3A_480 = arith.constant 32 : index
        %swap3A_481 = tpu.vector_load %arg11[%swap3A_479, %swap3A_480] {strides = array<i32>} : memref<400x64xf32, #tpu.memory_space<vmem>>, vector<16xf32>,
        tpu.vector_store %arg11[%swap3A_479, %swap3A_480], %mul3A_478 {strides = array<i32>} : memref<400x64xf32, #tpu.memory_space<vmem>>, vector<16xf32>,
        %get3A_482 = arith.index_cast %add3A_460 : i32 to index
        %get3A_483 = arith.constant 48 : index
        %get3A_484 = tpu.vector_load %arg11[%get3A_482, %get3A_483] {strides = array<i32>} : memref<400x64xf32, #tpu.memory_space<vmem>>, vector<16xf32>,
        %mul3A_485 = arith.mulf %get3A_484, %broadcast_in_dim3A_456 : vector<16xf32>
        %swap3A_486 = arith.index_cast %add3A_460 : i32 to index
        %swap3A_487 = arith.constant 48 : index
        %swap3A_488 = tpu.vector_load %arg11[%swap3A_486, %swap3A_487] {strides = array<i32>} : memref<400x64xf32, #tpu.memory_space<vmem>>, vector<16xf32>,
        tpu.vector_store %arg11[%swap3A_486, %swap3A_487], %mul3A_485 {strides = array<i32>} : memref<400x64xf32, #tpu.memory_space<vmem>>, vector<16xf32>,
        %slice3A_489 = vector.extract_strided_slice %exp3A {offsets = [5], sizes = [1], strides = [1]} : vector<16xf32> to vector<1xf32>
        %squeeze3A_490 = vector.extract %slice3A_489[0] : f32 from vector<1xf32>
        %broadcast_in_dim3A_491 = vector.broadcast %squeeze3A_490 : f32 to vector<16xf32>
        %mul3A_492 = arith.constant 16 : i32
        %mul3A_493 = arith.muli %scan3A_307, %mul3A_492 : i32
        %add3A_494 = arith.constant 5 : i32
        %add3A_495 = arith.addi %mul3A_493, %add3A_494 : i32
        %get3A_496 = arith.index_cast %add3A_495 : i32 to index
        %get3A_497 = arith.constant 0 : index
        %get3A_498 = tpu.vector_load %arg11[%get3A_496, %get3A_497] {strides = array<i32>} : memref<400x64xf32, #tpu.memory_space<vmem>>, vector<16xf32>,
        %mul3A_499 = arith.mulf %get3A_498, %broadcast_in_dim3A_491 : vector<16xf32>
        %swap3A_500 = arith.index_cast %add3A_495 : i32 to index
        %swap3A_501 = arith.constant 0 : index
        %swap3A_502 = tpu.vector_load %arg11[%swap3A_500, %swap3A_501] {strides = array<i32>} : memref<400x64xf32, #tpu.memory_space<vmem>>, vector<16xf32>,
        tpu.vector_store %arg11[%swap3A_500, %swap3A_501], %mul3A_499 {strides = array<i32>} : memref<400x64xf32, #tpu.memory_space<vmem>>, vector<16xf32>,
        %get3A_503 = arith.index_cast %add3A_495 : i32 to index
        %get3A_504 = arith.constant 16 : index
        %get3A_505 = tpu.vector_load %arg11[%get3A_503, %get3A_504] {strides = array<i32>} : memref<400x64xf32, #tpu.memory_space<vmem>>, vector<16xf32>,
        %mul3A_506 = arith.mulf %get3A_505, %broadcast_in_dim3A_491 : vector<16xf32>
        %swap3A_507 = arith.index_cast %add3A_495 : i32 to index
        %swap3A_508 = arith.constant 16 : index
        %swap3A_509 = tpu.vector_load %arg11[%swap3A_507, %swap3A_508] {strides = array<i32>} : memref<400x64xf32, #tpu.memory_space<vmem>>, vector<16xf32>,
        tpu.vector_store %arg11[%swap3A_507, %swap3A_508], %mul3A_506 {strides = array<i32>} : memref<400x64xf32, #tpu.memory_space<vmem>>, vector<16xf32>,
        %get3A_510 = arith.index_cast %add3A_495 : i32 to index
        %get3A_511 = arith.constant 32 : index
        %get3A_512 = tpu.vector_load %arg11[%get3A_510, %get3A_511] {strides = array<i32>} : memref<400x64xf32, #tpu.memory_space<vmem>>, vector<16xf32>,
        %mul3A_513 = arith.mulf %get3A_512, %broadcast_in_dim3A_491 : vector<16xf32>
        %swap3A_514 = arith.index_cast %add3A_495 : i32 to index
        %swap3A_515 = arith.constant 32 : index
        %swap3A_516 = tpu.vector_load %arg11[%swap3A_514, %swap3A_515] {strides = array<i32>} : memref<400x64xf32, #tpu.memory_space<vmem>>, vector<16xf32>,
        tpu.vector_store %arg11[%swap3A_514, %swap3A_515], %mul3A_513 {strides = array<i32>} : memref<400x64xf32, #tpu.memory_space<vmem>>, vector<16xf32>,
        %get3A_517 = arith.index_cast %add3A_495 : i32 to index
        %get3A_518 = arith.constant 48 : index
        %get3A_519 = tpu.vector_load %arg11[%get3A_517, %get3A_518] {strides = array<i32>} : memref<400x64xf32, #tpu.memory_space<vmem>>, vector<16xf32>,
        %mul3A_520 = arith.mulf %get3A_519, %broadcast_in_dim3A_491 : vector<16xf32>
        %swap3A_521 = arith.index_cast %add3A_495 : i32 to index
        %swap3A_522 = arith.constant 48 : index
        %swap3A_523 = tpu.vector_load %arg11[%swap3A_521, %swap3A_522] {strides = array<i32>} : memref<400x64xf32, #tpu.memory_space<vmem>>, vector<16xf32>,
        tpu.vector_store %arg11[%swap3A_521, %swap3A_522], %mul3A_520 {strides = array<i32>} : memref<400x64xf32, #tpu.memory_space<vmem>>, vector<16xf32>,
        %slice3A_524 = vector.extract_strided_slice %exp3A {offsets = [6], sizes = [1], strides = [1]} : vector<16xf32> to vector<1xf32>
        %squeeze3A_525 = vector.extract %slice3A_524[0] : f32 from vector<1xf32>
        %broadcast_in_dim3A_526 = vector.broadcast %squeeze3A_525 : f32 to vector<16xf32>
        %mul3A_527 = arith.constant 16 : i32
        %mul3A_528 = arith.muli %scan3A_307, %mul3A_527 : i32
        %add3A_529 = arith.constant 6 : i32
        %add3A_530 = arith.addi %mul3A_528, %add3A_529 : i32
        %get3A_531 = arith.index_cast %add3A_530 : i32 to index
        %get3A_532 = arith.constant 0 : index
        %get3A_533 = tpu.vector_load %arg11[%get3A_531, %get3A_532] {strides = array<i32>} : memref<400x64xf32, #tpu.memory_space<vmem>>, vector<16xf32>,
        %mul3A_534 = arith.mulf %get3A_533, %broadcast_in_dim3A_526 : vector<16xf32>
        %swap3A_535 = arith.index_cast %add3A_530 : i32 to index
        %swap3A_536 = arith.constant 0 : index
        %swap3A_537 = tpu.vector_load %arg11[%swap3A_535, %swap3A_536] {strides = array<i32>} : memref<400x64xf32, #tpu.memory_space<vmem>>, vector<16xf32>,
        tpu.vector_store %arg11[%swap3A_535, %swap3A_536], %mul3A_534 {strides = array<i32>} : memref<400x64xf32, #tpu.memory_space<vmem>>, vector<16xf32>,
        %get3A_538 = arith.index_cast %add3A_530 : i32 to index
        %get3A_539 = arith.constant 16 : index
        %get3A_540 = tpu.vector_load %arg11[%get3A_538, %get3A_539] {strides = array<i32>} : memref<400x64xf32, #tpu.memory_space<vmem>>, vector<16xf32>,
        %mul3A_541 = arith.mulf %get3A_540, %broadcast_in_dim3A_526 : vector<16xf32>
        %swap3A_542 = arith.index_cast %add3A_530 : i32 to index
        %swap3A_543 = arith.constant 16 : index
        %swap3A_544 = tpu.vector_load %arg11[%swap3A_542, %swap3A_543] {strides = array<i32>} : memref<400x64xf32, #tpu.memory_space<vmem>>, vector<16xf32>,
        tpu.vector_store %arg11[%swap3A_542, %swap3A_543], %mul3A_541 {strides = array<i32>} : memref<400x64xf32, #tpu.memory_space<vmem>>, vector<16xf32>,
        %get3A_545 = arith.index_cast %add3A_530 : i32 to index
        %get3A_546 = arith.constant 32 : index
        %get3A_547 = tpu.vector_load %arg11[%get3A_545, %get3A_546] {strides = array<i32>} : memref<400x64xf32, #tpu.memory_space<vmem>>, vector<16xf32>,
        %mul3A_548 = arith.mulf %get3A_547, %broadcast_in_dim3A_526 : vector<16xf32>
        %swap3A_549 = arith.index_cast %add3A_530 : i32 to index
        %swap3A_550 = arith.constant 32 : index
        %swap3A_551 = tpu.vector_load %arg11[%swap3A_549, %swap3A_550] {strides = array<i32>} : memref<400x64xf32, #tpu.memory_space<vmem>>, vector<16xf32>,
        tpu.vector_store %arg11[%swap3A_549, %swap3A_550], %mul3A_548 {strides = array<i32>} : memref<400x64xf32, #tpu.memory_space<vmem>>, vector<16xf32>,
        %get3A_552 = arith.index_cast %add3A_530 : i32 to index
        %get3A_553 = arith.constant 48 : index
        %get3A_554 = tpu.vector_load %arg11[%get3A_552, %get3A_553] {strides = array<i32>} : memref<400x64xf32, #tpu.memory_space<vmem>>, vector<16xf32>,
        %mul3A_555 = arith.mulf %get3A_554, %broadcast_in_dim3A_526 : vector<16xf32>
        %swap3A_556 = arith.index_cast %add3A_530 : i32 to index
        %swap3A_557 = arith.constant 48 : index
        %swap3A_558 = tpu.vector_load %arg11[%swap3A_556, %swap3A_557] {strides = array<i32>} : memref<400x64xf32, #tpu.memory_space<vmem>>, vector<16xf32>,
        tpu.vector_store %arg11[%swap3A_556, %swap3A_557], %mul3A_555 {strides = array<i32>} : memref<400x64xf32, #tpu.memory_space<vmem>>, vector<16xf32>,
        %slice3A_559 = vector.extract_strided_slice %exp3A {offsets = [7], sizes = [1], strides = [1]} : vector<16xf32> to vector<1xf32>
        %squeeze3A_560 = vector.extract %slice3A_559[0] : f32 from vector<1xf32>
        %broadcast_in_dim3A_561 = vector.broadcast %squeeze3A_560 : f32 to vector<16xf32>
        %mul3A_562 = arith.constant 16 : i32
        %mul3A_563 = arith.muli %scan3A_307, %mul3A_562 : i32
        %add3A_564 = arith.constant 7 : i32
        %add3A_565 = arith.addi %mul3A_563, %add3A_564 : i32
        %get3A_566 = arith.index_cast %add3A_565 : i32 to index
        %get3A_567 = arith.constant 0 : index
        %get3A_568 = tpu.vector_load %arg11[%get3A_566, %get3A_567] {strides = array<i32>} : memref<400x64xf32, #tpu.memory_space<vmem>>, vector<16xf32>,
        %mul3A_569 = arith.mulf %get3A_568, %broadcast_in_dim3A_561 : vector<16xf32>
        %swap3A_570 = arith.index_cast %add3A_565 : i32 to index
        %swap3A_571 = arith.constant 0 : index
        %swap3A_572 = tpu.vector_load %arg11[%swap3A_570, %swap3A_571] {strides = array<i32>} : memref<400x64xf32, #tpu.memory_space<vmem>>, vector<16xf32>,
        tpu.vector_store %arg11[%swap3A_570, %swap3A_571], %mul3A_569 {strides = array<i32>} : memref<400x64xf32, #tpu.memory_space<vmem>>, vector<16xf32>,
        %get3A_573 = arith.index_cast %add3A_565 : i32 to index
        %get3A_574 = arith.constant 16 : index
        %get3A_575 = tpu.vector_load %arg11[%get3A_573, %get3A_574] {strides = array<i32>} : memref<400x64xf32, #tpu.memory_space<vmem>>, vector<16xf32>,
        %mul3A_576 = arith.mulf %get3A_575, %broadcast_in_dim3A_561 : vector<16xf32>
        %swap3A_577 = arith.index_cast %add3A_565 : i32 to index
        %swap3A_578 = arith.constant 16 : index
        %swap3A_579 = tpu.vector_load %arg11[%swap3A_577, %swap3A_578] {strides = array<i32>} : memref<400x64xf32, #tpu.memory_space<vmem>>, vector<16xf32>,
        tpu.vector_store %arg11[%swap3A_577, %swap3A_578], %mul3A_576 {strides = array<i32>} : memref<400x64xf32, #tpu.memory_space<vmem>>, vector<16xf32>,
        %get3A_580 = arith.index_cast %add3A_565 : i32 to index
        %get3A_581 = arith.constant 32 : index
        %get3A_582 = tpu.vector_load %arg11[%get3A_580, %get3A_581] {strides = array<i32>} : memref<400x64xf32, #tpu.memory_space<vmem>>, vector<16xf32>,
        %mul3A_583 = arith.mulf %get3A_582, %broadcast_in_dim3A_561 : vector<16xf32>
        %swap3A_584 = arith.index_cast %add3A_565 : i32 to index
        %swap3A_585 = arith.constant 32 : index
        %swap3A_586 = tpu.vector_load %arg11[%swap3A_584, %swap3A_585] {strides = array<i32>} : memref<400x64xf32, #tpu.memory_space<vmem>>, vector<16xf32>,
        tpu.vector_store %arg11[%swap3A_584, %swap3A_585], %mul3A_583 {strides = array<i32>} : memref<400x64xf32, #tpu.memory_space<vmem>>, vector<16xf32>,
        %get3A_587 = arith.index_cast %add3A_565 : i32 to index
        %get3A_588 = arith.constant 48 : index
        %get3A_589 = tpu.vector_load %arg11[%get3A_587, %get3A_588] {strides = array<i32>} : memref<400x64xf32, #tpu.memory_space<vmem>>, vector<16xf32>,
        %mul3A_590 = arith.mulf %get3A_589, %broadcast_in_dim3A_561 : vector<16xf32>
        %swap3A_591 = arith.index_cast %add3A_565 : i32 to index
        %swap3A_592 = arith.constant 48 : index
        %swap3A_593 = tpu.vector_load %arg11[%swap3A_591, %swap3A_592] {strides = array<i32>} : memref<400x64xf32, #tpu.memory_space<vmem>>, vector<16xf32>,
        tpu.vector_store %arg11[%swap3A_591, %swap3A_592], %mul3A_590 {strides = array<i32>} : memref<400x64xf32, #tpu.memory_space<vmem>>, vector<16xf32>,
        %slice3A_594 = vector.extract_strided_slice %exp3A {offsets = [8], sizes = [1], strides = [1]} : vector<16xf32> to vector<1xf32>
        %squeeze3A_595 = vector.extract %slice3A_594[0] : f32 from vector<1xf32>
        %broadcast_in_dim3A_596 = vector.broadcast %squeeze3A_595 : f32 to vector<16xf32>
        %mul3A_597 = arith.constant 16 : i32
        %mul3A_598 = arith.muli %scan3A_307, %mul3A_597 : i32
        %add3A_599 = arith.constant 8 : i32
        %add3A_600 = arith.addi %mul3A_598, %add3A_599 : i32
        %get3A_601 = arith.index_cast %add3A_600 : i32 to index
        %get3A_602 = arith.constant 0 : index
        %get3A_603 = tpu.vector_load %arg11[%get3A_601, %get3A_602] {strides = array<i32>} : memref<400x64xf32, #tpu.memory_space<vmem>>, vector<16xf32>,
        %mul3A_604 = arith.mulf %get3A_603, %broadcast_in_dim3A_596 : vector<16xf32>
        %swap3A_605 = arith.index_cast %add3A_600 : i32 to index
        %swap3A_606 = arith.constant 0 : index
        %swap3A_607 = tpu.vector_load %arg11[%swap3A_605, %swap3A_606] {strides = array<i32>} : memref<400x64xf32, #tpu.memory_space<vmem>>, vector<16xf32>,
        tpu.vector_store %arg11[%swap3A_605, %swap3A_606], %mul3A_604 {strides = array<i32>} : memref<400x64xf32, #tpu.memory_space<vmem>>, vector<16xf32>,
        %get3A_608 = arith.index_cast %add3A_600 : i32 to index
        %get3A_609 = arith.constant 16 : index
        %get3A_610 = tpu.vector_load %arg11[%get3A_608, %get3A_609] {strides = array<i32>} : memref<400x64xf32, #tpu.memory_space<vmem>>, vector<16xf32>,
        %mul3A_611 = arith.mulf %get3A_610, %broadcast_in_dim3A_596 : vector<16xf32>
        %swap3A_612 = arith.index_cast %add3A_600 : i32 to index
        %swap3A_613 = arith.constant 16 : index
        %swap3A_614 = tpu.vector_load %arg11[%swap3A_612, %swap3A_613] {strides = array<i32>} : memref<400x64xf32, #tpu.memory_space<vmem>>, vector<16xf32>,
        tpu.vector_store %arg11[%swap3A_612, %swap3A_613], %mul3A_611 {strides = array<i32>} : memref<400x64xf32, #tpu.memory_space<vmem>>, vector<16xf32>,
        %get3A_615 = arith.index_cast %add3A_600 : i32 to index
        %get3A_616 = arith.constant 32 : index
        %get3A_617 = tpu.vector_load %arg11[%get3A_615, %get3A_616] {strides = array<i32>} : memref<400x64xf32, #tpu.memory_space<vmem>>, vector<16xf32>,
        %mul3A_618 = arith.mulf %get3A_617, %broadcast_in_dim3A_596 : vector<16xf32>
        %swap3A_619 = arith.index_cast %add3A_600 : i32 to index
        %swap3A_620 = arith.constant 32 : index
        %swap3A_621 = tpu.vector_load %arg11[%swap3A_619, %swap3A_620] {strides = array<i32>} : memref<400x64xf32, #tpu.memory_space<vmem>>, vector<16xf32>,
        tpu.vector_store %arg11[%swap3A_619, %swap3A_620], %mul3A_618 {strides = array<i32>} : memref<400x64xf32, #tpu.memory_space<vmem>>, vector<16xf32>,
        %get3A_622 = arith.index_cast %add3A_600 : i32 to index
        %get3A_623 = arith.constant 48 : index
        %get3A_624 = tpu.vector_load %arg11[%get3A_622, %get3A_623] {strides = array<i32>} : memref<400x64xf32, #tpu.memory_space<vmem>>, vector<16xf32>,
        %mul3A_625 = arith.mulf %get3A_624, %broadcast_in_dim3A_596 : vector<16xf32>
        %swap3A_626 = arith.index_cast %add3A_600 : i32 to index
        %swap3A_627 = arith.constant 48 : index
        %swap3A_628 = tpu.vector_load %arg11[%swap3A_626, %swap3A_627] {strides = array<i32>} : memref<400x64xf32, #tpu.memory_space<vmem>>, vector<16xf32>,
        tpu.vector_store %arg11[%swap3A_626, %swap3A_627], %mul3A_625 {strides = array<i32>} : memref<400x64xf32, #tpu.memory_space<vmem>>, vector<16xf32>,
        %slice3A_629 = vector.extract_strided_slice %exp3A {offsets = [9], sizes = [1], strides = [1]} : vector<16xf32> to vector<1xf32>
        %squeeze3A_630 = vector.extract %slice3A_629[0] : f32 from vector<1xf32>
        %broadcast_in_dim3A_631 = vector.broadcast %squeeze3A_630 : f32 to vector<16xf32>
        %mul3A_632 = arith.constant 16 : i32
        %mul3A_633 = arith.muli %scan3A_307, %mul3A_632 : i32
        %add3A_634 = arith.constant 9 : i32
        %add3A_635 = arith.addi %mul3A_633, %add3A_634 : i32
        %get3A_636 = arith.index_cast %add3A_635 : i32 to index
        %get3A_637 = arith.constant 0 : index
        %get3A_638 = tpu.vector_load %arg11[%get3A_636, %get3A_637] {strides = array<i32>} : memref<400x64xf32, #tpu.memory_space<vmem>>, vector<16xf32>,
        %mul3A_639 = arith.mulf %get3A_638, %broadcast_in_dim3A_631 : vector<16xf32>
        %swap3A_640 = arith.index_cast %add3A_635 : i32 to index
        %swap3A_641 = arith.constant 0 : index
        %swap3A_642 = tpu.vector_load %arg11[%swap3A_640, %swap3A_641] {strides = array<i32>} : memref<400x64xf32, #tpu.memory_space<vmem>>, vector<16xf32>,
        tpu.vector_store %arg11[%swap3A_640, %swap3A_641], %mul3A_639 {strides = array<i32>} : memref<400x64xf32, #tpu.memory_space<vmem>>, vector<16xf32>,
        %get3A_643 = arith.index_cast %add3A_635 : i32 to index
        %get3A_644 = arith.constant 16 : index
        %get3A_645 = tpu.vector_load %arg11[%get3A_643, %get3A_644] {strides = array<i32>} : memref<400x64xf32, #tpu.memory_space<vmem>>, vector<16xf32>,
        %mul3A_646 = arith.mulf %get3A_645, %broadcast_in_dim3A_631 : vector<16xf32>
        %swap3A_647 = arith.index_cast %add3A_635 : i32 to index
        %swap3A_648 = arith.constant 16 : index
        %swap3A_649 = tpu.vector_load %arg11[%swap3A_647, %swap3A_648] {strides = array<i32>} : memref<400x64xf32, #tpu.memory_space<vmem>>, vector<16xf32>,
        tpu.vector_store %arg11[%swap3A_647, %swap3A_648], %mul3A_646 {strides = array<i32>} : memref<400x64xf32, #tpu.memory_space<vmem>>, vector<16xf32>,
        %get3A_650 = arith.index_cast %add3A_635 : i32 to index
        %get3A_651 = arith.constant 32 : index
        %get3A_652 = tpu.vector_load %arg11[%get3A_650, %get3A_651] {strides = array<i32>} : memref<400x64xf32, #tpu.memory_space<vmem>>, vector<16xf32>,
        %mul3A_653 = arith.mulf %get3A_652, %broadcast_in_dim3A_631 : vector<16xf32>
        %swap3A_654 = arith.index_cast %add3A_635 : i32 to index
        %swap3A_655 = arith.constant 32 : index
        %swap3A_656 = tpu.vector_load %arg11[%swap3A_654, %swap3A_655] {strides = array<i32>} : memref<400x64xf32, #tpu.memory_space<vmem>>, vector<16xf32>,
        tpu.vector_store %arg11[%swap3A_654, %swap3A_655], %mul3A_653 {strides = array<i32>} : memref<400x64xf32, #tpu.memory_space<vmem>>, vector<16xf32>,
        %get3A_657 = arith.index_cast %add3A_635 : i32 to index
        %get3A_658 = arith.constant 48 : index
        %get3A_659 = tpu.vector_load %arg11[%get3A_657, %get3A_658] {strides = array<i32>} : memref<400x64xf32, #tpu.memory_space<vmem>>, vector<16xf32>,
        %mul3A_660 = arith.mulf %get3A_659, %broadcast_in_dim3A_631 : vector<16xf32>
        %swap3A_661 = arith.index_cast %add3A_635 : i32 to index
        %swap3A_662 = arith.constant 48 : index
        %swap3A_663 = tpu.vector_load %arg11[%swap3A_661, %swap3A_662] {strides = array<i32>} : memref<400x64xf32, #tpu.memory_space<vmem>>, vector<16xf32>,
        tpu.vector_store %arg11[%swap3A_661, %swap3A_662], %mul3A_660 {strides = array<i32>} : memref<400x64xf32, #tpu.memory_space<vmem>>, vector<16xf32>,
        %slice3A_664 = vector.extract_strided_slice %exp3A {offsets = [10], sizes = [1], strides = [1]} : vector<16xf32> to vector<1xf32>
        %squeeze3A_665 = vector.extract %slice3A_664[0] : f32 from vector<1xf32>
        %broadcast_in_dim3A_666 = vector.broadcast %squeeze3A_665 : f32 to vector<16xf32>
        %mul3A_667 = arith.constant 16 : i32
        %mul3A_668 = arith.muli %scan3A_307, %mul3A_667 : i32
        %add3A_669 = arith.constant 10 : i32
        %add3A_670 = arith.addi %mul3A_668, %add3A_669 : i32
        %get3A_671 = arith.index_cast %add3A_670 : i32 to index
        %get3A_672 = arith.constant 0 : index
        %get3A_673 = tpu.vector_load %arg11[%get3A_671, %get3A_672] {strides = array<i32>} : memref<400x64xf32, #tpu.memory_space<vmem>>, vector<16xf32>,
        %mul3A_674 = arith.mulf %get3A_673, %broadcast_in_dim3A_666 : vector<16xf32>
        %swap3A_675 = arith.index_cast %add3A_670 : i32 to index
        %swap3A_676 = arith.constant 0 : index
        %swap3A_677 = tpu.vector_load %arg11[%swap3A_675, %swap3A_676] {strides = array<i32>} : memref<400x64xf32, #tpu.memory_space<vmem>>, vector<16xf32>,
        tpu.vector_store %arg11[%swap3A_675, %swap3A_676], %mul3A_674 {strides = array<i32>} : memref<400x64xf32, #tpu.memory_space<vmem>>, vector<16xf32>,
        %get3A_678 = arith.index_cast %add3A_670 : i32 to index
        %get3A_679 = arith.constant 16 : index
        %get3A_680 = tpu.vector_load %arg11[%get3A_678, %get3A_679] {strides = array<i32>} : memref<400x64xf32, #tpu.memory_space<vmem>>, vector<16xf32>,
        %mul3A_681 = arith.mulf %get3A_680, %broadcast_in_dim3A_666 : vector<16xf32>
        %swap3A_682 = arith.index_cast %add3A_670 : i32 to index
        %swap3A_683 = arith.constant 16 : index
        %swap3A_684 = tpu.vector_load %arg11[%swap3A_682, %swap3A_683] {strides = array<i32>} : memref<400x64xf32, #tpu.memory_space<vmem>>, vector<16xf32>,
        tpu.vector_store %arg11[%swap3A_682, %swap3A_683], %mul3A_681 {strides = array<i32>} : memref<400x64xf32, #tpu.memory_space<vmem>>, vector<16xf32>,
        %get3A_685 = arith.index_cast %add3A_670 : i32 to index
        %get3A_686 = arith.constant 32 : index
        %get3A_687 = tpu.vector_load %arg11[%get3A_685, %get3A_686] {strides = array<i32>} : memref<400x64xf32, #tpu.memory_space<vmem>>, vector<16xf32>,
        %mul3A_688 = arith.mulf %get3A_687, %broadcast_in_dim3A_666 : vector<16xf32>
        %swap3A_689 = arith.index_cast %add3A_670 : i32 to index
        %swap3A_690 = arith.constant 32 : index
        %swap3A_691 = tpu.vector_load %arg11[%swap3A_689, %swap3A_690] {strides = array<i32>} : memref<400x64xf32, #tpu.memory_space<vmem>>, vector<16xf32>,
        tpu.vector_store %arg11[%swap3A_689, %swap3A_690], %mul3A_688 {strides = array<i32>} : memref<400x64xf32, #tpu.memory_space<vmem>>, vector<16xf32>,
        %get3A_692 = arith.index_cast %add3A_670 : i32 to index
        %get3A_693 = arith.constant 48 : index
        %get3A_694 = tpu.vector_load %arg11[%get3A_692, %get3A_693] {strides = array<i32>} : memref<400x64xf32, #tpu.memory_space<vmem>>, vector<16xf32>,
        %mul3A_695 = arith.mulf %get3A_694, %broadcast_in_dim3A_666 : vector<16xf32>
        %swap3A_696 = arith.index_cast %add3A_670 : i32 to index
        %swap3A_697 = arith.constant 48 : index
        %swap3A_698 = tpu.vector_load %arg11[%swap3A_696, %swap3A_697] {strides = array<i32>} : memref<400x64xf32, #tpu.memory_space<vmem>>, vector<16xf32>,
        tpu.vector_store %arg11[%swap3A_696, %swap3A_697], %mul3A_695 {strides = array<i32>} : memref<400x64xf32, #tpu.memory_space<vmem>>, vector<16xf32>,
        %slice3A_699 = vector.extract_strided_slice %exp3A {offsets = [11], sizes = [1], strides = [1]} : vector<16xf32> to vector<1xf32>
        %squeeze3A_700 = vector.extract %slice3A_699[0] : f32 from vector<1xf32>
        %broadcast_in_dim3A_701 = vector.broadcast %squeeze3A_700 : f32 to vector<16xf32>
        %mul3A_702 = arith.constant 16 : i32
        %mul3A_703 = arith.muli %scan3A_307, %mul3A_702 : i32
        %add3A_704 = arith.constant 11 : i32
        %add3A_705 = arith.addi %mul3A_703, %add3A_704 : i32
        %get3A_706 = arith.index_cast %add3A_705 : i32 to index
        %get3A_707 = arith.constant 0 : index
        %get3A_708 = tpu.vector_load %arg11[%get3A_706, %get3A_707] {strides = array<i32>} : memref<400x64xf32, #tpu.memory_space<vmem>>, vector<16xf32>,
        %mul3A_709 = arith.mulf %get3A_708, %broadcast_in_dim3A_701 : vector<16xf32>
        %swap3A_710 = arith.index_cast %add3A_705 : i32 to index
        %swap3A_711 = arith.constant 0 : index
        %swap3A_712 = tpu.vector_load %arg11[%swap3A_710, %swap3A_711] {strides = array<i32>} : memref<400x64xf32, #tpu.memory_space<vmem>>, vector<16xf32>,
        tpu.vector_store %arg11[%swap3A_710, %swap3A_711], %mul3A_709 {strides = array<i32>} : memref<400x64xf32, #tpu.memory_space<vmem>>, vector<16xf32>,
        %get3A_713 = arith.index_cast %add3A_705 : i32 to index
        %get3A_714 = arith.constant 16 : index
        %get3A_715 = tpu.vector_load %arg11[%get3A_713, %get3A_714] {strides = array<i32>} : memref<400x64xf32, #tpu.memory_space<vmem>>, vector<16xf32>,
        %mul3A_716 = arith.mulf %get3A_715, %broadcast_in_dim3A_701 : vector<16xf32>
        %swap3A_717 = arith.index_cast %add3A_705 : i32 to index
        %swap3A_718 = arith.constant 16 : index
        %swap3A_719 = tpu.vector_load %arg11[%swap3A_717, %swap3A_718] {strides = array<i32>} : memref<400x64xf32, #tpu.memory_space<vmem>>, vector<16xf32>,
        tpu.vector_store %arg11[%swap3A_717, %swap3A_718], %mul3A_716 {strides = array<i32>} : memref<400x64xf32, #tpu.memory_space<vmem>>, vector<16xf32>,
        %get3A_720 = arith.index_cast %add3A_705 : i32 to index
        %get3A_721 = arith.constant 32 : index
        %get3A_722 = tpu.vector_load %arg11[%get3A_720, %get3A_721] {strides = array<i32>} : memref<400x64xf32, #tpu.memory_space<vmem>>, vector<16xf32>,
        %mul3A_723 = arith.mulf %get3A_722, %broadcast_in_dim3A_701 : vector<16xf32>
        %swap3A_724 = arith.index_cast %add3A_705 : i32 to index
        %swap3A_725 = arith.constant 32 : index
        %swap3A_726 = tpu.vector_load %arg11[%swap3A_724, %swap3A_725] {strides = array<i32>} : memref<400x64xf32, #tpu.memory_space<vmem>>, vector<16xf32>,
        tpu.vector_store %arg11[%swap3A_724, %swap3A_725], %mul3A_723 {strides = array<i32>} : memref<400x64xf32, #tpu.memory_space<vmem>>, vector<16xf32>,
        %get3A_727 = arith.index_cast %add3A_705 : i32 to index
        %get3A_728 = arith.constant 48 : index
        %get3A_729 = tpu.vector_load %arg11[%get3A_727, %get3A_728] {strides = array<i32>} : memref<400x64xf32, #tpu.memory_space<vmem>>, vector<16xf32>,
        %mul3A_730 = arith.mulf %get3A_729, %broadcast_in_dim3A_701 : vector<16xf32>
        %swap3A_731 = arith.index_cast %add3A_705 : i32 to index
        %swap3A_732 = arith.constant 48 : index
        %swap3A_733 = tpu.vector_load %arg11[%swap3A_731, %swap3A_732] {strides = array<i32>} : memref<400x64xf32, #tpu.memory_space<vmem>>, vector<16xf32>,
        tpu.vector_store %arg11[%swap3A_731, %swap3A_732], %mul3A_730 {strides = array<i32>} : memref<400x64xf32, #tpu.memory_space<vmem>>, vector<16xf32>,
        %slice3A_734 = vector.extract_strided_slice %exp3A {offsets = [12], sizes = [1], strides = [1]} : vector<16xf32> to vector<1xf32>
        %squeeze3A_735 = vector.extract %slice3A_734[0] : f32 from vector<1xf32>
        %broadcast_in_dim3A_736 = vector.broadcast %squeeze3A_735 : f32 to vector<16xf32>
        %mul3A_737 = arith.constant 16 : i32
        %mul3A_738 = arith.muli %scan3A_307, %mul3A_737 : i32
        %add3A_739 = arith.constant 12 : i32
        %add3A_740 = arith.addi %mul3A_738, %add3A_739 : i32
        %get3A_741 = arith.index_cast %add3A_740 : i32 to index
        %get3A_742 = arith.constant 0 : index
        %get3A_743 = tpu.vector_load %arg11[%get3A_741, %get3A_742] {strides = array<i32>} : memref<400x64xf32, #tpu.memory_space<vmem>>, vector<16xf32>,
        %mul3A_744 = arith.mulf %get3A_743, %broadcast_in_dim3A_736 : vector<16xf32>
        %swap3A_745 = arith.index_cast %add3A_740 : i32 to index
        %swap3A_746 = arith.constant 0 : index
        %swap3A_747 = tpu.vector_load %arg11[%swap3A_745, %swap3A_746] {strides = array<i32>} : memref<400x64xf32, #tpu.memory_space<vmem>>, vector<16xf32>,
        tpu.vector_store %arg11[%swap3A_745, %swap3A_746], %mul3A_744 {strides = array<i32>} : memref<400x64xf32, #tpu.memory_space<vmem>>, vector<16xf32>,
        %get3A_748 = arith.index_cast %add3A_740 : i32 to index
        %get3A_749 = arith.constant 16 : index
        %get3A_750 = tpu.vector_load %arg11[%get3A_748, %get3A_749] {strides = array<i32>} : memref<400x64xf32, #tpu.memory_space<vmem>>, vector<16xf32>,
        %mul3A_751 = arith.mulf %get3A_750, %broadcast_in_dim3A_736 : vector<16xf32>
        %swap3A_752 = arith.index_cast %add3A_740 : i32 to index
        %swap3A_753 = arith.constant 16 : index
        %swap3A_754 = tpu.vector_load %arg11[%swap3A_752, %swap3A_753] {strides = array<i32>} : memref<400x64xf32, #tpu.memory_space<vmem>>, vector<16xf32>,
        tpu.vector_store %arg11[%swap3A_752, %swap3A_753], %mul3A_751 {strides = array<i32>} : memref<400x64xf32, #tpu.memory_space<vmem>>, vector<16xf32>,
        %get3A_755 = arith.index_cast %add3A_740 : i32 to index
        %get3A_756 = arith.constant 32 : index
        %get3A_757 = tpu.vector_load %arg11[%get3A_755, %get3A_756] {strides = array<i32>} : memref<400x64xf32, #tpu.memory_space<vmem>>, vector<16xf32>,
        %mul3A_758 = arith.mulf %get3A_757, %broadcast_in_dim3A_736 : vector<16xf32>
        %swap3A_759 = arith.index_cast %add3A_740 : i32 to index
        %swap3A_760 = arith.constant 32 : index
        %swap3A_761 = tpu.vector_load %arg11[%swap3A_759, %swap3A_760] {strides = array<i32>} : memref<400x64xf32, #tpu.memory_space<vmem>>, vector<16xf32>,
        tpu.vector_store %arg11[%swap3A_759, %swap3A_760], %mul3A_758 {strides = array<i32>} : memref<400x64xf32, #tpu.memory_space<vmem>>, vector<16xf32>,
        %get3A_762 = arith.index_cast %add3A_740 : i32 to index
        %get3A_763 = arith.constant 48 : index
        %get3A_764 = tpu.vector_load %arg11[%get3A_762, %get3A_763] {strides = array<i32>} : memref<400x64xf32, #tpu.memory_space<vmem>>, vector<16xf32>,
        %mul3A_765 = arith.mulf %get3A_764, %broadcast_in_dim3A_736 : vector<16xf32>
        %swap3A_766 = arith.index_cast %add3A_740 : i32 to index
        %swap3A_767 = arith.constant 48 : index
        %swap3A_768 = tpu.vector_load %arg11[%swap3A_766, %swap3A_767] {strides = array<i32>} : memref<400x64xf32, #tpu.memory_space<vmem>>, vector<16xf32>,
        tpu.vector_store %arg11[%swap3A_766, %swap3A_767], %mul3A_765 {strides = array<i32>} : memref<400x64xf32, #tpu.memory_space<vmem>>, vector<16xf32>,
        %slice3A_769 = vector.extract_strided_slice %exp3A {offsets = [13], sizes = [1], strides = [1]} : vector<16xf32> to vector<1xf32>
        %squeeze3A_770 = vector.extract %slice3A_769[0] : f32 from vector<1xf32>
        %broadcast_in_dim3A_771 = vector.broadcast %squeeze3A_770 : f32 to vector<16xf32>
        %mul3A_772 = arith.constant 16 : i32
        %mul3A_773 = arith.muli %scan3A_307, %mul3A_772 : i32
        %add3A_774 = arith.constant 13 : i32
        %add3A_775 = arith.addi %mul3A_773, %add3A_774 : i32
        %get3A_776 = arith.index_cast %add3A_775 : i32 to index
        %get3A_777 = arith.constant 0 : index
        %get3A_778 = tpu.vector_load %arg11[%get3A_776, %get3A_777] {strides = array<i32>} : memref<400x64xf32, #tpu.memory_space<vmem>>, vector<16xf32>,
        %mul3A_779 = arith.mulf %get3A_778, %broadcast_in_dim3A_771 : vector<16xf32>
        %swap3A_780 = arith.index_cast %add3A_775 : i32 to index
        %swap3A_781 = arith.constant 0 : index
        %swap3A_782 = tpu.vector_load %arg11[%swap3A_780, %swap3A_781] {strides = array<i32>} : memref<400x64xf32, #tpu.memory_space<vmem>>, vector<16xf32>,
        tpu.vector_store %arg11[%swap3A_780, %swap3A_781], %mul3A_779 {strides = array<i32>} : memref<400x64xf32, #tpu.memory_space<vmem>>, vector<16xf32>,
        %get3A_783 = arith.index_cast %add3A_775 : i32 to index
        %get3A_784 = arith.constant 16 : index
        %get3A_785 = tpu.vector_load %arg11[%get3A_783, %get3A_784] {strides = array<i32>} : memref<400x64xf32, #tpu.memory_space<vmem>>, vector<16xf32>,
        %mul3A_786 = arith.mulf %get3A_785, %broadcast_in_dim3A_771 : vector<16xf32>
        %swap3A_787 = arith.index_cast %add3A_775 : i32 to index
        %swap3A_788 = arith.constant 16 : index
        %swap3A_789 = tpu.vector_load %arg11[%swap3A_787, %swap3A_788] {strides = array<i32>} : memref<400x64xf32, #tpu.memory_space<vmem>>, vector<16xf32>,
        tpu.vector_store %arg11[%swap3A_787, %swap3A_788], %mul3A_786 {strides = array<i32>} : memref<400x64xf32, #tpu.memory_space<vmem>>, vector<16xf32>,
        %get3A_790 = arith.index_cast %add3A_775 : i32 to index
        %get3A_791 = arith.constant 32 : index
        %get3A_792 = tpu.vector_load %arg11[%get3A_790, %get3A_791] {strides = array<i32>} : memref<400x64xf32, #tpu.memory_space<vmem>>, vector<16xf32>,
        %mul3A_793 = arith.mulf %get3A_792, %broadcast_in_dim3A_771 : vector<16xf32>
        %swap3A_794 = arith.index_cast %add3A_775 : i32 to index
        %swap3A_795 = arith.constant 32 : index
        %swap3A_796 = tpu.vector_load %arg11[%swap3A_794, %swap3A_795] {strides = array<i32>} : memref<400x64xf32, #tpu.memory_space<vmem>>, vector<16xf32>,
        tpu.vector_store %arg11[%swap3A_794, %swap3A_795], %mul3A_793 {strides = array<i32>} : memref<400x64xf32, #tpu.memory_space<vmem>>, vector<16xf32>,
        %get3A_797 = arith.index_cast %add3A_775 : i32 to index
        %get3A_798 = arith.constant 48 : index
        %get3A_799 = tpu.vector_load %arg11[%get3A_797, %get3A_798] {strides = array<i32>} : memref<400x64xf32, #tpu.memory_space<vmem>>, vector<16xf32>,
        %mul3A_800 = arith.mulf %get3A_799, %broadcast_in_dim3A_771 : vector<16xf32>
        %swap3A_801 = arith.index_cast %add3A_775 : i32 to index
        %swap3A_802 = arith.constant 48 : index
        %swap3A_803 = tpu.vector_load %arg11[%swap3A_801, %swap3A_802] {strides = array<i32>} : memref<400x64xf32, #tpu.memory_space<vmem>>, vector<16xf32>,
        tpu.vector_store %arg11[%swap3A_801, %swap3A_802], %mul3A_800 {strides = array<i32>} : memref<400x64xf32, #tpu.memory_space<vmem>>, vector<16xf32>,
        %slice3A_804 = vector.extract_strided_slice %exp3A {offsets = [14], sizes = [1], strides = [1]} : vector<16xf32> to vector<1xf32>
        %squeeze3A_805 = vector.extract %slice3A_804[0] : f32 from vector<1xf32>
        %broadcast_in_dim3A_806 = vector.broadcast %squeeze3A_805 : f32 to vector<16xf32>
        %mul3A_807 = arith.constant 16 : i32
        %mul3A_808 = arith.muli %scan3A_307, %mul3A_807 : i32
        %add3A_809 = arith.constant 14 : i32
        %add3A_810 = arith.addi %mul3A_808, %add3A_809 : i32
        %get3A_811 = arith.index_cast %add3A_810 : i32 to index
        %get3A_812 = arith.constant 0 : index
        %get3A_813 = tpu.vector_load %arg11[%get3A_811, %get3A_812] {strides = array<i32>} : memref<400x64xf32, #tpu.memory_space<vmem>>, vector<16xf32>,
        %mul3A_814 = arith.mulf %get3A_813, %broadcast_in_dim3A_806 : vector<16xf32>
        %swap3A_815 = arith.index_cast %add3A_810 : i32 to index
        %swap3A_816 = arith.constant 0 : index
        %swap3A_817 = tpu.vector_load %arg11[%swap3A_815, %swap3A_816] {strides = array<i32>} : memref<400x64xf32, #tpu.memory_space<vmem>>, vector<16xf32>,
        tpu.vector_store %arg11[%swap3A_815, %swap3A_816], %mul3A_814 {strides = array<i32>} : memref<400x64xf32, #tpu.memory_space<vmem>>, vector<16xf32>,
        %get3A_818 = arith.index_cast %add3A_810 : i32 to index
        %get3A_819 = arith.constant 16 : index
        %get3A_820 = tpu.vector_load %arg11[%get3A_818, %get3A_819] {strides = array<i32>} : memref<400x64xf32, #tpu.memory_space<vmem>>, vector<16xf32>,
        %mul3A_821 = arith.mulf %get3A_820, %broadcast_in_dim3A_806 : vector<16xf32>
        %swap3A_822 = arith.index_cast %add3A_810 : i32 to index
        %swap3A_823 = arith.constant 16 : index
        %swap3A_824 = tpu.vector_load %arg11[%swap3A_822, %swap3A_823] {strides = array<i32>} : memref<400x64xf32, #tpu.memory_space<vmem>>, vector<16xf32>,
        tpu.vector_store %arg11[%swap3A_822, %swap3A_823], %mul3A_821 {strides = array<i32>} : memref<400x64xf32, #tpu.memory_space<vmem>>, vector<16xf32>,
        %get3A_825 = arith.index_cast %add3A_810 : i32 to index
        %get3A_826 = arith.constant 32 : index
        %get3A_827 = tpu.vector_load %arg11[%get3A_825, %get3A_826] {strides = array<i32>} : memref<400x64xf32, #tpu.memory_space<vmem>>, vector<16xf32>,
        %mul3A_828 = arith.mulf %get3A_827, %broadcast_in_dim3A_806 : vector<16xf32>
        %swap3A_829 = arith.index_cast %add3A_810 : i32 to index
        %swap3A_830 = arith.constant 32 : index
        %swap3A_831 = tpu.vector_load %arg11[%swap3A_829, %swap3A_830] {strides = array<i32>} : memref<400x64xf32, #tpu.memory_space<vmem>>, vector<16xf32>,
        tpu.vector_store %arg11[%swap3A_829, %swap3A_830], %mul3A_828 {strides = array<i32>} : memref<400x64xf32, #tpu.memory_space<vmem>>, vector<16xf32>,
        %get3A_832 = arith.index_cast %add3A_810 : i32 to index
        %get3A_833 = arith.constant 48 : index
        %get3A_834 = tpu.vector_load %arg11[%get3A_832, %get3A_833] {strides = array<i32>} : memref<400x64xf32, #tpu.memory_space<vmem>>, vector<16xf32>,
        %mul3A_835 = arith.mulf %get3A_834, %broadcast_in_dim3A_806 : vector<16xf32>
        %swap3A_836 = arith.index_cast %add3A_810 : i32 to index
        %swap3A_837 = arith.constant 48 : index
        %swap3A_838 = tpu.vector_load %arg11[%swap3A_836, %swap3A_837] {strides = array<i32>} : memref<400x64xf32, #tpu.memory_space<vmem>>, vector<16xf32>,
        tpu.vector_store %arg11[%swap3A_836, %swap3A_837], %mul3A_835 {strides = array<i32>} : memref<400x64xf32, #tpu.memory_space<vmem>>, vector<16xf32>,
        %slice3A_839 = vector.extract_strided_slice %exp3A {offsets = [15], sizes = [1], strides = [1]} : vector<16xf32> to vector<1xf32>
        %squeeze3A_840 = vector.extract %slice3A_839[0] : f32 from vector<1xf32>
        %broadcast_in_dim3A_841 = vector.broadcast %squeeze3A_840 : f32 to vector<16xf32>
        %mul3A_842 = arith.constant 16 : i32
        %mul3A_843 = arith.muli %scan3A_307, %mul3A_842 : i32
        %add3A_844 = arith.constant 15 : i32
        %add3A_845 = arith.addi %mul3A_843, %add3A_844 : i32
        %get3A_846 = arith.index_cast %add3A_845 : i32 to index
        %get3A_847 = arith.constant 0 : index
        %get3A_848 = tpu.vector_load %arg11[%get3A_846, %get3A_847] {strides = array<i32>} : memref<400x64xf32, #tpu.memory_space<vmem>>, vector<16xf32>,
        %mul3A_849 = arith.mulf %get3A_848, %broadcast_in_dim3A_841 : vector<16xf32>
        %swap3A_850 = arith.index_cast %add3A_845 : i32 to index
        %swap3A_851 = arith.constant 0 : index
        %swap3A_852 = tpu.vector_load %arg11[%swap3A_850, %swap3A_851] {strides = array<i32>} : memref<400x64xf32, #tpu.memory_space<vmem>>, vector<16xf32>,
        tpu.vector_store %arg11[%swap3A_850, %swap3A_851], %mul3A_849 {strides = array<i32>} : memref<400x64xf32, #tpu.memory_space<vmem>>, vector<16xf32>,
        %get3A_853 = arith.index_cast %add3A_845 : i32 to index
        %get3A_854 = arith.constant 16 : index
        %get3A_855 = tpu.vector_load %arg11[%get3A_853, %get3A_854] {strides = array<i32>} : memref<400x64xf32, #tpu.memory_space<vmem>>, vector<16xf32>,
        %mul3A_856 = arith.mulf %get3A_855, %broadcast_in_dim3A_841 : vector<16xf32>
        %swap3A_857 = arith.index_cast %add3A_845 : i32 to index
        %swap3A_858 = arith.constant 16 : index
        %swap3A_859 = tpu.vector_load %arg11[%swap3A_857, %swap3A_858] {strides = array<i32>} : memref<400x64xf32, #tpu.memory_space<vmem>>, vector<16xf32>,
        tpu.vector_store %arg11[%swap3A_857, %swap3A_858], %mul3A_856 {strides = array<i32>} : memref<400x64xf32, #tpu.memory_space<vmem>>, vector<16xf32>,
        %get3A_860 = arith.index_cast %add3A_845 : i32 to index
        %get3A_861 = arith.constant 32 : index
        %get3A_862 = tpu.vector_load %arg11[%get3A_860, %get3A_861] {strides = array<i32>} : memref<400x64xf32, #tpu.memory_space<vmem>>, vector<16xf32>,
        %mul3A_863 = arith.mulf %get3A_862, %broadcast_in_dim3A_841 : vector<16xf32>
        %swap3A_864 = arith.index_cast %add3A_845 : i32 to index
        %swap3A_865 = arith.constant 32 : index
        %swap3A_866 = tpu.vector_load %arg11[%swap3A_864, %swap3A_865] {strides = array<i32>} : memref<400x64xf32, #tpu.memory_space<vmem>>, vector<16xf32>,
        tpu.vector_store %arg11[%swap3A_864, %swap3A_865], %mul3A_863 {strides = array<i32>} : memref<400x64xf32, #tpu.memory_space<vmem>>, vector<16xf32>,
        %get3A_867 = arith.index_cast %add3A_845 : i32 to index
        %get3A_868 = arith.constant 48 : index
        %get3A_869 = tpu.vector_load %arg11[%get3A_867, %get3A_868] {strides = array<i32>} : memref<400x64xf32, #tpu.memory_space<vmem>>, vector<16xf32>,
        %mul3A_870 = arith.mulf %get3A_869, %broadcast_in_dim3A_841 : vector<16xf32>
        %swap3A_871 = arith.index_cast %add3A_845 : i32 to index
        %swap3A_872 = arith.constant 48 : index
        %swap3A_873 = tpu.vector_load %arg11[%swap3A_871, %swap3A_872] {strides = array<i32>} : memref<400x64xf32, #tpu.memory_space<vmem>>, vector<16xf32>,
        tpu.vector_store %arg11[%swap3A_871, %swap3A_872], %mul3A_870 {strides = array<i32>} : memref<400x64xf32, #tpu.memory_space<vmem>>, vector<16xf32>,
      }
      %scan3A_146 = arith.constant 25 : i32
      %dma_wait3A_147 = tpu.memref_slice %arg7[%mul3A_0] : memref<320000xi32, #tpu.memory_space<hbm>> -> memref<400xi32, #tpu.memory_space<hbm>>
      %dma_wait3A_148 = tpu.memref_slice %arg7[%mul3A_0] : memref<320000xi32, #tpu.memory_space<hbm>> -> memref<400xi32, #tpu.memory_space<hbm>>
      tpu.wait_dma2 semaphore(%arg23 : memref<!tpu.dma_semaphore, #tpu.memory_space<semaphore_mem>>) src(%dma_wait3A_148 : memref<400xi32, #tpu.memory_space<hbm>>) dst(%arg16 : memref<400xi32, #tpu.memory_space<vmem>>)
      %dma_wait3A_149 = tpu.memref_slice %arg4[%mul3A_0] : memref<320000xf32, #tpu.memory_space<hbm>> -> memref<400xf32, #tpu.memory_space<hbm>>
      %dma_wait3A_150 = tpu.memref_slice %arg4[%mul3A_0] : memref<320000xf32, #tpu.memory_space<hbm>> -> memref<400xf32, #tpu.memory_space<hbm>>
      tpu.wait_dma2 semaphore(%arg23 : memref<!tpu.dma_semaphore, #tpu.memory_space<semaphore_mem>>) src(%dma_wait3A_150 : memref<400xf32, #tpu.memory_space<hbm>>) dst(%arg14 : memref<400xf32, #tpu.memory_space<vmem>>)
      %dma_wait3A_151 = tpu.memref_slice %arg8[%mul3A_0] : memref<320000xi32, #tpu.memory_space<hbm>> -> memref<400xi32, #tpu.memory_space<hbm>>
      %dma_wait3A_152 = tpu.memref_slice %arg8[%mul3A_0] : memref<320000xi32, #tpu.memory_space<hbm>> -> memref<400xi32, #tpu.memory_space<hbm>>
      tpu.wait_dma2 semaphore(%arg23 : memref<!tpu.dma_semaphore, #tpu.memory_space<semaphore_mem>>) src(%dma_wait3A_152 : memref<400xi32, #tpu.memory_space<hbm>>) dst(%arg18 : memref<400xi32, #tpu.memory_space<vmem>>)
      %dma_wait3A_153 = arith.constant 0 : i32
      %dma_wait3A_154 = arith.constant 0 : i32
      %dma_wait3A_155 = tpu.memref_slice %arg6[%dma_wait3A_153, %dma_wait3A_154] : memref<3200x100xi32, #tpu.memory_space<hbm>> -> memref<4x100xi32, #tpu.memory_space<hbm>>
      %dma_wait3A_156 = arith.constant 0 : i32
      %dma_wait3A_157 = arith.constant 0 : i32
      %dma_wait3A_158 = tpu.memref_slice %arg6[%dma_wait3A_156, %dma_wait3A_157] : memref<3200x100xi32, #tpu.memory_space<hbm>> -> memref<4x100xi32, #tpu.memory_space<hbm>>
      tpu.wait_dma2 semaphore(%arg23 : memref<!tpu.dma_semaphore, #tpu.memory_space<semaphore_mem>>) src(%dma_wait3A_158 : memref<4x100xi32, #tpu.memory_space<hbm>>) dst(%arg20 : memref<4x100xi32, #tpu.memory_space<vmem>>)
      %eq3A_159 = arith.constant 0 : i32
      %eq3A_160 = arith.cmpi eq, %arg0, %eq3A_159 : i32
      %convert_element_type3A_161 = arith.extui %eq3A_160 : i1 to i32
      %cond3A_162 = arith.constant 0 : i32
      %cond3A_163 = arith.cmpi ne, %convert_element_type3A_161, %cond3A_162 : i32
      scf.if %cond3A_163 {
        %dma_start3A_307 = arith.constant 0 : i32
        %dma_start3A_308 = arith.constant 0 : i32
        %dma_start3A_309 = tpu.memref_slice %arg2[%dma_start3A_307, %dma_start3A_308] : memref<10000x64xf32, #tpu.memory_space<hbm>> -> memref<10000x64xf32, #tpu.memory_space<hbm>>
        tpu.enqueue_indirect_dma source(%dma_start3A_309 : memref<10000x64xf32, #tpu.memory_space<hbm>>) target(%arg12 : memref<400x64xf32, #tpu.memory_space<vmem>>) offsets(%arg16 : memref<400xi32, #tpu.memory_space<vmem>>) semaphore(%arg24 : memref<!tpu.dma_semaphore, #tpu.memory_space<semaphore_mem>>)
      } else {
      }
      %eq3A_164 = arith.constant 1 : i32
      %eq3A_165 = arith.cmpi eq, %arg0, %eq3A_164 : i32
      %convert_element_type3A_166 = arith.extui %eq3A_165 : i1 to i32
      %cond3A_167 = arith.constant 0 : i32
      %cond3A_168 = arith.cmpi ne, %convert_element_type3A_166, %cond3A_167 : i32
      scf.if %cond3A_168 {
        %dma_start3A_307 = arith.constant 0 : i32
        %dma_start3A_308 = arith.constant 0 : i32
        %dma_start3A_309 = tpu.memref_slice %arg3[%dma_start3A_307, %dma_start3A_308] : memref<10000x64xf32, #tpu.memory_space<hbm>> -> memref<10000x64xf32, #tpu.memory_space<hbm>>
        tpu.enqueue_indirect_dma source(%dma_start3A_309 : memref<10000x64xf32, #tpu.memory_space<hbm>>) target(%arg12 : memref<400x64xf32, #tpu.memory_space<vmem>>) offsets(%arg16 : memref<400xi32, #tpu.memory_space<vmem>>) semaphore(%arg24 : memref<!tpu.dma_semaphore, #tpu.memory_space<semaphore_mem>>)
      } else {
      }
      %dma_start3A_169 = arith.constant 0 : i32
      %dma_start3A_170 = arith.constant 0 : i32
      %dma_start3A_171 = arith.constant 0 : i32
      %dma_start3A_172 = tpu.memref_slice %arg11[%dma_start3A_170, %dma_start3A_171] : memref<400x64xf32, #tpu.memory_space<vmem>> -> memref<100x64xf32, #tpu.memory_space<vmem>>
      %dma_start3A_173 = arith.constant 0 : i32
      %dma_start3A_174 = tpu.memref_slice %arg19[%dma_start3A_169, %dma_start3A_173] : memref<4x100xi32, #tpu.memory_space<vmem>> -> memref<1x100xi32, #tpu.memory_space<vmem>>
      %dma_start3A_175 = tpu.memref_squeeze %dma_start3A_174 : memref<1x100xi32, #tpu.memory_space<vmem>> -> memref<100xi32, #tpu.memory_space<vmem>>
      %dma_start3A_176 = arith.constant 0 : i32
      %dma_start3A_177 = arith.constant 0 : i32
      %dma_start3A_178 = tpu.memref_slice %arg26[%dma_start3A_176, %dma_start3A_177] : memref<10000x64xf32, #tpu.memory_space<vmem_shared>> -> memref<10000x64xf32, #tpu.memory_space<vmem_shared>>
      tpu.enqueue_indirect_dma source(%dma_start3A_172 : memref<100x64xf32, #tpu.memory_space<vmem>>) target(%dma_start3A_178 : memref<10000x64xf32, #tpu.memory_space<vmem_shared>>) offsets(%dma_start3A_175 : memref<100xi32, #tpu.memory_space<vmem>>) semaphore(%arg25 : memref<!tpu.dma_semaphore, #tpu.memory_space<semaphore_mem>>) {add = true}
      %dma_start3A_179 = arith.constant 1 : i32
      %dma_start3A_180 = arith.constant 100 : i32
      %dma_start3A_181 = arith.constant 0 : i32
      %dma_start3A_182 = tpu.memref_slice %arg11[%dma_start3A_180, %dma_start3A_181] : memref<400x64xf32, #tpu.memory_space<vmem>> -> memref<100x64xf32, #tpu.memory_space<vmem>>
      %dma_start3A_183 = arith.constant 0 : i32
      %dma_start3A_184 = tpu.memref_slice %arg19[%dma_start3A_179, %dma_start3A_183] : memref<4x100xi32, #tpu.memory_space<vmem>> -> memref<1x100xi32, #tpu.memory_space<vmem>>
      %dma_start3A_185 = tpu.memref_squeeze %dma_start3A_184 : memref<1x100xi32, #tpu.memory_space<vmem>> -> memref<100xi32, #tpu.memory_space<vmem>>
      %dma_start3A_186 = arith.constant 0 : i32
      %dma_start3A_187 = arith.constant 0 : i32
      %dma_start3A_188 = tpu.memref_slice %arg26[%dma_start3A_186, %dma_start3A_187] : memref<10000x64xf32, #tpu.memory_space<vmem_shared>> -> memref<10000x64xf32, #tpu.memory_space<vmem_shared>>
      tpu.enqueue_indirect_dma source(%dma_start3A_182 : memref<100x64xf32, #tpu.memory_space<vmem>>) target(%dma_start3A_188 : memref<10000x64xf32, #tpu.memory_space<vmem_shared>>) offsets(%dma_start3A_185 : memref<100xi32, #tpu.memory_space<vmem>>) semaphore(%arg25 : memref<!tpu.dma_semaphore, #tpu.memory_space<semaphore_mem>>) {add = true}
      %dma_start3A_189 = arith.constant 2 : i32
      %dma_start3A_190 = arith.constant 200 : i32
      %dma_start3A_191 = arith.constant 0 : i32
      %dma_start3A_192 = tpu.memref_slice %arg11[%dma_start3A_190, %dma_start3A_191] : memref<400x64xf32, #tpu.memory_space<vmem>> -> memref<100x64xf32, #tpu.memory_space<vmem>>
      %dma_start3A_193 = arith.constant 0 : i32
      %dma_start3A_194 = tpu.memref_slice %arg19[%dma_start3A_189, %dma_start3A_193] : memref<4x100xi32, #tpu.memory_space<vmem>> -> memref<1x100xi32, #tpu.memory_space<vmem>>
      %dma_start3A_195 = tpu.memref_squeeze %dma_start3A_194 : memref<1x100xi32, #tpu.memory_space<vmem>> -> memref<100xi32, #tpu.memory_space<vmem>>
      %dma_start3A_196 = arith.constant 0 : i32
      %dma_start3A_197 = arith.constant 0 : i32
      %dma_start3A_198 = tpu.memref_slice %arg26[%dma_start3A_196, %dma_start3A_197] : memref<10000x64xf32, #tpu.memory_space<vmem_shared>> -> memref<10000x64xf32, #tpu.memory_space<vmem_shared>>
      tpu.enqueue_indirect_dma source(%dma_start3A_192 : memref<100x64xf32, #tpu.memory_space<vmem>>) target(%dma_start3A_198 : memref<10000x64xf32, #tpu.memory_space<vmem_shared>>) offsets(%dma_start3A_195 : memref<100xi32, #tpu.memory_space<vmem>>) semaphore(%arg25 : memref<!tpu.dma_semaphore, #tpu.memory_space<semaphore_mem>>) {add = true}
      %dma_start3A_199 = arith.constant 3 : i32
      %dma_start3A_200 = arith.constant 300 : i32
      %dma_start3A_201 = arith.constant 0 : i32
      %dma_start3A_202 = tpu.memref_slice %arg11[%dma_start3A_200, %dma_start3A_201] : memref<400x64xf32, #tpu.memory_space<vmem>> -> memref<100x64xf32, #tpu.memory_space<vmem>>
      %dma_start3A_203 = arith.constant 0 : i32
      %dma_start3A_204 = tpu.memref_slice %arg19[%dma_start3A_199, %dma_start3A_203] : memref<4x100xi32, #tpu.memory_space<vmem>> -> memref<1x100xi32, #tpu.memory_space<vmem>>
      %dma_start3A_205 = tpu.memref_squeeze %dma_start3A_204 : memref<1x100xi32, #tpu.memory_space<vmem>> -> memref<100xi32, #tpu.memory_space<vmem>>
      %dma_start3A_206 = arith.constant 0 : i32
      %dma_start3A_207 = arith.constant 0 : i32
      %dma_start3A_208 = tpu.memref_slice %arg26[%dma_start3A_206, %dma_start3A_207] : memref<10000x64xf32, #tpu.memory_space<vmem_shared>> -> memref<10000x64xf32, #tpu.memory_space<vmem_shared>>
      tpu.enqueue_indirect_dma source(%dma_start3A_202 : memref<100x64xf32, #tpu.memory_space<vmem>>) target(%dma_start3A_208 : memref<10000x64xf32, #tpu.memory_space<vmem_shared>>) offsets(%dma_start3A_205 : memref<100xi32, #tpu.memory_space<vmem>>) semaphore(%arg25 : memref<!tpu.dma_semaphore, #tpu.memory_space<semaphore_mem>>) {add = true}
      %dma_wait3A_209 = arith.constant 0 : i32
      %dma_wait3A_210 = arith.constant 0 : i32
      %dma_wait3A_211 = tpu.memref_slice %arg2[%dma_wait3A_209, %dma_wait3A_210] : memref<10000x64xf32, #tpu.memory_space<hbm>> -> memref<10000x64xf32, #tpu.memory_space<hbm>>
      tpu.wait_indirect_dma semaphore(%arg24 : memref<!tpu.dma_semaphore, #tpu.memory_space<semaphore_mem>>) src(%dma_wait3A_211 : memref<10000x64xf32, #tpu.memory_space<hbm>>) dst(%arg12 : memref<400x64xf32, #tpu.memory_space<vmem>>)
      %dma_wait3A_212 = arith.constant 0 : i32
      %dma_wait3A_213 = arith.constant 0 : i32
      %dma_wait3A_214 = arith.constant 0 : i32
      %dma_wait3A_215 = tpu.memref_slice %arg11[%dma_wait3A_213, %dma_wait3A_214] : memref<400x64xf32, #tpu.memory_space<vmem>> -> memref<100x64xf32, #tpu.memory_space<vmem>>
      %dma_wait3A_216 = arith.constant 0 : i32
      %dma_wait3A_217 = tpu.memref_slice %arg19[%dma_wait3A_212, %dma_wait3A_216] : memref<4x100xi32, #tpu.memory_space<vmem>> -> memref<1x100xi32, #tpu.memory_space<vmem>>
      %dma_wait3A_218 = tpu.memref_squeeze %dma_wait3A_217 : memref<1x100xi32, #tpu.memory_space<vmem>> -> memref<100xi32, #tpu.memory_space<vmem>>
      %dma_wait3A_219 = arith.constant 0 : i32
      %dma_wait3A_220 = arith.constant 0 : i32
      %dma_wait3A_221 = tpu.memref_slice %arg26[%dma_wait3A_219, %dma_wait3A_220] : memref<10000x64xf32, #tpu.memory_space<vmem_shared>> -> memref<10000x64xf32, #tpu.memory_space<vmem_shared>>
      tpu.wait_indirect_dma semaphore(%arg25 : memref<!tpu.dma_semaphore, #tpu.memory_space<semaphore_mem>>) src(%dma_wait3A_215 : memref<100x64xf32, #tpu.memory_space<vmem>>) dst(%dma_wait3A_221 : memref<10000x64xf32, #tpu.memory_space<vmem_shared>>)
      %dma_wait3A_222 = arith.constant 1 : i32
      %dma_wait3A_223 = arith.constant 100 : i32
      %dma_wait3A_224 = arith.constant 0 : i32
      %dma_wait3A_225 = tpu.memref_slice %arg11[%dma_wait3A_223, %dma_wait3A_224] : memref<400x64xf32, #tpu.memory_space<vmem>> -> memref<100x64xf32, #tpu.memory_space<vmem>>
      %dma_wait3A_226 = arith.constant 0 : i32
      %dma_wait3A_227 = tpu.memref_slice %arg19[%dma_wait3A_222, %dma_wait3A_226] : memref<4x100xi32, #tpu.memory_space<vmem>> -> memref<1x100xi32, #tpu.memory_space<vmem>>
      %dma_wait3A_228 = tpu.memref_squeeze %dma_wait3A_227 : memref<1x100xi32, #tpu.memory_space<vmem>> -> memref<100xi32, #tpu.memory_space<vmem>>
      %dma_wait3A_229 = arith.constant 0 : i32
      %dma_wait3A_230 = arith.constant 0 : i32
      %dma_wait3A_231 = tpu.memref_slice %arg26[%dma_wait3A_229, %dma_wait3A_230] : memref<10000x64xf32, #tpu.memory_space<vmem_shared>> -> memref<10000x64xf32, #tpu.memory_space<vmem_shared>>
      tpu.wait_indirect_dma semaphore(%arg25 : memref<!tpu.dma_semaphore, #tpu.memory_space<semaphore_mem>>) src(%dma_wait3A_225 : memref<100x64xf32, #tpu.memory_space<vmem>>) dst(%dma_wait3A_231 : memref<10000x64xf32, #tpu.memory_space<vmem_shared>>)
      %dma_wait3A_232 = arith.constant 2 : i32
      %dma_wait3A_233 = arith.constant 200 : i32
      %dma_wait3A_234 = arith.constant 0 : i32
      %dma_wait3A_235 = tpu.memref_slice %arg11[%dma_wait3A_233, %dma_wait3A_234] : memref<400x64xf32, #tpu.memory_space<vmem>> -> memref<100x64xf32, #tpu.memory_space<vmem>>
      %dma_wait3A_236 = arith.constant 0 : i32
      %dma_wait3A_237 = tpu.memref_slice %arg19[%dma_wait3A_232, %dma_wait3A_236] : memref<4x100xi32, #tpu.memory_space<vmem>> -> memref<1x100xi32, #tpu.memory_space<vmem>>
      %dma_wait3A_238 = tpu.memref_squeeze %dma_wait3A_237 : memref<1x100xi32, #tpu.memory_space<vmem>> -> memref<100xi32, #tpu.memory_space<vmem>>
      %dma_wait3A_239 = arith.constant 0 : i32
      %dma_wait3A_240 = arith.constant 0 : i32
      %dma_wait3A_241 = tpu.memref_slice %arg26[%dma_wait3A_239, %dma_wait3A_240] : memref<10000x64xf32, #tpu.memory_space<vmem_shared>> -> memref<10000x64xf32, #tpu.memory_space<vmem_shared>>
      tpu.wait_indirect_dma semaphore(%arg25 : memref<!tpu.dma_semaphore, #tpu.memory_space<semaphore_mem>>) src(%dma_wait3A_235 : memref<100x64xf32, #tpu.memory_space<vmem>>) dst(%dma_wait3A_241 : memref<10000x64xf32, #tpu.memory_space<vmem_shared>>)
      %dma_wait3A_242 = arith.constant 3 : i32
      %dma_wait3A_243 = arith.constant 300 : i32
      %dma_wait3A_244 = arith.constant 0 : i32
      %dma_wait3A_245 = tpu.memref_slice %arg11[%dma_wait3A_243, %dma_wait3A_244] : memref<400x64xf32, #tpu.memory_space<vmem>> -> memref<100x64xf32, #tpu.memory_space<vmem>>
      %dma_wait3A_246 = arith.constant 0 : i32
      %dma_wait3A_247 = tpu.memref_slice %arg19[%dma_wait3A_242, %dma_wait3A_246] : memref<4x100xi32, #tpu.memory_space<vmem>> -> memref<1x100xi32, #tpu.memory_space<vmem>>
      %dma_wait3A_248 = tpu.memref_squeeze %dma_wait3A_247 : memref<1x100xi32, #tpu.memory_space<vmem>> -> memref<100xi32, #tpu.memory_space<vmem>>
      %dma_wait3A_249 = arith.constant 0 : i32
      %dma_wait3A_250 = arith.constant 0 : i32
      %dma_wait3A_251 = tpu.memref_slice %arg26[%dma_wait3A_249, %dma_wait3A_250] : memref<10000x64xf32, #tpu.memory_space<vmem_shared>> -> memref<10000x64xf32, #tpu.memory_space<vmem_shared>>
      tpu.wait_indirect_dma semaphore(%arg25 : memref<!tpu.dma_semaphore, #tpu.memory_space<semaphore_mem>>) src(%dma_wait3A_245 : memref<100x64xf32, #tpu.memory_space<vmem>>) dst(%dma_wait3A_251 : memref<10000x64xf32, #tpu.memory_space<vmem_shared>>)
      %lt3A = arith.constant 24 : i32
      %lt3A_252 = arith.cmpi slt, %scan3A_111, %lt3A : i32
      %convert_element_type3A_253 = arith.extui %lt3A_252 : i1 to i32
      %cond3A_254 = arith.constant 0 : i32
      %cond3A_255 = arith.cmpi ne, %convert_element_type3A_253, %cond3A_254 : i32
      scf.if %cond3A_255 {
        %add3A_307 = arith.constant 2 : i32
        %add3A_308 = arith.addi %mul3A_113, %add3A_307 : i32
        %mul3A_309 = arith.constant 400 : i32
        %mul3A_310 = arith.muli %add3A_308, %mul3A_309 : i32
        %add3A_311 = arith.addi %mul3A_0, %mul3A_310 : i32
        %mul3A_312 = arith.constant 200 : i32
        %mul3A_313 = arith.muli %arg1, %mul3A_312 : i32
        %mul3A_314 = arith.constant 4 : i32
        %mul3A_315 = arith.muli %add3A_308, %mul3A_314 : i32
        %add3A_316 = arith.addi %mul3A_313, %mul3A_315 : i32
        %dma_start3A_317 = tpu.memref_slice %arg7[%add3A_311] : memref<320000xi32, #tpu.memory_space<hbm>> -> memref<400xi32, #tpu.memory_space<hbm>>
        %dma_start3A_318 = tpu.memref_slice %arg7[%add3A_311] : memref<320000xi32, #tpu.memory_space<hbm>> -> memref<400xi32, #tpu.memory_space<hbm>>
        tpu.enqueue_dma source(%dma_start3A_318 : memref<400xi32, #tpu.memory_space<hbm>>) target(%arg15 : memref<400xi32, #tpu.memory_space<vmem>>) target_semaphore(%arg23 : memref<!tpu.dma_semaphore, #tpu.memory_space<semaphore_mem>>)
        %dma_start3A_319 = tpu.memref_slice %arg4[%add3A_311] : memref<320000xf32, #tpu.memory_space<hbm>> -> memref<400xf32, #tpu.memory_space<hbm>>
        %dma_start3A_320 = tpu.memref_slice %arg4[%add3A_311] : memref<320000xf32, #tpu.memory_space<hbm>> -> memref<400xf32, #tpu.memory_space<hbm>>
        tpu.enqueue_dma source(%dma_start3A_320 : memref<400xf32, #tpu.memory_space<hbm>>) target(%arg13 : memref<400xf32, #tpu.memory_space<vmem>>) target_semaphore(%arg23 : memref<!tpu.dma_semaphore, #tpu.memory_space<semaphore_mem>>)
        %dma_start3A_321 = tpu.memref_slice %arg8[%add3A_311] : memref<320000xi32, #tpu.memory_space<hbm>> -> memref<400xi32, #tpu.memory_space<hbm>>
        %dma_start3A_322 = tpu.memref_slice %arg8[%add3A_311] : memref<320000xi32, #tpu.memory_space<hbm>> -> memref<400xi32, #tpu.memory_space<hbm>>
        tpu.enqueue_dma source(%dma_start3A_322 : memref<400xi32, #tpu.memory_space<hbm>>) target(%arg17 : memref<400xi32, #tpu.memory_space<vmem>>) target_semaphore(%arg23 : memref<!tpu.dma_semaphore, #tpu.memory_space<semaphore_mem>>)
        %dma_start3A_323 = arith.constant 0 : i32
        %dma_start3A_324 = tpu.memref_slice %arg6[%add3A_316, %dma_start3A_323] : memref<3200x100xi32, #tpu.memory_space<hbm>> -> memref<4x100xi32, #tpu.memory_space<hbm>>
        %dma_start3A_325 = arith.constant 0 : i32
        %dma_start3A_326 = tpu.memref_slice %arg6[%add3A_316, %dma_start3A_325] : memref<3200x100xi32, #tpu.memory_space<hbm>> -> memref<4x100xi32, #tpu.memory_space<hbm>>
        tpu.enqueue_dma source(%dma_start3A_326 : memref<4x100xi32, #tpu.memory_space<hbm>>) target(%arg19 : memref<4x100xi32, #tpu.memory_space<vmem>>) target_semaphore(%arg23 : memref<!tpu.dma_semaphore, #tpu.memory_space<semaphore_mem>>)
      } else {
      }
      %scan3A_256 = arith.constant 0 : i32
      %scan3A_257 = arith.constant 0 : i32
      %scan3A_258 = arith.constant 25 : i32
      %scan3A_259 = arith.addi %scan3A_257, %scan3A_258 : i32
      %scan3A_260 = arith.constant 1 : i32
      scf.for %scan3A_307 = %scan3A_257 to %scan3A_259 step %scan3A_260  : i32 {
        %mul3A_308 = arith.constant 16 : i32
        %mul3A_309 = arith.muli %scan3A_307, %mul3A_308 : i32
        %get3A = arith.index_cast %mul3A_309 : i32 to index
        %get3A_310 = tpu.vector_load %arg14[%get3A] {strides = array<i32>} : memref<400xf32, #tpu.memory_space<vmem>>, vector<16xf32>,
        %get3A_311 = arith.constant 0 : index
        %get3A_312 = tpu.vector_load %arg22[%get3A_311] {strides = array<i32>} : memref<16xf32, #tpu.memory_space<vmem>>, vector<16xf32>,
        %sub3A = arith.subf %get3A_310, %get3A_312 : vector<16xf32>
        %exp3A = math.exp %sub3A : vector<16xf32>
        %mul3A_313 = arith.constant 16 : i32
        %mul3A_314 = arith.muli %scan3A_307, %mul3A_313 : i32
        %get3A_315 = arith.index_cast %mul3A_314 : i32 to index
        %get3A_316 = tpu.vector_load %arg18[%get3A_315] {strides = array<i32>} : memref<400xi32, #tpu.memory_space<vmem>>, vector<16xi32>,
        tpu.vector_store_idx %arg21[%get3A_316], %exp3A {add = true} : memref<10000xf32, #tpu.memory_space<vmem>>[vector<16xi32>], vector<16xf32>,
        %slice3A = vector.extract_strided_slice %exp3A {offsets = [0], sizes = [1], strides = [1]} : vector<16xf32> to vector<1xf32>
        %squeeze3A = vector.extract %slice3A[0] : f32 from vector<1xf32>
        %broadcast_in_dim3A_317 = vector.broadcast %squeeze3A : f32 to vector<16xf32>
        %mul3A_318 = arith.constant 16 : i32
        %mul3A_319 = arith.muli %scan3A_307, %mul3A_318 : i32
        %add3A_320 = arith.constant 0 : i32
        %add3A_321 = arith.addi %mul3A_319, %add3A_320 : i32
        %get3A_322 = arith.index_cast %add3A_321 : i32 to index
        %get3A_323 = arith.constant 0 : index
        %get3A_324 = tpu.vector_load %arg12[%get3A_322, %get3A_323] {strides = array<i32>} : memref<400x64xf32, #tpu.memory_space<vmem>>, vector<16xf32>,
        %mul3A_325 = arith.mulf %get3A_324, %broadcast_in_dim3A_317 : vector<16xf32>
        %swap3A = arith.index_cast %add3A_321 : i32 to index
        %swap3A_326 = arith.constant 0 : index
        %swap3A_327 = tpu.vector_load %arg12[%swap3A, %swap3A_326] {strides = array<i32>} : memref<400x64xf32, #tpu.memory_space<vmem>>, vector<16xf32>,
        tpu.vector_store %arg12[%swap3A, %swap3A_326], %mul3A_325 {strides = array<i32>} : memref<400x64xf32, #tpu.memory_space<vmem>>, vector<16xf32>,
        %get3A_328 = arith.index_cast %add3A_321 : i32 to index
        %get3A_329 = arith.constant 16 : index
        %get3A_330 = tpu.vector_load %arg12[%get3A_328, %get3A_329] {strides = array<i32>} : memref<400x64xf32, #tpu.memory_space<vmem>>, vector<16xf32>,
        %mul3A_331 = arith.mulf %get3A_330, %broadcast_in_dim3A_317 : vector<16xf32>
        %swap3A_332 = arith.index_cast %add3A_321 : i32 to index
        %swap3A_333 = arith.constant 16 : index
        %swap3A_334 = tpu.vector_load %arg12[%swap3A_332, %swap3A_333] {strides = array<i32>} : memref<400x64xf32, #tpu.memory_space<vmem>>, vector<16xf32>,
        tpu.vector_store %arg12[%swap3A_332, %swap3A_333], %mul3A_331 {strides = array<i32>} : memref<400x64xf32, #tpu.memory_space<vmem>>, vector<16xf32>,
        %get3A_335 = arith.index_cast %add3A_321 : i32 to index
        %get3A_336 = arith.constant 32 : index
        %get3A_337 = tpu.vector_load %arg12[%get3A_335, %get3A_336] {strides = array<i32>} : memref<400x64xf32, #tpu.memory_space<vmem>>, vector<16xf32>,
        %mul3A_338 = arith.mulf %get3A_337, %broadcast_in_dim3A_317 : vector<16xf32>
        %swap3A_339 = arith.index_cast %add3A_321 : i32 to index
        %swap3A_340 = arith.constant 32 : index
        %swap3A_341 = tpu.vector_load %arg12[%swap3A_339, %swap3A_340] {strides = array<i32>} : memref<400x64xf32, #tpu.memory_space<vmem>>, vector<16xf32>,
        tpu.vector_store %arg12[%swap3A_339, %swap3A_340], %mul3A_338 {strides = array<i32>} : memref<400x64xf32, #tpu.memory_space<vmem>>, vector<16xf32>,
        %get3A_342 = arith.index_cast %add3A_321 : i32 to index
        %get3A_343 = arith.constant 48 : index
        %get3A_344 = tpu.vector_load %arg12[%get3A_342, %get3A_343] {strides = array<i32>} : memref<400x64xf32, #tpu.memory_space<vmem>>, vector<16xf32>,
        %mul3A_345 = arith.mulf %get3A_344, %broadcast_in_dim3A_317 : vector<16xf32>
        %swap3A_346 = arith.index_cast %add3A_321 : i32 to index
        %swap3A_347 = arith.constant 48 : index
        %swap3A_348 = tpu.vector_load %arg12[%swap3A_346, %swap3A_347] {strides = array<i32>} : memref<400x64xf32, #tpu.memory_space<vmem>>, vector<16xf32>,
        tpu.vector_store %arg12[%swap3A_346, %swap3A_347], %mul3A_345 {strides = array<i32>} : memref<400x64xf32, #tpu.memory_space<vmem>>, vector<16xf32>,
        %slice3A_349 = vector.extract_strided_slice %exp3A {offsets = [1], sizes = [1], strides = [1]} : vector<16xf32> to vector<1xf32>
        %squeeze3A_350 = vector.extract %slice3A_349[0] : f32 from vector<1xf32>
        %broadcast_in_dim3A_351 = vector.broadcast %squeeze3A_350 : f32 to vector<16xf32>
        %mul3A_352 = arith.constant 16 : i32
        %mul3A_353 = arith.muli %scan3A_307, %mul3A_352 : i32
        %add3A_354 = arith.constant 1 : i32
        %add3A_355 = arith.addi %mul3A_353, %add3A_354 : i32
        %get3A_356 = arith.index_cast %add3A_355 : i32 to index
        %get3A_357 = arith.constant 0 : index
        %get3A_358 = tpu.vector_load %arg12[%get3A_356, %get3A_357] {strides = array<i32>} : memref<400x64xf32, #tpu.memory_space<vmem>>, vector<16xf32>,
        %mul3A_359 = arith.mulf %get3A_358, %broadcast_in_dim3A_351 : vector<16xf32>
        %swap3A_360 = arith.index_cast %add3A_355 : i32 to index
        %swap3A_361 = arith.constant 0 : index
        %swap3A_362 = tpu.vector_load %arg12[%swap3A_360, %swap3A_361] {strides = array<i32>} : memref<400x64xf32, #tpu.memory_space<vmem>>, vector<16xf32>,
        tpu.vector_store %arg12[%swap3A_360, %swap3A_361], %mul3A_359 {strides = array<i32>} : memref<400x64xf32, #tpu.memory_space<vmem>>, vector<16xf32>,
        %get3A_363 = arith.index_cast %add3A_355 : i32 to index
        %get3A_364 = arith.constant 16 : index
        %get3A_365 = tpu.vector_load %arg12[%get3A_363, %get3A_364] {strides = array<i32>} : memref<400x64xf32, #tpu.memory_space<vmem>>, vector<16xf32>,
        %mul3A_366 = arith.mulf %get3A_365, %broadcast_in_dim3A_351 : vector<16xf32>
        %swap3A_367 = arith.index_cast %add3A_355 : i32 to index
        %swap3A_368 = arith.constant 16 : index
        %swap3A_369 = tpu.vector_load %arg12[%swap3A_367, %swap3A_368] {strides = array<i32>} : memref<400x64xf32, #tpu.memory_space<vmem>>, vector<16xf32>,
        tpu.vector_store %arg12[%swap3A_367, %swap3A_368], %mul3A_366 {strides = array<i32>} : memref<400x64xf32, #tpu.memory_space<vmem>>, vector<16xf32>,
        %get3A_370 = arith.index_cast %add3A_355 : i32 to index
        %get3A_371 = arith.constant 32 : index
        %get3A_372 = tpu.vector_load %arg12[%get3A_370, %get3A_371] {strides = array<i32>} : memref<400x64xf32, #tpu.memory_space<vmem>>, vector<16xf32>,
        %mul3A_373 = arith.mulf %get3A_372, %broadcast_in_dim3A_351 : vector<16xf32>
        %swap3A_374 = arith.index_cast %add3A_355 : i32 to index
        %swap3A_375 = arith.constant 32 : index
        %swap3A_376 = tpu.vector_load %arg12[%swap3A_374, %swap3A_375] {strides = array<i32>} : memref<400x64xf32, #tpu.memory_space<vmem>>, vector<16xf32>,
        tpu.vector_store %arg12[%swap3A_374, %swap3A_375], %mul3A_373 {strides = array<i32>} : memref<400x64xf32, #tpu.memory_space<vmem>>, vector<16xf32>,
        %get3A_377 = arith.index_cast %add3A_355 : i32 to index
        %get3A_378 = arith.constant 48 : index
        %get3A_379 = tpu.vector_load %arg12[%get3A_377, %get3A_378] {strides = array<i32>} : memref<400x64xf32, #tpu.memory_space<vmem>>, vector<16xf32>,
        %mul3A_380 = arith.mulf %get3A_379, %broadcast_in_dim3A_351 : vector<16xf32>
        %swap3A_381 = arith.index_cast %add3A_355 : i32 to index
        %swap3A_382 = arith.constant 48 : index
        %swap3A_383 = tpu.vector_load %arg12[%swap3A_381, %swap3A_382] {strides = array<i32>} : memref<400x64xf32, #tpu.memory_space<vmem>>, vector<16xf32>,
        tpu.vector_store %arg12[%swap3A_381, %swap3A_382], %mul3A_380 {strides = array<i32>} : memref<400x64xf32, #tpu.memory_space<vmem>>, vector<16xf32>,
        %slice3A_384 = vector.extract_strided_slice %exp3A {offsets = [2], sizes = [1], strides = [1]} : vector<16xf32> to vector<1xf32>
        %squeeze3A_385 = vector.extract %slice3A_384[0] : f32 from vector<1xf32>
        %broadcast_in_dim3A_386 = vector.broadcast %squeeze3A_385 : f32 to vector<16xf32>
        %mul3A_387 = arith.constant 16 : i32
        %mul3A_388 = arith.muli %scan3A_307, %mul3A_387 : i32
        %add3A_389 = arith.constant 2 : i32
        %add3A_390 = arith.addi %mul3A_388, %add3A_389 : i32
        %get3A_391 = arith.index_cast %add3A_390 : i32 to index
        %get3A_392 = arith.constant 0 : index
        %get3A_393 = tpu.vector_load %arg12[%get3A_391, %get3A_392] {strides = array<i32>} : memref<400x64xf32, #tpu.memory_space<vmem>>, vector<16xf32>,
        %mul3A_394 = arith.mulf %get3A_393, %broadcast_in_dim3A_386 : vector<16xf32>
        %swap3A_395 = arith.index_cast %add3A_390 : i32 to index
        %swap3A_396 = arith.constant 0 : index
        %swap3A_397 = tpu.vector_load %arg12[%swap3A_395, %swap3A_396] {strides = array<i32>} : memref<400x64xf32, #tpu.memory_space<vmem>>, vector<16xf32>,
        tpu.vector_store %arg12[%swap3A_395, %swap3A_396], %mul3A_394 {strides = array<i32>} : memref<400x64xf32, #tpu.memory_space<vmem>>, vector<16xf32>,
        %get3A_398 = arith.index_cast %add3A_390 : i32 to index
        %get3A_399 = arith.constant 16 : index
        %get3A_400 = tpu.vector_load %arg12[%get3A_398, %get3A_399] {strides = array<i32>} : memref<400x64xf32, #tpu.memory_space<vmem>>, vector<16xf32>,
        %mul3A_401 = arith.mulf %get3A_400, %broadcast_in_dim3A_386 : vector<16xf32>
        %swap3A_402 = arith.index_cast %add3A_390 : i32 to index
        %swap3A_403 = arith.constant 16 : index
        %swap3A_404 = tpu.vector_load %arg12[%swap3A_402, %swap3A_403] {strides = array<i32>} : memref<400x64xf32, #tpu.memory_space<vmem>>, vector<16xf32>,
        tpu.vector_store %arg12[%swap3A_402, %swap3A_403], %mul3A_401 {strides = array<i32>} : memref<400x64xf32, #tpu.memory_space<vmem>>, vector<16xf32>,
        %get3A_405 = arith.index_cast %add3A_390 : i32 to index
        %get3A_406 = arith.constant 32 : index
        %get3A_407 = tpu.vector_load %arg12[%get3A_405, %get3A_406] {strides = array<i32>} : memref<400x64xf32, #tpu.memory_space<vmem>>, vector<16xf32>,
        %mul3A_408 = arith.mulf %get3A_407, %broadcast_in_dim3A_386 : vector<16xf32>
        %swap3A_409 = arith.index_cast %add3A_390 : i32 to index
        %swap3A_410 = arith.constant 32 : index
        %swap3A_411 = tpu.vector_load %arg12[%swap3A_409, %swap3A_410] {strides = array<i32>} : memref<400x64xf32, #tpu.memory_space<vmem>>, vector<16xf32>,
        tpu.vector_store %arg12[%swap3A_409, %swap3A_410], %mul3A_408 {strides = array<i32>} : memref<400x64xf32, #tpu.memory_space<vmem>>, vector<16xf32>,
        %get3A_412 = arith.index_cast %add3A_390 : i32 to index
        %get3A_413 = arith.constant 48 : index
        %get3A_414 = tpu.vector_load %arg12[%get3A_412, %get3A_413] {strides = array<i32>} : memref<400x64xf32, #tpu.memory_space<vmem>>, vector<16xf32>,
        %mul3A_415 = arith.mulf %get3A_414, %broadcast_in_dim3A_386 : vector<16xf32>
        %swap3A_416 = arith.index_cast %add3A_390 : i32 to index
        %swap3A_417 = arith.constant 48 : index
        %swap3A_418 = tpu.vector_load %arg12[%swap3A_416, %swap3A_417] {strides = array<i32>} : memref<400x64xf32, #tpu.memory_space<vmem>>, vector<16xf32>,
        tpu.vector_store %arg12[%swap3A_416, %swap3A_417], %mul3A_415 {strides = array<i32>} : memref<400x64xf32, #tpu.memory_space<vmem>>, vector<16xf32>,
        %slice3A_419 = vector.extract_strided_slice %exp3A {offsets = [3], sizes = [1], strides = [1]} : vector<16xf32> to vector<1xf32>
        %squeeze3A_420 = vector.extract %slice3A_419[0] : f32 from vector<1xf32>
        %broadcast_in_dim3A_421 = vector.broadcast %squeeze3A_420 : f32 to vector<16xf32>
        %mul3A_422 = arith.constant 16 : i32
        %mul3A_423 = arith.muli %scan3A_307, %mul3A_422 : i32
        %add3A_424 = arith.constant 3 : i32
        %add3A_425 = arith.addi %mul3A_423, %add3A_424 : i32
        %get3A_426 = arith.index_cast %add3A_425 : i32 to index
        %get3A_427 = arith.constant 0 : index
        %get3A_428 = tpu.vector_load %arg12[%get3A_426, %get3A_427] {strides = array<i32>} : memref<400x64xf32, #tpu.memory_space<vmem>>, vector<16xf32>,
        %mul3A_429 = arith.mulf %get3A_428, %broadcast_in_dim3A_421 : vector<16xf32>
        %swap3A_430 = arith.index_cast %add3A_425 : i32 to index
        %swap3A_431 = arith.constant 0 : index
        %swap3A_432 = tpu.vector_load %arg12[%swap3A_430, %swap3A_431] {strides = array<i32>} : memref<400x64xf32, #tpu.memory_space<vmem>>, vector<16xf32>,
        tpu.vector_store %arg12[%swap3A_430, %swap3A_431], %mul3A_429 {strides = array<i32>} : memref<400x64xf32, #tpu.memory_space<vmem>>, vector<16xf32>,
        %get3A_433 = arith.index_cast %add3A_425 : i32 to index
        %get3A_434 = arith.constant 16 : index
        %get3A_435 = tpu.vector_load %arg12[%get3A_433, %get3A_434] {strides = array<i32>} : memref<400x64xf32, #tpu.memory_space<vmem>>, vector<16xf32>,
        %mul3A_436 = arith.mulf %get3A_435, %broadcast_in_dim3A_421 : vector<16xf32>
        %swap3A_437 = arith.index_cast %add3A_425 : i32 to index
        %swap3A_438 = arith.constant 16 : index
        %swap3A_439 = tpu.vector_load %arg12[%swap3A_437, %swap3A_438] {strides = array<i32>} : memref<400x64xf32, #tpu.memory_space<vmem>>, vector<16xf32>,
        tpu.vector_store %arg12[%swap3A_437, %swap3A_438], %mul3A_436 {strides = array<i32>} : memref<400x64xf32, #tpu.memory_space<vmem>>, vector<16xf32>,
        %get3A_440 = arith.index_cast %add3A_425 : i32 to index
        %get3A_441 = arith.constant 32 : index
        %get3A_442 = tpu.vector_load %arg12[%get3A_440, %get3A_441] {strides = array<i32>} : memref<400x64xf32, #tpu.memory_space<vmem>>, vector<16xf32>,
        %mul3A_443 = arith.mulf %get3A_442, %broadcast_in_dim3A_421 : vector<16xf32>
        %swap3A_444 = arith.index_cast %add3A_425 : i32 to index
        %swap3A_445 = arith.constant 32 : index
        %swap3A_446 = tpu.vector_load %arg12[%swap3A_444, %swap3A_445] {strides = array<i32>} : memref<400x64xf32, #tpu.memory_space<vmem>>, vector<16xf32>,
        tpu.vector_store %arg12[%swap3A_444, %swap3A_445], %mul3A_443 {strides = array<i32>} : memref<400x64xf32, #tpu.memory_space<vmem>>, vector<16xf32>,
        %get3A_447 = arith.index_cast %add3A_425 : i32 to index
        %get3A_448 = arith.constant 48 : index
        %get3A_449 = tpu.vector_load %arg12[%get3A_447, %get3A_448] {strides = array<i32>} : memref<400x64xf32, #tpu.memory_space<vmem>>, vector<16xf32>,
        %mul3A_450 = arith.mulf %get3A_449, %broadcast_in_dim3A_421 : vector<16xf32>
        %swap3A_451 = arith.index_cast %add3A_425 : i32 to index
        %swap3A_452 = arith.constant 48 : index
        %swap3A_453 = tpu.vector_load %arg12[%swap3A_451, %swap3A_452] {strides = array<i32>} : memref<400x64xf32, #tpu.memory_space<vmem>>, vector<16xf32>,
        tpu.vector_store %arg12[%swap3A_451, %swap3A_452], %mul3A_450 {strides = array<i32>} : memref<400x64xf32, #tpu.memory_space<vmem>>, vector<16xf32>,
        %slice3A_454 = vector.extract_strided_slice %exp3A {offsets = [4], sizes = [1], strides = [1]} : vector<16xf32> to vector<1xf32>
        %squeeze3A_455 = vector.extract %slice3A_454[0] : f32 from vector<1xf32>
        %broadcast_in_dim3A_456 = vector.broadcast %squeeze3A_455 : f32 to vector<16xf32>
        %mul3A_457 = arith.constant 16 : i32
        %mul3A_458 = arith.muli %scan3A_307, %mul3A_457 : i32
        %add3A_459 = arith.constant 4 : i32
        %add3A_460 = arith.addi %mul3A_458, %add3A_459 : i32
        %get3A_461 = arith.index_cast %add3A_460 : i32 to index
        %get3A_462 = arith.constant 0 : index
        %get3A_463 = tpu.vector_load %arg12[%get3A_461, %get3A_462] {strides = array<i32>} : memref<400x64xf32, #tpu.memory_space<vmem>>, vector<16xf32>,
        %mul3A_464 = arith.mulf %get3A_463, %broadcast_in_dim3A_456 : vector<16xf32>
        %swap3A_465 = arith.index_cast %add3A_460 : i32 to index
        %swap3A_466 = arith.constant 0 : index
        %swap3A_467 = tpu.vector_load %arg12[%swap3A_465, %swap3A_466] {strides = array<i32>} : memref<400x64xf32, #tpu.memory_space<vmem>>, vector<16xf32>,
        tpu.vector_store %arg12[%swap3A_465, %swap3A_466], %mul3A_464 {strides = array<i32>} : memref<400x64xf32, #tpu.memory_space<vmem>>, vector<16xf32>,
        %get3A_468 = arith.index_cast %add3A_460 : i32 to index
        %get3A_469 = arith.constant 16 : index
        %get3A_470 = tpu.vector_load %arg12[%get3A_468, %get3A_469] {strides = array<i32>} : memref<400x64xf32, #tpu.memory_space<vmem>>, vector<16xf32>,
        %mul3A_471 = arith.mulf %get3A_470, %broadcast_in_dim3A_456 : vector<16xf32>
        %swap3A_472 = arith.index_cast %add3A_460 : i32 to index
        %swap3A_473 = arith.constant 16 : index
        %swap3A_474 = tpu.vector_load %arg12[%swap3A_472, %swap3A_473] {strides = array<i32>} : memref<400x64xf32, #tpu.memory_space<vmem>>, vector<16xf32>,
        tpu.vector_store %arg12[%swap3A_472, %swap3A_473], %mul3A_471 {strides = array<i32>} : memref<400x64xf32, #tpu.memory_space<vmem>>, vector<16xf32>,
        %get3A_475 = arith.index_cast %add3A_460 : i32 to index
        %get3A_476 = arith.constant 32 : index
        %get3A_477 = tpu.vector_load %arg12[%get3A_475, %get3A_476] {strides = array<i32>} : memref<400x64xf32, #tpu.memory_space<vmem>>, vector<16xf32>,
        %mul3A_478 = arith.mulf %get3A_477, %broadcast_in_dim3A_456 : vector<16xf32>
        %swap3A_479 = arith.index_cast %add3A_460 : i32 to index
        %swap3A_480 = arith.constant 32 : index
        %swap3A_481 = tpu.vector_load %arg12[%swap3A_479, %swap3A_480] {strides = array<i32>} : memref<400x64xf32, #tpu.memory_space<vmem>>, vector<16xf32>,
        tpu.vector_store %arg12[%swap3A_479, %swap3A_480], %mul3A_478 {strides = array<i32>} : memref<400x64xf32, #tpu.memory_space<vmem>>, vector<16xf32>,
        %get3A_482 = arith.index_cast %add3A_460 : i32 to index
        %get3A_483 = arith.constant 48 : index
        %get3A_484 = tpu.vector_load %arg12[%get3A_482, %get3A_483] {strides = array<i32>} : memref<400x64xf32, #tpu.memory_space<vmem>>, vector<16xf32>,
        %mul3A_485 = arith.mulf %get3A_484, %broadcast_in_dim3A_456 : vector<16xf32>
        %swap3A_486 = arith.index_cast %add3A_460 : i32 to index
        %swap3A_487 = arith.constant 48 : index
        %swap3A_488 = tpu.vector_load %arg12[%swap3A_486, %swap3A_487] {strides = array<i32>} : memref<400x64xf32, #tpu.memory_space<vmem>>, vector<16xf32>,
        tpu.vector_store %arg12[%swap3A_486, %swap3A_487], %mul3A_485 {strides = array<i32>} : memref<400x64xf32, #tpu.memory_space<vmem>>, vector<16xf32>,
        %slice3A_489 = vector.extract_strided_slice %exp3A {offsets = [5], sizes = [1], strides = [1]} : vector<16xf32> to vector<1xf32>
        %squeeze3A_490 = vector.extract %slice3A_489[0] : f32 from vector<1xf32>
        %broadcast_in_dim3A_491 = vector.broadcast %squeeze3A_490 : f32 to vector<16xf32>
        %mul3A_492 = arith.constant 16 : i32
        %mul3A_493 = arith.muli %scan3A_307, %mul3A_492 : i32
        %add3A_494 = arith.constant 5 : i32
        %add3A_495 = arith.addi %mul3A_493, %add3A_494 : i32
        %get3A_496 = arith.index_cast %add3A_495 : i32 to index
        %get3A_497 = arith.constant 0 : index
        %get3A_498 = tpu.vector_load %arg12[%get3A_496, %get3A_497] {strides = array<i32>} : memref<400x64xf32, #tpu.memory_space<vmem>>, vector<16xf32>,
        %mul3A_499 = arith.mulf %get3A_498, %broadcast_in_dim3A_491 : vector<16xf32>
        %swap3A_500 = arith.index_cast %add3A_495 : i32 to index
        %swap3A_501 = arith.constant 0 : index
        %swap3A_502 = tpu.vector_load %arg12[%swap3A_500, %swap3A_501] {strides = array<i32>} : memref<400x64xf32, #tpu.memory_space<vmem>>, vector<16xf32>,
        tpu.vector_store %arg12[%swap3A_500, %swap3A_501], %mul3A_499 {strides = array<i32>} : memref<400x64xf32, #tpu.memory_space<vmem>>, vector<16xf32>,
        %get3A_503 = arith.index_cast %add3A_495 : i32 to index
        %get3A_504 = arith.constant 16 : index
        %get3A_505 = tpu.vector_load %arg12[%get3A_503, %get3A_504] {strides = array<i32>} : memref<400x64xf32, #tpu.memory_space<vmem>>, vector<16xf32>,
        %mul3A_506 = arith.mulf %get3A_505, %broadcast_in_dim3A_491 : vector<16xf32>
        %swap3A_507 = arith.index_cast %add3A_495 : i32 to index
        %swap3A_508 = arith.constant 16 : index
        %swap3A_509 = tpu.vector_load %arg12[%swap3A_507, %swap3A_508] {strides = array<i32>} : memref<400x64xf32, #tpu.memory_space<vmem>>, vector<16xf32>,
        tpu.vector_store %arg12[%swap3A_507, %swap3A_508], %mul3A_506 {strides = array<i32>} : memref<400x64xf32, #tpu.memory_space<vmem>>, vector<16xf32>,
        %get3A_510 = arith.index_cast %add3A_495 : i32 to index
        %get3A_511 = arith.constant 32 : index
        %get3A_512 = tpu.vector_load %arg12[%get3A_510, %get3A_511] {strides = array<i32>} : memref<400x64xf32, #tpu.memory_space<vmem>>, vector<16xf32>,
        %mul3A_513 = arith.mulf %get3A_512, %broadcast_in_dim3A_491 : vector<16xf32>
        %swap3A_514 = arith.index_cast %add3A_495 : i32 to index
        %swap3A_515 = arith.constant 32 : index
        %swap3A_516 = tpu.vector_load %arg12[%swap3A_514, %swap3A_515] {strides = array<i32>} : memref<400x64xf32, #tpu.memory_space<vmem>>, vector<16xf32>,
        tpu.vector_store %arg12[%swap3A_514, %swap3A_515], %mul3A_513 {strides = array<i32>} : memref<400x64xf32, #tpu.memory_space<vmem>>, vector<16xf32>,
        %get3A_517 = arith.index_cast %add3A_495 : i32 to index
        %get3A_518 = arith.constant 48 : index
        %get3A_519 = tpu.vector_load %arg12[%get3A_517, %get3A_518] {strides = array<i32>} : memref<400x64xf32, #tpu.memory_space<vmem>>, vector<16xf32>,
        %mul3A_520 = arith.mulf %get3A_519, %broadcast_in_dim3A_491 : vector<16xf32>
        %swap3A_521 = arith.index_cast %add3A_495 : i32 to index
        %swap3A_522 = arith.constant 48 : index
        %swap3A_523 = tpu.vector_load %arg12[%swap3A_521, %swap3A_522] {strides = array<i32>} : memref<400x64xf32, #tpu.memory_space<vmem>>, vector<16xf32>,
        tpu.vector_store %arg12[%swap3A_521, %swap3A_522], %mul3A_520 {strides = array<i32>} : memref<400x64xf32, #tpu.memory_space<vmem>>, vector<16xf32>,
        %slice3A_524 = vector.extract_strided_slice %exp3A {offsets = [6], sizes = [1], strides = [1]} : vector<16xf32> to vector<1xf32>
        %squeeze3A_525 = vector.extract %slice3A_524[0] : f32 from vector<1xf32>
        %broadcast_in_dim3A_526 = vector.broadcast %squeeze3A_525 : f32 to vector<16xf32>
        %mul3A_527 = arith.constant 16 : i32
        %mul3A_528 = arith.muli %scan3A_307, %mul3A_527 : i32
        %add3A_529 = arith.constant 6 : i32
        %add3A_530 = arith.addi %mul3A_528, %add3A_529 : i32
        %get3A_531 = arith.index_cast %add3A_530 : i32 to index
        %get3A_532 = arith.constant 0 : index
        %get3A_533 = tpu.vector_load %arg12[%get3A_531, %get3A_532] {strides = array<i32>} : memref<400x64xf32, #tpu.memory_space<vmem>>, vector<16xf32>,
        %mul3A_534 = arith.mulf %get3A_533, %broadcast_in_dim3A_526 : vector<16xf32>
        %swap3A_535 = arith.index_cast %add3A_530 : i32 to index
        %swap3A_536 = arith.constant 0 : index
        %swap3A_537 = tpu.vector_load %arg12[%swap3A_535, %swap3A_536] {strides = array<i32>} : memref<400x64xf32, #tpu.memory_space<vmem>>, vector<16xf32>,
        tpu.vector_store %arg12[%swap3A_535, %swap3A_536], %mul3A_534 {strides = array<i32>} : memref<400x64xf32, #tpu.memory_space<vmem>>, vector<16xf32>,
        %get3A_538 = arith.index_cast %add3A_530 : i32 to index
        %get3A_539 = arith.constant 16 : index
        %get3A_540 = tpu.vector_load %arg12[%get3A_538, %get3A_539] {strides = array<i32>} : memref<400x64xf32, #tpu.memory_space<vmem>>, vector<16xf32>,
        %mul3A_541 = arith.mulf %get3A_540, %broadcast_in_dim3A_526 : vector<16xf32>
        %swap3A_542 = arith.index_cast %add3A_530 : i32 to index
        %swap3A_543 = arith.constant 16 : index
        %swap3A_544 = tpu.vector_load %arg12[%swap3A_542, %swap3A_543] {strides = array<i32>} : memref<400x64xf32, #tpu.memory_space<vmem>>, vector<16xf32>,
        tpu.vector_store %arg12[%swap3A_542, %swap3A_543], %mul3A_541 {strides = array<i32>} : memref<400x64xf32, #tpu.memory_space<vmem>>, vector<16xf32>,
        %get3A_545 = arith.index_cast %add3A_530 : i32 to index
        %get3A_546 = arith.constant 32 : index
        %get3A_547 = tpu.vector_load %arg12[%get3A_545, %get3A_546] {strides = array<i32>} : memref<400x64xf32, #tpu.memory_space<vmem>>, vector<16xf32>,
        %mul3A_548 = arith.mulf %get3A_547, %broadcast_in_dim3A_526 : vector<16xf32>
        %swap3A_549 = arith.index_cast %add3A_530 : i32 to index
        %swap3A_550 = arith.constant 32 : index
        %swap3A_551 = tpu.vector_load %arg12[%swap3A_549, %swap3A_550] {strides = array<i32>} : memref<400x64xf32, #tpu.memory_space<vmem>>, vector<16xf32>,
        tpu.vector_store %arg12[%swap3A_549, %swap3A_550], %mul3A_548 {strides = array<i32>} : memref<400x64xf32, #tpu.memory_space<vmem>>, vector<16xf32>,
        %get3A_552 = arith.index_cast %add3A_530 : i32 to index
        %get3A_553 = arith.constant 48 : index
        %get3A_554 = tpu.vector_load %arg12[%get3A_552, %get3A_553] {strides = array<i32>} : memref<400x64xf32, #tpu.memory_space<vmem>>, vector<16xf32>,
        %mul3A_555 = arith.mulf %get3A_554, %broadcast_in_dim3A_526 : vector<16xf32>
        %swap3A_556 = arith.index_cast %add3A_530 : i32 to index
        %swap3A_557 = arith.constant 48 : index
        %swap3A_558 = tpu.vector_load %arg12[%swap3A_556, %swap3A_557] {strides = array<i32>} : memref<400x64xf32, #tpu.memory_space<vmem>>, vector<16xf32>,
        tpu.vector_store %arg12[%swap3A_556, %swap3A_557], %mul3A_555 {strides = array<i32>} : memref<400x64xf32, #tpu.memory_space<vmem>>, vector<16xf32>,
        %slice3A_559 = vector.extract_strided_slice %exp3A {offsets = [7], sizes = [1], strides = [1]} : vector<16xf32> to vector<1xf32>
        %squeeze3A_560 = vector.extract %slice3A_559[0] : f32 from vector<1xf32>
        %broadcast_in_dim3A_561 = vector.broadcast %squeeze3A_560 : f32 to vector<16xf32>
        %mul3A_562 = arith.constant 16 : i32
        %mul3A_563 = arith.muli %scan3A_307, %mul3A_562 : i32
        %add3A_564 = arith.constant 7 : i32
        %add3A_565 = arith.addi %mul3A_563, %add3A_564 : i32
        %get3A_566 = arith.index_cast %add3A_565 : i32 to index
        %get3A_567 = arith.constant 0 : index
        %get3A_568 = tpu.vector_load %arg12[%get3A_566, %get3A_567] {strides = array<i32>} : memref<400x64xf32, #tpu.memory_space<vmem>>, vector<16xf32>,
        %mul3A_569 = arith.mulf %get3A_568, %broadcast_in_dim3A_561 : vector<16xf32>
        %swap3A_570 = arith.index_cast %add3A_565 : i32 to index
        %swap3A_571 = arith.constant 0 : index
        %swap3A_572 = tpu.vector_load %arg12[%swap3A_570, %swap3A_571] {strides = array<i32>} : memref<400x64xf32, #tpu.memory_space<vmem>>, vector<16xf32>,
        tpu.vector_store %arg12[%swap3A_570, %swap3A_571], %mul3A_569 {strides = array<i32>} : memref<400x64xf32, #tpu.memory_space<vmem>>, vector<16xf32>,
        %get3A_573 = arith.index_cast %add3A_565 : i32 to index
        %get3A_574 = arith.constant 16 : index
        %get3A_575 = tpu.vector_load %arg12[%get3A_573, %get3A_574] {strides = array<i32>} : memref<400x64xf32, #tpu.memory_space<vmem>>, vector<16xf32>,
        %mul3A_576 = arith.mulf %get3A_575, %broadcast_in_dim3A_561 : vector<16xf32>
        %swap3A_577 = arith.index_cast %add3A_565 : i32 to index
        %swap3A_578 = arith.constant 16 : index
        %swap3A_579 = tpu.vector_load %arg12[%swap3A_577, %swap3A_578] {strides = array<i32>} : memref<400x64xf32, #tpu.memory_space<vmem>>, vector<16xf32>,
        tpu.vector_store %arg12[%swap3A_577, %swap3A_578], %mul3A_576 {strides = array<i32>} : memref<400x64xf32, #tpu.memory_space<vmem>>, vector<16xf32>,
        %get3A_580 = arith.index_cast %add3A_565 : i32 to index
        %get3A_581 = arith.constant 32 : index
        %get3A_582 = tpu.vector_load %arg12[%get3A_580, %get3A_581] {strides = array<i32>} : memref<400x64xf32, #tpu.memory_space<vmem>>, vector<16xf32>,
        %mul3A_583 = arith.mulf %get3A_582, %broadcast_in_dim3A_561 : vector<16xf32>
        %swap3A_584 = arith.index_cast %add3A_565 : i32 to index
        %swap3A_585 = arith.constant 32 : index
        %swap3A_586 = tpu.vector_load %arg12[%swap3A_584, %swap3A_585] {strides = array<i32>} : memref<400x64xf32, #tpu.memory_space<vmem>>, vector<16xf32>,
        tpu.vector_store %arg12[%swap3A_584, %swap3A_585], %mul3A_583 {strides = array<i32>} : memref<400x64xf32, #tpu.memory_space<vmem>>, vector<16xf32>,
        %get3A_587 = arith.index_cast %add3A_565 : i32 to index
        %get3A_588 = arith.constant 48 : index
        %get3A_589 = tpu.vector_load %arg12[%get3A_587, %get3A_588] {strides = array<i32>} : memref<400x64xf32, #tpu.memory_space<vmem>>, vector<16xf32>,
        %mul3A_590 = arith.mulf %get3A_589, %broadcast_in_dim3A_561 : vector<16xf32>
        %swap3A_591 = arith.index_cast %add3A_565 : i32 to index
        %swap3A_592 = arith.constant 48 : index
        %swap3A_593 = tpu.vector_load %arg12[%swap3A_591, %swap3A_592] {strides = array<i32>} : memref<400x64xf32, #tpu.memory_space<vmem>>, vector<16xf32>,
        tpu.vector_store %arg12[%swap3A_591, %swap3A_592], %mul3A_590 {strides = array<i32>} : memref<400x64xf32, #tpu.memory_space<vmem>>, vector<16xf32>,
        %slice3A_594 = vector.extract_strided_slice %exp3A {offsets = [8], sizes = [1], strides = [1]} : vector<16xf32> to vector<1xf32>
        %squeeze3A_595 = vector.extract %slice3A_594[0] : f32 from vector<1xf32>
        %broadcast_in_dim3A_596 = vector.broadcast %squeeze3A_595 : f32 to vector<16xf32>
        %mul3A_597 = arith.constant 16 : i32
        %mul3A_598 = arith.muli %scan3A_307, %mul3A_597 : i32
        %add3A_599 = arith.constant 8 : i32
        %add3A_600 = arith.addi %mul3A_598, %add3A_599 : i32
        %get3A_601 = arith.index_cast %add3A_600 : i32 to index
        %get3A_602 = arith.constant 0 : index
        %get3A_603 = tpu.vector_load %arg12[%get3A_601, %get3A_602] {strides = array<i32>} : memref<400x64xf32, #tpu.memory_space<vmem>>, vector<16xf32>,
        %mul3A_604 = arith.mulf %get3A_603, %broadcast_in_dim3A_596 : vector<16xf32>
        %swap3A_605 = arith.index_cast %add3A_600 : i32 to index
        %swap3A_606 = arith.constant 0 : index
        %swap3A_607 = tpu.vector_load %arg12[%swap3A_605, %swap3A_606] {strides = array<i32>} : memref<400x64xf32, #tpu.memory_space<vmem>>, vector<16xf32>,
        tpu.vector_store %arg12[%swap3A_605, %swap3A_606], %mul3A_604 {strides = array<i32>} : memref<400x64xf32, #tpu.memory_space<vmem>>, vector<16xf32>,
        %get3A_608 = arith.index_cast %add3A_600 : i32 to index
        %get3A_609 = arith.constant 16 : index
        %get3A_610 = tpu.vector_load %arg12[%get3A_608, %get3A_609] {strides = array<i32>} : memref<400x64xf32, #tpu.memory_space<vmem>>, vector<16xf32>,
        %mul3A_611 = arith.mulf %get3A_610, %broadcast_in_dim3A_596 : vector<16xf32>
        %swap3A_612 = arith.index_cast %add3A_600 : i32 to index
        %swap3A_613 = arith.constant 16 : index
        %swap3A_614 = tpu.vector_load %arg12[%swap3A_612, %swap3A_613] {strides = array<i32>} : memref<400x64xf32, #tpu.memory_space<vmem>>, vector<16xf32>,
        tpu.vector_store %arg12[%swap3A_612, %swap3A_613], %mul3A_611 {strides = array<i32>} : memref<400x64xf32, #tpu.memory_space<vmem>>, vector<16xf32>,
        %get3A_615 = arith.index_cast %add3A_600 : i32 to index
        %get3A_616 = arith.constant 32 : index
        %get3A_617 = tpu.vector_load %arg12[%get3A_615, %get3A_616] {strides = array<i32>} : memref<400x64xf32, #tpu.memory_space<vmem>>, vector<16xf32>,
        %mul3A_618 = arith.mulf %get3A_617, %broadcast_in_dim3A_596 : vector<16xf32>
        %swap3A_619 = arith.index_cast %add3A_600 : i32 to index
        %swap3A_620 = arith.constant 32 : index
        %swap3A_621 = tpu.vector_load %arg12[%swap3A_619, %swap3A_620] {strides = array<i32>} : memref<400x64xf32, #tpu.memory_space<vmem>>, vector<16xf32>,
        tpu.vector_store %arg12[%swap3A_619, %swap3A_620], %mul3A_618 {strides = array<i32>} : memref<400x64xf32, #tpu.memory_space<vmem>>, vector<16xf32>,
        %get3A_622 = arith.index_cast %add3A_600 : i32 to index
        %get3A_623 = arith.constant 48 : index
        %get3A_624 = tpu.vector_load %arg12[%get3A_622, %get3A_623] {strides = array<i32>} : memref<400x64xf32, #tpu.memory_space<vmem>>, vector<16xf32>,
        %mul3A_625 = arith.mulf %get3A_624, %broadcast_in_dim3A_596 : vector<16xf32>
        %swap3A_626 = arith.index_cast %add3A_600 : i32 to index
        %swap3A_627 = arith.constant 48 : index
        %swap3A_628 = tpu.vector_load %arg12[%swap3A_626, %swap3A_627] {strides = array<i32>} : memref<400x64xf32, #tpu.memory_space<vmem>>, vector<16xf32>,
        tpu.vector_store %arg12[%swap3A_626, %swap3A_627], %mul3A_625 {strides = array<i32>} : memref<400x64xf32, #tpu.memory_space<vmem>>, vector<16xf32>,
        %slice3A_629 = vector.extract_strided_slice %exp3A {offsets = [9], sizes = [1], strides = [1]} : vector<16xf32> to vector<1xf32>
        %squeeze3A_630 = vector.extract %slice3A_629[0] : f32 from vector<1xf32>
        %broadcast_in_dim3A_631 = vector.broadcast %squeeze3A_630 : f32 to vector<16xf32>
        %mul3A_632 = arith.constant 16 : i32
        %mul3A_633 = arith.muli %scan3A_307, %mul3A_632 : i32
        %add3A_634 = arith.constant 9 : i32
        %add3A_635 = arith.addi %mul3A_633, %add3A_634 : i32
        %get3A_636 = arith.index_cast %add3A_635 : i32 to index
        %get3A_637 = arith.constant 0 : index
        %get3A_638 = tpu.vector_load %arg12[%get3A_636, %get3A_637] {strides = array<i32>} : memref<400x64xf32, #tpu.memory_space<vmem>>, vector<16xf32>,
        %mul3A_639 = arith.mulf %get3A_638, %broadcast_in_dim3A_631 : vector<16xf32>
        %swap3A_640 = arith.index_cast %add3A_635 : i32 to index
        %swap3A_641 = arith.constant 0 : index
        %swap3A_642 = tpu.vector_load %arg12[%swap3A_640, %swap3A_641] {strides = array<i32>} : memref<400x64xf32, #tpu.memory_space<vmem>>, vector<16xf32>,
        tpu.vector_store %arg12[%swap3A_640, %swap3A_641], %mul3A_639 {strides = array<i32>} : memref<400x64xf32, #tpu.memory_space<vmem>>, vector<16xf32>,
        %get3A_643 = arith.index_cast %add3A_635 : i32 to index
        %get3A_644 = arith.constant 16 : index
        %get3A_645 = tpu.vector_load %arg12[%get3A_643, %get3A_644] {strides = array<i32>} : memref<400x64xf32, #tpu.memory_space<vmem>>, vector<16xf32>,
        %mul3A_646 = arith.mulf %get3A_645, %broadcast_in_dim3A_631 : vector<16xf32>
        %swap3A_647 = arith.index_cast %add3A_635 : i32 to index
        %swap3A_648 = arith.constant 16 : index
        %swap3A_649 = tpu.vector_load %arg12[%swap3A_647, %swap3A_648] {strides = array<i32>} : memref<400x64xf32, #tpu.memory_space<vmem>>, vector<16xf32>,
        tpu.vector_store %arg12[%swap3A_647, %swap3A_648], %mul3A_646 {strides = array<i32>} : memref<400x64xf32, #tpu.memory_space<vmem>>, vector<16xf32>,
        %get3A_650 = arith.index_cast %add3A_635 : i32 to index
        %get3A_651 = arith.constant 32 : index
        %get3A_652 = tpu.vector_load %arg12[%get3A_650, %get3A_651] {strides = array<i32>} : memref<400x64xf32, #tpu.memory_space<vmem>>, vector<16xf32>,
        %mul3A_653 = arith.mulf %get3A_652, %broadcast_in_dim3A_631 : vector<16xf32>
        %swap3A_654 = arith.index_cast %add3A_635 : i32 to index
        %swap3A_655 = arith.constant 32 : index
        %swap3A_656 = tpu.vector_load %arg12[%swap3A_654, %swap3A_655] {strides = array<i32>} : memref<400x64xf32, #tpu.memory_space<vmem>>, vector<16xf32>,
        tpu.vector_store %arg12[%swap3A_654, %swap3A_655], %mul3A_653 {strides = array<i32>} : memref<400x64xf32, #tpu.memory_space<vmem>>, vector<16xf32>,
        %get3A_657 = arith.index_cast %add3A_635 : i32 to index
        %get3A_658 = arith.constant 48 : index
        %get3A_659 = tpu.vector_load %arg12[%get3A_657, %get3A_658] {strides = array<i32>} : memref<400x64xf32, #tpu.memory_space<vmem>>, vector<16xf32>,
        %mul3A_660 = arith.mulf %get3A_659, %broadcast_in_dim3A_631 : vector<16xf32>
        %swap3A_661 = arith.index_cast %add3A_635 : i32 to index
        %swap3A_662 = arith.constant 48 : index
        %swap3A_663 = tpu.vector_load %arg12[%swap3A_661, %swap3A_662] {strides = array<i32>} : memref<400x64xf32, #tpu.memory_space<vmem>>, vector<16xf32>,
        tpu.vector_store %arg12[%swap3A_661, %swap3A_662], %mul3A_660 {strides = array<i32>} : memref<400x64xf32, #tpu.memory_space<vmem>>, vector<16xf32>,
        %slice3A_664 = vector.extract_strided_slice %exp3A {offsets = [10], sizes = [1], strides = [1]} : vector<16xf32> to vector<1xf32>
        %squeeze3A_665 = vector.extract %slice3A_664[0] : f32 from vector<1xf32>
        %broadcast_in_dim3A_666 = vector.broadcast %squeeze3A_665 : f32 to vector<16xf32>
        %mul3A_667 = arith.constant 16 : i32
        %mul3A_668 = arith.muli %scan3A_307, %mul3A_667 : i32
        %add3A_669 = arith.constant 10 : i32
        %add3A_670 = arith.addi %mul3A_668, %add3A_669 : i32
        %get3A_671 = arith.index_cast %add3A_670 : i32 to index
        %get3A_672 = arith.constant 0 : index
        %get3A_673 = tpu.vector_load %arg12[%get3A_671, %get3A_672] {strides = array<i32>} : memref<400x64xf32, #tpu.memory_space<vmem>>, vector<16xf32>,
        %mul3A_674 = arith.mulf %get3A_673, %broadcast_in_dim3A_666 : vector<16xf32>
        %swap3A_675 = arith.index_cast %add3A_670 : i32 to index
        %swap3A_676 = arith.constant 0 : index
        %swap3A_677 = tpu.vector_load %arg12[%swap3A_675, %swap3A_676] {strides = array<i32>} : memref<400x64xf32, #tpu.memory_space<vmem>>, vector<16xf32>,
        tpu.vector_store %arg12[%swap3A_675, %swap3A_676], %mul3A_674 {strides = array<i32>} : memref<400x64xf32, #tpu.memory_space<vmem>>, vector<16xf32>,
        %get3A_678 = arith.index_cast %add3A_670 : i32 to index
        %get3A_679 = arith.constant 16 : index
        %get3A_680 = tpu.vector_load %arg12[%get3A_678, %get3A_679] {strides = array<i32>} : memref<400x64xf32, #tpu.memory_space<vmem>>, vector<16xf32>,
        %mul3A_681 = arith.mulf %get3A_680, %broadcast_in_dim3A_666 : vector<16xf32>
        %swap3A_682 = arith.index_cast %add3A_670 : i32 to index
        %swap3A_683 = arith.constant 16 : index
        %swap3A_684 = tpu.vector_load %arg12[%swap3A_682, %swap3A_683] {strides = array<i32>} : memref<400x64xf32, #tpu.memory_space<vmem>>, vector<16xf32>,
        tpu.vector_store %arg12[%swap3A_682, %swap3A_683], %mul3A_681 {strides = array<i32>} : memref<400x64xf32, #tpu.memory_space<vmem>>, vector<16xf32>,
        %get3A_685 = arith.index_cast %add3A_670 : i32 to index
        %get3A_686 = arith.constant 32 : index
        %get3A_687 = tpu.vector_load %arg12[%get3A_685, %get3A_686] {strides = array<i32>} : memref<400x64xf32, #tpu.memory_space<vmem>>, vector<16xf32>,
        %mul3A_688 = arith.mulf %get3A_687, %broadcast_in_dim3A_666 : vector<16xf32>
        %swap3A_689 = arith.index_cast %add3A_670 : i32 to index
        %swap3A_690 = arith.constant 32 : index
        %swap3A_691 = tpu.vector_load %arg12[%swap3A_689, %swap3A_690] {strides = array<i32>} : memref<400x64xf32, #tpu.memory_space<vmem>>, vector<16xf32>,
        tpu.vector_store %arg12[%swap3A_689, %swap3A_690], %mul3A_688 {strides = array<i32>} : memref<400x64xf32, #tpu.memory_space<vmem>>, vector<16xf32>,
        %get3A_692 = arith.index_cast %add3A_670 : i32 to index
        %get3A_693 = arith.constant 48 : index
        %get3A_694 = tpu.vector_load %arg12[%get3A_692, %get3A_693] {strides = array<i32>} : memref<400x64xf32, #tpu.memory_space<vmem>>, vector<16xf32>,
        %mul3A_695 = arith.mulf %get3A_694, %broadcast_in_dim3A_666 : vector<16xf32>
        %swap3A_696 = arith.index_cast %add3A_670 : i32 to index
        %swap3A_697 = arith.constant 48 : index
        %swap3A_698 = tpu.vector_load %arg12[%swap3A_696, %swap3A_697] {strides = array<i32>} : memref<400x64xf32, #tpu.memory_space<vmem>>, vector<16xf32>,
        tpu.vector_store %arg12[%swap3A_696, %swap3A_697], %mul3A_695 {strides = array<i32>} : memref<400x64xf32, #tpu.memory_space<vmem>>, vector<16xf32>,
        %slice3A_699 = vector.extract_strided_slice %exp3A {offsets = [11], sizes = [1], strides = [1]} : vector<16xf32> to vector<1xf32>
        %squeeze3A_700 = vector.extract %slice3A_699[0] : f32 from vector<1xf32>
        %broadcast_in_dim3A_701 = vector.broadcast %squeeze3A_700 : f32 to vector<16xf32>
        %mul3A_702 = arith.constant 16 : i32
        %mul3A_703 = arith.muli %scan3A_307, %mul3A_702 : i32
        %add3A_704 = arith.constant 11 : i32
        %add3A_705 = arith.addi %mul3A_703, %add3A_704 : i32
        %get3A_706 = arith.index_cast %add3A_705 : i32 to index
        %get3A_707 = arith.constant 0 : index
        %get3A_708 = tpu.vector_load %arg12[%get3A_706, %get3A_707] {strides = array<i32>} : memref<400x64xf32, #tpu.memory_space<vmem>>, vector<16xf32>,
        %mul3A_709 = arith.mulf %get3A_708, %broadcast_in_dim3A_701 : vector<16xf32>
        %swap3A_710 = arith.index_cast %add3A_705 : i32 to index
        %swap3A_711 = arith.constant 0 : index
        %swap3A_712 = tpu.vector_load %arg12[%swap3A_710, %swap3A_711] {strides = array<i32>} : memref<400x64xf32, #tpu.memory_space<vmem>>, vector<16xf32>,
        tpu.vector_store %arg12[%swap3A_710, %swap3A_711], %mul3A_709 {strides = array<i32>} : memref<400x64xf32, #tpu.memory_space<vmem>>, vector<16xf32>,
        %get3A_713 = arith.index_cast %add3A_705 : i32 to index
        %get3A_714 = arith.constant 16 : index
        %get3A_715 = tpu.vector_load %arg12[%get3A_713, %get3A_714] {strides = array<i32>} : memref<400x64xf32, #tpu.memory_space<vmem>>, vector<16xf32>,
        %mul3A_716 = arith.mulf %get3A_715, %broadcast_in_dim3A_701 : vector<16xf32>
        %swap3A_717 = arith.index_cast %add3A_705 : i32 to index
        %swap3A_718 = arith.constant 16 : index
        %swap3A_719 = tpu.vector_load %arg12[%swap3A_717, %swap3A_718] {strides = array<i32>} : memref<400x64xf32, #tpu.memory_space<vmem>>, vector<16xf32>,
        tpu.vector_store %arg12[%swap3A_717, %swap3A_718], %mul3A_716 {strides = array<i32>} : memref<400x64xf32, #tpu.memory_space<vmem>>, vector<16xf32>,
        %get3A_720 = arith.index_cast %add3A_705 : i32 to index
        %get3A_721 = arith.constant 32 : index
        %get3A_722 = tpu.vector_load %arg12[%get3A_720, %get3A_721] {strides = array<i32>} : memref<400x64xf32, #tpu.memory_space<vmem>>, vector<16xf32>,
        %mul3A_723 = arith.mulf %get3A_722, %broadcast_in_dim3A_701 : vector<16xf32>
        %swap3A_724 = arith.index_cast %add3A_705 : i32 to index
        %swap3A_725 = arith.constant 32 : index
        %swap3A_726 = tpu.vector_load %arg12[%swap3A_724, %swap3A_725] {strides = array<i32>} : memref<400x64xf32, #tpu.memory_space<vmem>>, vector<16xf32>,
        tpu.vector_store %arg12[%swap3A_724, %swap3A_725], %mul3A_723 {strides = array<i32>} : memref<400x64xf32, #tpu.memory_space<vmem>>, vector<16xf32>,
        %get3A_727 = arith.index_cast %add3A_705 : i32 to index
        %get3A_728 = arith.constant 48 : index
        %get3A_729 = tpu.vector_load %arg12[%get3A_727, %get3A_728] {strides = array<i32>} : memref<400x64xf32, #tpu.memory_space<vmem>>, vector<16xf32>,
        %mul3A_730 = arith.mulf %get3A_729, %broadcast_in_dim3A_701 : vector<16xf32>
        %swap3A_731 = arith.index_cast %add3A_705 : i32 to index
        %swap3A_732 = arith.constant 48 : index
        %swap3A_733 = tpu.vector_load %arg12[%swap3A_731, %swap3A_732] {strides = array<i32>} : memref<400x64xf32, #tpu.memory_space<vmem>>, vector<16xf32>,
        tpu.vector_store %arg12[%swap3A_731, %swap3A_732], %mul3A_730 {strides = array<i32>} : memref<400x64xf32, #tpu.memory_space<vmem>>, vector<16xf32>,
        %slice3A_734 = vector.extract_strided_slice %exp3A {offsets = [12], sizes = [1], strides = [1]} : vector<16xf32> to vector<1xf32>
        %squeeze3A_735 = vector.extract %slice3A_734[0] : f32 from vector<1xf32>
        %broadcast_in_dim3A_736 = vector.broadcast %squeeze3A_735 : f32 to vector<16xf32>
        %mul3A_737 = arith.constant 16 : i32
        %mul3A_738 = arith.muli %scan3A_307, %mul3A_737 : i32
        %add3A_739 = arith.constant 12 : i32
        %add3A_740 = arith.addi %mul3A_738, %add3A_739 : i32
        %get3A_741 = arith.index_cast %add3A_740 : i32 to index
        %get3A_742 = arith.constant 0 : index
        %get3A_743 = tpu.vector_load %arg12[%get3A_741, %get3A_742] {strides = array<i32>} : memref<400x64xf32, #tpu.memory_space<vmem>>, vector<16xf32>,
        %mul3A_744 = arith.mulf %get3A_743, %broadcast_in_dim3A_736 : vector<16xf32>
        %swap3A_745 = arith.index_cast %add3A_740 : i32 to index
        %swap3A_746 = arith.constant 0 : index
        %swap3A_747 = tpu.vector_load %arg12[%swap3A_745, %swap3A_746] {strides = array<i32>} : memref<400x64xf32, #tpu.memory_space<vmem>>, vector<16xf32>,
        tpu.vector_store %arg12[%swap3A_745, %swap3A_746], %mul3A_744 {strides = array<i32>} : memref<400x64xf32, #tpu.memory_space<vmem>>, vector<16xf32>,
        %get3A_748 = arith.index_cast %add3A_740 : i32 to index
        %get3A_749 = arith.constant 16 : index
        %get3A_750 = tpu.vector_load %arg12[%get3A_748, %get3A_749] {strides = array<i32>} : memref<400x64xf32, #tpu.memory_space<vmem>>, vector<16xf32>,
        %mul3A_751 = arith.mulf %get3A_750, %broadcast_in_dim3A_736 : vector<16xf32>
        %swap3A_752 = arith.index_cast %add3A_740 : i32 to index
        %swap3A_753 = arith.constant 16 : index
        %swap3A_754 = tpu.vector_load %arg12[%swap3A_752, %swap3A_753] {strides = array<i32>} : memref<400x64xf32, #tpu.memory_space<vmem>>, vector<16xf32>,
        tpu.vector_store %arg12[%swap3A_752, %swap3A_753], %mul3A_751 {strides = array<i32>} : memref<400x64xf32, #tpu.memory_space<vmem>>, vector<16xf32>,
        %get3A_755 = arith.index_cast %add3A_740 : i32 to index
        %get3A_756 = arith.constant 32 : index
        %get3A_757 = tpu.vector_load %arg12[%get3A_755, %get3A_756] {strides = array<i32>} : memref<400x64xf32, #tpu.memory_space<vmem>>, vector<16xf32>,
        %mul3A_758 = arith.mulf %get3A_757, %broadcast_in_dim3A_736 : vector<16xf32>
        %swap3A_759 = arith.index_cast %add3A_740 : i32 to index
        %swap3A_760 = arith.constant 32 : index
        %swap3A_761 = tpu.vector_load %arg12[%swap3A_759, %swap3A_760] {strides = array<i32>} : memref<400x64xf32, #tpu.memory_space<vmem>>, vector<16xf32>,
        tpu.vector_store %arg12[%swap3A_759, %swap3A_760], %mul3A_758 {strides = array<i32>} : memref<400x64xf32, #tpu.memory_space<vmem>>, vector<16xf32>,
        %get3A_762 = arith.index_cast %add3A_740 : i32 to index
        %get3A_763 = arith.constant 48 : index
        %get3A_764 = tpu.vector_load %arg12[%get3A_762, %get3A_763] {strides = array<i32>} : memref<400x64xf32, #tpu.memory_space<vmem>>, vector<16xf32>,
        %mul3A_765 = arith.mulf %get3A_764, %broadcast_in_dim3A_736 : vector<16xf32>
        %swap3A_766 = arith.index_cast %add3A_740 : i32 to index
        %swap3A_767 = arith.constant 48 : index
        %swap3A_768 = tpu.vector_load %arg12[%swap3A_766, %swap3A_767] {strides = array<i32>} : memref<400x64xf32, #tpu.memory_space<vmem>>, vector<16xf32>,
        tpu.vector_store %arg12[%swap3A_766, %swap3A_767], %mul3A_765 {strides = array<i32>} : memref<400x64xf32, #tpu.memory_space<vmem>>, vector<16xf32>,
        %slice3A_769 = vector.extract_strided_slice %exp3A {offsets = [13], sizes = [1], strides = [1]} : vector<16xf32> to vector<1xf32>
        %squeeze3A_770 = vector.extract %slice3A_769[0] : f32 from vector<1xf32>
        %broadcast_in_dim3A_771 = vector.broadcast %squeeze3A_770 : f32 to vector<16xf32>
        %mul3A_772 = arith.constant 16 : i32
        %mul3A_773 = arith.muli %scan3A_307, %mul3A_772 : i32
        %add3A_774 = arith.constant 13 : i32
        %add3A_775 = arith.addi %mul3A_773, %add3A_774 : i32
        %get3A_776 = arith.index_cast %add3A_775 : i32 to index
        %get3A_777 = arith.constant 0 : index
        %get3A_778 = tpu.vector_load %arg12[%get3A_776, %get3A_777] {strides = array<i32>} : memref<400x64xf32, #tpu.memory_space<vmem>>, vector<16xf32>,
        %mul3A_779 = arith.mulf %get3A_778, %broadcast_in_dim3A_771 : vector<16xf32>
        %swap3A_780 = arith.index_cast %add3A_775 : i32 to index
        %swap3A_781 = arith.constant 0 : index
        %swap3A_782 = tpu.vector_load %arg12[%swap3A_780, %swap3A_781] {strides = array<i32>} : memref<400x64xf32, #tpu.memory_space<vmem>>, vector<16xf32>,
        tpu.vector_store %arg12[%swap3A_780, %swap3A_781], %mul3A_779 {strides = array<i32>} : memref<400x64xf32, #tpu.memory_space<vmem>>, vector<16xf32>,
        %get3A_783 = arith.index_cast %add3A_775 : i32 to index
        %get3A_784 = arith.constant 16 : index
        %get3A_785 = tpu.vector_load %arg12[%get3A_783, %get3A_784] {strides = array<i32>} : memref<400x64xf32, #tpu.memory_space<vmem>>, vector<16xf32>,
        %mul3A_786 = arith.mulf %get3A_785, %broadcast_in_dim3A_771 : vector<16xf32>
        %swap3A_787 = arith.index_cast %add3A_775 : i32 to index
        %swap3A_788 = arith.constant 16 : index
        %swap3A_789 = tpu.vector_load %arg12[%swap3A_787, %swap3A_788] {strides = array<i32>} : memref<400x64xf32, #tpu.memory_space<vmem>>, vector<16xf32>,
        tpu.vector_store %arg12[%swap3A_787, %swap3A_788], %mul3A_786 {strides = array<i32>} : memref<400x64xf32, #tpu.memory_space<vmem>>, vector<16xf32>,
        %get3A_790 = arith.index_cast %add3A_775 : i32 to index
        %get3A_791 = arith.constant 32 : index
        %get3A_792 = tpu.vector_load %arg12[%get3A_790, %get3A_791] {strides = array<i32>} : memref<400x64xf32, #tpu.memory_space<vmem>>, vector<16xf32>,
        %mul3A_793 = arith.mulf %get3A_792, %broadcast_in_dim3A_771 : vector<16xf32>
        %swap3A_794 = arith.index_cast %add3A_775 : i32 to index
        %swap3A_795 = arith.constant 32 : index
        %swap3A_796 = tpu.vector_load %arg12[%swap3A_794, %swap3A_795] {strides = array<i32>} : memref<400x64xf32, #tpu.memory_space<vmem>>, vector<16xf32>,
        tpu.vector_store %arg12[%swap3A_794, %swap3A_795], %mul3A_793 {strides = array<i32>} : memref<400x64xf32, #tpu.memory_space<vmem>>, vector<16xf32>,
        %get3A_797 = arith.index_cast %add3A_775 : i32 to index
        %get3A_798 = arith.constant 48 : index
        %get3A_799 = tpu.vector_load %arg12[%get3A_797, %get3A_798] {strides = array<i32>} : memref<400x64xf32, #tpu.memory_space<vmem>>, vector<16xf32>,
        %mul3A_800 = arith.mulf %get3A_799, %broadcast_in_dim3A_771 : vector<16xf32>
        %swap3A_801 = arith.index_cast %add3A_775 : i32 to index
        %swap3A_802 = arith.constant 48 : index
        %swap3A_803 = tpu.vector_load %arg12[%swap3A_801, %swap3A_802] {strides = array<i32>} : memref<400x64xf32, #tpu.memory_space<vmem>>, vector<16xf32>,
        tpu.vector_store %arg12[%swap3A_801, %swap3A_802], %mul3A_800 {strides = array<i32>} : memref<400x64xf32, #tpu.memory_space<vmem>>, vector<16xf32>,
        %slice3A_804 = vector.extract_strided_slice %exp3A {offsets = [14], sizes = [1], strides = [1]} : vector<16xf32> to vector<1xf32>
        %squeeze3A_805 = vector.extract %slice3A_804[0] : f32 from vector<1xf32>
        %broadcast_in_dim3A_806 = vector.broadcast %squeeze3A_805 : f32 to vector<16xf32>
        %mul3A_807 = arith.constant 16 : i32
        %mul3A_808 = arith.muli %scan3A_307, %mul3A_807 : i32
        %add3A_809 = arith.constant 14 : i32
        %add3A_810 = arith.addi %mul3A_808, %add3A_809 : i32
        %get3A_811 = arith.index_cast %add3A_810 : i32 to index
        %get3A_812 = arith.constant 0 : index
        %get3A_813 = tpu.vector_load %arg12[%get3A_811, %get3A_812] {strides = array<i32>} : memref<400x64xf32, #tpu.memory_space<vmem>>, vector<16xf32>,
        %mul3A_814 = arith.mulf %get3A_813, %broadcast_in_dim3A_806 : vector<16xf32>
        %swap3A_815 = arith.index_cast %add3A_810 : i32 to index
        %swap3A_816 = arith.constant 0 : index
        %swap3A_817 = tpu.vector_load %arg12[%swap3A_815, %swap3A_816] {strides = array<i32>} : memref<400x64xf32, #tpu.memory_space<vmem>>, vector<16xf32>,
        tpu.vector_store %arg12[%swap3A_815, %swap3A_816], %mul3A_814 {strides = array<i32>} : memref<400x64xf32, #tpu.memory_space<vmem>>, vector<16xf32>,
        %get3A_818 = arith.index_cast %add3A_810 : i32 to index
        %get3A_819 = arith.constant 16 : index
        %get3A_820 = tpu.vector_load %arg12[%get3A_818, %get3A_819] {strides = array<i32>} : memref<400x64xf32, #tpu.memory_space<vmem>>, vector<16xf32>,
        %mul3A_821 = arith.mulf %get3A_820, %broadcast_in_dim3A_806 : vector<16xf32>
        %swap3A_822 = arith.index_cast %add3A_810 : i32 to index
        %swap3A_823 = arith.constant 16 : index
        %swap3A_824 = tpu.vector_load %arg12[%swap3A_822, %swap3A_823] {strides = array<i32>} : memref<400x64xf32, #tpu.memory_space<vmem>>, vector<16xf32>,
        tpu.vector_store %arg12[%swap3A_822, %swap3A_823], %mul3A_821 {strides = array<i32>} : memref<400x64xf32, #tpu.memory_space<vmem>>, vector<16xf32>,
        %get3A_825 = arith.index_cast %add3A_810 : i32 to index
        %get3A_826 = arith.constant 32 : index
        %get3A_827 = tpu.vector_load %arg12[%get3A_825, %get3A_826] {strides = array<i32>} : memref<400x64xf32, #tpu.memory_space<vmem>>, vector<16xf32>,
        %mul3A_828 = arith.mulf %get3A_827, %broadcast_in_dim3A_806 : vector<16xf32>
        %swap3A_829 = arith.index_cast %add3A_810 : i32 to index
        %swap3A_830 = arith.constant 32 : index
        %swap3A_831 = tpu.vector_load %arg12[%swap3A_829, %swap3A_830] {strides = array<i32>} : memref<400x64xf32, #tpu.memory_space<vmem>>, vector<16xf32>,
        tpu.vector_store %arg12[%swap3A_829, %swap3A_830], %mul3A_828 {strides = array<i32>} : memref<400x64xf32, #tpu.memory_space<vmem>>, vector<16xf32>,
        %get3A_832 = arith.index_cast %add3A_810 : i32 to index
        %get3A_833 = arith.constant 48 : index
        %get3A_834 = tpu.vector_load %arg12[%get3A_832, %get3A_833] {strides = array<i32>} : memref<400x64xf32, #tpu.memory_space<vmem>>, vector<16xf32>,
        %mul3A_835 = arith.mulf %get3A_834, %broadcast_in_dim3A_806 : vector<16xf32>
        %swap3A_836 = arith.index_cast %add3A_810 : i32 to index
        %swap3A_837 = arith.constant 48 : index
        %swap3A_838 = tpu.vector_load %arg12[%swap3A_836, %swap3A_837] {strides = array<i32>} : memref<400x64xf32, #tpu.memory_space<vmem>>, vector<16xf32>,
        tpu.vector_store %arg12[%swap3A_836, %swap3A_837], %mul3A_835 {strides = array<i32>} : memref<400x64xf32, #tpu.memory_space<vmem>>, vector<16xf32>,
        %slice3A_839 = vector.extract_strided_slice %exp3A {offsets = [15], sizes = [1], strides = [1]} : vector<16xf32> to vector<1xf32>
        %squeeze3A_840 = vector.extract %slice3A_839[0] : f32 from vector<1xf32>
        %broadcast_in_dim3A_841 = vector.broadcast %squeeze3A_840 : f32 to vector<16xf32>
        %mul3A_842 = arith.constant 16 : i32
        %mul3A_843 = arith.muli %scan3A_307, %mul3A_842 : i32
        %add3A_844 = arith.constant 15 : i32
        %add3A_845 = arith.addi %mul3A_843, %add3A_844 : i32
        %get3A_846 = arith.index_cast %add3A_845 : i32 to index
        %get3A_847 = arith.constant 0 : index
        %get3A_848 = tpu.vector_load %arg12[%get3A_846, %get3A_847] {strides = array<i32>} : memref<400x64xf32, #tpu.memory_space<vmem>>, vector<16xf32>,
        %mul3A_849 = arith.mulf %get3A_848, %broadcast_in_dim3A_841 : vector<16xf32>
        %swap3A_850 = arith.index_cast %add3A_845 : i32 to index
        %swap3A_851 = arith.constant 0 : index
        %swap3A_852 = tpu.vector_load %arg12[%swap3A_850, %swap3A_851] {strides = array<i32>} : memref<400x64xf32, #tpu.memory_space<vmem>>, vector<16xf32>,
        tpu.vector_store %arg12[%swap3A_850, %swap3A_851], %mul3A_849 {strides = array<i32>} : memref<400x64xf32, #tpu.memory_space<vmem>>, vector<16xf32>,
        %get3A_853 = arith.index_cast %add3A_845 : i32 to index
        %get3A_854 = arith.constant 16 : index
        %get3A_855 = tpu.vector_load %arg12[%get3A_853, %get3A_854] {strides = array<i32>} : memref<400x64xf32, #tpu.memory_space<vmem>>, vector<16xf32>,
        %mul3A_856 = arith.mulf %get3A_855, %broadcast_in_dim3A_841 : vector<16xf32>
        %swap3A_857 = arith.index_cast %add3A_845 : i32 to index
        %swap3A_858 = arith.constant 16 : index
        %swap3A_859 = tpu.vector_load %arg12[%swap3A_857, %swap3A_858] {strides = array<i32>} : memref<400x64xf32, #tpu.memory_space<vmem>>, vector<16xf32>,
        tpu.vector_store %arg12[%swap3A_857, %swap3A_858], %mul3A_856 {strides = array<i32>} : memref<400x64xf32, #tpu.memory_space<vmem>>, vector<16xf32>,
        %get3A_860 = arith.index_cast %add3A_845 : i32 to index
        %get3A_861 = arith.constant 32 : index
        %get3A_862 = tpu.vector_load %arg12[%get3A_860, %get3A_861] {strides = array<i32>} : memref<400x64xf32, #tpu.memory_space<vmem>>, vector<16xf32>,
        %mul3A_863 = arith.mulf %get3A_862, %broadcast_in_dim3A_841 : vector<16xf32>
        %swap3A_864 = arith.index_cast %add3A_845 : i32 to index
        %swap3A_865 = arith.constant 32 : index
        %swap3A_866 = tpu.vector_load %arg12[%swap3A_864, %swap3A_865] {strides = array<i32>} : memref<400x64xf32, #tpu.memory_space<vmem>>, vector<16xf32>,
        tpu.vector_store %arg12[%swap3A_864, %swap3A_865], %mul3A_863 {strides = array<i32>} : memref<400x64xf32, #tpu.memory_space<vmem>>, vector<16xf32>,
        %get3A_867 = arith.index_cast %add3A_845 : i32 to index
        %get3A_868 = arith.constant 48 : index
        %get3A_869 = tpu.vector_load %arg12[%get3A_867, %get3A_868] {strides = array<i32>} : memref<400x64xf32, #tpu.memory_space<vmem>>, vector<16xf32>,
        %mul3A_870 = arith.mulf %get3A_869, %broadcast_in_dim3A_841 : vector<16xf32>
        %swap3A_871 = arith.index_cast %add3A_845 : i32 to index
        %swap3A_872 = arith.constant 48 : index
        %swap3A_873 = tpu.vector_load %arg12[%swap3A_871, %swap3A_872] {strides = array<i32>} : memref<400x64xf32, #tpu.memory_space<vmem>>, vector<16xf32>,
        tpu.vector_store %arg12[%swap3A_871, %swap3A_872], %mul3A_870 {strides = array<i32>} : memref<400x64xf32, #tpu.memory_space<vmem>>, vector<16xf32>,
      }
      %scan3A_261 = arith.constant 25 : i32
      %lt3A_262 = arith.constant 24 : i32
      %lt3A_263 = arith.cmpi slt, %scan3A_111, %lt3A_262 : i32
      %convert_element_type3A_264 = arith.extui %lt3A_263 : i1 to i32
      %cond3A_265 = arith.constant 0 : i32
      %cond3A_266 = arith.cmpi ne, %convert_element_type3A_264, %cond3A_265 : i32
      scf.if %cond3A_266 {
        %dma_wait3A_307 = tpu.memref_slice %arg7[%mul3A_0] : memref<320000xi32, #tpu.memory_space<hbm>> -> memref<400xi32, #tpu.memory_space<hbm>>
        %dma_wait3A_308 = tpu.memref_slice %arg7[%mul3A_0] : memref<320000xi32, #tpu.memory_space<hbm>> -> memref<400xi32, #tpu.memory_space<hbm>>
        tpu.wait_dma2 semaphore(%arg23 : memref<!tpu.dma_semaphore, #tpu.memory_space<semaphore_mem>>) src(%dma_wait3A_308 : memref<400xi32, #tpu.memory_space<hbm>>) dst(%arg15 : memref<400xi32, #tpu.memory_space<vmem>>)
        %dma_wait3A_309 = tpu.memref_slice %arg4[%mul3A_0] : memref<320000xf32, #tpu.memory_space<hbm>> -> memref<400xf32, #tpu.memory_space<hbm>>
        %dma_wait3A_310 = tpu.memref_slice %arg4[%mul3A_0] : memref<320000xf32, #tpu.memory_space<hbm>> -> memref<400xf32, #tpu.memory_space<hbm>>
        tpu.wait_dma2 semaphore(%arg23 : memref<!tpu.dma_semaphore, #tpu.memory_space<semaphore_mem>>) src(%dma_wait3A_310 : memref<400xf32, #tpu.memory_space<hbm>>) dst(%arg13 : memref<400xf32, #tpu.memory_space<vmem>>)
        %dma_wait3A_311 = tpu.memref_slice %arg8[%mul3A_0] : memref<320000xi32, #tpu.memory_space<hbm>> -> memref<400xi32, #tpu.memory_space<hbm>>
        %dma_wait3A_312 = tpu.memref_slice %arg8[%mul3A_0] : memref<320000xi32, #tpu.memory_space<hbm>> -> memref<400xi32, #tpu.memory_space<hbm>>
        tpu.wait_dma2 semaphore(%arg23 : memref<!tpu.dma_semaphore, #tpu.memory_space<semaphore_mem>>) src(%dma_wait3A_312 : memref<400xi32, #tpu.memory_space<hbm>>) dst(%arg17 : memref<400xi32, #tpu.memory_space<vmem>>)
        %dma_wait3A_313 = arith.constant 0 : i32
        %dma_wait3A_314 = arith.constant 0 : i32
        %dma_wait3A_315 = tpu.memref_slice %arg6[%dma_wait3A_313, %dma_wait3A_314] : memref<3200x100xi32, #tpu.memory_space<hbm>> -> memref<4x100xi32, #tpu.memory_space<hbm>>
        %dma_wait3A_316 = arith.constant 0 : i32
        %dma_wait3A_317 = arith.constant 0 : i32
        %dma_wait3A_318 = tpu.memref_slice %arg6[%dma_wait3A_316, %dma_wait3A_317] : memref<3200x100xi32, #tpu.memory_space<hbm>> -> memref<4x100xi32, #tpu.memory_space<hbm>>
        tpu.wait_dma2 semaphore(%arg23 : memref<!tpu.dma_semaphore, #tpu.memory_space<semaphore_mem>>) src(%dma_wait3A_318 : memref<4x100xi32, #tpu.memory_space<hbm>>) dst(%arg19 : memref<4x100xi32, #tpu.memory_space<vmem>>)
        %eq3A_319 = arith.constant 0 : i32
        %eq3A_320 = arith.cmpi eq, %arg0, %eq3A_319 : i32
        %convert_element_type3A_321 = arith.extui %eq3A_320 : i1 to i32
        %cond3A_322 = arith.constant 0 : i32
        %cond3A_323 = arith.cmpi ne, %convert_element_type3A_321, %cond3A_322 : i32
        scf.if %cond3A_323 {
          %dma_start3A_329 = arith.constant 0 : i32
          %dma_start3A_330 = arith.constant 0 : i32
          %dma_start3A_331 = tpu.memref_slice %arg2[%dma_start3A_329, %dma_start3A_330] : memref<10000x64xf32, #tpu.memory_space<hbm>> -> memref<10000x64xf32, #tpu.memory_space<hbm>>
          tpu.enqueue_indirect_dma source(%dma_start3A_331 : memref<10000x64xf32, #tpu.memory_space<hbm>>) target(%arg11 : memref<400x64xf32, #tpu.memory_space<vmem>>) offsets(%arg15 : memref<400xi32, #tpu.memory_space<vmem>>) semaphore(%arg24 : memref<!tpu.dma_semaphore, #tpu.memory_space<semaphore_mem>>)
        } else {
        }
        %eq3A_324 = arith.constant 1 : i32
        %eq3A_325 = arith.cmpi eq, %arg0, %eq3A_324 : i32
        %convert_element_type3A_326 = arith.extui %eq3A_325 : i1 to i32
        %cond3A_327 = arith.constant 0 : i32
        %cond3A_328 = arith.cmpi ne, %convert_element_type3A_326, %cond3A_327 : i32
        scf.if %cond3A_328 {
          %dma_start3A_329 = arith.constant 0 : i32
          %dma_start3A_330 = arith.constant 0 : i32
          %dma_start3A_331 = tpu.memref_slice %arg3[%dma_start3A_329, %dma_start3A_330] : memref<10000x64xf32, #tpu.memory_space<hbm>> -> memref<10000x64xf32, #tpu.memory_space<hbm>>
          tpu.enqueue_indirect_dma source(%dma_start3A_331 : memref<10000x64xf32, #tpu.memory_space<hbm>>) target(%arg11 : memref<400x64xf32, #tpu.memory_space<vmem>>) offsets(%arg15 : memref<400xi32, #tpu.memory_space<vmem>>) semaphore(%arg24 : memref<!tpu.dma_semaphore, #tpu.memory_space<semaphore_mem>>)
        } else {
        }
      } else {
      }
      %dma_start3A_267 = arith.constant 0 : i32
      %dma_start3A_268 = arith.constant 0 : i32
      %dma_start3A_269 = arith.constant 0 : i32
      %dma_start3A_270 = tpu.memref_slice %arg12[%dma_start3A_268, %dma_start3A_269] : memref<400x64xf32, #tpu.memory_space<vmem>> -> memref<100x64xf32, #tpu.memory_space<vmem>>
      %dma_start3A_271 = arith.constant 0 : i32
      %dma_start3A_272 = tpu.memref_slice %arg20[%dma_start3A_267, %dma_start3A_271] : memref<4x100xi32, #tpu.memory_space<vmem>> -> memref<1x100xi32, #tpu.memory_space<vmem>>
      %dma_start3A_273 = tpu.memref_squeeze %dma_start3A_272 : memref<1x100xi32, #tpu.memory_space<vmem>> -> memref<100xi32, #tpu.memory_space<vmem>>
      %dma_start3A_274 = arith.constant 0 : i32
      %dma_start3A_275 = arith.constant 0 : i32
      %dma_start3A_276 = tpu.memref_slice %arg26[%dma_start3A_274, %dma_start3A_275] : memref<10000x64xf32, #tpu.memory_space<vmem_shared>> -> memref<10000x64xf32, #tpu.memory_space<vmem_shared>>
      tpu.enqueue_indirect_dma source(%dma_start3A_270 : memref<100x64xf32, #tpu.memory_space<vmem>>) target(%dma_start3A_276 : memref<10000x64xf32, #tpu.memory_space<vmem_shared>>) offsets(%dma_start3A_273 : memref<100xi32, #tpu.memory_space<vmem>>) semaphore(%arg25 : memref<!tpu.dma_semaphore, #tpu.memory_space<semaphore_mem>>) {add = true}
      %dma_start3A_277 = arith.constant 1 : i32
      %dma_start3A_278 = arith.constant 100 : i32
      %dma_start3A_279 = arith.constant 0 : i32
      %dma_start3A_280 = tpu.memref_slice %arg12[%dma_start3A_278, %dma_start3A_279] : memref<400x64xf32, #tpu.memory_space<vmem>> -> memref<100x64xf32, #tpu.memory_space<vmem>>
      %dma_start3A_281 = arith.constant 0 : i32
      %dma_start3A_282 = tpu.memref_slice %arg20[%dma_start3A_277, %dma_start3A_281] : memref<4x100xi32, #tpu.memory_space<vmem>> -> memref<1x100xi32, #tpu.memory_space<vmem>>
      %dma_start3A_283 = tpu.memref_squeeze %dma_start3A_282 : memref<1x100xi32, #tpu.memory_space<vmem>> -> memref<100xi32, #tpu.memory_space<vmem>>
      %dma_start3A_284 = arith.constant 0 : i32
      %dma_start3A_285 = arith.constant 0 : i32
      %dma_start3A_286 = tpu.memref_slice %arg26[%dma_start3A_284, %dma_start3A_285] : memref<10000x64xf32, #tpu.memory_space<vmem_shared>> -> memref<10000x64xf32, #tpu.memory_space<vmem_shared>>
      tpu.enqueue_indirect_dma source(%dma_start3A_280 : memref<100x64xf32, #tpu.memory_space<vmem>>) target(%dma_start3A_286 : memref<10000x64xf32, #tpu.memory_space<vmem_shared>>) offsets(%dma_start3A_283 : memref<100xi32, #tpu.memory_space<vmem>>) semaphore(%arg25 : memref<!tpu.dma_semaphore, #tpu.memory_space<semaphore_mem>>) {add = true}
      %dma_start3A_287 = arith.constant 2 : i32
      %dma_start3A_288 = arith.constant 200 : i32
      %dma_start3A_289 = arith.constant 0 : i32
      %dma_start3A_290 = tpu.memref_slice %arg12[%dma_start3A_288, %dma_start3A_289] : memref<400x64xf32, #tpu.memory_space<vmem>> -> memref<100x64xf32, #tpu.memory_space<vmem>>
      %dma_start3A_291 = arith.constant 0 : i32
      %dma_start3A_292 = tpu.memref_slice %arg20[%dma_start3A_287, %dma_start3A_291] : memref<4x100xi32, #tpu.memory_space<vmem>> -> memref<1x100xi32, #tpu.memory_space<vmem>>
      %dma_start3A_293 = tpu.memref_squeeze %dma_start3A_292 : memref<1x100xi32, #tpu.memory_space<vmem>> -> memref<100xi32, #tpu.memory_space<vmem>>
      %dma_start3A_294 = arith.constant 0 : i32
      %dma_start3A_295 = arith.constant 0 : i32
      %dma_start3A_296 = tpu.memref_slice %arg26[%dma_start3A_294, %dma_start3A_295] : memref<10000x64xf32, #tpu.memory_space<vmem_shared>> -> memref<10000x64xf32, #tpu.memory_space<vmem_shared>>
      tpu.enqueue_indirect_dma source(%dma_start3A_290 : memref<100x64xf32, #tpu.memory_space<vmem>>) target(%dma_start3A_296 : memref<10000x64xf32, #tpu.memory_space<vmem_shared>>) offsets(%dma_start3A_293 : memref<100xi32, #tpu.memory_space<vmem>>) semaphore(%arg25 : memref<!tpu.dma_semaphore, #tpu.memory_space<semaphore_mem>>) {add = true}
      %dma_start3A_297 = arith.constant 3 : i32
      %dma_start3A_298 = arith.constant 300 : i32
      %dma_start3A_299 = arith.constant 0 : i32
      %dma_start3A_300 = tpu.memref_slice %arg12[%dma_start3A_298, %dma_start3A_299] : memref<400x64xf32, #tpu.memory_space<vmem>> -> memref<100x64xf32, #tpu.memory_space<vmem>>
      %dma_start3A_301 = arith.constant 0 : i32
      %dma_start3A_302 = tpu.memref_slice %arg20[%dma_start3A_297, %dma_start3A_301] : memref<4x100xi32, #tpu.memory_space<vmem>> -> memref<1x100xi32, #tpu.memory_space<vmem>>
      %dma_start3A_303 = tpu.memref_squeeze %dma_start3A_302 : memref<1x100xi32, #tpu.memory_space<vmem>> -> memref<100xi32, #tpu.memory_space<vmem>>
      %dma_start3A_304 = arith.constant 0 : i32
      %dma_start3A_305 = arith.constant 0 : i32
      %dma_start3A_306 = tpu.memref_slice %arg26[%dma_start3A_304, %dma_start3A_305] : memref<10000x64xf32, #tpu.memory_space<vmem_shared>> -> memref<10000x64xf32, #tpu.memory_space<vmem_shared>>
      tpu.enqueue_indirect_dma source(%dma_start3A_300 : memref<100x64xf32, #tpu.memory_space<vmem>>) target(%dma_start3A_306 : memref<10000x64xf32, #tpu.memory_space<vmem_shared>>) offsets(%dma_start3A_303 : memref<100xi32, #tpu.memory_space<vmem>>) semaphore(%arg25 : memref<!tpu.dma_semaphore, #tpu.memory_space<semaphore_mem>>) {add = true}
    }
    %scan3A_59 = arith.constant 25 : i32
    %dma_wait3A_60 = arith.constant 0 : i32
    %dma_wait3A_61 = arith.constant 0 : i32
    %dma_wait3A_62 = arith.constant 0 : i32
    %dma_wait3A_63 = tpu.memref_slice %arg12[%dma_wait3A_61, %dma_wait3A_62] : memref<400x64xf32, #tpu.memory_space<vmem>> -> memref<100x64xf32, #tpu.memory_space<vmem>>
    %dma_wait3A_64 = arith.constant 0 : i32
    %dma_wait3A_65 = tpu.memref_slice %arg20[%dma_wait3A_60, %dma_wait3A_64] : memref<4x100xi32, #tpu.memory_space<vmem>> -> memref<1x100xi32, #tpu.memory_space<vmem>>
    %dma_wait3A_66 = tpu.memref_squeeze %dma_wait3A_65 : memref<1x100xi32, #tpu.memory_space<vmem>> -> memref<100xi32, #tpu.memory_space<vmem>>
    %dma_wait3A_67 = arith.constant 0 : i32
    %dma_wait3A_68 = arith.constant 0 : i32
    %dma_wait3A_69 = tpu.memref_slice %arg26[%dma_wait3A_67, %dma_wait3A_68] : memref<10000x64xf32, #tpu.memory_space<vmem_shared>> -> memref<10000x64xf32, #tpu.memory_space<vmem_shared>>
    tpu.wait_indirect_dma semaphore(%arg25 : memref<!tpu.dma_semaphore, #tpu.memory_space<semaphore_mem>>) src(%dma_wait3A_63 : memref<100x64xf32, #tpu.memory_space<vmem>>) dst(%dma_wait3A_69 : memref<10000x64xf32, #tpu.memory_space<vmem_shared>>)
    %dma_wait3A_70 = arith.constant 1 : i32
    %dma_wait3A_71 = arith.constant 100 : i32
    %dma_wait3A_72 = arith.constant 0 : i32
    %dma_wait3A_73 = tpu.memref_slice %arg12[%dma_wait3A_71, %dma_wait3A_72] : memref<400x64xf32, #tpu.memory_space<vmem>> -> memref<100x64xf32, #tpu.memory_space<vmem>>
    %dma_wait3A_74 = arith.constant 0 : i32
    %dma_wait3A_75 = tpu.memref_slice %arg20[%dma_wait3A_70, %dma_wait3A_74] : memref<4x100xi32, #tpu.memory_space<vmem>> -> memref<1x100xi32, #tpu.memory_space<vmem>>
    %dma_wait3A_76 = tpu.memref_squeeze %dma_wait3A_75 : memref<1x100xi32, #tpu.memory_space<vmem>> -> memref<100xi32, #tpu.memory_space<vmem>>
    %dma_wait3A_77 = arith.constant 0 : i32
    %dma_wait3A_78 = arith.constant 0 : i32
    %dma_wait3A_79 = tpu.memref_slice %arg26[%dma_wait3A_77, %dma_wait3A_78] : memref<10000x64xf32, #tpu.memory_space<vmem_shared>> -> memref<10000x64xf32, #tpu.memory_space<vmem_shared>>
    tpu.wait_indirect_dma semaphore(%arg25 : memref<!tpu.dma_semaphore, #tpu.memory_space<semaphore_mem>>) src(%dma_wait3A_73 : memref<100x64xf32, #tpu.memory_space<vmem>>) dst(%dma_wait3A_79 : memref<10000x64xf32, #tpu.memory_space<vmem_shared>>)
    %dma_wait3A_80 = arith.constant 2 : i32
    %dma_wait3A_81 = arith.constant 200 : i32
    %dma_wait3A_82 = arith.constant 0 : i32
    %dma_wait3A_83 = tpu.memref_slice %arg12[%dma_wait3A_81, %dma_wait3A_82] : memref<400x64xf32, #tpu.memory_space<vmem>> -> memref<100x64xf32, #tpu.memory_space<vmem>>
    %dma_wait3A_84 = arith.constant 0 : i32
    %dma_wait3A_85 = tpu.memref_slice %arg20[%dma_wait3A_80, %dma_wait3A_84] : memref<4x100xi32, #tpu.memory_space<vmem>> -> memref<1x100xi32, #tpu.memory_space<vmem>>
    %dma_wait3A_86 = tpu.memref_squeeze %dma_wait3A_85 : memref<1x100xi32, #tpu.memory_space<vmem>> -> memref<100xi32, #tpu.memory_space<vmem>>
    %dma_wait3A_87 = arith.constant 0 : i32
    %dma_wait3A_88 = arith.constant 0 : i32
    %dma_wait3A_89 = tpu.memref_slice %arg26[%dma_wait3A_87, %dma_wait3A_88] : memref<10000x64xf32, #tpu.memory_space<vmem_shared>> -> memref<10000x64xf32, #tpu.memory_space<vmem_shared>>
    tpu.wait_indirect_dma semaphore(%arg25 : memref<!tpu.dma_semaphore, #tpu.memory_space<semaphore_mem>>) src(%dma_wait3A_83 : memref<100x64xf32, #tpu.memory_space<vmem>>) dst(%dma_wait3A_89 : memref<10000x64xf32, #tpu.memory_space<vmem_shared>>)
    %dma_wait3A_90 = arith.constant 3 : i32
    %dma_wait3A_91 = arith.constant 300 : i32
    %dma_wait3A_92 = arith.constant 0 : i32
    %dma_wait3A_93 = tpu.memref_slice %arg12[%dma_wait3A_91, %dma_wait3A_92] : memref<400x64xf32, #tpu.memory_space<vmem>> -> memref<100x64xf32, #tpu.memory_space<vmem>>
    %dma_wait3A_94 = arith.constant 0 : i32
    %dma_wait3A_95 = tpu.memref_slice %arg20[%dma_wait3A_90, %dma_wait3A_94] : memref<4x100xi32, #tpu.memory_space<vmem>> -> memref<1x100xi32, #tpu.memory_space<vmem>>
    %dma_wait3A_96 = tpu.memref_squeeze %dma_wait3A_95 : memref<1x100xi32, #tpu.memory_space<vmem>> -> memref<100xi32, #tpu.memory_space<vmem>>
    %dma_wait3A_97 = arith.constant 0 : i32
    %dma_wait3A_98 = arith.constant 0 : i32
    %dma_wait3A_99 = tpu.memref_slice %arg26[%dma_wait3A_97, %dma_wait3A_98] : memref<10000x64xf32, #tpu.memory_space<vmem_shared>> -> memref<10000x64xf32, #tpu.memory_space<vmem_shared>>
    tpu.wait_indirect_dma semaphore(%arg25 : memref<!tpu.dma_semaphore, #tpu.memory_space<semaphore_mem>>) src(%dma_wait3A_93 : memref<100x64xf32, #tpu.memory_space<vmem>>) dst(%dma_wait3A_99 : memref<10000x64xf32, #tpu.memory_space<vmem_shared>>)
    %barrier3A_100 = arith.constant 0 : index
    tpu.barrier barrier_id(%barrier3A_100)
    "tpu.region"() ({
      %run_scoped3A = tpu.sem_alloc : memref<!tpu.dma_semaphore, #tpu.memory_space<semaphore_mem>>
      %dma_start3A_111 = arith.constant 0 : i32
      %dma_start3A_112 = tpu.memref_slice %arg9[%arg0, %mul3A_14, %dma_start3A_111] : memref<2x10000x64xf32, #tpu.memory_space<hbm>> -> memref<1x624x64xf32, #tpu.memory_space<hbm>>
      %dma_start3A_113 = tpu.memref_squeeze %dma_start3A_112 : memref<1x624x64xf32, #tpu.memory_space<hbm>> -> memref<624x64xf32, #tpu.memory_space<hbm>>
      %dma_start3A_114 = arith.constant 0 : i32
      %dma_start3A_115 = tpu.memref_slice %arg26[%mul3A_14, %dma_start3A_114] : memref<10000x64xf32, #tpu.memory_space<vmem_shared>> -> memref<624x64xf32, #tpu.memory_space<vmem_shared>>
      tpu.enqueue_dma source(%dma_start3A_115 : memref<624x64xf32, #tpu.memory_space<vmem_shared>>) target(%dma_start3A_113 : memref<624x64xf32, #tpu.memory_space<hbm>>) target_semaphore(%run_scoped3A : memref<!tpu.dma_semaphore, #tpu.memory_space<semaphore_mem>>)
      %dma_wait3A_116 = arith.constant 0 : i32
      %dma_wait3A_117 = tpu.memref_slice %arg9[%arg0, %mul3A_14, %dma_wait3A_116] : memref<2x10000x64xf32, #tpu.memory_space<hbm>> -> memref<1x624x64xf32, #tpu.memory_space<hbm>>
      %dma_wait3A_118 = tpu.memref_squeeze %dma_wait3A_117 : memref<1x624x64xf32, #tpu.memory_space<hbm>> -> memref<624x64xf32, #tpu.memory_space<hbm>>
      %dma_wait3A_119 = arith.constant 0 : i32
      %dma_wait3A_120 = tpu.memref_slice %arg26[%mul3A_14, %dma_wait3A_119] : memref<10000x64xf32, #tpu.memory_space<vmem_shared>> -> memref<624x64xf32, #tpu.memory_space<vmem_shared>>
      tpu.wait_dma2 semaphore(%run_scoped3A : memref<!tpu.dma_semaphore, #tpu.memory_space<semaphore_mem>>) src(%dma_wait3A_120 : memref<624x64xf32, #tpu.memory_space<vmem_shared>>) dst(%dma_wait3A_118 : memref<624x64xf32, #tpu.memory_space<hbm>>)
      tpu.yield
    }) : () -> ()
    %eq3A_101 = arith.constant 0 : i32
    %eq3A_102 = arith.cmpi eq, %arg0, %eq3A_101 : i32
    %convert_element_type3A_103 = arith.extui %eq3A_102 : i1 to i32
    %cond3A_104 = arith.constant 0 : i32
    %cond3A_105 = arith.cmpi ne, %convert_element_type3A_103, %cond3A_104 : i32
    scf.if %cond3A_105 {
      "tpu.region"() ({
        %run_scoped3A = tpu.sem_alloc : memref<!tpu.dma_semaphore, #tpu.memory_space<semaphore_mem>>
        %dma_start3A_111 = arith.constant 0 : i32
        %dma_start3A_112 = tpu.memref_slice %arg10[%arg1, %dma_start3A_111] : memref<16x10000xf32, #tpu.memory_space<hbm>> -> memref<1x10000xf32, #tpu.memory_space<hbm>>
        %dma_start3A_113 = tpu.memref_squeeze %dma_start3A_112 : memref<1x10000xf32, #tpu.memory_space<hbm>> -> memref<10000xf32, #tpu.memory_space<hbm>>
        %dma_start3A_114 = arith.constant 0 : i32
        %dma_start3A_115 = tpu.memref_slice %arg10[%arg1, %dma_start3A_114] : memref<16x10000xf32, #tpu.memory_space<hbm>> -> memref<1x10000xf32, #tpu.memory_space<hbm>>
        %dma_start3A_116 = tpu.memref_squeeze %dma_start3A_115 : memref<1x10000xf32, #tpu.memory_space<hbm>> -> memref<10000xf32, #tpu.memory_space<hbm>>
        tpu.enqueue_dma source(%arg21 : memref<10000xf32, #tpu.memory_space<vmem>>) target(%dma_start3A_116 : memref<10000xf32, #tpu.memory_space<hbm>>) target_semaphore(%run_scoped3A : memref<!tpu.dma_semaphore, #tpu.memory_space<semaphore_mem>>)
        %dma_wait3A_117 = arith.constant 0 : i32
        %dma_wait3A_118 = tpu.memref_slice %arg10[%arg1, %dma_wait3A_117] : memref<16x10000xf32, #tpu.memory_space<hbm>> -> memref<1x10000xf32, #tpu.memory_space<hbm>>
        %dma_wait3A_119 = tpu.memref_squeeze %dma_wait3A_118 : memref<1x10000xf32, #tpu.memory_space<hbm>> -> memref<10000xf32, #tpu.memory_space<hbm>>
        %dma_wait3A_120 = arith.constant 0 : i32
        %dma_wait3A_121 = tpu.memref_slice %arg10[%arg1, %dma_wait3A_120] : memref<16x10000xf32, #tpu.memory_space<hbm>> -> memref<1x10000xf32, #tpu.memory_space<hbm>>
        %dma_wait3A_122 = tpu.memref_squeeze %dma_wait3A_121 : memref<1x10000xf32, #tpu.memory_space<hbm>> -> memref<10000xf32, #tpu.memory_space<hbm>>
        tpu.wait_dma2 semaphore(%run_scoped3A : memref<!tpu.dma_semaphore, #tpu.memory_space<semaphore_mem>>) src(%arg21 : memref<10000xf32, #tpu.memory_space<vmem>>) dst(%dma_wait3A_122 : memref<10000xf32, #tpu.memory_space<hbm>>)
        tpu.yield
      }) : () -> ()
    } else {
    }
    %eq3A_106 = arith.constant 15 : i32
    %eq3A_107 = arith.cmpi eq, %arg1, %eq3A_106 : i32
    %convert_element_type3A_108 = arith.extui %eq3A_107 : i1 to i32
    %cond3A_109 = arith.constant 0 : i32
    %cond3A_110 = arith.cmpi ne, %convert_element_type3A_108, %cond3A_109 : i32
    scf.if %cond3A_110 {
      "tpu.region"() ({
        %run_scoped3A = tpu.sem_alloc : memref<!tpu.dma_semaphore, #tpu.memory_space<semaphore_mem>>
        %dma_start3A_111 = arith.constant 9984 : i32
        %dma_start3A_112 = arith.constant 0 : i32
        %dma_start3A_113 = tpu.memref_slice %arg9[%arg0, %dma_start3A_111, %dma_start3A_112] : memref<2x10000x64xf32, #tpu.memory_space<hbm>> -> memref<1x16x64xf32, #tpu.memory_space<hbm>>
        %dma_start3A_114 = tpu.memref_squeeze %dma_start3A_113 : memref<1x16x64xf32, #tpu.memory_space<hbm>> -> memref<16x64xf32, #tpu.memory_space<hbm>>
        %dma_start3A_115 = arith.constant 9984 : i32
        %dma_start3A_116 = arith.constant 0 : i32
        %dma_start3A_117 = tpu.memref_slice %arg26[%dma_start3A_115, %dma_start3A_116] : memref<10000x64xf32, #tpu.memory_space<vmem_shared>> -> memref<16x64xf32, #tpu.memory_space<vmem_shared>>
        tpu.enqueue_dma source(%dma_start3A_117 : memref<16x64xf32, #tpu.memory_space<vmem_shared>>) target(%dma_start3A_114 : memref<16x64xf32, #tpu.memory_space<hbm>>) target_semaphore(%run_scoped3A : memref<!tpu.dma_semaphore, #tpu.memory_space<semaphore_mem>>)
        %dma_wait3A_118 = arith.constant 9984 : i32
        %dma_wait3A_119 = arith.constant 0 : i32
        %dma_wait3A_120 = tpu.memref_slice %arg9[%arg0, %dma_wait3A_118, %dma_wait3A_119] : memref<2x10000x64xf32, #tpu.memory_space<hbm>> -> memref<1x16x64xf32, #tpu.memory_space<hbm>>
        %dma_wait3A_121 = tpu.memref_squeeze %dma_wait3A_120 : memref<1x16x64xf32, #tpu.memory_space<hbm>> -> memref<16x64xf32, #tpu.memory_space<hbm>>
        %dma_wait3A_122 = arith.constant 9984 : i32
        %dma_wait3A_123 = arith.constant 0 : i32
        %dma_wait3A_124 = tpu.memref_slice %arg26[%dma_wait3A_122, %dma_wait3A_123] : memref<10000x64xf32, #tpu.memory_space<vmem_shared>> -> memref<16x64xf32, #tpu.memory_space<vmem_shared>>
        tpu.wait_dma2 semaphore(%run_scoped3A : memref<!tpu.dma_semaphore, #tpu.memory_space<semaphore_mem>>) src(%dma_wait3A_124 : memref<16x64xf32, #tpu.memory_space<vmem_shared>>) dst(%dma_wait3A_121 : memref<16x64xf32, #tpu.memory_space<hbm>>)
        tpu.yield
      }) : () -> ()
    } else {
    }
    return
  }
}

#map = affine_map<(d0, d1) -> (0, 0)>
#map1 = affine_map<(d0, d1) -> (0)>
module attributes {stable_mosaic.version = 14 : i64} {
  func.func @_gather_k(%arg0: i32, %arg1: i32, %arg2: memref<10000x128xf32, #tpu.memory_space<hbm>>, %arg3: memref<320000xi32, #tpu.memory_space<hbm>>, %arg4: memref<320000xi32, #tpu.memory_space<hbm>>, %arg5: memref<320000x128xf32, #tpu.memory_space<hbm>>, %arg6: memref<320000x128xf32, #tpu.memory_space<hbm>>, %arg7: memref<200xi32, #tpu.memory_space<vmem>>, %arg8: memref<200xi32, #tpu.memory_space<vmem>>, %arg9: memref<200xi32, #tpu.memory_space<vmem>>, %arg10: memref<200xi32, #tpu.memory_space<vmem>>, %arg11: memref<200x128xf32, #tpu.memory_space<vmem>>, %arg12: memref<200x128xf32, #tpu.memory_space<vmem>>, %arg13: memref<200x128xf32, #tpu.memory_space<vmem>>, %arg14: memref<200x128xf32, #tpu.memory_space<vmem>>, %arg15: memref<!tpu.dma_semaphore, #tpu.memory_space<semaphore_mem>>, %arg16: memref<!tpu.dma_semaphore, #tpu.memory_space<semaphore_mem>>, %arg17: memref<!tpu.dma_semaphore, #tpu.memory_space<semaphore_mem>>) attributes {dimension_semantics = [#tpu.dimension_semantics<core_parallel>, #tpu.dimension_semantics<subcore_parallel>], iteration_bounds = array<i64: 2, 16>, scalar_prefetch = 0 : i64, scratch_operands = 11 : i64, tpu.core_type = #tpu.core_type<sc_vector_subcore>, window_params = [{transform_indices = #map}, {transform_indices = #map1}, {transform_indices = #map1}, {transform_indices = #map}, {transform_indices = #map}]} {
    %mul3A = arith.constant 2 : i32
    %mul3A_0 = arith.muli %arg1, %mul3A : i32
    %add3A = arith.addi %mul3A_0, %arg0 : i32
    %mul3A_1 = arith.constant 10000 : i32
    %mul3A_2 = arith.muli %add3A, %mul3A_1 : i32
    %add3A_3 = arith.constant 0 : i32
    %add3A_4 = arith.addi %mul3A_2, %add3A_3 : i32
    %dma_start3A = tpu.memref_slice %arg3[%add3A_4] : memref<320000xi32, #tpu.memory_space<hbm>> -> memref<200xi32, #tpu.memory_space<hbm>>
    %dma_start3A_5 = tpu.memref_slice %arg3[%add3A_4] : memref<320000xi32, #tpu.memory_space<hbm>> -> memref<200xi32, #tpu.memory_space<hbm>>
    tpu.enqueue_dma source(%dma_start3A_5 : memref<200xi32, #tpu.memory_space<hbm>>) target(%arg7 : memref<200xi32, #tpu.memory_space<vmem>>) target_semaphore(%arg15 : memref<!tpu.dma_semaphore, #tpu.memory_space<semaphore_mem>>)
    %dma_start3A_6 = tpu.memref_slice %arg4[%add3A_4] : memref<320000xi32, #tpu.memory_space<hbm>> -> memref<200xi32, #tpu.memory_space<hbm>>
    %dma_start3A_7 = tpu.memref_slice %arg4[%add3A_4] : memref<320000xi32, #tpu.memory_space<hbm>> -> memref<200xi32, #tpu.memory_space<hbm>>
    tpu.enqueue_dma source(%dma_start3A_7 : memref<200xi32, #tpu.memory_space<hbm>>) target(%arg8 : memref<200xi32, #tpu.memory_space<vmem>>) target_semaphore(%arg15 : memref<!tpu.dma_semaphore, #tpu.memory_space<semaphore_mem>>)
    %dma_wait3A = tpu.memref_slice %arg3[%mul3A_2] : memref<320000xi32, #tpu.memory_space<hbm>> -> memref<200xi32, #tpu.memory_space<hbm>>
    %dma_wait3A_8 = tpu.memref_slice %arg3[%mul3A_2] : memref<320000xi32, #tpu.memory_space<hbm>> -> memref<200xi32, #tpu.memory_space<hbm>>
    tpu.wait_dma2 semaphore(%arg15 : memref<!tpu.dma_semaphore, #tpu.memory_space<semaphore_mem>>) src(%dma_wait3A_8 : memref<200xi32, #tpu.memory_space<hbm>>) dst(%arg7 : memref<200xi32, #tpu.memory_space<vmem>>)
    %dma_wait3A_9 = tpu.memref_slice %arg4[%mul3A_2] : memref<320000xi32, #tpu.memory_space<hbm>> -> memref<200xi32, #tpu.memory_space<hbm>>
    %dma_wait3A_10 = tpu.memref_slice %arg4[%mul3A_2] : memref<320000xi32, #tpu.memory_space<hbm>> -> memref<200xi32, #tpu.memory_space<hbm>>
    tpu.wait_dma2 semaphore(%arg15 : memref<!tpu.dma_semaphore, #tpu.memory_space<semaphore_mem>>) src(%dma_wait3A_10 : memref<200xi32, #tpu.memory_space<hbm>>) dst(%arg8 : memref<200xi32, #tpu.memory_space<vmem>>)
    %dma_start3A_11 = arith.constant 0 : i32
    %dma_start3A_12 = arith.constant 0 : i32
    %dma_start3A_13 = tpu.memref_slice %arg2[%dma_start3A_11, %dma_start3A_12] : memref<10000x128xf32, #tpu.memory_space<hbm>> -> memref<10000x128xf32, #tpu.memory_space<hbm>>
    tpu.enqueue_indirect_dma source(%dma_start3A_13 : memref<10000x128xf32, #tpu.memory_space<hbm>>) target(%arg11 : memref<200x128xf32, #tpu.memory_space<vmem>>) offsets(%arg7 : memref<200xi32, #tpu.memory_space<vmem>>) semaphore(%arg16 : memref<!tpu.dma_semaphore, #tpu.memory_space<semaphore_mem>>)
    %dma_start3A_14 = arith.constant 0 : i32
    %dma_start3A_15 = arith.constant 0 : i32
    %dma_start3A_16 = tpu.memref_slice %arg2[%dma_start3A_14, %dma_start3A_15] : memref<10000x128xf32, #tpu.memory_space<hbm>> -> memref<10000x128xf32, #tpu.memory_space<hbm>>
    tpu.enqueue_indirect_dma source(%dma_start3A_16 : memref<10000x128xf32, #tpu.memory_space<hbm>>) target(%arg12 : memref<200x128xf32, #tpu.memory_space<vmem>>) offsets(%arg8 : memref<200xi32, #tpu.memory_space<vmem>>) semaphore(%arg16 : memref<!tpu.dma_semaphore, #tpu.memory_space<semaphore_mem>>)
    %scan3A = arith.constant 0 : i32
    %scan3A_17 = arith.constant 0 : i32
    %scan3A_18 = arith.constant 25 : i32
    %scan3A_19 = arith.addi %scan3A_17, %scan3A_18 : i32
    %scan3A_20 = arith.constant 1 : i32
    scf.for %scan3A_30 = %scan3A_17 to %scan3A_19 step %scan3A_20  : i32 {
      %mul3A_31 = arith.constant 2 : i32
      %mul3A_32 = arith.muli %mul3A_31, %scan3A_30 : i32
      %add3A_33 = arith.constant 1 : i32
      %add3A_34 = arith.addi %mul3A_32, %add3A_33 : i32
      %mul3A_35 = arith.constant 200 : i32
      %mul3A_36 = arith.muli %add3A_34, %mul3A_35 : i32
      %add3A_37 = arith.addi %mul3A_2, %mul3A_36 : i32
      %dma_start3A_38 = tpu.memref_slice %arg3[%add3A_37] : memref<320000xi32, #tpu.memory_space<hbm>> -> memref<200xi32, #tpu.memory_space<hbm>>
      %dma_start3A_39 = tpu.memref_slice %arg3[%add3A_37] : memref<320000xi32, #tpu.memory_space<hbm>> -> memref<200xi32, #tpu.memory_space<hbm>>
      tpu.enqueue_dma source(%dma_start3A_39 : memref<200xi32, #tpu.memory_space<hbm>>) target(%arg9 : memref<200xi32, #tpu.memory_space<vmem>>) target_semaphore(%arg15 : memref<!tpu.dma_semaphore, #tpu.memory_space<semaphore_mem>>)
      %dma_start3A_40 = tpu.memref_slice %arg4[%add3A_37] : memref<320000xi32, #tpu.memory_space<hbm>> -> memref<200xi32, #tpu.memory_space<hbm>>
      %dma_start3A_41 = tpu.memref_slice %arg4[%add3A_37] : memref<320000xi32, #tpu.memory_space<hbm>> -> memref<200xi32, #tpu.memory_space<hbm>>
      tpu.enqueue_dma source(%dma_start3A_41 : memref<200xi32, #tpu.memory_space<hbm>>) target(%arg10 : memref<200xi32, #tpu.memory_space<vmem>>) target_semaphore(%arg15 : memref<!tpu.dma_semaphore, #tpu.memory_space<semaphore_mem>>)
      %dma_wait3A_42 = arith.constant 0 : i32
      %dma_wait3A_43 = arith.constant 0 : i32
      %dma_wait3A_44 = tpu.memref_slice %arg2[%dma_wait3A_42, %dma_wait3A_43] : memref<10000x128xf32, #tpu.memory_space<hbm>> -> memref<10000x128xf32, #tpu.memory_space<hbm>>
      tpu.wait_indirect_dma semaphore(%arg16 : memref<!tpu.dma_semaphore, #tpu.memory_space<semaphore_mem>>) src(%dma_wait3A_44 : memref<10000x128xf32, #tpu.memory_space<hbm>>) dst(%arg11 : memref<200x128xf32, #tpu.memory_space<vmem>>)
      %dma_wait3A_45 = arith.constant 0 : i32
      %dma_wait3A_46 = arith.constant 0 : i32
      %dma_wait3A_47 = tpu.memref_slice %arg2[%dma_wait3A_45, %dma_wait3A_46] : memref<10000x128xf32, #tpu.memory_space<hbm>> -> memref<10000x128xf32, #tpu.memory_space<hbm>>
      tpu.wait_indirect_dma semaphore(%arg16 : memref<!tpu.dma_semaphore, #tpu.memory_space<semaphore_mem>>) src(%dma_wait3A_47 : memref<10000x128xf32, #tpu.memory_space<hbm>>) dst(%arg12 : memref<200x128xf32, #tpu.memory_space<vmem>>)
      %dma_wait3A_48 = tpu.memref_slice %arg3[%mul3A_2] : memref<320000xi32, #tpu.memory_space<hbm>> -> memref<200xi32, #tpu.memory_space<hbm>>
      %dma_wait3A_49 = tpu.memref_slice %arg3[%mul3A_2] : memref<320000xi32, #tpu.memory_space<hbm>> -> memref<200xi32, #tpu.memory_space<hbm>>
      tpu.wait_dma2 semaphore(%arg15 : memref<!tpu.dma_semaphore, #tpu.memory_space<semaphore_mem>>) src(%dma_wait3A_49 : memref<200xi32, #tpu.memory_space<hbm>>) dst(%arg9 : memref<200xi32, #tpu.memory_space<vmem>>)
      %dma_wait3A_50 = tpu.memref_slice %arg4[%mul3A_2] : memref<320000xi32, #tpu.memory_space<hbm>> -> memref<200xi32, #tpu.memory_space<hbm>>
      %dma_wait3A_51 = tpu.memref_slice %arg4[%mul3A_2] : memref<320000xi32, #tpu.memory_space<hbm>> -> memref<200xi32, #tpu.memory_space<hbm>>
      tpu.wait_dma2 semaphore(%arg15 : memref<!tpu.dma_semaphore, #tpu.memory_space<semaphore_mem>>) src(%dma_wait3A_51 : memref<200xi32, #tpu.memory_space<hbm>>) dst(%arg10 : memref<200xi32, #tpu.memory_space<vmem>>)
      %gt3A = arith.constant 0 : i32
      %gt3A_52 = arith.cmpi sgt, %scan3A_30, %gt3A : i32
      %convert_element_type3A = arith.extui %gt3A_52 : i1 to i32
      %cond3A = arith.constant 0 : i32
      %cond3A_53 = arith.cmpi ne, %convert_element_type3A, %cond3A : i32
      scf.if %cond3A_53 {
        %dma_wait3A_107 = arith.constant 0 : i32
        %dma_wait3A_108 = tpu.memref_slice %arg5[%mul3A_2, %dma_wait3A_107] : memref<320000x128xf32, #tpu.memory_space<hbm>> -> memref<200x128xf32, #tpu.memory_space<hbm>>
        %dma_wait3A_109 = arith.constant 0 : i32
        %dma_wait3A_110 = tpu.memref_slice %arg5[%mul3A_2, %dma_wait3A_109] : memref<320000x128xf32, #tpu.memory_space<hbm>> -> memref<200x128xf32, #tpu.memory_space<hbm>>
        tpu.wait_dma2 semaphore(%arg17 : memref<!tpu.dma_semaphore, #tpu.memory_space<semaphore_mem>>) src(%arg13 : memref<200x128xf32, #tpu.memory_space<vmem>>) dst(%dma_wait3A_110 : memref<200x128xf32, #tpu.memory_space<hbm>>)
        %dma_wait3A_111 = arith.constant 0 : i32
        %dma_wait3A_112 = tpu.memref_slice %arg6[%mul3A_2, %dma_wait3A_111] : memref<320000x128xf32, #tpu.memory_space<hbm>> -> memref<200x128xf32, #tpu.memory_space<hbm>>
        %dma_wait3A_113 = arith.constant 0 : i32
        %dma_wait3A_114 = tpu.memref_slice %arg6[%mul3A_2, %dma_wait3A_113] : memref<320000x128xf32, #tpu.memory_space<hbm>> -> memref<200x128xf32, #tpu.memory_space<hbm>>
        tpu.wait_dma2 semaphore(%arg17 : memref<!tpu.dma_semaphore, #tpu.memory_space<semaphore_mem>>) src(%arg14 : memref<200x128xf32, #tpu.memory_space<vmem>>) dst(%dma_wait3A_114 : memref<200x128xf32, #tpu.memory_space<hbm>>)
      } else {
      }
      %dma_start3A_54 = arith.constant 0 : i32
      %dma_start3A_55 = arith.constant 0 : i32
      %dma_start3A_56 = tpu.memref_slice %arg2[%dma_start3A_54, %dma_start3A_55] : memref<10000x128xf32, #tpu.memory_space<hbm>> -> memref<10000x128xf32, #tpu.memory_space<hbm>>
      tpu.enqueue_indirect_dma source(%dma_start3A_56 : memref<10000x128xf32, #tpu.memory_space<hbm>>) target(%arg13 : memref<200x128xf32, #tpu.memory_space<vmem>>) offsets(%arg9 : memref<200xi32, #tpu.memory_space<vmem>>) semaphore(%arg16 : memref<!tpu.dma_semaphore, #tpu.memory_space<semaphore_mem>>)
      %dma_start3A_57 = arith.constant 0 : i32
      %dma_start3A_58 = arith.constant 0 : i32
      %dma_start3A_59 = tpu.memref_slice %arg2[%dma_start3A_57, %dma_start3A_58] : memref<10000x128xf32, #tpu.memory_space<hbm>> -> memref<10000x128xf32, #tpu.memory_space<hbm>>
      tpu.enqueue_indirect_dma source(%dma_start3A_59 : memref<10000x128xf32, #tpu.memory_space<hbm>>) target(%arg14 : memref<200x128xf32, #tpu.memory_space<vmem>>) offsets(%arg10 : memref<200xi32, #tpu.memory_space<vmem>>) semaphore(%arg16 : memref<!tpu.dma_semaphore, #tpu.memory_space<semaphore_mem>>)
      %mul3A_60 = arith.constant 200 : i32
      %mul3A_61 = arith.muli %mul3A_32, %mul3A_60 : i32
      %add3A_62 = arith.addi %mul3A_2, %mul3A_61 : i32
      %dma_start3A_63 = arith.constant 0 : i32
      %dma_start3A_64 = tpu.memref_slice %arg5[%add3A_62, %dma_start3A_63] : memref<320000x128xf32, #tpu.memory_space<hbm>> -> memref<200x128xf32, #tpu.memory_space<hbm>>
      %dma_start3A_65 = arith.constant 0 : i32
      %dma_start3A_66 = tpu.memref_slice %arg5[%add3A_62, %dma_start3A_65] : memref<320000x128xf32, #tpu.memory_space<hbm>> -> memref<200x128xf32, #tpu.memory_space<hbm>>
      tpu.enqueue_dma source(%arg11 : memref<200x128xf32, #tpu.memory_space<vmem>>) target(%dma_start3A_66 : memref<200x128xf32, #tpu.memory_space<hbm>>) target_semaphore(%arg17 : memref<!tpu.dma_semaphore, #tpu.memory_space<semaphore_mem>>)
      %dma_start3A_67 = arith.constant 0 : i32
      %dma_start3A_68 = tpu.memref_slice %arg6[%add3A_62, %dma_start3A_67] : memref<320000x128xf32, #tpu.memory_space<hbm>> -> memref<200x128xf32, #tpu.memory_space<hbm>>
      %dma_start3A_69 = arith.constant 0 : i32
      %dma_start3A_70 = tpu.memref_slice %arg6[%add3A_62, %dma_start3A_69] : memref<320000x128xf32, #tpu.memory_space<hbm>> -> memref<200x128xf32, #tpu.memory_space<hbm>>
      tpu.enqueue_dma source(%arg12 : memref<200x128xf32, #tpu.memory_space<vmem>>) target(%dma_start3A_70 : memref<200x128xf32, #tpu.memory_space<hbm>>) target_semaphore(%arg17 : memref<!tpu.dma_semaphore, #tpu.memory_space<semaphore_mem>>)
      %lt3A = arith.constant 24 : i32
      %lt3A_71 = arith.cmpi slt, %scan3A_30, %lt3A : i32
      %convert_element_type3A_72 = arith.extui %lt3A_71 : i1 to i32
      %cond3A_73 = arith.constant 0 : i32
      %cond3A_74 = arith.cmpi ne, %convert_element_type3A_72, %cond3A_73 : i32
      scf.if %cond3A_74 {
        %add3A_107 = arith.constant 2 : i32
        %add3A_108 = arith.addi %mul3A_32, %add3A_107 : i32
        %mul3A_109 = arith.constant 200 : i32
        %mul3A_110 = arith.muli %add3A_108, %mul3A_109 : i32
        %add3A_111 = arith.addi %mul3A_2, %mul3A_110 : i32
        %dma_start3A_112 = tpu.memref_slice %arg3[%add3A_111] : memref<320000xi32, #tpu.memory_space<hbm>> -> memref<200xi32, #tpu.memory_space<hbm>>
        %dma_start3A_113 = tpu.memref_slice %arg3[%add3A_111] : memref<320000xi32, #tpu.memory_space<hbm>> -> memref<200xi32, #tpu.memory_space<hbm>>
        tpu.enqueue_dma source(%dma_start3A_113 : memref<200xi32, #tpu.memory_space<hbm>>) target(%arg7 : memref<200xi32, #tpu.memory_space<vmem>>) target_semaphore(%arg15 : memref<!tpu.dma_semaphore, #tpu.memory_space<semaphore_mem>>)
        %dma_start3A_114 = tpu.memref_slice %arg4[%add3A_111] : memref<320000xi32, #tpu.memory_space<hbm>> -> memref<200xi32, #tpu.memory_space<hbm>>
        %dma_start3A_115 = tpu.memref_slice %arg4[%add3A_111] : memref<320000xi32, #tpu.memory_space<hbm>> -> memref<200xi32, #tpu.memory_space<hbm>>
        tpu.enqueue_dma source(%dma_start3A_115 : memref<200xi32, #tpu.memory_space<hbm>>) target(%arg8 : memref<200xi32, #tpu.memory_space<vmem>>) target_semaphore(%arg15 : memref<!tpu.dma_semaphore, #tpu.memory_space<semaphore_mem>>)
      } else {
      }
      %dma_wait3A_75 = arith.constant 0 : i32
      %dma_wait3A_76 = arith.constant 0 : i32
      %dma_wait3A_77 = tpu.memref_slice %arg2[%dma_wait3A_75, %dma_wait3A_76] : memref<10000x128xf32, #tpu.memory_space<hbm>> -> memref<10000x128xf32, #tpu.memory_space<hbm>>
      tpu.wait_indirect_dma semaphore(%arg16 : memref<!tpu.dma_semaphore, #tpu.memory_space<semaphore_mem>>) src(%dma_wait3A_77 : memref<10000x128xf32, #tpu.memory_space<hbm>>) dst(%arg13 : memref<200x128xf32, #tpu.memory_space<vmem>>)
      %dma_wait3A_78 = arith.constant 0 : i32
      %dma_wait3A_79 = arith.constant 0 : i32
      %dma_wait3A_80 = tpu.memref_slice %arg2[%dma_wait3A_78, %dma_wait3A_79] : memref<10000x128xf32, #tpu.memory_space<hbm>> -> memref<10000x128xf32, #tpu.memory_space<hbm>>
      tpu.wait_indirect_dma semaphore(%arg16 : memref<!tpu.dma_semaphore, #tpu.memory_space<semaphore_mem>>) src(%dma_wait3A_80 : memref<10000x128xf32, #tpu.memory_space<hbm>>) dst(%arg14 : memref<200x128xf32, #tpu.memory_space<vmem>>)
      %dma_wait3A_81 = arith.constant 0 : i32
      %dma_wait3A_82 = tpu.memref_slice %arg5[%mul3A_2, %dma_wait3A_81] : memref<320000x128xf32, #tpu.memory_space<hbm>> -> memref<200x128xf32, #tpu.memory_space<hbm>>
      %dma_wait3A_83 = arith.constant 0 : i32
      %dma_wait3A_84 = tpu.memref_slice %arg5[%mul3A_2, %dma_wait3A_83] : memref<320000x128xf32, #tpu.memory_space<hbm>> -> memref<200x128xf32, #tpu.memory_space<hbm>>
      tpu.wait_dma2 semaphore(%arg17 : memref<!tpu.dma_semaphore, #tpu.memory_space<semaphore_mem>>) src(%arg11 : memref<200x128xf32, #tpu.memory_space<vmem>>) dst(%dma_wait3A_84 : memref<200x128xf32, #tpu.memory_space<hbm>>)
      %dma_wait3A_85 = arith.constant 0 : i32
      %dma_wait3A_86 = tpu.memref_slice %arg6[%mul3A_2, %dma_wait3A_85] : memref<320000x128xf32, #tpu.memory_space<hbm>> -> memref<200x128xf32, #tpu.memory_space<hbm>>
      %dma_wait3A_87 = arith.constant 0 : i32
      %dma_wait3A_88 = tpu.memref_slice %arg6[%mul3A_2, %dma_wait3A_87] : memref<320000x128xf32, #tpu.memory_space<hbm>> -> memref<200x128xf32, #tpu.memory_space<hbm>>
      tpu.wait_dma2 semaphore(%arg17 : memref<!tpu.dma_semaphore, #tpu.memory_space<semaphore_mem>>) src(%arg12 : memref<200x128xf32, #tpu.memory_space<vmem>>) dst(%dma_wait3A_88 : memref<200x128xf32, #tpu.memory_space<hbm>>)
      %lt3A_89 = arith.constant 24 : i32
      %lt3A_90 = arith.cmpi slt, %scan3A_30, %lt3A_89 : i32
      %convert_element_type3A_91 = arith.extui %lt3A_90 : i1 to i32
      %cond3A_92 = arith.constant 0 : i32
      %cond3A_93 = arith.cmpi ne, %convert_element_type3A_91, %cond3A_92 : i32
      scf.if %cond3A_93 {
        %dma_wait3A_107 = tpu.memref_slice %arg3[%mul3A_2] : memref<320000xi32, #tpu.memory_space<hbm>> -> memref<200xi32, #tpu.memory_space<hbm>>
        %dma_wait3A_108 = tpu.memref_slice %arg3[%mul3A_2] : memref<320000xi32, #tpu.memory_space<hbm>> -> memref<200xi32, #tpu.memory_space<hbm>>
        tpu.wait_dma2 semaphore(%arg15 : memref<!tpu.dma_semaphore, #tpu.memory_space<semaphore_mem>>) src(%dma_wait3A_108 : memref<200xi32, #tpu.memory_space<hbm>>) dst(%arg7 : memref<200xi32, #tpu.memory_space<vmem>>)
        %dma_wait3A_109 = tpu.memref_slice %arg4[%mul3A_2] : memref<320000xi32, #tpu.memory_space<hbm>> -> memref<200xi32, #tpu.memory_space<hbm>>
        %dma_wait3A_110 = tpu.memref_slice %arg4[%mul3A_2] : memref<320000xi32, #tpu.memory_space<hbm>> -> memref<200xi32, #tpu.memory_space<hbm>>
        tpu.wait_dma2 semaphore(%arg15 : memref<!tpu.dma_semaphore, #tpu.memory_space<semaphore_mem>>) src(%dma_wait3A_110 : memref<200xi32, #tpu.memory_space<hbm>>) dst(%arg8 : memref<200xi32, #tpu.memory_space<vmem>>)
        %dma_start3A_111 = arith.constant 0 : i32
        %dma_start3A_112 = arith.constant 0 : i32
        %dma_start3A_113 = tpu.memref_slice %arg2[%dma_start3A_111, %dma_start3A_112] : memref<10000x128xf32, #tpu.memory_space<hbm>> -> memref<10000x128xf32, #tpu.memory_space<hbm>>
        tpu.enqueue_indirect_dma source(%dma_start3A_113 : memref<10000x128xf32, #tpu.memory_space<hbm>>) target(%arg11 : memref<200x128xf32, #tpu.memory_space<vmem>>) offsets(%arg7 : memref<200xi32, #tpu.memory_space<vmem>>) semaphore(%arg16 : memref<!tpu.dma_semaphore, #tpu.memory_space<semaphore_mem>>)
        %dma_start3A_114 = arith.constant 0 : i32
        %dma_start3A_115 = arith.constant 0 : i32
        %dma_start3A_116 = tpu.memref_slice %arg2[%dma_start3A_114, %dma_start3A_115] : memref<10000x128xf32, #tpu.memory_space<hbm>> -> memref<10000x128xf32, #tpu.memory_space<hbm>>
        tpu.enqueue_indirect_dma source(%dma_start3A_116 : memref<10000x128xf32, #tpu.memory_space<hbm>>) target(%arg12 : memref<200x128xf32, #tpu.memory_space<vmem>>) offsets(%arg8 : memref<200xi32, #tpu.memory_space<vmem>>) semaphore(%arg16 : memref<!tpu.dma_semaphore, #tpu.memory_space<semaphore_mem>>)
      } else {
      }
      %add3A_94 = arith.constant 1 : i32
      %add3A_95 = arith.addi %mul3A_32, %add3A_94 : i32
      %mul3A_96 = arith.constant 200 : i32
      %mul3A_97 = arith.muli %add3A_95, %mul3A_96 : i32
      %add3A_98 = arith.addi %mul3A_2, %mul3A_97 : i32
      %dma_start3A_99 = arith.constant 0 : i32
      %dma_start3A_100 = tpu.memref_slice %arg5[%add3A_98, %dma_start3A_99] : memref<320000x128xf32, #tpu.memory_space<hbm>> -> memref<200x128xf32, #tpu.memory_space<hbm>>
      %dma_start3A_101 = arith.constant 0 : i32
      %dma_start3A_102 = tpu.memref_slice %arg5[%add3A_98, %dma_start3A_101] : memref<320000x128xf32, #tpu.memory_space<hbm>> -> memref<200x128xf32, #tpu.memory_space<hbm>>
      tpu.enqueue_dma source(%arg13 : memref<200x128xf32, #tpu.memory_space<vmem>>) target(%dma_start3A_102 : memref<200x128xf32, #tpu.memory_space<hbm>>) target_semaphore(%arg17 : memref<!tpu.dma_semaphore, #tpu.memory_space<semaphore_mem>>)
      %dma_start3A_103 = arith.constant 0 : i32
      %dma_start3A_104 = tpu.memref_slice %arg6[%add3A_98, %dma_start3A_103] : memref<320000x128xf32, #tpu.memory_space<hbm>> -> memref<200x128xf32, #tpu.memory_space<hbm>>
      %dma_start3A_105 = arith.constant 0 : i32
      %dma_start3A_106 = tpu.memref_slice %arg6[%add3A_98, %dma_start3A_105] : memref<320000x128xf32, #tpu.memory_space<hbm>> -> memref<200x128xf32, #tpu.memory_space<hbm>>
      tpu.enqueue_dma source(%arg14 : memref<200x128xf32, #tpu.memory_space<vmem>>) target(%dma_start3A_106 : memref<200x128xf32, #tpu.memory_space<hbm>>) target_semaphore(%arg17 : memref<!tpu.dma_semaphore, #tpu.memory_space<semaphore_mem>>)
    }
    %scan3A_21 = arith.constant 25 : i32
    %dma_wait3A_22 = arith.constant 0 : i32
    %dma_wait3A_23 = tpu.memref_slice %arg5[%mul3A_2, %dma_wait3A_22] : memref<320000x128xf32, #tpu.memory_space<hbm>> -> memref<200x128xf32, #tpu.memory_space<hbm>>
    %dma_wait3A_24 = arith.constant 0 : i32
    %dma_wait3A_25 = tpu.memref_slice %arg5[%mul3A_2, %dma_wait3A_24] : memref<320000x128xf32, #tpu.memory_space<hbm>> -> memref<200x128xf32, #tpu.memory_space<hbm>>
    tpu.wait_dma2 semaphore(%arg17 : memref<!tpu.dma_semaphore, #tpu.memory_space<semaphore_mem>>) src(%arg13 : memref<200x128xf32, #tpu.memory_space<vmem>>) dst(%dma_wait3A_25 : memref<200x128xf32, #tpu.memory_space<hbm>>)
    %dma_wait3A_26 = arith.constant 0 : i32
    %dma_wait3A_27 = tpu.memref_slice %arg6[%mul3A_2, %dma_wait3A_26] : memref<320000x128xf32, #tpu.memory_space<hbm>> -> memref<200x128xf32, #tpu.memory_space<hbm>>
    %dma_wait3A_28 = arith.constant 0 : i32
    %dma_wait3A_29 = tpu.memref_slice %arg6[%mul3A_2, %dma_wait3A_28] : memref<320000x128xf32, #tpu.memory_space<hbm>> -> memref<200x128xf32, #tpu.memory_space<hbm>>
    tpu.wait_dma2 semaphore(%arg17 : memref<!tpu.dma_semaphore, #tpu.memory_space<semaphore_mem>>) src(%arg14 : memref<200x128xf32, #tpu.memory_space<vmem>>) dst(%dma_wait3A_29 : memref<200x128xf32, #tpu.memory_space<hbm>>)
    return
  }
}

module attributes {stable_mosaic.version = 14 : i64} {
  func.func @_mlp_body(%arg0: i32, %arg1: memref<2560x128xf32, #tpu.memory_space<vmem>>, %arg2: memref<2560x128xf32, #tpu.memory_space<vmem>>, %arg3: memref<13x2560xf32, #tpu.memory_space<vmem>>, %arg4: memref<128x128xbf16, #tpu.memory_space<vmem>>, %arg5: memref<128x128xbf16, #tpu.memory_space<vmem>>, %arg6: memref<13x128xbf16, #tpu.memory_space<vmem>>, %arg7: memref<1x128xf32, #tpu.memory_space<vmem>>, %arg8: memref<128x128xbf16, #tpu.memory_space<vmem>>, %arg9: memref<1x128xf32, #tpu.memory_space<vmem>>, %arg10: memref<128x128xbf16, #tpu.memory_space<vmem>>, %arg11: memref<1x128xf32, #tpu.memory_space<vmem>>, %arg12: memref<128x128xbf16, #tpu.memory_space<vmem>>, %arg13: memref<1x128xf32, #tpu.memory_space<vmem>>, %arg14: memref<1x128xf32, #tpu.memory_space<vmem>>, %arg15: memref<128x128xbf16, #tpu.memory_space<vmem>>, %arg16: memref<1x1x2560xf32, #tpu.memory_space<vmem>>, %arg17: memref<1x128xf32, #tpu.memory_space<vmem>>, %arg18: memref<1xf32, #tpu.memory_space<smem>>) attributes {dimension_semantics = [#tpu.dimension_semantics<arbitrary>], iteration_bounds = array<i64: 125>, scalar_prefetch = 0 : i64, scratch_operands = 1 : i64, tpu.core_type = #tpu.core_type<tc>, window_params = [{transform_indices = @transform_0, window_bounds = array<i64: 2560, 128>}, {transform_indices = @transform_1, window_bounds = array<i64: 2560, 128>}, {transform_indices = @transform_2, window_bounds = array<i64: 13, 2560>}, {pipeline_mode = #tpu.pipeline_mode<synchronous>, transform_indices = @transform_3, window_bounds = array<i64: 128, 128>}, {pipeline_mode = #tpu.pipeline_mode<synchronous>, transform_indices = @transform_4, window_bounds = array<i64: 128, 128>}, {pipeline_mode = #tpu.pipeline_mode<synchronous>, transform_indices = @transform_5, window_bounds = array<i64: 13, 128>}, {pipeline_mode = #tpu.pipeline_mode<synchronous>, transform_indices = @transform_6, window_bounds = array<i64: 1, 128>}, {pipeline_mode = #tpu.pipeline_mode<synchronous>, transform_indices = @transform_7, window_bounds = array<i64: 128, 128>}, {pipeline_mode = #tpu.pipeline_mode<synchronous>, transform_indices = @transform_8, window_bounds = array<i64: 1, 128>}, {pipeline_mode = #tpu.pipeline_mode<synchronous>, transform_indices = @transform_9, window_bounds = array<i64: 128, 128>}, {pipeline_mode = #tpu.pipeline_mode<synchronous>, transform_indices = @transform_10, window_bounds = array<i64: 1, 128>}, {pipeline_mode = #tpu.pipeline_mode<synchronous>, transform_indices = @transform_11, window_bounds = array<i64: 128, 128>}, {pipeline_mode = #tpu.pipeline_mode<synchronous>, transform_indices = @transform_12, window_bounds = array<i64: 1, 128>}, {pipeline_mode = #tpu.pipeline_mode<synchronous>, transform_indices = @transform_13, window_bounds = array<i64: 1, 128>}, {pipeline_mode = #tpu.pipeline_mode<synchronous>, transform_indices = @transform_14, window_bounds = array<i64: 128, 128>}, {transform_indices = @transform_15, window_bounds = array<i64: 1, 1, 2560>}, {pipeline_mode = #tpu.pipeline_mode<synchronous>, transform_indices = @transform_16, window_bounds = array<i64: 1, 128>}]} {
    %eq3A = arith.constant 0 : i32
    %eq3A_0 = arith.cmpi eq, %arg0, %eq3A : i32
    %convert_element_type3A = arith.extui %eq3A_0 : i1 to i32
    %cond3A = arith.constant 0 : i32
    %cond3A_1 = arith.cmpi ne, %convert_element_type3A, %cond3A : i32
    scf.if %cond3A_1 {
      %swap3A_113 = arith.constant 0xFF800000 : f32
      %swap3A_114 = arith.constant 0 : index
      %swap3A_115 = memref.load %arg18[%swap3A_114] : memref<1xf32, #tpu.memory_space<smem>>
      memref.store %swap3A_113, %arg18[%swap3A_114] : memref<1xf32, #tpu.memory_space<smem>>
    } else {
    }
    %get3A = arith.constant 0 : index
    %get3A_2 = arith.constant 0 : index
    %get3A_3 = vector.load %arg3[%get3A, %get3A_2] : memref<13x2560xf32, #tpu.memory_space<vmem>>, vector<13x2560xf32>
    %convert_element_type3A_4 = arith.truncf %get3A_3 : vector<13x2560xf32> to vector<13x2560xbf16>
    %get3A_5 = arith.constant 0 : index
    %get3A_6 = arith.constant 0 : index
    %get3A_7 = vector.load %arg6[%get3A_5, %get3A_6] : memref<13x128xbf16, #tpu.memory_space<vmem>>, vector<13x128xbf16>
    %dot_general3A = arith.constant dense<0.000000e+00> : vector<2560x128xf32>
    %dot_general3A_8 = tpu.matmul %convert_element_type3A_4, %get3A_7, %dot_general3A {dimension_numbers = #tpu.dot_dimension_numbers<[0], [0], [1], [1], [0, 1, 1, 1], [], []>, transpose_lhs_hint = false} : vector<13x2560xbf16>, vector<13x128xbf16>, vector<2560x128xf32> -> vector<2560x128xf32>
    %get3A_9 = arith.constant 0 : index
    %get3A_10 = arith.constant 0 : index
    %get3A_11 = vector.load %arg1[%get3A_9, %get3A_10] : memref<2560x128xf32, #tpu.memory_space<vmem>>, vector<2560x128xf32>
    %convert_element_type3A_12 = arith.truncf %get3A_11 : vector<2560x128xf32> to vector<2560x128xbf16>
    %get3A_13 = arith.constant 0 : index
    %get3A_14 = arith.constant 0 : index
    %get3A_15 = vector.load %arg4[%get3A_13, %get3A_14] : memref<128x128xbf16, #tpu.memory_space<vmem>>, vector<128x128xbf16>
    %dot_general3A_16 = arith.constant dense<0.000000e+00> : vector<2560x128xf32>
    %dot_general3A_17 = tpu.matmul %convert_element_type3A_12, %get3A_15, %dot_general3A_16 {dimension_numbers = #tpu.dot_dimension_numbers<[1], [0], [0], [1], [0, 0, 1, 1], [], []>, transpose_lhs_hint = false} : vector<2560x128xbf16>, vector<128x128xbf16>, vector<2560x128xf32> -> vector<2560x128xf32>
    %get3A_18 = arith.constant 0 : index
    %get3A_19 = arith.constant 0 : index
    %get3A_20 = vector.load %arg2[%get3A_18, %get3A_19] : memref<2560x128xf32, #tpu.memory_space<vmem>>, vector<2560x128xf32>
    %convert_element_type3A_21 = arith.truncf %get3A_20 : vector<2560x128xf32> to vector<2560x128xbf16>
    %get3A_22 = arith.constant 0 : index
    %get3A_23 = arith.constant 0 : index
    %get3A_24 = vector.load %arg5[%get3A_22, %get3A_23] : memref<128x128xbf16, #tpu.memory_space<vmem>>, vector<128x128xbf16>
    %dot_general3A_25 = arith.constant dense<0.000000e+00> : vector<2560x128xf32>
    %dot_general3A_26 = tpu.matmul %convert_element_type3A_21, %get3A_24, %dot_general3A_25 {dimension_numbers = #tpu.dot_dimension_numbers<[1], [0], [0], [1], [0, 0, 1, 1], [], []>, transpose_lhs_hint = false} : vector<2560x128xbf16>, vector<128x128xbf16>, vector<2560x128xf32> -> vector<2560x128xf32>
    %add3A = arith.addf %dot_general3A_17, %dot_general3A_26 : vector<2560x128xf32>
    %add3A_27 = arith.addf %add3A, %dot_general3A_8 : vector<2560x128xf32>
    %get3A_28 = arith.constant 0 : index
    %get3A_29 = arith.constant 0 : index
    %get3A_30 = vector.load %arg7[%get3A_28, %get3A_29] : memref<1x128xf32, #tpu.memory_space<vmem>>, vector<1x128xf32>
    %add3A_31 = vector.broadcast %get3A_30 : vector<1x128xf32> to vector<2560x128xf32>
    %add3A_32 = arith.addf %add3A_27, %add3A_31 : vector<2560x128xf32>
    %max3A = arith.constant 0.000000e+00 : f32
    %max3A_33 = vector.broadcast %max3A : f32 to vector<2560x128xf32>
    %max3A_34 = arith.maximumf %add3A_32, %max3A_33 : vector<2560x128xf32>
    %convert_element_type3A_35 = arith.truncf %max3A_34 : vector<2560x128xf32> to vector<2560x128xbf16>
    %get3A_36 = arith.constant 0 : index
    %get3A_37 = arith.constant 0 : index
    %get3A_38 = vector.load %arg8[%get3A_36, %get3A_37] : memref<128x128xbf16, #tpu.memory_space<vmem>>, vector<128x128xbf16>
    %dot_general3A_39 = arith.constant dense<0.000000e+00> : vector<2560x128xf32>
    %dot_general3A_40 = tpu.matmul %convert_element_type3A_35, %get3A_38, %dot_general3A_39 {dimension_numbers = #tpu.dot_dimension_numbers<[1], [0], [0], [1], [0, 0, 1, 1], [], []>, transpose_lhs_hint = false} : vector<2560x128xbf16>, vector<128x128xbf16>, vector<2560x128xf32> -> vector<2560x128xf32>
    %get3A_41 = arith.constant 0 : index
    %get3A_42 = arith.constant 0 : index
    %get3A_43 = vector.load %arg9[%get3A_41, %get3A_42] : memref<1x128xf32, #tpu.memory_space<vmem>>, vector<1x128xf32>
    %add3A_44 = vector.broadcast %get3A_43 : vector<1x128xf32> to vector<2560x128xf32>
    %add3A_45 = arith.addf %dot_general3A_40, %add3A_44 : vector<2560x128xf32>
    %max3A_46 = arith.constant 0.000000e+00 : f32
    %max3A_47 = vector.broadcast %max3A_46 : f32 to vector<2560x128xf32>
    %max3A_48 = arith.maximumf %add3A_45, %max3A_47 : vector<2560x128xf32>
    %convert_element_type3A_49 = arith.truncf %max3A_48 : vector<2560x128xf32> to vector<2560x128xbf16>
    %get3A_50 = arith.constant 0 : index
    %get3A_51 = arith.constant 0 : index
    %get3A_52 = vector.load %arg10[%get3A_50, %get3A_51] : memref<128x128xbf16, #tpu.memory_space<vmem>>, vector<128x128xbf16>
    %dot_general3A_53 = arith.constant dense<0.000000e+00> : vector<2560x128xf32>
    %dot_general3A_54 = tpu.matmul %convert_element_type3A_49, %get3A_52, %dot_general3A_53 {dimension_numbers = #tpu.dot_dimension_numbers<[1], [0], [0], [1], [0, 0, 1, 1], [], []>, transpose_lhs_hint = false} : vector<2560x128xbf16>, vector<128x128xbf16>, vector<2560x128xf32> -> vector<2560x128xf32>
    %get3A_55 = arith.constant 0 : index
    %get3A_56 = arith.constant 0 : index
    %get3A_57 = vector.load %arg11[%get3A_55, %get3A_56] : memref<1x128xf32, #tpu.memory_space<vmem>>, vector<1x128xf32>
    %add3A_58 = vector.broadcast %get3A_57 : vector<1x128xf32> to vector<2560x128xf32>
    %add3A_59 = arith.addf %dot_general3A_54, %add3A_58 : vector<2560x128xf32>
    %max3A_60 = arith.constant 0.000000e+00 : f32
    %max3A_61 = vector.broadcast %max3A_60 : f32 to vector<2560x128xf32>
    %max3A_62 = arith.maximumf %add3A_59, %max3A_61 : vector<2560x128xf32>
    %convert_element_type3A_63 = arith.truncf %max3A_62 : vector<2560x128xf32> to vector<2560x128xbf16>
    %get3A_64 = arith.constant 0 : index
    %get3A_65 = arith.constant 0 : index
    %get3A_66 = vector.load %arg12[%get3A_64, %get3A_65] : memref<128x128xbf16, #tpu.memory_space<vmem>>, vector<128x128xbf16>
    %dot_general3A_67 = arith.constant dense<0.000000e+00> : vector<2560x128xf32>
    %dot_general3A_68 = tpu.matmul %convert_element_type3A_63, %get3A_66, %dot_general3A_67 {dimension_numbers = #tpu.dot_dimension_numbers<[1], [0], [0], [1], [0, 0, 1, 1], [], []>, transpose_lhs_hint = false} : vector<2560x128xbf16>, vector<128x128xbf16>, vector<2560x128xf32> -> vector<2560x128xf32>
    %get3A_69 = arith.constant 0 : index
    %get3A_70 = arith.constant 0 : index
    %get3A_71 = vector.load %arg13[%get3A_69, %get3A_70] : memref<1x128xf32, #tpu.memory_space<vmem>>, vector<1x128xf32>
    %add3A_72 = vector.broadcast %get3A_71 : vector<1x128xf32> to vector<2560x128xf32>
    %add3A_73 = arith.addf %dot_general3A_68, %add3A_72 : vector<2560x128xf32>
    %max3A_74 = arith.constant 0.000000e+00 : f32
    %max3A_75 = vector.broadcast %max3A_74 : f32 to vector<2560x128xf32>
    %max3A_76 = arith.maximumf %add3A_73, %max3A_75 : vector<2560x128xf32>
    %get3A_77 = arith.constant 0 : index
    %get3A_78 = arith.constant 0 : index
    %get3A_79 = vector.load %arg14[%get3A_77, %get3A_78] : memref<1x128xf32, #tpu.memory_space<vmem>>, vector<1x128xf32>
    %mul3A = vector.broadcast %get3A_79 : vector<1x128xf32> to vector<2560x128xf32>
    %mul3A_80 = arith.mulf %max3A_76, %mul3A : vector<2560x128xf32>
    %ge3A = arith.constant 0.000000e+00 : f32
    %ge3A_81 = vector.broadcast %ge3A : f32 to vector<2560x128xf32>
    %ge3A_82 = arith.cmpf oge, %mul3A_80, %ge3A_81 : vector<2560x128xf32>
    %mul3A_83 = arith.constant 0.00999999977 : f32
    %mul3A_84 = vector.broadcast %mul3A_83 : f32 to vector<2560x128xf32>
    %mul3A_85 = arith.mulf %mul3A_84, %mul3A_80 : vector<2560x128xf32>
    %select_n3A = arith.select %ge3A_82, %mul3A_80, %mul3A_85 : vector<2560x128xi1>, vector<2560x128xf32>
    %get3A_86 = arith.constant 0 : index
    %get3A_87 = arith.constant 0 : index
    %get3A_88 = vector.load %arg15[%get3A_86, %get3A_87] : memref<128x128xbf16, #tpu.memory_space<vmem>>, vector<128x128xbf16>
    %convert_element_type3A_89 = arith.truncf %select_n3A : vector<2560x128xf32> to vector<2560x128xbf16>
    %dot_general3A_90 = arith.constant dense<0.000000e+00> : vector<128x2560xf32>
    %dot_general3A_91 = tpu.matmul %get3A_88, %convert_element_type3A_89, %dot_general3A_90 {dimension_numbers = #tpu.dot_dimension_numbers<[0], [1], [1], [0], [0, 1, 1, 0], [], []>, transpose_lhs_hint = false} : vector<128x128xbf16>, vector<2560x128xbf16>, vector<128x2560xf32> -> vector<128x2560xf32>
    %slice3A = vector.extract_strided_slice %dot_general3A_91 {offsets = [0, 0], sizes = [1, 2560], strides = [1, 1]} : vector<128x2560xf32> to vector<1x2560xf32>
    %squeeze3A = vector.shape_cast %slice3A : vector<1x2560xf32> to vector<2560xf32>
    %swap3A = arith.constant 0 : index
    %swap3A_92 = arith.constant 0 : index
    %swap3A_93 = arith.constant 0 : index
    %swap3A_94 = vector.load %arg16[%swap3A, %swap3A_92, %swap3A_93] : memref<1x1x2560xf32, #tpu.memory_space<vmem>>, vector<1x1x2560xf32>
    %swap3A_95 = vector.shape_cast %swap3A_94 : vector<1x1x2560xf32> to vector<2560xf32>
    %swap3A_96 = vector.shape_cast %squeeze3A : vector<2560xf32> to vector<1x1x2560xf32>
    tpu.vector_store %arg16[%swap3A, %swap3A_92, %swap3A_93], %swap3A_96 {strides = array<i32>} : memref<1x1x2560xf32, #tpu.memory_space<vmem>>, vector<1x1x2560xf32>,
    %get3A_97 = arith.constant 0 : index
    %get3A_98 = memref.load %arg18[%get3A_97] : memref<1xf32, #tpu.memory_space<smem>>
    %slice3A_99 = vector.extract_strided_slice %dot_general3A_91 {offsets = [0, 0], sizes = [1, 2560], strides = [1, 1]} : vector<128x2560xf32> to vector<1x2560xf32>
    %squeeze3A_100 = vector.shape_cast %slice3A_99 : vector<1x2560xf32> to vector<2560xf32>
    %reduce_max3A = vector.shape_cast %squeeze3A_100 : vector<2560xf32> to vector<1x2560xf32>
    %reduce_max3A_101 = arith.constant dense<0xFF800000> : vector<1xf32>
    %reduce_max3A_102 = vector.multi_reduction <maximumf>, %reduce_max3A, %reduce_max3A_101 [1] : vector<1x2560xf32> to vector<1xf32>
    %reduce_max3A_103 = vector.shape_cast %reduce_max3A_102 : vector<1xf32> to vector<1x1xf32>
    %reduce_max3A_104 = vector.extract %reduce_max3A_103[0, 0] : f32 from vector<1x1xf32>
    %max3A_105 = arith.maximumf %get3A_98, %reduce_max3A_104 : f32
    %swap3A_106 = arith.constant 0 : index
    %swap3A_107 = memref.load %arg18[%swap3A_106] : memref<1xf32, #tpu.memory_space<smem>>
    memref.store %max3A_105, %arg18[%swap3A_106] : memref<1xf32, #tpu.memory_space<smem>>
    %eq3A_108 = arith.constant 124 : i32
    %eq3A_109 = arith.cmpi eq, %arg0, %eq3A_108 : i32
    %convert_element_type3A_110 = arith.extui %eq3A_109 : i1 to i32
    %cond3A_111 = arith.constant 0 : i32
    %cond3A_112 = arith.cmpi ne, %convert_element_type3A_110, %cond3A_111 : i32
    scf.if %cond3A_112 {
      %get3A_113 = arith.constant 0 : index
      %get3A_114 = memref.load %arg18[%get3A_113] : memref<1xf32, #tpu.memory_space<smem>>
      %broadcast_in_dim3A = vector.broadcast %get3A_114 : f32 to vector<1x128xf32>
      %swap3A_115 = arith.constant 0 : index
      %swap3A_116 = arith.constant 0 : index
      %swap3A_117 = vector.load %arg17[%swap3A_115, %swap3A_116] : memref<1x128xf32, #tpu.memory_space<vmem>>, vector<1x128xf32>
      tpu.vector_store %arg17[%swap3A_115, %swap3A_116], %broadcast_in_dim3A {strides = array<i32>} : memref<1x128xf32, #tpu.memory_space<vmem>>, vector<1x128xf32>,
    } else {
    }
    return
  }
  func.func @transform_0(%arg0: i32) -> (i32, i32) {
    %c0_i32 = arith.constant 0 : i32
    %c0_i32_0 = arith.constant 0 : i32
    return %arg0, %c0_i32 : i32, i32
  }
  func.func @transform_1(%arg0: i32) -> (i32, i32) {
    %c0_i32 = arith.constant 0 : i32
    %c0_i32_0 = arith.constant 0 : i32
    return %arg0, %c0_i32 : i32, i32
  }
  func.func @transform_2(%arg0: i32) -> (i32, i32) {
    %c0_i32 = arith.constant 0 : i32
    %c0_i32_0 = arith.constant 0 : i32
    return %c0_i32, %arg0 : i32, i32
  }
  func.func @transform_3(%arg0: i32) -> (i32, i32) {
    %c0_i32 = arith.constant 0 : i32
    %c0_i32_0 = arith.constant 0 : i32
    %c0_i32_1 = arith.constant 0 : i32
    return %c0_i32, %c0_i32_0 : i32, i32
  }
  func.func @transform_4(%arg0: i32) -> (i32, i32) {
    %c0_i32 = arith.constant 0 : i32
    %c0_i32_0 = arith.constant 0 : i32
    %c0_i32_1 = arith.constant 0 : i32
    return %c0_i32, %c0_i32_0 : i32, i32
  }
  func.func @transform_5(%arg0: i32) -> (i32, i32) {
    %c0_i32 = arith.constant 0 : i32
    %c0_i32_0 = arith.constant 0 : i32
    %c0_i32_1 = arith.constant 0 : i32
    return %c0_i32, %c0_i32_0 : i32, i32
  }
  func.func @transform_6(%arg0: i32) -> (i32, i32) {
    %c0_i32 = arith.constant 0 : i32
    %c0_i32_0 = arith.constant 0 : i32
    %c0_i32_1 = arith.constant 0 : i32
    return %c0_i32, %c0_i32_0 : i32, i32
  }
  func.func @transform_7(%arg0: i32) -> (i32, i32) {
    %c0_i32 = arith.constant 0 : i32
    %c0_i32_0 = arith.constant 0 : i32
    %c0_i32_1 = arith.constant 0 : i32
    return %c0_i32, %c0_i32_0 : i32, i32
  }
  func.func @transform_8(%arg0: i32) -> (i32, i32) {
    %c0_i32 = arith.constant 0 : i32
    %c0_i32_0 = arith.constant 0 : i32
    %c0_i32_1 = arith.constant 0 : i32
    return %c0_i32, %c0_i32_0 : i32, i32
  }
  func.func @transform_9(%arg0: i32) -> (i32, i32) {
    %c0_i32 = arith.constant 0 : i32
    %c0_i32_0 = arith.constant 0 : i32
    %c0_i32_1 = arith.constant 0 : i32
    return %c0_i32, %c0_i32_0 : i32, i32
  }
  func.func @transform_10(%arg0: i32) -> (i32, i32) {
    %c0_i32 = arith.constant 0 : i32
    %c0_i32_0 = arith.constant 0 : i32
    %c0_i32_1 = arith.constant 0 : i32
    return %c0_i32, %c0_i32_0 : i32, i32
  }
  func.func @transform_11(%arg0: i32) -> (i32, i32) {
    %c0_i32 = arith.constant 0 : i32
    %c0_i32_0 = arith.constant 0 : i32
    %c0_i32_1 = arith.constant 0 : i32
    return %c0_i32, %c0_i32_0 : i32, i32
  }
  func.func @transform_12(%arg0: i32) -> (i32, i32) {
    %c0_i32 = arith.constant 0 : i32
    %c0_i32_0 = arith.constant 0 : i32
    %c0_i32_1 = arith.constant 0 : i32
    return %c0_i32, %c0_i32_0 : i32, i32
  }
  func.func @transform_13(%arg0: i32) -> (i32, i32) {
    %c0_i32 = arith.constant 0 : i32
    %c0_i32_0 = arith.constant 0 : i32
    %c0_i32_1 = arith.constant 0 : i32
    return %c0_i32, %c0_i32_0 : i32, i32
  }
  func.func @transform_14(%arg0: i32) -> (i32, i32) {
    %c0_i32 = arith.constant 0 : i32
    %c0_i32_0 = arith.constant 0 : i32
    %c0_i32_1 = arith.constant 0 : i32
    return %c0_i32, %c0_i32_0 : i32, i32
  }
  func.func @transform_15(%arg0: i32) -> (i32, i32, i32) {
    %c0_i32 = arith.constant 0 : i32
    %c0_i32_0 = arith.constant 0 : i32
    %c0_i32_1 = arith.constant 0 : i32
    return %arg0, %c0_i32, %c0_i32_0 : i32, i32, i32
  }
  func.func @transform_16(%arg0: i32) -> (i32, i32) {
    %c0_i32 = arith.constant 0 : i32
    %c0_i32_0 = arith.constant 0 : i32
    %c0_i32_1 = arith.constant 0 : i32
    return %c0_i32, %c0_i32_0 : i32, i32
  }
}

module attributes {stable_mosaic.version = 14 : i64} {
  func.func @_combine_body(%arg0: i32, %arg1: memref<2000x128xf32, #tpu.memory_space<vmem>>, %arg2: memref<2x2000x64xf32, #tpu.memory_space<vmem>>, %arg3: memref<2000x16xf32, #tpu.memory_space<vmem>>, %arg4: memref<2000x128xf32, #tpu.memory_space<vmem>>) attributes {dimension_semantics = [#tpu.dimension_semantics<arbitrary>], iteration_bounds = array<i64: 5>, scalar_prefetch = 0 : i64, scratch_operands = 0 : i64, tpu.core_type = #tpu.core_type<tc>, window_params = [{transform_indices = @transform_0, window_bounds = array<i64: 2000, 128>}, {transform_indices = @transform_1, window_bounds = array<i64: 2, 2000, 64>}, {transform_indices = @transform_2, window_bounds = array<i64: 2000, 16>}, {transform_indices = @transform_3, window_bounds = array<i64: 2000, 128>}]} {
    %get3A = arith.constant 0 : index
    %get3A_0 = arith.constant 0 : index
    %get3A_1 = arith.constant 0 : index
    %get3A_2 = vector.load %arg2[%get3A, %get3A_0, %get3A_1] : memref<2x2000x64xf32, #tpu.memory_space<vmem>>, vector<1x2000x64xf32>
    %get3A_3 = vector.shape_cast %get3A_2 : vector<1x2000x64xf32> to vector<2000x64xf32>
    %get3A_4 = arith.constant 1 : index
    %get3A_5 = arith.constant 0 : index
    %get3A_6 = arith.constant 0 : index
    %get3A_7 = vector.load %arg2[%get3A_4, %get3A_5, %get3A_6] : memref<2x2000x64xf32, #tpu.memory_space<vmem>>, vector<1x2000x64xf32>
    %get3A_8 = vector.shape_cast %get3A_7 : vector<1x2000x64xf32> to vector<2000x64xf32>
    %concatenate3A = tpu.concatenate %get3A_3, %get3A_8 in 1 : vector<2000x64xf32>, vector<2000x64xf32> -> vector<2000x128xf32>
    %get3A_9 = arith.constant 0 : index
    %get3A_10 = arith.constant 0 : index
    %get3A_11 = vector.load %arg3[%get3A_9, %get3A_10] : memref<2000x16xf32, #tpu.memory_space<vmem>>, vector<2000x16xf32>
    %reduce_sum3A = arith.constant dense<0.000000e+00> : vector<2000xf32>
    %reduce_sum3A_12 = vector.multi_reduction <add>, %get3A_11, %reduce_sum3A [1] : vector<2000x16xf32> to vector<2000xf32>
    %broadcast_in_dim3A = vector.shape_cast %reduce_sum3A_12 : vector<2000xf32> to vector<2000x1xf32>
    %gt3A = arith.constant 0.000000e+00 : f32
    %gt3A_13 = vector.broadcast %gt3A : f32 to vector<2000x1xf32>
    %gt3A_14 = arith.cmpf ogt, %broadcast_in_dim3A, %gt3A_13 : vector<2000x1xf32>
    %jit3A = arith.constant 1.000000e+00 : f32
    %broadcast_in_dim3A_15 = vector.broadcast %jit3A : f32 to vector<2000x1xf32>
    %select_n3A = arith.select %gt3A_14, %broadcast_in_dim3A, %broadcast_in_dim3A_15 : vector<2000x1xi1>, vector<2000x1xf32>
    %get3A_16 = arith.constant 0 : index
    %get3A_17 = arith.constant 0 : index
    %get3A_18 = vector.load %arg1[%get3A_16, %get3A_17] : memref<2000x128xf32, #tpu.memory_space<vmem>>, vector<2000x128xf32>
    %div3A = vector.broadcast %select_n3A : vector<2000x1xf32> to vector<2000x128xf32>
    %div3A_19 = arith.divf %concatenate3A, %div3A : vector<2000x128xf32>
    %add3A = arith.addf %get3A_18, %div3A_19 : vector<2000x128xf32>
    %swap3A = arith.constant 0 : index
    %swap3A_20 = arith.constant 0 : index
    %swap3A_21 = vector.load %arg4[%swap3A, %swap3A_20] : memref<2000x128xf32, #tpu.memory_space<vmem>>, vector<2000x128xf32>
    tpu.vector_store %arg4[%swap3A, %swap3A_20], %add3A {strides = array<i32>} : memref<2000x128xf32, #tpu.memory_space<vmem>>, vector<2000x128xf32>,
    return
  }
  func.func @transform_0(%arg0: i32) -> (i32, i32) {
    %c0_i32 = arith.constant 0 : i32
    %c0_i32_0 = arith.constant 0 : i32
    return %arg0, %c0_i32 : i32, i32
  }
  func.func @transform_1(%arg0: i32) -> (i32, i32, i32) {
    %c0_i32 = arith.constant 0 : i32
    %c0_i32_0 = arith.constant 0 : i32
    %c0_i32_1 = arith.constant 0 : i32
    return %c0_i32, %arg0, %c0_i32_0 : i32, i32, i32
  }
  func.func @transform_2(%arg0: i32) -> (i32, i32) {
    %c0_i32 = arith.constant 0 : i32
    %c0_i32_0 = arith.constant 0 : i32
    return %arg0, %c0_i32 : i32, i32
  }
  func.func @transform_3(%arg0: i32) -> (i32, i32) {
    %c0_i32 = arith.constant 0 : i32
    %c0_i32_0 = arith.constant 0 : i32
    return %arg0, %c0_i32 : i32, i32
  }
}

</mosaic_0001>

<sc_bundles>
// kernel: kernel.6.cloned.1.call-start
scs
__scs_entry_jumppad:
0x0: {  	(pc) =	sbr.rel $0x88, $3  }
0x1: {  	(tag) =	ssettag $0x0;
	lr =	simm.s32 $0x1  }
0x2: {  	[smem:$0x3F95] =	sst lr;
	_ =	strace $0xD0000000  }
0x3: {  	_ = 	snop  }
0x4: {  	_ = 	snop  }
0x5: {  	_ = 	snop  }
0x6: {  	_ = 	snop  }
0x7: {  	_ = 	snop  }
__scs_overlays_trampoline_lowered:
0x8: {  	[smem:$0x3FA4] =	sst s0  }
0x9: {  	[smem:$0x3FA5] =	sst s1  }
0xa: {  	[smem:$0x3FA6] =	sst s2  }
0xb: {  	[smem:$0x3FA7] =	sst s3  }
0xc: {  	[smem:$0x3FA8] =	sst s4  }
0xd: {  	[smem:$0x3FA9] =	sst s5  }
0xe: {  	[smem:$0x3FAA] =	sst s6  }
0xf: {  	[smem:$0x3FAB] =	sst s7  }
0x10: {  	[smem:$0x3FAC] =	sst s8  }
0x11: {  	[smem:$0x3FAD] =	sst s9;
	s0 =	simm.s32 @!p0 $0x0  }
0x12: {  	s1 =	sld [smem:$0x3F93];
	s0 =	simm.s32 @p0 $0x1  }
0x13: {  	[smem:$0x3FAE] =	sst s0;
	s0 =	simm.s32 @!p1 $0x0  }
0x14: {  	s2 =	sld [smem:$0x3F92];
	s0 =	simm.s32 @p1 $0x1  }
0x15: {  	[smem:$0x3FAF] =	sst s0;
	s0 =	simm.s32 @!p2 $0x0  }
0x16: {  	s3 =	sld [smem:$0x3FDB];
	s0 =	simm.s32 @p2 $0x1  }
0x17: {  	s4 =	simm.s32 $0x1BF5;
	[smem:$0x3FB1] =	sst s0  }
0x18: {  	s0 =	sld [smem:$0x3F94];
	_ =	swait.ge [sflag:s4], $0x0  }
0x19: {  	s7 =	sld [smem:$0x3F95]  }
0x1a: {  	s8 =	sadd.s32 $0xFFFFE003, lr  }
0x1b: {  	s9 =	sadd.s32 $0xFFFFFEF7, lr;
	s5 =	simm.s32 $0xFFFFFFFF;
	p2 =	slt.u32 s8, $0xFFFFF086  }
0x1c: {  	p1 =	slt.u32 s9, $0xF7A;
	s5 =	simm.s32 @!p2 $0x0  }
0x1d: {  	s5 =	simm.s32 @p1 $0x1;
	p0 =	seq.s32 s7, s2  }
0x1e: {  	s7 =	smul.u32 @!p0 $0xF7A, s2;
	p2 =	seq.s32 @!p0 s5, $0x0  }
0x1f: {  	s9 =	smul.u32 $0xF7A, s1;
	s8 =	simm.s32 @!p0 $0x1BF5;
	p2 =	por !p2, p0  }
0x20: {  	[sflag:s8] =	ssyncset.s32 @!p0 $0xFFFFF086;
	s6 =	sadd.s32 @!p0 s3, s7;
	s7 =	simm.s32 @!p0 $0x108  }
0x21: {  	s3 =	sadd.s32 s3, s9;
	s6 =	sadd.s32 @!p0 $0x88, s6;
	s7 =	simm.s32 @p2 $0x1082  }
0x22: {  	[simem:s7], [sflag:s8] =	dma.local @!p0 [hbm:s6], $0xF7A  }
0x23: {  	s9 =	sor.u32 $0xD0000000, s2;
	s6 =	simm.s32 $0x108;
	_ =	swait.ge @!p0 [sflag:s8], $0x0  }
0x24: {  	s3 =	sadd.s32 $0x88, s3;
	s6 =	simm.s32 @!p1 $0x1082;
	[sflag:s4] =	ssyncset.s32 $0xFFFFF086  }
0x25: {  	[simem:s6], [sflag:s4] =	dma.local [hbm:s3], $0xF7A  }
0x26: {  	[smem:$0x3F95] =	sst s1;
	(tag) =	ssettag s2;
	_ =	strace s9  }
0x27: {  	s1 =	sld [smem:$0x3FA5]  }
0x28: {  	s2 =	sld [smem:$0x3FA6]  }
0x29: {  	s4 =	sld [smem:$0x3FA8]  }
0x2a: {  	p0 =	seq.s32 s5, $0x0;
	s5 =	sld [smem:$0x3FA9]  }
0x2b: {  	s6 =	sld [smem:$0x3FAA]  }
0x2c: {  	s7 =	sld [smem:$0x3FAB]  }
0x2d: {  	s3 =	simm.s32 $0x108;
	s8 =	sld [smem:$0x3FAC]  }
0x2e: {  	s3 =	simm.s32 @!p0 $0x1082;
	s9 =	sld [smem:$0x3FAD]  }
0x2f: {  	lr =	sadd.s32 s0, s3;
	s0 =	sld [smem:$0x3FA4]  }
0x30: {  	s3 =	sld [smem:$0x3FA7]  }
0x31: {  	[smem:$0x3FB0] =	sst s10  }
0x32: {  	s10 =	sld [smem:$0x3FAE];
	_ =	sdelay $0x3  }
0x33: {  	p0 =	seq.s32 s10, $0x1;
	s10 =	sld [smem:$0x3FB0];
	_ =	sdelay $0x3  }
0x34: {  	[smem:$0x3FB0] =	sst s10  }
0x35: {  	s10 =	sld [smem:$0x3FAF];
	_ =	sdelay $0x3  }
0x36: {  	p1 =	seq.s32 s10, $0x1;
	s10 =	sld [smem:$0x3FB0];
	_ =	sdelay $0x3  }
0x37: {  	[smem:$0x3FB0] =	sst s10  }
0x38: {  	s10 =	sld [smem:$0x3FB1]  }
0x39: {  	_ = 	snop;
	(pc) =	sbr.ind lr, $3  }
0x3a: {  	_ = 	snop  }
0x3b: {  	_ = 	snop  }
0x3c: {  	p2 =	seq.s32 s10, $0x1;
	s10 =	sld [smem:$0x3FB0]  }
0x3d: {  	_ =	shalt  }
0x3e: {  	_ =	shalt  }
0x3f: {  	_ =	shalt  }
0x40: {  	_ =	shalt  }
0x41: {  	_ =	shalt  }
0x42: {  	_ =	shalt  }
0x43: {  	_ =	shalt  }
0x44: {  	_ =	shalt  }
0x45: {  	_ =	shalt  }
0x46: {  	_ =	shalt  }
0x47: {  	_ =	shalt  }
0x48: {  	_ =	shalt  }
0x49: {  	_ =	shalt  }
0x4a: {  	_ =	shalt  }
0x4b: {  	_ =	shalt  }
0x4c: {  	_ =	shalt  }
0x4d: {  	_ =	shalt  }
0x4e: {  	_ =	shalt  }
0x4f: {  	_ =	shalt  }
0x50: {  	_ =	shalt  }
0x51: {  	_ =	shalt  }
0x52: {  	_ =	shalt  }
0x53: {  	_ =	shalt  }
0x54: {  	_ =	shalt  }
0x55: {  	_ =	shalt  }
0x56: {  	_ =	shalt  }
0x57: {  	_ =	shalt  }
0x58: {  	_ =	shalt  }
0x59: {  	_ =	shalt  }
0x5a: {  	_ =	shalt  }
0x5b: {  	_ =	shalt  }
0x5c: {  	_ =	shalt  }
0x5d: {  	_ =	shalt  }
0x5e: {  	_ =	shalt  }
0x5f: {  	_ =	shalt  }
0x60: {  	_ =	shalt  }
0x61: {  	_ =	shalt  }
0x62: {  	_ =	shalt  }
0x63: {  	_ =	shalt  }
0x64: {  	_ =	shalt  }
0x65: {  	_ =	shalt  }
0x66: {  	_ =	shalt  }
0x67: {  	_ =	shalt  }
0x68: {  	_ =	shalt  }
0x69: {  	_ =	shalt  }
0x6a: {  	_ =	shalt  }
0x6b: {  	_ =	shalt  }
0x6c: {  	_ =	shalt  }
0x6d: {  	_ =	shalt  }
0x6e: {  	_ =	shalt  }
0x6f: {  	_ =	shalt  }
0x70: {  	_ =	shalt  }
0x71: {  	_ =	shalt  }
0x72: {  	_ =	shalt  }
0x73: {  	_ =	shalt  }
0x74: {  	_ =	shalt  }
0x75: {  	_ =	shalt  }
0x76: {  	_ =	shalt  }
0x77: {  	_ =	shalt  }
0x78: {  	_ =	shalt  }
0x79: {  	_ =	shalt  }
0x7a: {  	_ =	shalt  }
0x7b: {  	_ =	shalt  }
0x7c: {  	_ =	shalt  }
0x7d: {  	_ =	shalt  }
0x7e: {  	_ =	shalt  }
0x7f: {  	_ =	shalt  }
0x80: {  	_ =	shalt  }
0x81: {  	_ =	shalt  }
0x82: {  	_ =	shalt  }
0x83: {  	_ =	shalt  }
0x84: {  	_ =	shalt  }
0x85: {  	_ =	shalt  }
0x86: {  	_ =	shalt  }
0x87: {  	_ =	shalt  }
.Lfunc_end0:
.L_simem_size_0:
called_computation_lowered:
.L_overlay_start_0:
0x88: {  	s2 =	sld [smem:$0x3FD9]  }
0x89: {  	s3 =	sld [smem:$0x3FFE];
	_ =	sdelay $0x1  }
0x8a: {  	s1 =	srdreg.scid  }
0x8b: {  	s0 =	sand.u32 $0x1, s1  }
0x8c: {  	s17 =	sshll.u32 s0, $0xA;
	s2 =	sadd.s32 s3, s2  }
0x8d: {  	s2 =	sadd.s32 s2, s17  }
0x8e: {  	[smem:$0x3FBC] =	sst s2  }
0x8f: {  	_ = 	snop  }
0x90: {  	s2 =	sld [smem:$0x3FC9];
	(tm) =	ssettm $0x1  }
0x91: {  	s18 =	sld [smem:$0x3FFB];
	_ =	sdelay $0x3  }
0x92: {  	_ =	strace s18  }
0x93: {  	s3 =	sld [smem:$0x3FFC];
	_ =	sdelay $0x3  }
0x94: {  	_ =	strace s3  }
0x95: {  	s3 =	sld [smem:$0x3FFD];
	_ =	sdelay $0x3  }
0x96: {  	_ =	strace s3  }
0x97: {  	_ =	strace $0x8FFFFFFF  }
0x98: {  	s19 =	sld [smem:$0x3FDB];
	_ =	sdelay $0x1  }
0x99: {  	s4 =	simm.s32 $_scs_section_size  }
0x9a: {  	s5 =	simm.s32 $_size__tile_overlayer_lowered;
	s6 =	simm.s32 $_tile_overlayer_lowered  }
0x9b: {  	s22 =	simm.s32 $0x1BFF;
	s21 =	sshll.u32 s6, $0x1;
	s3 =	sadd.s32 s4, s19  }
0x9c: {  	s7 =	simm.s32 $0x0;
	s20 =	sshll.u32 s5, $0x1;
	s5 =	sadd.s32 s21, s3  }
0x9d: {  	[timem:s7], [sflag:s22] =	dma.local [hbm:s5], s20  }
0x9e: {  	_ =	swait.ge [sflag:s22], s20  }
0x9f: {  	s4 =	ssub.s32 $0x0, s20;
	[sflag:s22] =	ssyncset.done $0x0  }
0xa0: {  	[sflag:s22] =	ssyncadd.s32 s4;
	_ =	sdelay $0x1  }
0xa1: {  	s23 =	simm.s32 $0x1B8B  }
0xa2: {  	_ =	swait.ge [sflag:s23], $0x1  }
0xa3: {  	[sflag:s23] =	ssyncset.done $0x0  }
0xa4: {  	s25 =	simm.s32 $0x1B8E;
	s24 =	sld [smem:$0x3FFE];
	[sflag:s23] =	ssyncadd.s32 $0xFFFFFFFF  }
0xa5: {  	s26 =	simm.s32 $execute0_lowered;
	[smem:$0x3FD2] =	sst s25  }
0xa6: {  	s5 =	sshll.u32 s26, $0x1;
	_ =	strace $0x80000046;
	[dreg:$0x1] =	wrdreg $0xFFFFFFFF  }
0xa7: {  	s28 =	simm.s32 $_size_execute0_lowered;
	s3 =	sadd.s32 s3, s5;
	[dreg:$0x0] =	wrdreg $0x0  }
0xa8: {  	s5 =	sshll.u32 s28, $0x1;
	[dreg:$0x2] =	wrdreg s3  }
0xa9: {  	[dreg:$0x3] =	wrdreg s5  }
0xaa: {  	[dreg:$0x4] =	wrdreg $0xC0  }
0xab: {  	_ =	task [dreg:s7], $0x5FFFF  }
0xac: {  	[dreg:$0x1] =	wrdreg $0xFFFFFFFF  }
0xad: {  	[dreg:$0x0] =	wrdreg $0x60  }
0xae: {  	[dreg:$0x2] =	wrdreg s2  }
0xaf: {  	[dreg:$0x3] =	wrdreg s24  }
0xb0: {  	[dreg:$0x4] =	wrdreg $0x9  }
0xb1: {  	_ =	task.clear_ibuf [dreg:s7], $0x5FFFF;
	_ =	strace $0x90000046  }
0xb2: {  	s29 =	simm.s32 $0x9;
	_ =	strace $0x80000048  }
0xb3: {  	_ =	swait.ge [sflag:s29], $0x1  }
0xb4: {  	[sflag:s29] =	ssyncadd.s32 $0xFFFFFFFF  }
0xb5: {  	_ =	strace $0x90000048  }
0xb6: {  	_ =	sfence  }
0xb7: {  	s30 =	sld [smem:$0x0];
	_ =	sdelay $0x2  }
0xb8: {  	s31 =	sshll.u32 s1, $0xD;
	s1 =	sshrl.u32 s1, $0x2  }
0xb9: {  	s3 =	sand.u32 $0x4000, s31;
	s1 =	sadd.s32 s1, s30  }
0xba: {  	s0 =	sor.u32 s3, s0;
	s1 =	sshll.u32 s1, $0x11  }
0xbb: {  	s0 =	sor.u32 s1, s0  }
0xbc: {  	s0 =	sadd.s32 $0x8F2B, s0  }
0xbd: {  	[sflag:s0] =	ssyncadd.remote.s32 $0x1  }
0xbe: {  	_ =	sfence.sel $0xFFFF  }
0xbf: {  	[dreg:$0x0] =	wrdreg $0xFFFFFFFF;
	(pc) =	sbr.abs _section_cstart, $3  }
0xc0: {  	[dreg:$0x1] =	wrdreg $0xFFFFFFFF  }
0xc1: {  	_ =	task.clear_ibuf [dreg:s7], $0x2FFFF;
	_ =	strace $0x9FFFFFFF  }
0xc2: {  	(tm) =	ssettm $0x7FFFFFFF  }
0xc3: {  	_ =	shalt  }
tec
execute0_lowered:
.L_overlay_start_1:
0x0: {  	(tag) =	ssettag $0x1  }
0x1: {  	s2 =	rddreg [dreg:$0x0]  }
0x2: {  	s6 =	rddreg [dreg:$0x1]  }
0x3: {  	s0 =	stileid.u32;
	s4 =	srdreg.scid;
	s3 =	simm.s32 $0x0  }
0x4: {  	s14 =	simm.s32 $0xC8;
	s15 =	simm.s32 $0x400;
	s16 =	simm.s32 $0x6800  }
0x5: {  	s17 =	simm.s32 $0x200;
	s18 =	simm.s32 $0x300;
	s19 =	simm.s32 $0x2  }
0x6: {  	s20 =	simm.s32 $0xCC00;
	s21 =	simm.s32 $0x13000;
	s22 =	simm.s32 $0x3  }
0x7: {  	s23 =	simm.s32 $0x0;
	s7 =	sand.u32 $0x1, s4;
	s8 =	smul.u32 $0x4E200, s0  }
0x8: {  	s24 =	sshll.u32 s0, $0x1;
	[smem:$0x7FF] =	sst s3;
	s10 =	smul.u32 $0x4E20, s0  }
0x9: {  	s5 =	sadd.s32 $0x3C00, s6;
	s4 =	sor.u32 s7, s24;
	s12 =	smul.u32 $0x2710, s7  }
0xa: {  	_ =	strace $0x80000047;
	s25 =	ssub.s32 $0x2, s7;
	s13 =	smul.u32 $0x27100, s7  }
0xb: {  	s9 =	smul.u32 $0x2710, s4;
	s4 =	sadd.s32 $0xDA00, s6;
	s26 =	sshrl.u32 s25, $0x1  }
0xc: {  	s11 =	sadd.s32 s8, s6;
	s8 =	ssub.s32 s25, s26;
	s10 =	sadd.s32 s12, s10  }
0xd: {  	s11 =	sadd.s32 s13, s11;
	s12 =	simm.s32 $0x100;
	s13 =	simm.s32 $0x1  }
0xe: {  	s9 =	sshrl.u32 s9, $0x3;
	s30 =	sadd.s32 $0x17800, s11;
	s11 =	sadd.s32 $0x4F9800, s11  }
0xf: {  	s28 =	sadd.s32 s4, s9;
	s29 =	sadd.s32 s5, s9;
	[dreg:$0x3] =	wrdreg s30  }
0x10: {  	s9 =	sadd.s32 $0x190, s10;
	s10 =	sadd.s32 $0xC8, s10;
	[dreg:$0x4] =	wrdreg s11  }
0x11: {  	s8 =	smax.u32 s8, $0x1;
	[dreg:$0x5] =	wrdreg s28;
	s31 =	sshrl.u32 s10, $0x3  }
0x12: {  	[dreg:$0x6] =	wrdreg s29;
	s10 =	sadd.s32 s31, s5;
	s11 =	sadd.s32 s31, s4  }
.LBB2_1:
0x13: {  	s0 =	rddreg [dreg:$0x5]  }
0x14: {  	[tilespmem:s3], [sflag:$0x1] =	stream.linear.gather [hbm4b:s0+s3], $0xC8, $0x38;
	[tilespmem:$0x19400] =	vst v63  }
0x15: {  	s30 =	rddreg [dreg:$0x6]  }
0x16: {  	[tilespmem:s12], [sflag:$0x1] =	stream.linear.gather [hbm4b:s30+s3], $0xC8, $0x38;
	[tilespmem:$0x19400] =	vst v63  }
0x17: {  	_ =	swait.ge [sflag:s13], $0xC8  }
0x18: {  	[sflag:s13] =	ssyncset.done $0x0  }
0x19: {  	[sflag:s13] =	ssyncadd.s32 $0xFFFFFF38  }
0x1a: {  	_ =	swait.ge [sflag:s13], $0xC8  }
0x1b: {  	[sflag:s13] =	ssyncset.done $0x0  }
0x1c: {  	[sflag:s13] =	ssyncadd.s32 $0xFFFFFF38  }
0x1d: {  	[tilespmem:s15], [sflag:$0x2] =	stream.indirect.gather [hbm4b:s2+s14], $0x80, s3, s14, $0xb8;
	[tilespmem:$0x19400] =	vst v63  }
0x1e: {  	_ = 	snop  }
0x1f: {  	[tilespmem:s16], [sflag:$0x2] =	stream.indirect.gather [hbm4b:s2+s14], $0x80, s12, s14, $0xb8;
	[tilespmem:$0x19400] =	vst v63  }
0x20: {  	_ = 	snop  }
0x21: {  	[tilespmem:s17], [sflag:$0x1] =	stream.linear.gather [hbm4b:s11+s3], $0xC8, $0x38;
	[tilespmem:$0x19400] =	vst v63  }
0x22: {  	_ = 	snop  }
0x23: {  	[tilespmem:s18], [sflag:$0x1] =	stream.linear.gather [hbm4b:s10+s3], $0xC8, $0x38;
	[tilespmem:$0x19400] =	vst v63  }
0x24: {  	_ =	swait.ge [sflag:s19], $0x6400  }
0x25: {  	[sflag:s19] =	ssyncset.done $0x0  }
0x26: {  	[sflag:s19] =	ssyncadd.s32 $0xFFFF9C00  }
0x27: {  	_ =	swait.ge [sflag:s19], $0x6400  }
0x28: {  	[sflag:s19] =	ssyncset.done $0x0  }
0x29: {  	[sflag:s19] =	ssyncadd.s32 $0xFFFF9C00  }
0x2a: {  	_ =	swait.ge [sflag:s13], $0xC8  }
0x2b: {  	[sflag:s13] =	ssyncset.done $0x0  }
0x2c: {  	[sflag:s13] =	ssyncadd.s32 $0xFFFFFF38  }
0x2d: {  	_ =	swait.ge [sflag:s13], $0xC8  }
0x2e: {  	p0 =	por $0x1, $0x1;
	[sflag:s13] =	ssyncset.done $0x0  }
0x2f: {  	s24 =	simm.s32 @!p0 $0x3;
	[sflag:s13] =	ssyncadd.s32 $0xFFFFFF38  }
0x30: {  	_ =	swait.ge @!p0 [sflag:s24], $0x6400  }
0x31: {  	[sflag:s24] =	ssyncset.done @!p0 $0x0  }
0x32: {  	[sflag:s24] =	ssyncadd.s32 @!p0 $0xFFFF9C00  }
0x33: {  	_ =	swait.ge @!p0 [sflag:s24], $0x6400  }
0x34: {  	[sflag:s24] =	ssyncset.done @!p0 $0x0  }
0x35: {  	[sflag:s24] =	ssyncadd.s32 @!p0 $0xFFFF9C00  }
0x36: {  	[tilespmem:s20], [sflag:$0x2] =	stream.indirect.gather [hbm4b:s2+s14], $0x80, s17, s14, $0xb8;
	[tilespmem:$0x19400] =	vst v63  }
0x37: {  	s31 =	rddreg [dreg:$0x3]  }
0x38: {  	[tilespmem:s21], [sflag:$0x2] =	stream.indirect.gather [hbm4b:s2+s14], $0x80, s18, s14, $0xb8;
	[tilespmem:$0x19400] =	vst v63  }
0x39: {  	s25 =	rddreg [dreg:$0x4];
	s24 =	sadd.s32 $0x0, s31;
	p0 =	por $0x0, $0x0  }
0x3a: {  	[hbm4b:s24+s3] =	stream.linear.scatter [tilespmem:s15], [sflag:$0x3], $0x6400, $0x38;
	[tilespmem:$0x19400] =	vst v63  }
0x3b: {  	s25 =	sadd.s32 $0x0, s25;
	s26 =	sshrl.u32 @!p0 s9, $0x3  }
0x3c: {  	[hbm4b:s25+s3] =	stream.linear.scatter [tilespmem:s16], [sflag:$0x3], $0x6400, $0x38;
	[tilespmem:$0x19400] =	vst v63  }
0x3d: {  	s28 =	simm.s32 @!p0 $0x0;
	s29 =	sadd.s32 @!p0 s4, s26  }
0x3e: {  	[tilespmem:s28], [sflag:$0x1] =	stream.linear.gather @!p0 [hbm4b:s29+s28], $0xC8, $0x38;
	[tilespmem:$0x19400] =	vst v63  }
0x3f: {  	s26 =	sadd.s32 @!p0 s5, s26;
	s29 =	simm.s32 @!p0 $0x100  }
0x40: {  	[tilespmem:s29], [sflag:$0x1] =	stream.linear.gather @!p0 [hbm4b:s26+s28], $0xC8, $0x38;
	[tilespmem:$0x19400] =	vst v63  }
0x41: {  	_ =	swait.ge [sflag:s19], $0x6400  }
0x42: {  	[sflag:s19] =	ssyncset.done $0x0  }
0x43: {  	[sflag:s19] =	ssyncadd.s32 $0xFFFF9C00  }
0x44: {  	_ =	swait.ge [sflag:s19], $0x6400  }
0x45: {  	[sflag:s19] =	ssyncset.done $0x0  }
0x46: {  	[sflag:s19] =	ssyncadd.s32 $0xFFFF9C00  }
0x47: {  	_ =	swait.ge [sflag:s22], $0x6400  }
0x48: {  	[sflag:s22] =	ssyncset.done $0x0  }
0x49: {  	[sflag:s22] =	ssyncadd.s32 $0xFFFF9C00  }
0x4a: {  	_ =	swait.ge [sflag:s22], $0x6400  }
0x4b: {  	[sflag:s22] =	ssyncset.done $0x0  }
0x4c: {  	s26 =	simm.s32 @!p0 $0x1;
	[sflag:s22] =	ssyncadd.s32 $0xFFFF9C00  }
0x4d: {  	_ =	swait.ge @!p0 [sflag:s26], $0xC8  }
0x4e: {  	[sflag:s26] =	ssyncset.done @!p0 $0x0  }
0x4f: {  	[sflag:s26] =	ssyncadd.s32 @!p0 $0xFFFFFF38  }
0x50: {  	_ =	swait.ge @!p0 [sflag:s26], $0xC8  }
0x51: {  	[sflag:s26] =	ssyncset.done @!p0 $0x0  }
0x52: {  	s30 =	simm.s32 @!p0 $0xC8;
	[sflag:s26] =	ssyncadd.s32 @!p0 $0xFFFFFF38;
	s26 =	simm.s32 @!p0 $0x400  }
0x53: {  	[tilespmem:s26], [sflag:$0x2] =	stream.indirect.gather @!p0 [hbm4b:s2+s30], $0x80, s28, s30, $0xb8;
	[tilespmem:$0x19400] =	vst v63  }
0x54: {  	s26 =	simm.s32 @!p0 $0x6800  }
0x55: {  	[tilespmem:s26], [sflag:$0x2] =	stream.indirect.gather @!p0 [hbm4b:s2+s30], $0x80, s29, s30, $0xb8;
	[tilespmem:$0x19400] =	vst v63  }
0x56: {  	s24 =	sadd.s32 $0xC80, s24;
	s28 =	smov.u32 s10;
	s29 =	sadd.s32 $0xC80, s25  }
0x57: {  	[hbm4b:s24+s3] =	stream.linear.scatter [tilespmem:s20], [sflag:$0x3], $0x6400, $0x38;
	[tilespmem:$0x19400] =	vst v63  }
0x58: {  	s25 =	sadd.s32 $0x32, s11;
	s26 =	smov.u32 s9;
	s24 =	simm.s32 $0x1900  }
.LBB2_2:
0x59: {  	[hbm4b:s29+s3] =	stream.linear.scatter [tilespmem:s21], [sflag:$0x3], $0x6400, $0x38;
	[tilespmem:$0x19400] =	vst v63  }
0x5a: {  	_ = 	snop  }
0x5b: {  	[tilespmem:s17], [sflag:$0x1] =	stream.linear.gather [hbm4b:s25+s3], $0xC8, $0x38;
	[tilespmem:$0x19400] =	vst v63  }
0x5c: {  	s28 =	sadd.s32 $0x32, s28  }
0x5d: {  	[tilespmem:s18], [sflag:$0x1] =	stream.linear.gather [hbm4b:s28+s3], $0xC8, $0x38;
	[tilespmem:$0x19400] =	vst v63  }
0x5e: {  	_ =	swait.ge [sflag:s19], $0x6400  }
0x5f: {  	[sflag:s19] =	ssyncset.done $0x0  }
0x60: {  	[sflag:s19] =	ssyncadd.s32 $0xFFFF9C00  }
0x61: {  	_ =	swait.ge [sflag:s19], $0x6400  }
0x62: {  	[sflag:s19] =	ssyncset.done $0x0  }
0x63: {  	[sflag:s19] =	ssyncadd.s32 $0xFFFF9C00  }
0x64: {  	_ =	swait.ge [sflag:s13], $0xC8  }
0x65: {  	[sflag:s13] =	ssyncset.done $0x0  }
0x66: {  	[sflag:s13] =	ssyncadd.s32 $0xFFFFFF38  }
0x67: {  	s31 =	smov.u32 s24;
	_ =	swait.ge [sflag:s13], $0xC8  }
0x68: {  	p1 =	seq.s32 s31, $0x0;
	[sflag:s13] =	ssyncset.done $0x0  }
0x69: {  	s29 =	simm.s32 @!p1 $0x3;
	[sflag:s13] =	ssyncadd.s32 $0xFFFFFF38  }
0x6a: {  	_ =	swait.ge @!p1 [sflag:s29], $0x6400  }
0x6b: {  	[sflag:s29] =	ssyncset.done @!p1 $0x0  }
0x6c: {  	[sflag:s29] =	ssyncadd.s32 @!p1 $0xFFFF9C00  }
0x6d: {  	_ =	swait.ge @!p1 [sflag:s29], $0x6400  }
0x6e: {  	[sflag:s29] =	ssyncset.done @!p1 $0x0  }
0x6f: {  	[sflag:s29] =	ssyncadd.s32 @!p1 $0xFFFF9C00  }
0x70: {  	[tilespmem:s20], [sflag:$0x2] =	stream.indirect.gather [hbm4b:s2+s14], $0x80, s17, s14, $0xb8;
	[tilespmem:$0x19400] =	vst v63  }
0x71: {  	s26 =	sadd.s32 $0x190, s26;
	s29 =	rddreg [dreg:$0x3]  }
0x72: {  	[tilespmem:s21], [sflag:$0x2] =	stream.indirect.gather [hbm4b:s2+s14], $0x80, s18, s14, $0xb8;
	[tilespmem:$0x19400] =	vst v63  }
0x73: {  	s30 =	rddreg [dreg:$0x4];
	p1 =	seq.s32 s31, $0x25800;
	s29 =	sadd.s32 s31, s29  }
0x74: {  	[hbm4b:s29+s3] =	stream.linear.scatter [tilespmem:s15], [sflag:$0x3], $0x6400, $0x38;
	[tilespmem:$0x19400] =	vst v63  }
0x75: {  	s30 =	sadd.s32 s31, s30;
	s31 =	sshrl.u32 @!p1 s26, $0x3  }
0x76: {  	[hbm4b:s30+s3] =	stream.linear.scatter [tilespmem:s16], [sflag:$0x3], $0x6400, $0x38;
	[tilespmem:$0x19400] =	vst v63  }
0x77: {  	s0 =	simm.s32 @!p1 $0x0;
	s1 =	sadd.s32 @!p1 s4, s31  }
0x78: {  	[tilespmem:s0], [sflag:$0x1] =	stream.linear.gather @!p1 [hbm4b:s1+s0], $0xC8, $0x38;
	[tilespmem:$0x19400] =	vst v63  }
0x79: {  	s6 =	simm.s32 @!p1 $0x100;
	s31 =	sadd.s32 @!p1 s5, s31  }
0x7a: {  	[tilespmem:s6], [sflag:$0x1] =	stream.linear.gather @!p1 [hbm4b:s31+s0], $0xC8, $0x38;
	[tilespmem:$0x19400] =	vst v63  }
0x7b: {  	_ =	swait.ge [sflag:s19], $0x6400  }
0x7c: {  	[sflag:s19] =	ssyncset.done $0x0  }
0x7d: {  	[sflag:s19] =	ssyncadd.s32 $0xFFFF9C00  }
0x7e: {  	_ =	swait.ge [sflag:s19], $0x6400  }
0x7f: {  	[sflag:s19] =	ssyncset.done $0x0  }
0x80: {  	[sflag:s19] =	ssyncadd.s32 $0xFFFF9C00  }
0x81: {  	_ =	swait.ge [sflag:s22], $0x6400  }
0x82: {  	[sflag:s22] =	ssyncset.done $0x0  }
0x83: {  	[sflag:s22] =	ssyncadd.s32 $0xFFFF9C00  }
0x84: {  	_ =	swait.ge [sflag:s22], $0x6400  }
0x85: {  	[sflag:s22] =	ssyncset.done $0x0  }
0x86: {  	s1 =	simm.s32 @!p1 $0x1;
	[sflag:s22] =	ssyncadd.s32 $0xFFFF9C00  }
0x87: {  	_ =	swait.ge @!p1 [sflag:s1], $0xC8  }
0x88: {  	[sflag:s1] =	ssyncset.done @!p1 $0x0  }
0x89: {  	[sflag:s1] =	ssyncadd.s32 @!p1 $0xFFFFFF38  }
0x8a: {  	s24 =	sadd.s32 $0x1900, s24;
	_ =	swait.ge @!p1 [sflag:s1], $0xC8  }
0x8b: {  	p0 =	sne.s32 s24, $0x27100;
	[sflag:s1] =	ssyncset.done @!p1 $0x0  }
0x8c: {  	s7 =	simm.s32 @!p1 $0x400;
	s31 =	simm.s32 @!p1 $0xC8;
	[sflag:s1] =	ssyncadd.s32 @!p1 $0xFFFFFF38  }
0x8d: {  	[tilespmem:s7], [sflag:$0x2] =	stream.indirect.gather @!p1 [hbm4b:s2+s31], $0x80, s0, s31, $0xb8;
	[tilespmem:$0x19400] =	vst v63  }
.Ltmp0:
0x8e: {  	_ = 	snop;
	(pc) =	sbr.rel @p0 .LBB2_2-.Ltmp0, $4  }
0x8f: {  	s1 =	simm.s32 @!p1 $0x6800  }
0x90: {  	[tilespmem:s1], [sflag:$0x2] =	stream.indirect.gather @!p1 [hbm4b:s2+s31], $0x80, s6, s31, $0xb8;
	[tilespmem:$0x19400] =	vst v63  }
0x91: {  	s25 =	sadd.s32 $0x32, s25;
	s7 =	sadd.s32 $0xC80, s29;
	s29 =	sadd.s32 $0xC80, s30  }
0x92: {  	[hbm4b:s7+s3] =	stream.linear.scatter [tilespmem:s20], [sflag:$0x3], $0x6400, $0x38;
	[tilespmem:$0x19400] =	vst v63  }
0x93: {  	[hbm4b:s29+s3] =	stream.linear.scatter [tilespmem:s21], [sflag:$0x3], $0x6400, $0x38;
	[tilespmem:$0x19400] =	vst v63  }
0x94: {  	s23 =	sadd.s32 $0x1, s23  }
0x95: {  	_ =	swait.ge [sflag:s22], $0x6400;
	p0 =	sne.s32 s23, s8  }
.Ltmp1:
0x96: {  	[sflag:s22] =	ssyncset.done $0x0;
	(pc) =	sbr.rel @p0 .LBB2_1-.Ltmp1, $4  }
0x97: {  	[sflag:s22] =	ssyncadd.s32 $0xFFFF9C00  }
0x98: {  	_ =	swait.ge [sflag:s22], $0x6400  }
0x99: {  	[sflag:s22] =	ssyncset.done $0x0  }
0x9a: {  	[sflag:s22] =	ssyncadd.s32 $0xFFFF9C00  }
0x9b: {  	_ =	sfence.sel $0x180000  }
0x9c: {  	[bflag:$0x0] =	sbarrier.arrive $0xFFFF  }
0x9d: {  	_ =	strace $0x90000047  }
0x9e: {  	s0 =	stileid.u32;
	[bflag:$0x2] =	sbarrier.arrive $0xFFFF  }
0x9f: {  	p0 =	sne.s32 s0, $0x0;
	s0 =	rddreg [dreg:$0x2]  }
0xa0: {  	s0 =	sadd.s32 @!p0 $0x100000, s0  }
0xa1: {  	[sflag:s0] =	ssyncadd.tile.s32 @!p0 $0x1;
	_ =	shalt  }
.Lfunc_end2:
_tile_overlayer_lowered:
.L_overlay_start_2:
0xa2: {  	(tag) =	ssettag $0x2  }
0xa3: {  	s0 =	rddreg [dreg:$0x0];
	s2 =	stileid.u32  }
0xa4: {  	s1 =	rddreg [dreg:$0x1];
	p0 =	sne.s32 s2, $0x0  }
0xa5: {  	s3 =	rddreg [dreg:$0x2];
	[bflag:$0x3] =	sbarrier.arrive $0xFFFF;
	s2 =	simm.s32 @!p0 $0x1C04  }
0xa6: {  	[timem:s3], [sflag:s2] =	dma.local @!p0 [hbm:s0], s1  }
0xa7: {  	s0 =	simm.s32 @!p0 $0x4  }
0xa8: {  	_ =	swait.ge @!p0 [sflag:s0], s1  }
0xa9: {  	s1 =	ssub.s32 @!p0 $0x0, s1;
	[sflag:s0] =	ssyncset.done @!p0 $0x0  }
0xaa: {  	[sflag:s0] =	ssyncadd.s32 @!p0 s1  }
0xab: {  	[bflag:$0x3] =	sbarrier.arrive $0xFFFF  }
0xac: {  	_ =	shalt  }

// kernel: kernel.9.cloned.1.call-start
scs
__scs_entry_jumppad:
0x0: {  	(pc) =	sbr.rel $0x88, $3  }
0x1: {  	(tag) =	ssettag $0x0;
	lr =	simm.s32 $0x1  }
0x2: {  	[smem:$0x3F95] =	sst lr;
	_ =	strace $0xD0000000  }
0x3: {  	_ = 	snop  }
0x4: {  	_ = 	snop  }
0x5: {  	_ = 	snop  }
0x6: {  	_ = 	snop  }
0x7: {  	_ = 	snop  }
__scs_overlays_trampoline_lowered:
0x8: {  	[smem:$0x3FA4] =	sst s0  }
0x9: {  	[smem:$0x3FA5] =	sst s1  }
0xa: {  	[smem:$0x3FA6] =	sst s2  }
0xb: {  	[smem:$0x3FA7] =	sst s3  }
0xc: {  	[smem:$0x3FA8] =	sst s4  }
0xd: {  	[smem:$0x3FA9] =	sst s5  }
0xe: {  	[smem:$0x3FAA] =	sst s6  }
0xf: {  	[smem:$0x3FAB] =	sst s7  }
0x10: {  	[smem:$0x3FAC] =	sst s8  }
0x11: {  	[smem:$0x3FAD] =	sst s9;
	s0 =	simm.s32 @!p0 $0x0  }
0x12: {  	s1 =	sld [smem:$0x3F93];
	s0 =	simm.s32 @p0 $0x1  }
0x13: {  	[smem:$0x3FAE] =	sst s0;
	s0 =	simm.s32 @!p1 $0x0  }
0x14: {  	s2 =	sld [smem:$0x3F92];
	s0 =	simm.s32 @p1 $0x1  }
0x15: {  	[smem:$0x3FAF] =	sst s0;
	s0 =	simm.s32 @!p2 $0x0  }
0x16: {  	s3 =	sld [smem:$0x3FDB];
	s0 =	simm.s32 @p2 $0x1  }
0x17: {  	s4 =	simm.s32 $0x1BF5;
	[smem:$0x3FB1] =	sst s0  }
0x18: {  	s0 =	sld [smem:$0x3F94];
	_ =	swait.ge [sflag:s4], $0x0  }
0x19: {  	s7 =	sld [smem:$0x3F95]  }
0x1a: {  	s8 =	sadd.s32 $0xFFFFE003, lr  }
0x1b: {  	s9 =	sadd.s32 $0xFFFFFEF7, lr;
	s5 =	simm.s32 $0xFFFFFFFF;
	p2 =	slt.u32 s8, $0xFFFFF086  }
0x1c: {  	p1 =	slt.u32 s9, $0xF7A;
	s5 =	simm.s32 @!p2 $0x0  }
0x1d: {  	s5 =	simm.s32 @p1 $0x1;
	p0 =	seq.s32 s7, s2  }
0x1e: {  	s7 =	smul.u32 @!p0 $0xF7A, s2;
	p2 =	seq.s32 @!p0 s5, $0x0  }
0x1f: {  	s9 =	smul.u32 $0xF7A, s1;
	s8 =	simm.s32 @!p0 $0x1BF5;
	p2 =	por !p2, p0  }
0x20: {  	[sflag:s8] =	ssyncset.s32 @!p0 $0xFFFFF086;
	s6 =	sadd.s32 @!p0 s3, s7;
	s7 =	simm.s32 @!p0 $0x108  }
0x21: {  	s3 =	sadd.s32 s3, s9;
	s6 =	sadd.s32 @!p0 $0x88, s6;
	s7 =	simm.s32 @p2 $0x1082  }
0x22: {  	[simem:s7], [sflag:s8] =	dma.local @!p0 [hbm:s6], $0xF7A  }
0x23: {  	s9 =	sor.u32 $0xD0000000, s2;
	s6 =	simm.s32 $0x108;
	_ =	swait.ge @!p0 [sflag:s8], $0x0  }
0x24: {  	s3 =	sadd.s32 $0x88, s3;
	s6 =	simm.s32 @!p1 $0x1082;
	[sflag:s4] =	ssyncset.s32 $0xFFFFF086  }
0x25: {  	[simem:s6], [sflag:s4] =	dma.local [hbm:s3], $0xF7A  }
0x26: {  	[smem:$0x3F95] =	sst s1;
	(tag) =	ssettag s2;
	_ =	strace s9  }
0x27: {  	s1 =	sld [smem:$0x3FA5]  }
0x28: {  	s2 =	sld [smem:$0x3FA6]  }
0x29: {  	s4 =	sld [smem:$0x3FA8]  }
0x2a: {  	p0 =	seq.s32 s5, $0x0;
	s5 =	sld [smem:$0x3FA9]  }
0x2b: {  	s6 =	sld [smem:$0x3FAA]  }
0x2c: {  	s7 =	sld [smem:$0x3FAB]  }
0x2d: {  	s3 =	simm.s32 $0x108;
	s8 =	sld [smem:$0x3FAC]  }
0x2e: {  	s3 =	simm.s32 @!p0 $0x1082;
	s9 =	sld [smem:$0x3FAD]  }
0x2f: {  	lr =	sadd.s32 s0, s3;
	s0 =	sld [smem:$0x3FA4]  }
0x30: {  	s3 =	sld [smem:$0x3FA7]  }
0x31: {  	[smem:$0x3FB0] =	sst s10  }
0x32: {  	s10 =	sld [smem:$0x3FAE];
	_ =	sdelay $0x3  }
0x33: {  	p0 =	seq.s32 s10, $0x1;
	s10 =	sld [smem:$0x3FB0];
	_ =	sdelay $0x3  }
0x34: {  	[smem:$0x3FB0] =	sst s10  }
0x35: {  	s10 =	sld [smem:$0x3FAF];
	_ =	sdelay $0x3  }
0x36: {  	p1 =	seq.s32 s10, $0x1;
	s10 =	sld [smem:$0x3FB0];
	_ =	sdelay $0x3  }
0x37: {  	[smem:$0x3FB0] =	sst s10  }
0x38: {  	s10 =	sld [smem:$0x3FB1]  }
0x39: {  	_ = 	snop;
	(pc) =	sbr.ind lr, $3  }
0x3a: {  	_ = 	snop  }
0x3b: {  	_ = 	snop  }
0x3c: {  	p2 =	seq.s32 s10, $0x1;
	s10 =	sld [smem:$0x3FB0]  }
0x3d: {  	_ =	shalt  }
0x3e: {  	_ =	shalt  }
0x3f: {  	_ =	shalt  }
0x40: {  	_ =	shalt  }
0x41: {  	_ =	shalt  }
0x42: {  	_ =	shalt  }
0x43: {  	_ =	shalt  }
0x44: {  	_ =	shalt  }
0x45: {  	_ =	shalt  }
0x46: {  	_ =	shalt  }
0x47: {  	_ =	shalt  }
0x48: {  	_ =	shalt  }
0x49: {  	_ =	shalt  }
0x4a: {  	_ =	shalt  }
0x4b: {  	_ =	shalt  }
0x4c: {  	_ =	shalt  }
0x4d: {  	_ =	shalt  }
0x4e: {  	_ =	shalt  }
0x4f: {  	_ =	shalt  }
0x50: {  	_ =	shalt  }
0x51: {  	_ =	shalt  }
0x52: {  	_ =	shalt  }
0x53: {  	_ =	shalt  }
0x54: {  	_ =	shalt  }
0x55: {  	_ =	shalt  }
0x56: {  	_ =	shalt  }
0x57: {  	_ =	shalt  }
0x58: {  	_ =	shalt  }
0x59: {  	_ =	shalt  }
0x5a: {  	_ =	shalt  }
0x5b: {  	_ =	shalt  }
0x5c: {  	_ =	shalt  }
0x5d: {  	_ =	shalt  }
0x5e: {  	_ =	shalt  }
0x5f: {  	_ =	shalt  }
0x60: {  	_ =	shalt  }
0x61: {  	_ =	shalt  }
0x62: {  	_ =	shalt  }
0x63: {  	_ =	shalt  }
0x64: {  	_ =	shalt  }
0x65: {  	_ =	shalt  }
0x66: {  	_ =	shalt  }
0x67: {  	_ =	shalt  }
0x68: {  	_ =	shalt  }
0x69: {  	_ =	shalt  }
0x6a: {  	_ =	shalt  }
0x6b: {  	_ =	shalt  }
0x6c: {  	_ =	shalt  }
0x6d: {  	_ =	shalt  }
0x6e: {  	_ =	shalt  }
0x6f: {  	_ =	shalt  }
0x70: {  	_ =	shalt  }
0x71: {  	_ =	shalt  }
0x72: {  	_ =	shalt  }
0x73: {  	_ =	shalt  }
0x74: {  	_ =	shalt  }
0x75: {  	_ =	shalt  }
0x76: {  	_ =	shalt  }
0x77: {  	_ =	shalt  }
0x78: {  	_ =	shalt  }
0x79: {  	_ =	shalt  }
0x7a: {  	_ =	shalt  }
0x7b: {  	_ =	shalt  }
0x7c: {  	_ =	shalt  }
0x7d: {  	_ =	shalt  }
0x7e: {  	_ =	shalt  }
0x7f: {  	_ =	shalt  }
0x80: {  	_ =	shalt  }
0x81: {  	_ =	shalt  }
0x82: {  	_ =	shalt  }
0x83: {  	_ =	shalt  }
0x84: {  	_ =	shalt  }
0x85: {  	_ =	shalt  }
0x86: {  	_ =	shalt  }
0x87: {  	_ =	shalt  }
.Lfunc_end0:
.L_simem_size_0:
called_computation.1_lowered:
.L_overlay_start_0:
0x88: {  	s2 =	sld [smem:$0x3FD9]  }
0x89: {  	s3 =	sld [smem:$0x3FFE];
	_ =	sdelay $0x1  }
0x8a: {  	s1 =	srdreg.scid  }
0x8b: {  	s0 =	sand.u32 $0x1, s1  }
0x8c: {  	s17 =	sshll.u32 s0, $0xA;
	s2 =	sadd.s32 s3, s2  }
0x8d: {  	s2 =	sadd.s32 s2, s17  }
0x8e: {  	[smem:$0x3FBC] =	sst s2  }
0x8f: {  	_ = 	snop  }
0x90: {  	s2 =	sld [smem:$0x3FD0];
	(tm) =	ssettm $0x1  }
0x91: {  	s18 =	sld [smem:$0x3FFB];
	_ =	sdelay $0x3  }
0x92: {  	_ =	strace s18  }
0x93: {  	s3 =	sld [smem:$0x3FFC];
	_ =	sdelay $0x3  }
0x94: {  	_ =	strace s3  }
0x95: {  	s3 =	sld [smem:$0x3FFD];
	_ =	sdelay $0x3  }
0x96: {  	_ =	strace s3  }
0x97: {  	_ =	strace $0x8FFFFFFF  }
0x98: {  	s19 =	sld [smem:$0x3FDB];
	_ =	sdelay $0x1  }
0x99: {  	s4 =	simm.s32 $_scs_section_size  }
0x9a: {  	s5 =	simm.s32 $_size__tile_overlayer_lowered;
	s6 =	simm.s32 $_tile_overlayer_lowered  }
0x9b: {  	s22 =	simm.s32 $0x1BFF;
	s21 =	sshll.u32 s6, $0x1;
	s3 =	sadd.s32 s4, s19  }
0x9c: {  	s7 =	simm.s32 $0x0;
	s20 =	sshll.u32 s5, $0x1;
	s5 =	sadd.s32 s21, s3  }
0x9d: {  	[timem:s7], [sflag:s22] =	dma.local [hbm:s5], s20  }
0x9e: {  	_ =	swait.ge [sflag:s22], s20  }
0x9f: {  	s4 =	ssub.s32 $0x0, s20;
	[sflag:s22] =	ssyncset.done $0x0  }
0xa0: {  	[sflag:s22] =	ssyncadd.s32 s4;
	_ =	sdelay $0x1  }
0xa1: {  	s23 =	simm.s32 $0x1B8B  }
0xa2: {  	_ =	swait.ge [sflag:s23], $0x1  }
0xa3: {  	[sflag:s23] =	ssyncset.done $0x0  }
0xa4: {  	s25 =	simm.s32 $0x1B8E;
	s24 =	sld [smem:$0x3FFE];
	[sflag:s23] =	ssyncadd.s32 $0xFFFFFFFF  }
0xa5: {  	s26 =	simm.s32 $execute0_lowered;
	[smem:$0x3FD2] =	sst s25  }
0xa6: {  	s5 =	sshll.u32 s26, $0x1;
	_ =	strace $0x80000049;
	[dreg:$0x1] =	wrdreg $0xFFFFFFFF  }
0xa7: {  	s28 =	simm.s32 $_size_execute0_lowered;
	s3 =	sadd.s32 s3, s5;
	[dreg:$0x0] =	wrdreg $0x0  }
0xa8: {  	s5 =	sshll.u32 s28, $0x1;
	[dreg:$0x2] =	wrdreg s3  }
0xa9: {  	[dreg:$0x3] =	wrdreg s5  }
0xaa: {  	[dreg:$0x4] =	wrdreg $0xC0  }
0xab: {  	_ =	task [dreg:s7], $0x5FFFF  }
0xac: {  	[dreg:$0x1] =	wrdreg $0xFFFFFFFF  }
0xad: {  	[dreg:$0x0] =	wrdreg $0x60  }
0xae: {  	[dreg:$0x2] =	wrdreg s24  }
0xaf: {  	[dreg:$0x3] =	wrdreg s2  }
0xb0: {  	[dreg:$0x4] =	wrdreg $0xFBC00  }
0xb1: {  	[dreg:$0x5] =	wrdreg $0x9  }
0xb2: {  	_ =	task.clear_ibuf [dreg:s7], $0x6FFFF;
	_ =	strace $0x90000049  }
0xb3: {  	s29 =	simm.s32 $0x9;
	_ =	strace $0x8000004B  }
0xb4: {  	_ =	swait.ge [sflag:s29], $0x1  }
0xb5: {  	[sflag:s29] =	ssyncadd.s32 $0xFFFFFFFF  }
0xb6: {  	_ =	strace $0x9000004B  }
0xb7: {  	_ =	sfence  }
0xb8: {  	s30 =	sld [smem:$0x0];
	_ =	sdelay $0x2  }
0xb9: {  	s31 =	sshll.u32 s1, $0xD;
	s1 =	sshrl.u32 s1, $0x2  }
0xba: {  	s3 =	sand.u32 $0x4000, s31;
	s1 =	sadd.s32 s1, s30  }
0xbb: {  	s0 =	sor.u32 s3, s0;
	s1 =	sshll.u32 s1, $0x11  }
0xbc: {  	s0 =	sor.u32 s1, s0  }
0xbd: {  	s0 =	sadd.s32 $0x8F2B, s0  }
0xbe: {  	[sflag:s0] =	ssyncadd.remote.s32 $0x1  }
0xbf: {  	_ =	sfence.sel $0xFFFF  }
0xc0: {  	[dreg:$0x0] =	wrdreg $0xFFFFFFFF;
	(pc) =	sbr.abs _section_cstart, $3  }
0xc1: {  	[dreg:$0x1] =	wrdreg $0xFFFFFFFF  }
0xc2: {  	_ =	task.clear_ibuf [dreg:s7], $0x2FFFF;
	_ =	strace $0x9FFFFFFF  }
0xc3: {  	(tm) =	ssettm $0x7FFFFFFF  }
tec
execute0_lowered:
.L_overlay_start_1:
0x0: {  	(tag) =	ssettag $0x1  }
0x1: {  	s0 =	rddreg [dreg:$0x0]  }
0x2: {  	s3 =	rddreg [dreg:$0x1]  }
0x3: {  	s1 =	rddreg [dreg:$0x2];
	s2 =	simm.s32 $0x0  }
0x4: {  	s21 =	simm.s32 $0x0;
	s20 =	stileid.u32;
	s9 =	srdreg.scid  }
0x5: {  	s29 =	simm.s32 $0xD160;
	s30 =	simm.s32 $0x1;
	s31 =	simm.s32 $0x190  }
0x6: {  	s28 =	simm.s32 $0xAF00;
	[smem:$0x7FF] =	sst s2;
	s5 =	smul.u32 $0x4E2, s20  }
0x7: {  	s4 =	sadd.s32 $0x17A00, s0;
	s19 =	sadd.s32 $0x17800, s0;
	s10 =	smul.u32 $0x27000, s20  }
0x8: {  	s6 =	sadd.s32 $0x9DB800, s0;
	s11 =	sand.u32 $0x1, s9;
	s9 =	smul.u32 $0x4E20, s20  }
0x9: {  	s7 =	sadd.s32 $0x3C00, s0;
	s8 =	sadd.s32 $0xDA00, s0;
	s14 =	smul.u32 $0x9C00, s20  }
0xa: {  	s18 =	sadd.s32 $0x9C000, s1;
	s16 =	smul.u32 $0xA28, s20;
	_ =	strace $0x8000004A  }
0xb: {  	[dreg:$0x4] =	wrdreg s19;
	s12 =	ssub.s32 $0x2, s11;
	s23 =	smul.u32 $0x9C400, s11  }
0xc: {  	p0 =	seq.s32 s11, $0x0;
	p1 =	sne.s32 s11, $0x0;
	s11 =	simm.s32 $0x7D00  }
0xd: {  	[dreg:$0x7] =	wrdreg s18;
	s5 =	sadd.s32 s5, s0;
	s13 =	sshrl.u32 s12, $0x1  }
0xe: {  	s10 =	sshrl.u32 s10, $0x2;
	s17 =	sadd.s32 s14, s1;
	s25 =	sadd.s32 s6, s16  }
0xf: {  	s15 =	sshrl.u32 s9, $0x3;
	s16 =	simm.s32 $0x0;
	[dreg:$0xb] =	wrdreg s25  }
0x10: {  	s12 =	ssub.s32 s12, s13;
	s19 =	sadd.s32 s7, s15;
	[dreg:$0x5] =	wrdreg s17  }
0x11: {  	s22 =	sadd.s32 s10, s1;
	s24 =	sadd.s32 s4, s15;
	[dreg:$0x8] =	wrdreg s19  }
0x12: {  	s10 =	smul.u32 $0xC8, s20;
	s15 =	sadd.s32 s8, s15;
	[dreg:$0x9] =	wrdreg s24  }
0x13: {  	s14 =	sadd.s32 s14, s23;
	s5 =	sadd.s32 $0x21800, s5;
	[dreg:$0xa] =	wrdreg s15  }
0x14: {  	s13 =	sadd.s32 $0x6400, s22;
	s14 =	sshrl.u32 s14, $0x3;
	[dreg:$0xd] =	wrdreg s5  }
0x15: {  	s5 =	simm.s32 $0x9F9600;
	s26 =	smax.u32 s12, $0x1;
	s19 =	simm.s32 $0x4  }
0x16: {  	s12 =	simm.s32 $0x6400;
	s24 =	simm.s32 $0x9600;
	[dreg:$0x6] =	wrdreg s13  }
0x17: {  	s14 =	sadd.s32 s3, s14;
	s13 =	sshrl.u32 s23, $0x3;
	[dreg:$0xf] =	wrdreg s26  }
0x18: {  	s5 =	simm.s32 @!p0 $0x9E5C00;
	p0 =	sne.s32 s20, $0xF;
	s23 =	simm.s32 $0xCCB0  }
0x19: {  	s20 =	simm.s32 $0x3;
	s26 =	simm.s32 $0xD438;
	[dreg:$0xc] =	wrdreg s14  }
0x1a: {  	s3 =	sadd.s32 s3, s13;
	s22 =	sadd.s32 s5, s0;
	s0 =	simm.s32 $0x2  }
0x1b: {  	s5 =	simm.s32 $0xD4A0;
	s14 =	simm.s32 $0x64;
	s3 =	sadd.s32 $0x13800, s3  }
0x1c: {  	v0 =	vimm.f32 $0.0e+00;
	s13 =	simm.s32 $0xD3D0;
	[dreg:$0xe] =	wrdreg s3;
	s3 =	simm.s32 $0xD300  }
.LBB2_1:
0x1d: {  	[dreg:$0x10] =	wrdreg s16  }
0x1e: {  	s2 =	rddreg [dreg:$0x4];
	s15 =	simm.s32 $0xFBB0  }
0x1f: {  	[tilespmem:s15], [sflag:$0x4] =	stream.linear.gather [hbm4b:s2+s21], $0x10, $0x38;
	[tilespmem:$0x19800] =	vst v63  }
0x20: {  	_ =	swait.ge [sflag:s19], $0x10  }
0x21: {  	[sflag:s19] =	ssyncset.done $0x0  }
0x22: {  	s16 =	simm.s32 $0x100;
	s15 =	simm.s32 $0x0;
	[sflag:s19] =	ssyncadd.s32 $0xFFFFFFF0  }
.LBB2_2:
0x23: {  	p2 =	sne.s32 s16, $0x18F00;
	[tilespmem:s15+$0x6430] =	vst v0  }
0x24: {  	[tilespmem:s15+$0x0] =	vst v0  }
0x25: {  	[tilespmem:s15+$0x6400] =	vst v0  }
.Ltmp0:
0x26: {  	[tilespmem:s15+$0x10] =	vst v0;
	(pc) =	sbr.rel @p2 .LBB2_2-.Ltmp0, $4  }
0x27: {  	[tilespmem:s15+$0x6410] =	vst v0  }
0x28: {  	[tilespmem:s15+$0x20] =	vst v0  }
0x29: {  	[tilespmem:s15+$0x6420] =	vst v0  }
0x2a: {  	[tilespmem:s15+$0x30] =	vst v0;
	s15 =	sshra.s32 s16, $0x2;
	s16 =	sadd.s32 $0x100, s16  }
0x2b: {  	[tilespmem:s15+$0x6430] =	vst v0  }
0x2c: {  	[tilespmem:s15+$0x0] =	vst v0  }
0x2d: {  	[tilespmem:s15+$0x6400] =	vst v0  }
0x2e: {  	[tilespmem:s15+$0x10] =	vst v0  }
0x2f: {  	[tilespmem:s15+$0x6410] =	vst v0  }
0x30: {  	[tilespmem:s15+$0x20] =	vst v0  }
0x31: {  	[tilespmem:s15+$0x6420] =	vst v0  }
0x32: {  	[tilespmem:s15+$0x30] =	vst v0;
	s15 =	simm.s32 $0x40;
	s16 =	simm.s32 $0x0  }
.LBB2_4:
0x33: {  	p2 =	sne.s32 s15, $0x9C00;
	[tilespmem:s16+$0xD4A0] =	vst v0;
	s16 =	smov.u32 s15;
	s15 =	sadd.s32 $0x40, s15  }
.Ltmp1:
0x34: {  	(pc) =	sbr.rel @p2 .LBB2_4-.Ltmp1, $2  }
0x35: {  	_ =	sdelay $0x2  }
0x36: {  	s16 =	sshra.s32 s16, $0x2  }
0x37: {  	[tilespmem:s16+$0xD4A0] =	vst v0;
	s2 =	simm.s32 $0x0  }
0x38: {  	[spmem:s17] =	stream.linear.scatter [tilespmem:s2], [sflag:$0x4], $0x6400, $0x38;
	[tilespmem:$0x19800] =	vst v63  }
0x39: {  	_ =	swait.ge [sflag:s19], $0x6400  }
0x3a: {  	[sflag:s19] =	ssyncset.done $0x0  }
0x3b: {  	s15 =	rddreg [dreg:$0x6];
	[sflag:s19] =	ssyncadd.s32 $0xFFFF9C00  }
0x3c: {  	[spmem:s15] =	stream.linear.scatter [tilespmem:s2], [sflag:$0x4], $0x3800, $0x38;
	[tilespmem:$0x19800] =	vst v63  }
0x3d: {  	_ =	swait.ge [sflag:s19], $0x3800  }
0x3e: {  	[sflag:s19] =	ssyncset.done $0x0  }
0x3f: {  	s15 =	simm.s32 @!p0 $0x0;
	[sflag:s19] =	ssyncadd.s32 $0xFFFFC800  }
0x40: {  	[spmem:s18] =	stream.linear.scatter @!p0 [tilespmem:s15], [sflag:$0x4], $0x400, $0x38;
	[tilespmem:$0x19800] =	vst v63  }
0x41: {  	s15 =	simm.s32 @!p0 $0x4  }
0x42: {  	_ =	swait.ge @!p0 [sflag:s15], $0x400  }
0x43: {  	[sflag:s15] =	ssyncset.done @!p0 $0x0  }
0x44: {  	[sflag:s15] =	ssyncadd.s32 @!p0 $0xFFFFFC00  }
0x45: {  	[bflag:$0x0] =	sbarrier.arrive $0xFFFF  }
0x46: {  	s16 =	simm.s32 $0xCB20;
	s15 =	simm.s32 $0x0;
	s18 =	rddreg [dreg:$0x8]  }
0x47: {  	[tilespmem:s16], [sflag:$0x1] =	stream.linear.gather [hbm4b:s18+s15], $0x190, $0x38;
	[tilespmem:$0x19800] =	vst v63  }
0x48: {  	s25 =	simm.s32 $0xC800;
	s19 =	rddreg [dreg:$0x9]  }
0x49: {  	[tilespmem:s25], [sflag:$0x1] =	stream.linear.gather [hbm4b:s19+s15], $0x190, $0x38;
	[tilespmem:$0x19800] =	vst v63  }
0x4a: {  	s18 =	rddreg [dreg:$0xa];
	s19 =	simm.s32 $0xCE40  }
0x4b: {  	[tilespmem:s19], [sflag:$0x1] =	stream.linear.gather [hbm4b:s18+s15], $0x190, $0x38;
	[tilespmem:$0x19800] =	vst v63  }
0x4c: {  	s25 =	rddreg [dreg:$0xb]  }
0x4d: {  	[tilespmem:s29], [sflag:$0x1] =	stream.linear.gather [hbm4b:s25+s15], $0x1A0, $0x38;
	[tilespmem:$0x19800] =	vst v63  }
0x4e: {  	_ =	swait.ge [sflag:s30], $0x190  }
0x4f: {  	[sflag:s30] =	ssyncset.done $0x0  }
0x50: {  	[sflag:s30] =	ssyncadd.s32 $0xFFFFFE70  }
0x51: {  	_ =	swait.ge [sflag:s30], $0x190  }
0x52: {  	[sflag:s30] =	ssyncset.done $0x0  }
0x53: {  	[sflag:s30] =	ssyncadd.s32 $0xFFFFFE70  }
0x54: {  	_ =	swait.ge [sflag:s30], $0x190  }
0x55: {  	[sflag:s30] =	ssyncset.done $0x0  }
0x56: {  	[sflag:s30] =	ssyncadd.s32 $0xFFFFFE70  }
0x57: {  	_ =	swait.ge [sflag:s30], $0x1A0  }
0x58: {  	[sflag:s30] =	ssyncset.done $0x0  }
0x59: {  	[sflag:s30] =	ssyncadd.s32 $0xFFFFFE60  }
0x5a: {  	[tilespmem:s15], [sflag:$0x2] =	stream.indirect.gather [hbm4b:s22+s31], $0x40, s16, s31, $0xb8;
	[tilespmem:$0x19800] =	vst v63  }
0x5b: {  	s21 =	simm.s32 $0x0;
	s16 =	simm.s32 $0x0  }
.LBB2_6:
0x5c: {  	_ =	swait.ge [sflag:s0], $0x6400  }
0x5d: {  	p2 =	seq.s32 s16, $0x0;
	[sflag:s0] =	ssyncset.done $0x0  }
0x5e: {  	s18 =	simm.s32 @!p2 $0x3;
	[sflag:s0] =	ssyncadd.s32 $0xFFFF9C00  }
0x5f: {  	_ =	swait.ge @!p2 [sflag:s18], $0x1900  }
0x60: {  	[sflag:s18] =	ssyncset.done @!p2 $0x0  }
0x61: {  	[sflag:s18] =	ssyncadd.s32 @!p2 $0xFFFFE700  }
0x62: {  	_ =	swait.ge @!p2 [sflag:s18], $0x1900  }
0x63: {  	[sflag:s18] =	ssyncset.done @!p2 $0x0  }
0x64: {  	s17 =	sshll.u32 s16, $0x1;
	[sflag:s18] =	ssyncadd.s32 @!p2 $0xFFFFE700  }
0x65: {  	s25 =	sor.u32 $0x1, s17;
	_ =	swait.ge @!p2 [sflag:s18], $0x1900  }
0x66: {  	s19 =	smul.u32 $0x190, s25;
	[sflag:s18] =	ssyncset.done @!p2 $0x0  }
0x67: {  	[sflag:s18] =	ssyncadd.s32 @!p2 $0xFFFFE700  }
0x68: {  	s19 =	sadd.s32 s9, s19;
	_ =	swait.ge @!p2 [sflag:s18], $0x1900  }
0x69: {  	s19 =	sshrl.u32 s19, $0x3;
	[sflag:s18] =	ssyncset.done @!p2 $0x0  }
0x6a: {  	s2 =	sadd.s32 s7, s19;
	[sflag:s18] =	ssyncadd.s32 @!p2 $0xFFFFE700;
	s18 =	sshll.u32 s25, $0x2  }
0x6b: {  	[tilespmem:s23], [sflag:$0x1] =	stream.linear.gather [hbm4b:s2+s15], $0x190, $0x38;
	[tilespmem:$0x19800] =	vst v63  }
0x6c: {  	s25 =	sadd.s32 s4, s19;
	s18 =	sadd.s32 s10, s18;
	s2 =	simm.s32 $0xC990  }
0x6d: {  	[tilespmem:s2], [sflag:$0x1] =	stream.linear.gather [hbm4b:s25+s15], $0x190, $0x38;
	[tilespmem:$0x19800] =	vst v63  }
0x6e: {  	s19 =	sadd.s32 s8, s19;
	s18 =	smul.u32 $0xD, s18;
	s25 =	simm.s32 $0xCFD0  }
0x6f: {  	[tilespmem:s25], [sflag:$0x1] =	stream.linear.gather [hbm4b:s19+s15], $0x190, $0x38;
	[tilespmem:$0x19800] =	vst v63  }
0x70: {  	s18 =	sadd.s32 s6, s18  }
0x71: {  	[tilespmem:s3], [sflag:$0x1] =	stream.linear.gather [hbm4b:s18+s15], $0x1A0, $0x38;
	[tilespmem:$0x19800] =	vst v63  }
0x72: {  	s25 =	simm.s32 $0x0;
	s18 =	simm.s32 $0x200  }
.LBB2_7:
0x73: {  	s19 =	sshra.s32 s25, $0x2;
	v2 =	vld [tilespmem:$0xFBB0]  }
0x74: {  	v1 =	vld [tilespmem:s19+$0xC800];
	_ =	sdelay $0x4  }
0x75: {  	v1 =	vsub.f32 v1, v2;
	_ =	sdelay $0x1  }
0x76: {  	v1 =	vmul.f32 $1.442695020e+00, v1;
	_ =	sdelay $0x1  }
0x77: {  	(erf) = vpow2.f32 v1;
	_ =	sdelay $0x1  }
0x78: {  	v2 =	vld [tilespmem:s19+$0xCE40];
	_ =	sdelay $0x6  }
0x79: {  	v1 =	vpop (erf)  }
0x7a: {  	[tilespmem:v2+s5+$0x0] =	vst.idx.add.f32.msk $0xffff, v1  }
0x7b: {  	v2 =	vld [tilespmem:s18+$0xFFFFFE00];
	_ =	sdelay $0x2  }
0x7c: {  	v3 =	vbroadcast v1, $0x0;
	_ =	sdelay $0x1  }
0x7d: {  	v2 =	vmul.f32 v3, v2;
	_ =	sdelay $0x1  }
0x7e: {  	[tilespmem:s18+$0xFFFFFE00] =	vst v2;
	v2 =	vld [tilespmem:s18+$0xFFFFFE10];
	_ =	sdelay $0x4  }
0x7f: {  	v2 =	vmul.f32 v2, v3;
	_ =	sdelay $0x1  }
0x80: {  	[tilespmem:s18+$0xFFFFFE10] =	vst v2;
	v2 =	vld [tilespmem:s18+$0xFFFFFE20];
	_ =	sdelay $0x4  }
0x81: {  	v2 =	vmul.f32 v2, v3;
	_ =	sdelay $0x1  }
0x82: {  	[tilespmem:s18+$0xFFFFFE20] =	vst v2;
	v2 =	vld [tilespmem:s18+$0xFFFFFE30];
	_ =	sdelay $0x4  }
0x83: {  	v2 =	vmul.f32 v2, v3;
	_ =	sdelay $0x1  }
0x84: {  	[tilespmem:s18+$0xFFFFFE30] =	vst v2;
	v2 =	vld [tilespmem:s18+$0xFFFFFE40];
	_ =	sdelay $0x2  }
0x85: {  	v3 =	vbroadcast v1, $0x1;
	_ =	sdelay $0x1  }
0x86: {  	v2 =	vmul.f32 v2, v3;
	_ =	sdelay $0x1  }
0x87: {  	[tilespmem:s18+$0xFFFFFE40] =	vst v2;
	v2 =	vld [tilespmem:s18+$0xFFFFFE50];
	_ =	sdelay $0x4  }
0x88: {  	v2 =	vmul.f32 v2, v3;
	_ =	sdelay $0x1  }
0x89: {  	[tilespmem:s18+$0xFFFFFE50] =	vst v2;
	v2 =	vld [tilespmem:s18+$0xFFFFFE60];
	_ =	sdelay $0x4  }
0x8a: {  	v2 =	vmul.f32 v2, v3;
	_ =	sdelay $0x1  }
0x8b: {  	[tilespmem:s18+$0xFFFFFE60] =	vst v2;
	v2 =	vld [tilespmem:s18+$0xFFFFFE70];
	_ =	sdelay $0x4  }
0x8c: {  	v2 =	vmul.f32 v2, v3;
	_ =	sdelay $0x1  }
0x8d: {  	[tilespmem:s18+$0xFFFFFE70] =	vst v2;
	v2 =	vld [tilespmem:s18+$0xFFFFFE80];
	_ =	sdelay $0x2  }
0x8e: {  	v3 =	vbroadcast v1, $0x2;
	_ =	sdelay $0x1  }
0x8f: {  	v2 =	vmul.f32 v2, v3;
	_ =	sdelay $0x1  }
0x90: {  	[tilespmem:s18+$0xFFFFFE80] =	vst v2;
	v2 =	vld [tilespmem:s18+$0xFFFFFE90];
	_ =	sdelay $0x4  }
0x91: {  	v2 =	vmul.f32 v2, v3;
	_ =	sdelay $0x1  }
0x92: {  	[tilespmem:s18+$0xFFFFFE90] =	vst v2;
	v2 =	vld [tilespmem:s18+$0xFFFFFEA0];
	_ =	sdelay $0x4  }
0x93: {  	v2 =	vmul.f32 v2, v3;
	_ =	sdelay $0x1  }
0x94: {  	[tilespmem:s18+$0xFFFFFEA0] =	vst v2;
	v2 =	vld [tilespmem:s18+$0xFFFFFEB0];
	_ =	sdelay $0x4  }
0x95: {  	v2 =	vmul.f32 v2, v3;
	_ =	sdelay $0x1  }
0x96: {  	[tilespmem:s18+$0xFFFFFEB0] =	vst v2;
	v2 =	vld [tilespmem:s18+$0xFFFFFEC0];
	_ =	sdelay $0x2  }
0x97: {  	v3 =	vbroadcast v1, $0x3;
	_ =	sdelay $0x1  }
0x98: {  	v2 =	vmul.f32 v2, v3;
	_ =	sdelay $0x1  }
0x99: {  	[tilespmem:s18+$0xFFFFFEC0] =	vst v2;
	v2 =	vld [tilespmem:s18+$0xFFFFFED0];
	_ =	sdelay $0x4  }
0x9a: {  	v2 =	vmul.f32 v2, v3;
	_ =	sdelay $0x1  }
0x9b: {  	[tilespmem:s18+$0xFFFFFED0] =	vst v2;
	v2 =	vld [tilespmem:s18+$0xFFFFFEE0];
	_ =	sdelay $0x4  }
0x9c: {  	v2 =	vmul.f32 v2, v3;
	_ =	sdelay $0x1  }
0x9d: {  	[tilespmem:s18+$0xFFFFFEE0] =	vst v2;
	v2 =	vld [tilespmem:s18+$0xFFFFFEF0];
	_ =	sdelay $0x4  }
0x9e: {  	v2 =	vmul.f32 v2, v3;
	_ =	sdelay $0x1  }
0x9f: {  	[tilespmem:s18+$0xFFFFFEF0] =	vst v2;
	v2 =	vld [tilespmem:s18+$0xFFFFFF00];
	_ =	sdelay $0x2  }
0xa0: {  	v3 =	vbroadcast v1, $0x4;
	_ =	sdelay $0x1  }
0xa1: {  	v2 =	vmul.f32 v2, v3;
	_ =	sdelay $0x1  }
0xa2: {  	[tilespmem:s18+$0xFFFFFF00] =	vst v2;
	v2 =	vld [tilespmem:s18+$0xFFFFFF10];
	_ =	sdelay $0x4  }
0xa3: {  	v2 =	vmul.f32 v2, v3;
	_ =	sdelay $0x1  }
0xa4: {  	[tilespmem:s18+$0xFFFFFF10] =	vst v2;
	v2 =	vld [tilespmem:s18+$0xFFFFFF20];
	_ =	sdelay $0x4  }
0xa5: {  	v2 =	vmul.f32 v2, v3;
	_ =	sdelay $0x1  }
0xa6: {  	[tilespmem:s18+$0xFFFFFF20] =	vst v2;
	v2 =	vld [tilespmem:s18+$0xFFFFFF30];
	_ =	sdelay $0x4  }
0xa7: {  	v2 =	vmul.f32 v2, v3;
	_ =	sdelay $0x1  }
0xa8: {  	[tilespmem:s18+$0xFFFFFF30] =	vst v2;
	v2 =	vld [tilespmem:s18+$0xFFFFFF40];
	_ =	sdelay $0x2  }
0xa9: {  	v3 =	vbroadcast v1, $0x5;
	_ =	sdelay $0x1  }
0xaa: {  	v2 =	vmul.f32 v2, v3;
	_ =	sdelay $0x1  }
0xab: {  	[tilespmem:s18+$0xFFFFFF40] =	vst v2;
	v2 =	vld [tilespmem:s18+$0xFFFFFF50];
	_ =	sdelay $0x4  }
0xac: {  	v2 =	vmul.f32 v2, v3;
	_ =	sdelay $0x1  }
0xad: {  	[tilespmem:s18+$0xFFFFFF50] =	vst v2;
	v2 =	vld [tilespmem:s18+$0xFFFFFF60];
	_ =	sdelay $0x4  }
0xae: {  	v2 =	vmul.f32 v2, v3;
	_ =	sdelay $0x1  }
0xaf: {  	[tilespmem:s18+$0xFFFFFF60] =	vst v2;
	v2 =	vld [tilespmem:s18+$0xFFFFFF70];
	_ =	sdelay $0x4  }
0xb0: {  	v2 =	vmul.f32 v2, v3;
	_ =	sdelay $0x1  }
0xb1: {  	[tilespmem:s18+$0xFFFFFF70] =	vst v2;
	v2 =	vld [tilespmem:s18+$0xFFFFFF80];
	_ =	sdelay $0x2  }
0xb2: {  	v3 =	vbroadcast v1, $0x6;
	_ =	sdelay $0x1  }
0xb3: {  	v2 =	vmul.f32 v2, v3;
	_ =	sdelay $0x1  }
0xb4: {  	[tilespmem:s18+$0xFFFFFF80] =	vst v2;
	v2 =	vld [tilespmem:s18+$0xFFFFFF90];
	_ =	sdelay $0x4  }
0xb5: {  	v2 =	vmul.f32 v2, v3;
	_ =	sdelay $0x1  }
0xb6: {  	[tilespmem:s18+$0xFFFFFF90] =	vst v2;
	v2 =	vld [tilespmem:s18+$0xFFFFFFA0];
	_ =	sdelay $0x4  }
0xb7: {  	v2 =	vmul.f32 v2, v3;
	_ =	sdelay $0x1  }
0xb8: {  	[tilespmem:s18+$0xFFFFFFA0] =	vst v2;
	v2 =	vld [tilespmem:s18+$0xFFFFFFB0];
	_ =	sdelay $0x4  }
0xb9: {  	v2 =	vmul.f32 v2, v3;
	_ =	sdelay $0x1  }
0xba: {  	[tilespmem:s18+$0xFFFFFFB0] =	vst v2;
	v2 =	vld [tilespmem:s18+$0xFFFFFFC0];
	_ =	sdelay $0x2  }
0xbb: {  	v3 =	vbroadcast v1, $0x7;
	_ =	sdelay $0x1  }
0xbc: {  	v2 =	vmul.f32 v2, v3;
	_ =	sdelay $0x1  }
0xbd: {  	[tilespmem:s18+$0xFFFFFFC0] =	vst v2;
	v2 =	vld [tilespmem:s18+$0xFFFFFFD0];
	_ =	sdelay $0x4  }
0xbe: {  	v2 =	vmul.f32 v2, v3;
	_ =	sdelay $0x1  }
0xbf: {  	[tilespmem:s18+$0xFFFFFFD0] =	vst v2;
	v2 =	vld [tilespmem:s18+$0xFFFFFFE0];
	_ =	sdelay $0x4  }
0xc0: {  	v2 =	vmul.f32 v2, v3;
	_ =	sdelay $0x1  }
0xc1: {  	[tilespmem:s18+$0xFFFFFFE0] =	vst v2;
	v2 =	vld [tilespmem:s18+$0xFFFFFFF0];
	_ =	sdelay $0x4  }
0xc2: {  	v2 =	vmul.f32 v2, v3;
	_ =	sdelay $0x1  }
0xc3: {  	[tilespmem:s18+$0xFFFFFFF0] =	vst v2;
	v2 =	vld [tilespmem:s18+$0x0];
	_ =	sdelay $0x2  }
0xc4: {  	v3 =	vbroadcast v1, $0x8;
	_ =	sdelay $0x1  }
0xc5: {  	v2 =	vmul.f32 v2, v3;
	_ =	sdelay $0x1  }
0xc6: {  	[tilespmem:s18+$0x0] =	vst v2;
	v2 =	vld [tilespmem:s18+$0x10];
	_ =	sdelay $0x4  }
0xc7: {  	v2 =	vmul.f32 v2, v3;
	_ =	sdelay $0x1  }
0xc8: {  	[tilespmem:s18+$0x10] =	vst v2;
	v2 =	vld [tilespmem:s18+$0x20];
	_ =	sdelay $0x4  }
0xc9: {  	v2 =	vmul.f32 v2, v3;
	_ =	sdelay $0x1  }
0xca: {  	[tilespmem:s18+$0x20] =	vst v2;
	v2 =	vld [tilespmem:s18+$0x30];
	_ =	sdelay $0x4  }
0xcb: {  	v2 =	vmul.f32 v2, v3;
	_ =	sdelay $0x1  }
0xcc: {  	[tilespmem:s18+$0x30] =	vst v2;
	v2 =	vld [tilespmem:s18+$0x40];
	_ =	sdelay $0x2  }
0xcd: {  	v3 =	vbroadcast v1, $0x9;
	_ =	sdelay $0x1  }
0xce: {  	v2 =	vmul.f32 v2, v3;
	_ =	sdelay $0x1  }
0xcf: {  	[tilespmem:s18+$0x40] =	vst v2;
	v2 =	vld [tilespmem:s18+$0x50];
	_ =	sdelay $0x4  }
0xd0: {  	v2 =	vmul.f32 v2, v3;
	_ =	sdelay $0x1  }
0xd1: {  	[tilespmem:s18+$0x50] =	vst v2;
	v2 =	vld [tilespmem:s18+$0x60];
	_ =	sdelay $0x4  }
0xd2: {  	v2 =	vmul.f32 v2, v3;
	_ =	sdelay $0x1  }
0xd3: {  	[tilespmem:s18+$0x60] =	vst v2;
	v2 =	vld [tilespmem:s18+$0x70];
	_ =	sdelay $0x4  }
0xd4: {  	v2 =	vmul.f32 v2, v3;
	_ =	sdelay $0x1  }
0xd5: {  	[tilespmem:s18+$0x70] =	vst v2;
	v2 =	vld [tilespmem:s18+$0x80];
	_ =	sdelay $0x2  }
0xd6: {  	v3 =	vbroadcast v1, $0xA;
	_ =	sdelay $0x1  }
0xd7: {  	v2 =	vmul.f32 v2, v3;
	_ =	sdelay $0x1  }
0xd8: {  	[tilespmem:s18+$0x80] =	vst v2;
	v2 =	vld [tilespmem:s18+$0x90];
	_ =	sdelay $0x4  }
0xd9: {  	v2 =	vmul.f32 v2, v3;
	_ =	sdelay $0x1  }
0xda: {  	[tilespmem:s18+$0x90] =	vst v2;
	v2 =	vld [tilespmem:s18+$0xA0];
	_ =	sdelay $0x4  }
0xdb: {  	v2 =	vmul.f32 v2, v3;
	_ =	sdelay $0x1  }
0xdc: {  	[tilespmem:s18+$0xA0] =	vst v2;
	v2 =	vld [tilespmem:s18+$0xB0];
	_ =	sdelay $0x4  }
0xdd: {  	v2 =	vmul.f32 v2, v3;
	_ =	sdelay $0x1  }
0xde: {  	[tilespmem:s18+$0xB0] =	vst v2;
	v2 =	vld [tilespmem:s18+$0xC0];
	_ =	sdelay $0x2  }
0xdf: {  	v3 =	vbroadcast v1, $0xB;
	_ =	sdelay $0x1  }
0xe0: {  	v2 =	vmul.f32 v2, v3;
	_ =	sdelay $0x1  }
0xe1: {  	[tilespmem:s18+$0xC0] =	vst v2;
	v2 =	vld [tilespmem:s18+$0xD0];
	_ =	sdelay $0x4  }
0xe2: {  	v2 =	vmul.f32 v2, v3;
	_ =	sdelay $0x1  }
0xe3: {  	[tilespmem:s18+$0xD0] =	vst v2;
	v2 =	vld [tilespmem:s18+$0xE0];
	_ =	sdelay $0x4  }
0xe4: {  	v2 =	vmul.f32 v2, v3;
	_ =	sdelay $0x1  }
0xe5: {  	[tilespmem:s18+$0xE0] =	vst v2;
	v2 =	vld [tilespmem:s18+$0xF0];
	_ =	sdelay $0x4  }
0xe6: {  	v2 =	vmul.f32 v2, v3;
	_ =	sdelay $0x1  }
0xe7: {  	[tilespmem:s18+$0xF0] =	vst v2;
	v2 =	vld [tilespmem:s18+$0x100];
	_ =	sdelay $0x2  }
0xe8: {  	v3 =	vbroadcast v1, $0xC;
	_ =	sdelay $0x1  }
0xe9: {  	v2 =	vmul.f32 v2, v3;
	_ =	sdelay $0x1  }
0xea: {  	[tilespmem:s18+$0x100] =	vst v2;
	v2 =	vld [tilespmem:s18+$0x110];
	_ =	sdelay $0x4  }
0xeb: {  	v2 =	vmul.f32 v2, v3;
	_ =	sdelay $0x1  }
0xec: {  	[tilespmem:s18+$0x110] =	vst v2;
	v2 =	vld [tilespmem:s18+$0x120];
	_ =	sdelay $0x4  }
0xed: {  	v2 =	vmul.f32 v2, v3;
	_ =	sdelay $0x1  }
0xee: {  	[tilespmem:s18+$0x120] =	vst v2;
	v2 =	vld [tilespmem:s18+$0x130];
	_ =	sdelay $0x4  }
0xef: {  	v2 =	vmul.f32 v2, v3;
	_ =	sdelay $0x1  }
0xf0: {  	[tilespmem:s18+$0x130] =	vst v2;
	v2 =	vld [tilespmem:s18+$0x140];
	_ =	sdelay $0x2  }
0xf1: {  	v3 =	vbroadcast v1, $0xD;
	_ =	sdelay $0x1  }
0xf2: {  	v2 =	vmul.f32 v2, v3;
	_ =	sdelay $0x1  }
0xf3: {  	[tilespmem:s18+$0x140] =	vst v2;
	v2 =	vld [tilespmem:s18+$0x150];
	_ =	sdelay $0x4  }
0xf4: {  	v2 =	vmul.f32 v2, v3;
	_ =	sdelay $0x1  }
0xf5: {  	[tilespmem:s18+$0x150] =	vst v2;
	v2 =	vld [tilespmem:s18+$0x160];
	_ =	sdelay $0x4  }
0xf6: {  	v2 =	vmul.f32 v2, v3;
	_ =	sdelay $0x1  }
0xf7: {  	[tilespmem:s18+$0x160] =	vst v2;
	v2 =	vld [tilespmem:s18+$0x170];
	_ =	sdelay $0x4  }
0xf8: {  	v2 =	vmul.f32 v2, v3;
	_ =	sdelay $0x1  }
0xf9: {  	[tilespmem:s18+$0x170] =	vst v2;
	v2 =	vld [tilespmem:s18+$0x180];
	_ =	sdelay $0x2  }
0xfa: {  	v3 =	vbroadcast v1, $0xE;
	_ =	sdelay $0x1  }
0xfb: {  	v2 =	vmul.f32 v2, v3;
	_ =	sdelay $0x1  }
0xfc: {  	[tilespmem:s18+$0x180] =	vst v2;
	v2 =	vld [tilespmem:s18+$0x190];
	_ =	sdelay $0x4  }
0xfd: {  	v2 =	vmul.f32 v2, v3;
	_ =	sdelay $0x1  }
0xfe: {  	[tilespmem:s18+$0x190] =	vst v2;
	v2 =	vld [tilespmem:s18+$0x1A0];
	_ =	sdelay $0x4  }
0xff: {  	v2 =	vmul.f32 v2, v3;
	_ =	sdelay $0x1  }
0x100: {  	[tilespmem:s18+$0x1A0] =	vst v2;
	v2 =	vld [tilespmem:s18+$0x1B0];
	_ =	sdelay $0x4  }
0x101: {  	v2 =	vmul.f32 v2, v3;
	_ =	sdelay $0x1  }
0x102: {  	[tilespmem:s18+$0x1B0] =	vst v2;
	v2 =	vld [tilespmem:s18+$0x1C0];
	_ =	sdelay $0x2  }
0x103: {  	v1 =	vbroadcast v1, $0xF;
	_ =	sdelay $0x1  }
0x104: {  	v2 =	vmul.f32 v2, v1;
	_ =	sdelay $0x1  }
0x105: {  	[tilespmem:s18+$0x1C0] =	vst v2;
	v2 =	vld [tilespmem:s18+$0x1D0];
	_ =	sdelay $0x4  }
0x106: {  	v2 =	vmul.f32 v2, v1;
	_ =	sdelay $0x1  }
0x107: {  	[tilespmem:s18+$0x1D0] =	vst v2;
	v2 =	vld [tilespmem:s18+$0x1E0];
	_ =	sdelay $0x4  }
0x108: {  	v2 =	vmul.f32 v2, v1;
	_ =	sdelay $0x1  }
0x109: {  	[tilespmem:s18+$0x1E0] =	vst v2;
	v2 =	vld [tilespmem:s18+$0x1F0];
	_ =	sdelay $0x1  }
0x10a: {  	p2 =	sne.s32 s25, $0x600  }
.Ltmp2:
0x10b: {  	_ = 	snop;
	(pc) =	sbr.rel @p2 .LBB2_7-.Ltmp2, $3  }
0x10c: {  	_ = 	snop  }
0x10d: {  	v1 =	vmul.f32 v2, v1;
	_ =	sdelay $0x1  }
0x10e: {  	s25 =	sadd.s32 $0x40, s25;
	[tilespmem:s18+$0x1F0] =	vst v1;
	s18 =	sadd.s32 $0x400, s18  }
0x10f: {  	_ =	swait.ge [sflag:s30], $0x190  }
0x110: {  	[sflag:s30] =	ssyncset.done $0x0  }
0x111: {  	[sflag:s30] =	ssyncadd.s32 $0xFFFFFE70  }
0x112: {  	_ =	swait.ge [sflag:s30], $0x190  }
0x113: {  	[sflag:s30] =	ssyncset.done $0x0  }
0x114: {  	[sflag:s30] =	ssyncadd.s32 $0xFFFFFE70  }
0x115: {  	_ =	swait.ge [sflag:s30], $0x190  }
0x116: {  	[sflag:s30] =	ssyncset.done $0x0  }
0x117: {  	[sflag:s30] =	ssyncadd.s32 $0xFFFFFE70  }
0x118: {  	_ =	swait.ge [sflag:s30], $0x1A0  }
0x119: {  	[sflag:s30] =	ssyncset.done $0x0  }
0x11a: {  	[sflag:s30] =	ssyncadd.s32 $0xFFFFFE60  }
0x11b: {  	[tilespmem:s12], [sflag:$0x2] =	stream.indirect.gather [hbm4b:s22+s31], $0x40, s23, s31, $0xb8;
	[tilespmem:$0x19800] =	vst v63  }
0x11c: {  	_ = 	snop  }
0x11d: {  	[spmem:s1] =	stream.indirect.scatter.add.f32 [tilespmem:s21], [sflag:$0x3], $0x40, s29, s14, $0xb8;
	[tilespmem:$0x19800] =	vst v63  }
0x11e: {  	s2 =	simm.s32 $0xD1C8;
	s18 =	simm.s32 $0x1900  }
0x11f: {  	[spmem:s1] =	stream.indirect.scatter.add.f32 [tilespmem:s18], [sflag:$0x3], $0x40, s2, s14, $0xb8;
	[tilespmem:$0x19800] =	vst v63  }
0x120: {  	s19 =	simm.s32 $0xD230;
	s25 =	simm.s32 $0x3200  }
0x121: {  	[spmem:s1] =	stream.indirect.scatter.add.f32 [tilespmem:s25], [sflag:$0x3], $0x40, s19, s14, $0xb8;
	[tilespmem:$0x19800] =	vst v63  }
0x122: {  	s19 =	simm.s32 $0xD298;
	s25 =	simm.s32 $0x4B00  }
0x123: {  	[spmem:s1] =	stream.indirect.scatter.add.f32 [tilespmem:s25], [sflag:$0x3], $0x40, s19, s14, $0xb8;
	[tilespmem:$0x19800] =	vst v63  }
0x124: {  	_ =	swait.ge [sflag:s0], $0x6400  }
0x125: {  	[sflag:s0] =	ssyncset.done $0x0  }
0x126: {  	[sflag:s0] =	ssyncadd.s32 $0xFFFF9C00  }
0x127: {  	_ =	swait.ge [sflag:s20], $0x1900  }
0x128: {  	[sflag:s20] =	ssyncset.done $0x0  }
0x129: {  	[sflag:s20] =	ssyncadd.s32 $0xFFFFE700  }
0x12a: {  	_ =	swait.ge [sflag:s20], $0x1900  }
0x12b: {  	[sflag:s20] =	ssyncset.done $0x0  }
0x12c: {  	p2 =	seq.s32 s16, $0x18;
	[sflag:s20] =	ssyncadd.s32 $0xFFFFE700  }
0x12d: {  	s17 =	sadd.s32 @!p2 $0x2, s17;
	_ =	swait.ge [sflag:s20], $0x1900  }
0x12e: {  	s18 =	smul.u32 @!p2 $0x190, s17;
	[sflag:s20] =	ssyncset.done $0x0  }
0x12f: {  	[sflag:s20] =	ssyncadd.s32 $0xFFFFE700  }
0x130: {  	s18 =	sadd.s32 @!p2 s9, s18;
	_ =	swait.ge [sflag:s20], $0x1900  }
0x131: {  	s2 =	simm.s32 @!p2 $0xCB20;
	s18 =	sshrl.u32 @!p2 s18, $0x3;
	[sflag:s20] =	ssyncset.done $0x0  }
0x132: {  	s19 =	sadd.s32 @!p2 s7, s18;
	s25 =	simm.s32 @!p2 $0x0;
	[sflag:s20] =	ssyncadd.s32 $0xFFFFE700  }
0x133: {  	[tilespmem:s2], [sflag:$0x1] =	stream.linear.gather @!p2 [hbm4b:s19+s25], $0x190, $0x38;
	[tilespmem:$0x19800] =	vst v63  }
0x134: {  	s2 =	sadd.s32 @!p2 s4, s18;
	s19 =	simm.s32 @!p2 $0xC800  }
0x135: {  	[tilespmem:s19], [sflag:$0x1] =	stream.linear.gather @!p2 [hbm4b:s2+s25], $0x190, $0x38;
	[tilespmem:$0x19800] =	vst v63  }
0x136: {  	s2 =	sshll.u32 @!p2 s17, $0x2  }
0x137: {  	s2 =	sadd.s32 @!p2 s10, s2  }
0x138: {  	s17 =	sadd.s32 @!p2 s8, s18;
	s18 =	simm.s32 @!p2 $0xCE40;
	s2 =	smul.u32 @!p2 $0xD, s2  }
0x139: {  	[tilespmem:s18], [sflag:$0x1] =	stream.linear.gather @!p2 [hbm4b:s17+s25], $0x190, $0x38;
	[tilespmem:$0x19800] =	vst v63  }
0x13a: {  	s17 =	simm.s32 @!p2 $0xD160;
	s2 =	sadd.s32 @!p2 s6, s2  }
0x13b: {  	[tilespmem:s17], [sflag:$0x1] =	stream.linear.gather @!p2 [hbm4b:s2+s25], $0x1A0, $0x38;
	[tilespmem:$0x19800] =	vst v63  }
0x13c: {  	s18 =	simm.s32 $0x6600;
	s17 =	simm.s32 $0x0  }
.LBB2_9:
0x13d: {  	s2 =	sshra.s32 s17, $0x2;
	v2 =	vld [tilespmem:$0xFBB0]  }
0x13e: {  	v1 =	vld [tilespmem:s2+$0xC990];
	_ =	sdelay $0x4  }
0x13f: {  	v1 =	vsub.f32 v1, v2;
	_ =	sdelay $0x1  }
0x140: {  	v1 =	vmul.f32 $1.442695020e+00, v1;
	_ =	sdelay $0x1  }
0x141: {  	(erf) = vpow2.f32 v1;
	_ =	sdelay $0x1  }
0x142: {  	v2 =	vld [tilespmem:s2+$0xCFD0];
	_ =	sdelay $0x6  }
0x143: {  	v1 =	vpop (erf)  }
0x144: {  	[tilespmem:v2+s5+$0x0] =	vst.idx.add.f32.msk $0xffff, v1  }
0x145: {  	v2 =	vld [tilespmem:s18+$0xFFFFFE00];
	_ =	sdelay $0x2  }
0x146: {  	v3 =	vbroadcast v1, $0x0;
	_ =	sdelay $0x1  }
0x147: {  	v2 =	vmul.f32 v3, v2;
	_ =	sdelay $0x1  }
0x148: {  	[tilespmem:s18+$0xFFFFFE00] =	vst v2;
	v2 =	vld [tilespmem:s18+$0xFFFFFE10];
	_ =	sdelay $0x4  }
0x149: {  	v2 =	vmul.f32 v2, v3;
	_ =	sdelay $0x1  }
0x14a: {  	[tilespmem:s18+$0xFFFFFE10] =	vst v2;
	v2 =	vld [tilespmem:s18+$0xFFFFFE20];
	_ =	sdelay $0x4  }
0x14b: {  	v2 =	vmul.f32 v2, v3;
	_ =	sdelay $0x1  }
0x14c: {  	[tilespmem:s18+$0xFFFFFE20] =	vst v2;
	v2 =	vld [tilespmem:s18+$0xFFFFFE30];
	_ =	sdelay $0x4  }
0x14d: {  	v2 =	vmul.f32 v2, v3;
	_ =	sdelay $0x1  }
0x14e: {  	[tilespmem:s18+$0xFFFFFE30] =	vst v2;
	v2 =	vld [tilespmem:s18+$0xFFFFFE40];
	_ =	sdelay $0x2  }
0x14f: {  	v3 =	vbroadcast v1, $0x1;
	_ =	sdelay $0x1  }
0x150: {  	v2 =	vmul.f32 v2, v3;
	_ =	sdelay $0x1  }
0x151: {  	[tilespmem:s18+$0xFFFFFE40] =	vst v2;
	v2 =	vld [tilespmem:s18+$0xFFFFFE50];
	_ =	sdelay $0x4  }
0x152: {  	v2 =	vmul.f32 v2, v3;
	_ =	sdelay $0x1  }
0x153: {  	[tilespmem:s18+$0xFFFFFE50] =	vst v2;
	v2 =	vld [tilespmem:s18+$0xFFFFFE60];
	_ =	sdelay $0x4  }
0x154: {  	v2 =	vmul.f32 v2, v3;
	_ =	sdelay $0x1  }
0x155: {  	[tilespmem:s18+$0xFFFFFE60] =	vst v2;
	v2 =	vld [tilespmem:s18+$0xFFFFFE70];
	_ =	sdelay $0x4  }
0x156: {  	v2 =	vmul.f32 v2, v3;
	_ =	sdelay $0x1  }
0x157: {  	[tilespmem:s18+$0xFFFFFE70] =	vst v2;
	v2 =	vld [tilespmem:s18+$0xFFFFFE80];
	_ =	sdelay $0x2  }
0x158: {  	v3 =	vbroadcast v1, $0x2;
	_ =	sdelay $0x1  }
0x159: {  	v2 =	vmul.f32 v2, v3;
	_ =	sdelay $0x1  }
0x15a: {  	[tilespmem:s18+$0xFFFFFE80] =	vst v2;
	v2 =	vld [tilespmem:s18+$0xFFFFFE90];
	_ =	sdelay $0x4  }
0x15b: {  	v2 =	vmul.f32 v2, v3;
	_ =	sdelay $0x1  }
0x15c: {  	[tilespmem:s18+$0xFFFFFE90] =	vst v2;
	v2 =	vld [tilespmem:s18+$0xFFFFFEA0];
	_ =	sdelay $0x4  }
0x15d: {  	v2 =	vmul.f32 v2, v3;
	_ =	sdelay $0x1  }
0x15e: {  	[tilespmem:s18+$0xFFFFFEA0] =	vst v2;
	v2 =	vld [tilespmem:s18+$0xFFFFFEB0];
	_ =	sdelay $0x4  }
0x15f: {  	v2 =	vmul.f32 v2, v3;
	_ =	sdelay $0x1  }
0x160: {  	[tilespmem:s18+$0xFFFFFEB0] =	vst v2;
	v2 =	vld [tilespmem:s18+$0xFFFFFEC0];
	_ =	sdelay $0x2  }
0x161: {  	v3 =	vbroadcast v1, $0x3;
	_ =	sdelay $0x1  }
0x162: {  	v2 =	vmul.f32 v2, v3;
	_ =	sdelay $0x1  }
0x163: {  	[tilespmem:s18+$0xFFFFFEC0] =	vst v2;
	v2 =	vld [tilespmem:s18+$0xFFFFFED0];
	_ =	sdelay $0x4  }
0x164: {  	v2 =	vmul.f32 v2, v3;
	_ =	sdelay $0x1  }
0x165: {  	[tilespmem:s18+$0xFFFFFED0] =	vst v2;
	v2 =	vld [tilespmem:s18+$0xFFFFFEE0];
	_ =	sdelay $0x4  }
0x166: {  	v2 =	vmul.f32 v2, v3;
	_ =	sdelay $0x1  }
0x167: {  	[tilespmem:s18+$0xFFFFFEE0] =	vst v2;
	v2 =	vld [tilespmem:s18+$0xFFFFFEF0];
	_ =	sdelay $0x4  }
0x168: {  	v2 =	vmul.f32 v2, v3;
	_ =	sdelay $0x1  }
0x169: {  	[tilespmem:s18+$0xFFFFFEF0] =	vst v2;
	v2 =	vld [tilespmem:s18+$0xFFFFFF00];
	_ =	sdelay $0x2  }
0x16a: {  	v3 =	vbroadcast v1, $0x4;
	_ =	sdelay $0x1  }
0x16b: {  	v2 =	vmul.f32 v2, v3;
	_ =	sdelay $0x1  }
0x16c: {  	[tilespmem:s18+$0xFFFFFF00] =	vst v2;
	v2 =	vld [tilespmem:s18+$0xFFFFFF10];
	_ =	sdelay $0x4  }
0x16d: {  	v2 =	vmul.f32 v2, v3;
	_ =	sdelay $0x1  }
0x16e: {  	[tilespmem:s18+$0xFFFFFF10] =	vst v2;
	v2 =	vld [tilespmem:s18+$0xFFFFFF20];
	_ =	sdelay $0x4  }
0x16f: {  	v2 =	vmul.f32 v2, v3;
	_ =	sdelay $0x1  }
0x170: {  	[tilespmem:s18+$0xFFFFFF20] =	vst v2;
	v2 =	vld [tilespmem:s18+$0xFFFFFF30];
	_ =	sdelay $0x4  }
0x171: {  	v2 =	vmul.f32 v2, v3;
	_ =	sdelay $0x1  }
0x172: {  	[tilespmem:s18+$0xFFFFFF30] =	vst v2;
	v2 =	vld [tilespmem:s18+$0xFFFFFF40];
	_ =	sdelay $0x2  }
0x173: {  	v3 =	vbroadcast v1, $0x5;
	_ =	sdelay $0x1  }
0x174: {  	v2 =	vmul.f32 v2, v3;
	_ =	sdelay $0x1  }
0x175: {  	[tilespmem:s18+$0xFFFFFF40] =	vst v2;
	v2 =	vld [tilespmem:s18+$0xFFFFFF50];
	_ =	sdelay $0x4  }
0x176: {  	v2 =	vmul.f32 v2, v3;
	_ =	sdelay $0x1  }
0x177: {  	[tilespmem:s18+$0xFFFFFF50] =	vst v2;
	v2 =	vld [tilespmem:s18+$0xFFFFFF60];
	_ =	sdelay $0x4  }
0x178: {  	v2 =	vmul.f32 v2, v3;
	_ =	sdelay $0x1  }
0x179: {  	[tilespmem:s18+$0xFFFFFF60] =	vst v2;
	v2 =	vld [tilespmem:s18+$0xFFFFFF70];
	_ =	sdelay $0x4  }
0x17a: {  	v2 =	vmul.f32 v2, v3;
	_ =	sdelay $0x1  }
0x17b: {  	[tilespmem:s18+$0xFFFFFF70] =	vst v2;
	v2 =	vld [tilespmem:s18+$0xFFFFFF80];
	_ =	sdelay $0x2  }
0x17c: {  	v3 =	vbroadcast v1, $0x6;
	_ =	sdelay $0x1  }
0x17d: {  	v2 =	vmul.f32 v2, v3;
	_ =	sdelay $0x1  }
0x17e: {  	[tilespmem:s18+$0xFFFFFF80] =	vst v2;
	v2 =	vld [tilespmem:s18+$0xFFFFFF90];
	_ =	sdelay $0x4  }
0x17f: {  	v2 =	vmul.f32 v2, v3;
	_ =	sdelay $0x1  }
0x180: {  	[tilespmem:s18+$0xFFFFFF90] =	vst v2;
	v2 =	vld [tilespmem:s18+$0xFFFFFFA0];
	_ =	sdelay $0x4  }
0x181: {  	v2 =	vmul.f32 v2, v3;
	_ =	sdelay $0x1  }
0x182: {  	[tilespmem:s18+$0xFFFFFFA0] =	vst v2;
	v2 =	vld [tilespmem:s18+$0xFFFFFFB0];
	_ =	sdelay $0x4  }
0x183: {  	v2 =	vmul.f32 v2, v3;
	_ =	sdelay $0x1  }
0x184: {  	[tilespmem:s18+$0xFFFFFFB0] =	vst v2;
	v2 =	vld [tilespmem:s18+$0xFFFFFFC0];
	_ =	sdelay $0x2  }
0x185: {  	v3 =	vbroadcast v1, $0x7;
	_ =	sdelay $0x1  }
0x186: {  	v2 =	vmul.f32 v2, v3;
	_ =	sdelay $0x1  }
0x187: {  	[tilespmem:s18+$0xFFFFFFC0] =	vst v2;
	v2 =	vld [tilespmem:s18+$0xFFFFFFD0];
	_ =	sdelay $0x4  }
0x188: {  	v2 =	vmul.f32 v2, v3;
	_ =	sdelay $0x1  }
0x189: {  	[tilespmem:s18+$0xFFFFFFD0] =	vst v2;
	v2 =	vld [tilespmem:s18+$0xFFFFFFE0];
	_ =	sdelay $0x4  }
0x18a: {  	v2 =	vmul.f32 v2, v3;
	_ =	sdelay $0x1  }
0x18b: {  	[tilespmem:s18+$0xFFFFFFE0] =	vst v2;
	v2 =	vld [tilespmem:s18+$0xFFFFFFF0];
	_ =	sdelay $0x4  }
0x18c: {  	v2 =	vmul.f32 v2, v3;
	_ =	sdelay $0x1  }
0x18d: {  	[tilespmem:s18+$0xFFFFFFF0] =	vst v2;
	v2 =	vld [tilespmem:s18+$0x0];
	_ =	sdelay $0x2  }
0x18e: {  	v3 =	vbroadcast v1, $0x8;
	_ =	sdelay $0x1  }
0x18f: {  	v2 =	vmul.f32 v2, v3;
	_ =	sdelay $0x1  }
0x190: {  	[tilespmem:s18+$0x0] =	vst v2;
	v2 =	vld [tilespmem:s18+$0x10];
	_ =	sdelay $0x4  }
0x191: {  	v2 =	vmul.f32 v2, v3;
	_ =	sdelay $0x1  }
0x192: {  	[tilespmem:s18+$0x10] =	vst v2;
	v2 =	vld [tilespmem:s18+$0x20];
	_ =	sdelay $0x4  }
0x193: {  	v2 =	vmul.f32 v2, v3;
	_ =	sdelay $0x1  }
0x194: {  	[tilespmem:s18+$0x20] =	vst v2;
	v2 =	vld [tilespmem:s18+$0x30];
	_ =	sdelay $0x4  }
0x195: {  	v2 =	vmul.f32 v2, v3;
	_ =	sdelay $0x1  }
0x196: {  	[tilespmem:s18+$0x30] =	vst v2;
	v2 =	vld [tilespmem:s18+$0x40];
	_ =	sdelay $0x2  }
0x197: {  	v3 =	vbroadcast v1, $0x9;
	_ =	sdelay $0x1  }
0x198: {  	v2 =	vmul.f32 v2, v3;
	_ =	sdelay $0x1  }
0x199: {  	[tilespmem:s18+$0x40] =	vst v2;
	v2 =	vld [tilespmem:s18+$0x50];
	_ =	sdelay $0x4  }
0x19a: {  	v2 =	vmul.f32 v2, v3;
	_ =	sdelay $0x1  }
0x19b: {  	[tilespmem:s18+$0x50] =	vst v2;
	v2 =	vld [tilespmem:s18+$0x60];
	_ =	sdelay $0x4  }
0x19c: {  	v2 =	vmul.f32 v2, v3;
	_ =	sdelay $0x1  }
0x19d: {  	[tilespmem:s18+$0x60] =	vst v2;
	v2 =	vld [tilespmem:s18+$0x70];
	_ =	sdelay $0x4  }
0x19e: {  	v2 =	vmul.f32 v2, v3;
	_ =	sdelay $0x1  }
0x19f: {  	[tilespmem:s18+$0x70] =	vst v2;
	v2 =	vld [tilespmem:s18+$0x80];
	_ =	sdelay $0x2  }
0x1a0: {  	v3 =	vbroadcast v1, $0xA;
	_ =	sdelay $0x1  }
0x1a1: {  	v2 =	vmul.f32 v2, v3;
	_ =	sdelay $0x1  }
0x1a2: {  	[tilespmem:s18+$0x80] =	vst v2;
	v2 =	vld [tilespmem:s18+$0x90];
	_ =	sdelay $0x4  }
0x1a3: {  	v2 =	vmul.f32 v2, v3;
	_ =	sdelay $0x1  }
0x1a4: {  	[tilespmem:s18+$0x90] =	vst v2;
	v2 =	vld [tilespmem:s18+$0xA0];
	_ =	sdelay $0x4  }
0x1a5: {  	v2 =	vmul.f32 v2, v3;
	_ =	sdelay $0x1  }
0x1a6: {  	[tilespmem:s18+$0xA0] =	vst v2;
	v2 =	vld [tilespmem:s18+$0xB0];
	_ =	sdelay $0x4  }
0x1a7: {  	v2 =	vmul.f32 v2, v3;
	_ =	sdelay $0x1  }
0x1a8: {  	[tilespmem:s18+$0xB0] =	vst v2;
	v2 =	vld [tilespmem:s18+$0xC0];
	_ =	sdelay $0x2  }
0x1a9: {  	v3 =	vbroadcast v1, $0xB;
	_ =	sdelay $0x1  }
0x1aa: {  	v2 =	vmul.f32 v2, v3;
	_ =	sdelay $0x1  }
0x1ab: {  	[tilespmem:s18+$0xC0] =	vst v2;
	v2 =	vld [tilespmem:s18+$0xD0];
	_ =	sdelay $0x4  }
0x1ac: {  	v2 =	vmul.f32 v2, v3;
	_ =	sdelay $0x1  }
0x1ad: {  	[tilespmem:s18+$0xD0] =	vst v2;
	v2 =	vld [tilespmem:s18+$0xE0];
	_ =	sdelay $0x4  }
0x1ae: {  	v2 =	vmul.f32 v2, v3;
	_ =	sdelay $0x1  }
0x1af: {  	[tilespmem:s18+$0xE0] =	vst v2;
	v2 =	vld [tilespmem:s18+$0xF0];
	_ =	sdelay $0x4  }
0x1b0: {  	v2 =	vmul.f32 v2, v3;
	_ =	sdelay $0x1  }
0x1b1: {  	[tilespmem:s18+$0xF0] =	vst v2;
	v2 =	vld [tilespmem:s18+$0x100];
	_ =	sdelay $0x2  }
0x1b2: {  	v3 =	vbroadcast v1, $0xC;
	_ =	sdelay $0x1  }
0x1b3: {  	v2 =	vmul.f32 v2, v3;
	_ =	sdelay $0x1  }
0x1b4: {  	[tilespmem:s18+$0x100] =	vst v2;
	v2 =	vld [tilespmem:s18+$0x110];
	_ =	sdelay $0x4  }
0x1b5: {  	v2 =	vmul.f32 v2, v3;
	_ =	sdelay $0x1  }
0x1b6: {  	[tilespmem:s18+$0x110] =	vst v2;
	v2 =	vld [tilespmem:s18+$0x120];
	_ =	sdelay $0x4  }
0x1b7: {  	v2 =	vmul.f32 v2, v3;
	_ =	sdelay $0x1  }
0x1b8: {  	[tilespmem:s18+$0x120] =	vst v2;
	v2 =	vld [tilespmem:s18+$0x130];
	_ =	sdelay $0x4  }
0x1b9: {  	v2 =	vmul.f32 v2, v3;
	_ =	sdelay $0x1  }
0x1ba: {  	[tilespmem:s18+$0x130] =	vst v2;
	v2 =	vld [tilespmem:s18+$0x140];
	_ =	sdelay $0x2  }
0x1bb: {  	v3 =	vbroadcast v1, $0xD;
	_ =	sdelay $0x1  }
0x1bc: {  	v2 =	vmul.f32 v2, v3;
	_ =	sdelay $0x1  }
0x1bd: {  	[tilespmem:s18+$0x140] =	vst v2;
	v2 =	vld [tilespmem:s18+$0x150];
	_ =	sdelay $0x4  }
0x1be: {  	v2 =	vmul.f32 v2, v3;
	_ =	sdelay $0x1  }
0x1bf: {  	[tilespmem:s18+$0x150] =	vst v2;
	v2 =	vld [tilespmem:s18+$0x160];
	_ =	sdelay $0x4  }
0x1c0: {  	v2 =	vmul.f32 v2, v3;
	_ =	sdelay $0x1  }
0x1c1: {  	[tilespmem:s18+$0x160] =	vst v2;
	v2 =	vld [tilespmem:s18+$0x170];
	_ =	sdelay $0x4  }
0x1c2: {  	v2 =	vmul.f32 v2, v3;
	_ =	sdelay $0x1  }
0x1c3: {  	[tilespmem:s18+$0x170] =	vst v2;
	v2 =	vld [tilespmem:s18+$0x180];
	_ =	sdelay $0x2  }
0x1c4: {  	v3 =	vbroadcast v1, $0xE;
	_ =	sdelay $0x1  }
0x1c5: {  	v2 =	vmul.f32 v2, v3;
	_ =	sdelay $0x1  }
0x1c6: {  	[tilespmem:s18+$0x180] =	vst v2;
	v2 =	vld [tilespmem:s18+$0x190];
	_ =	sdelay $0x4  }
0x1c7: {  	v2 =	vmul.f32 v2, v3;
	_ =	sdelay $0x1  }
0x1c8: {  	[tilespmem:s18+$0x190] =	vst v2;
	v2 =	vld [tilespmem:s18+$0x1A0];
	_ =	sdelay $0x4  }
0x1c9: {  	v2 =	vmul.f32 v2, v3;
	_ =	sdelay $0x1  }
0x1ca: {  	[tilespmem:s18+$0x1A0] =	vst v2;
	v2 =	vld [tilespmem:s18+$0x1B0];
	_ =	sdelay $0x4  }
0x1cb: {  	v2 =	vmul.f32 v2, v3;
	_ =	sdelay $0x1  }
0x1cc: {  	[tilespmem:s18+$0x1B0] =	vst v2;
	v2 =	vld [tilespmem:s18+$0x1C0];
	_ =	sdelay $0x2  }
0x1cd: {  	v1 =	vbroadcast v1, $0xF;
	_ =	sdelay $0x1  }
0x1ce: {  	v2 =	vmul.f32 v2, v1;
	_ =	sdelay $0x1  }
0x1cf: {  	[tilespmem:s18+$0x1C0] =	vst v2;
	v2 =	vld [tilespmem:s18+$0x1D0];
	_ =	sdelay $0x4  }
0x1d0: {  	v2 =	vmul.f32 v2, v1;
	_ =	sdelay $0x1  }
0x1d1: {  	[tilespmem:s18+$0x1D0] =	vst v2;
	v2 =	vld [tilespmem:s18+$0x1E0];
	_ =	sdelay $0x4  }
0x1d2: {  	v2 =	vmul.f32 v2, v1;
	_ =	sdelay $0x1  }
0x1d3: {  	[tilespmem:s18+$0x1E0] =	vst v2;
	v2 =	vld [tilespmem:s18+$0x1F0];
	_ =	sdelay $0x1  }
0x1d4: {  	p3 =	sne.s32 s17, $0x600  }
.Ltmp3:
0x1d5: {  	_ = 	snop;
	(pc) =	sbr.rel @p3 .LBB2_9-.Ltmp3, $3  }
0x1d6: {  	_ = 	snop  }
0x1d7: {  	v1 =	vmul.f32 v2, v1;
	_ =	sdelay $0x1  }
0x1d8: {  	s17 =	sadd.s32 $0x40, s17;
	[tilespmem:s18+$0x1F0] =	vst v1;
	s18 =	sadd.s32 $0x400, s18  }
0x1d9: {  	s2 =	simm.s32 @!p2 $0x1  }
0x1da: {  	_ =	swait.ge @!p2 [sflag:s2], $0x190  }
0x1db: {  	[sflag:s2] =	ssyncset.done @!p2 $0x0  }
0x1dc: {  	[sflag:s2] =	ssyncadd.s32 @!p2 $0xFFFFFE70  }
0x1dd: {  	_ =	swait.ge @!p2 [sflag:s2], $0x190  }
0x1de: {  	[sflag:s2] =	ssyncset.done @!p2 $0x0  }
0x1df: {  	[sflag:s2] =	ssyncadd.s32 @!p2 $0xFFFFFE70  }
0x1e0: {  	_ =	swait.ge @!p2 [sflag:s2], $0x190  }
0x1e1: {  	[sflag:s2] =	ssyncset.done @!p2 $0x0  }
0x1e2: {  	[sflag:s2] =	ssyncadd.s32 @!p2 $0xFFFFFE70  }
0x1e3: {  	_ =	swait.ge @!p2 [sflag:s2], $0x1A0  }
0x1e4: {  	s17 =	simm.s32 @!p2 $0xCB20;
	[sflag:s2] =	ssyncset.done @!p2 $0x0  }
0x1e5: {  	s18 =	simm.s32 @!p2 $0x0;
	[sflag:s2] =	ssyncadd.s32 @!p2 $0xFFFFFE60;
	s2 =	simm.s32 @!p2 $0x190  }
0x1e6: {  	[tilespmem:s18], [sflag:$0x2] =	stream.indirect.gather @!p2 [hbm4b:s22+s2], $0x40, s17, s2, $0xb8;
	[tilespmem:$0x19800] =	vst v63  }
0x1e7: {  	s16 =	sadd.s32 $0x1, s16  }
0x1e8: {  	[spmem:s1] =	stream.indirect.scatter.add.f32 [tilespmem:s12], [sflag:$0x3], $0x40, s3, s14, $0xb8;
	[tilespmem:$0x19800] =	vst v63  }
0x1e9: {  	s25 =	simm.s32 $0xD368;
	p2 =	sne.s32 s16, $0x19  }
0x1ea: {  	[spmem:s1] =	stream.indirect.scatter.add.f32 [tilespmem:s11], [sflag:$0x3], $0x40, s25, s14, $0xb8;
	[tilespmem:$0x19800] =	vst v63  }
.Ltmp4:
0x1eb: {  	_ = 	snop;
	(pc) =	sbr.rel @p2 .LBB2_6-.Ltmp4, $4  }
0x1ec: {  	_ = 	snop  }
0x1ed: {  	[spmem:s1] =	stream.indirect.scatter.add.f32 [tilespmem:s24], [sflag:$0x3], $0x40, s13, s14, $0xb8;
	[tilespmem:$0x19800] =	vst v63  }
0x1ee: {  	_ = 	snop  }
0x1ef: {  	[spmem:s1] =	stream.indirect.scatter.add.f32 [tilespmem:s28], [sflag:$0x3], $0x40, s26, s14, $0xb8;
	[tilespmem:$0x19800] =	vst v63  }
0x1f0: {  	_ =	swait.ge [sflag:s20], $0x1900  }
0x1f1: {  	[sflag:s20] =	ssyncset.done $0x0  }
0x1f2: {  	[sflag:s20] =	ssyncadd.s32 $0xFFFFE700  }
0x1f3: {  	_ =	swait.ge [sflag:s20], $0x1900  }
0x1f4: {  	[sflag:s20] =	ssyncset.done $0x0  }
0x1f5: {  	[sflag:s20] =	ssyncadd.s32 $0xFFFFE700  }
0x1f6: {  	_ =	swait.ge [sflag:s20], $0x1900  }
0x1f7: {  	[sflag:s20] =	ssyncset.done $0x0  }
0x1f8: {  	[sflag:s20] =	ssyncadd.s32 $0xFFFFE700  }
0x1f9: {  	_ =	swait.ge [sflag:s20], $0x1900  }
0x1fa: {  	[sflag:s20] =	ssyncset.done $0x0  }
0x1fb: {  	[sflag:s20] =	ssyncadd.s32 $0xFFFFE700  }
0x1fc: {  	s2 =	stileid.u32;
	[bflag:$0x0] =	sbarrier.arrive $0xFFFF  }
0x1fd: {  	s19 =	simm.s32 $0x4;
	s2 =	sshll.u32 s2, $0x6;
	s17 =	rddreg [dreg:$0x5]  }
0x1fe: {  	s2 =	sor.u32 $0x1C04, s2;
	s16 =	rddreg [dreg:$0xc];
	s15 =	sshrl.u32 s17, $0x3  }
0x1ff: {  	[hbm:s16], [sflag:s2] =	dma.local [spmem:s15], $0x1380  }
0x200: {  	_ =	swait.ge [sflag:s19], $0x1380  }
0x201: {  	s15 =	simm.s32 @!p1 $0x0;
	[sflag:s19] =	ssyncset.done $0x0  }
0x202: {  	s16 =	simm.s32 @!p1 $0xD4A0;
	s18 =	rddreg [dreg:$0xd];
	[sflag:s19] =	ssyncadd.s32 $0xFFFFEC80  }
0x203: {  	[hbm4b:s18+s15] =	stream.linear.scatter @!p1 [tilespmem:s16], [sflag:$0x4], $0x2710, $0x38;
	[tilespmem:$0x19800] =	vst v63  }
0x204: {  	s15 =	simm.s32 @!p1 $0x4  }
0x205: {  	_ =	swait.ge @!p1 [sflag:s15], $0x2710  }
0x206: {  	[sflag:s15] =	ssyncset.done @!p1 $0x0;
	s18 =	rddreg [dreg:$0x7]  }
0x207: {  	s16 =	rddreg [dreg:$0xe];
	[sflag:s15] =	ssyncadd.s32 @!p1 $0xFFFFD8F0;
	s15 =	sshrl.u32 @!p0 s18, $0x3  }
0x208: {  	[hbm:s16], [sflag:s2] =	dma.local @!p0 [spmem:s15], $0x80  }
0x209: {  	s2 =	simm.s32 @!p0 $0x4  }
0x20a: {  	_ =	swait.ge @!p0 [sflag:s2], $0x80  }
0x20b: {  	s15 =	rddreg [dreg:$0x10]  }
0x20c: {  	s25 =	rddreg [dreg:$0xf];
	s16 =	sadd.s32 $0x1, s15  }
0x20d: {  	p2 =	sne.s32 s16, s25  }
.Ltmp5:
0x20e: {  	_ = 	snop;
	(pc) =	sbr.rel @p2 .LBB2_1-.Ltmp5, $3  }
0x20f: {  	_ =	sdelay $0x1  }
0x210: {  	[sflag:s2] =	ssyncset.done @!p0 $0x0  }
0x211: {  	[sflag:s2] =	ssyncadd.s32 @!p0 $0xFFFFFF80  }
0x212: {  	_ =	sfence.sel $0x180000  }
0x213: {  	[bflag:$0x0] =	sbarrier.arrive $0xFFFF  }
0x214: {  	_ =	strace $0x9000004A  }
0x215: {  	s0 =	stileid.u32;
	[bflag:$0x2] =	sbarrier.arrive $0xFFFF  }
0x216: {  	p0 =	sne.s32 s0, $0x0;
	s0 =	rddreg [dreg:$0x3]  }
0x217: {  	s0 =	sadd.s32 @!p0 $0x100000, s0  }
0x218: {  	[sflag:s0] =	ssyncadd.tile.s32 @!p0 $0x1;
	_ =	shalt  }
.Lfunc_end2:
_tile_overlayer_lowered:
.L_overlay_start_2:
0x219: {  	(tag) =	ssettag $0x2  }
0x21a: {  	s0 =	rddreg [dreg:$0x0];
	s2 =	stileid.u32  }
0x21b: {  	s1 =	rddreg [dreg:$0x1];
	p0 =	sne.s32 s2, $0x0  }
0x21c: {  	s3 =	rddreg [dreg:$0x2];
	[bflag:$0x3] =	sbarrier.arrive $0xFFFF;
	s2 =	simm.s32 @!p0 $0x1C04  }
0x21d: {  	[timem:s3], [sflag:s2] =	dma.local @!p0 [hbm:s0], s1  }
0x21e: {  	s0 =	simm.s32 @!p0 $0x4  }
0x21f: {  	_ =	swait.ge @!p0 [sflag:s0], s1  }
0x220: {  	s1 =	ssub.s32 @!p0 $0x0, s1;
	[sflag:s0] =	ssyncset.done @!p0 $0x0  }
0x221: {  	[sflag:s0] =	ssyncadd.s32 @!p0 s1  }
0x222: {  	[bflag:$0x3] =	sbarrier.arrive $0xFFFF  }
0x223: {  	_ =	shalt  }

</sc_bundles>
